<compile_context>
chip_gen: v7x
topology: tpu7x:2x2x1
jax: 0.10.2.dev20260603
libtpu: 0.0.44.dev20260713+nightly
codegen_flags: <defaults>
</compile_context>

<pallas_src>
import functools

import jax
import jax.numpy as jnp
from jax import lax
from jax.experimental import pallas as pl
from jax.experimental.pallas import tpu as pltpu
from jax.experimental.pallas import tpu_sc as plsc

BATCH = 4096
SEQ = 200
D = 64
NC, NS = 2, 16
NW = NC * NS
GROUP = 128
BBLK = 512
NGRP = BBLK // GROUP
NQ = BATCH // BBLK
NUNITS = SEQ * NQ
UPW = NUNITS // NW
NHALF = UPW // 2
LANES = 16


def _emb_body(idx_hbm, table_hbm, out_hbm, idxbuf, rowbuf, rowt, gsem0,
              gsem1, wsem):
    wid = lax.axis_index("s") * NC + lax.axis_index("c")
    ubase = wid * UPW
    gsem = (gsem0, gsem1)

    def load_idx(u, slot):
        s, q = u // NQ, u % NQ
        pltpu.sync_copy(idx_hbm.at[s, pl.ds(NGRP * q, NGRP)], idxbuf.at[slot])

    def fire_gathers(slot):
        for j in range(NGRP):
            pltpu.async_copy(table_hbm.at[idxbuf.at[slot, j]],
                             rowbuf.at[slot, pl.ds(j * GROUP, GROUP)],
                             gsem[slot])

    def transpose_chunk(slot, j):
        block = rowbuf.at[slot]
        eiota = lax.iota(jnp.int32, LANES)
        evecs = [eiota + (c * LANES) for c in range(D // LANES)]

        def b_body(b, b_vec):
            vals = [block[b, pl.ds(c * LANES, LANES)]
                    for c in range(D // LANES)]
            for c in range(D // LANES):
                plsc.store_scatter(rowt, [evecs[c], b_vec], vals[c])
            return b_vec + 1

        lax.fori_loop(j * GROUP, (j + 1) * GROUP, b_body,
                      jnp.full((LANES,), j * GROUP, jnp.int32), unroll=8)

    def drain_and_transpose(slot):
        for j in range(NGRP):
            pltpu.make_async_copy(table_hbm.at[idxbuf.at[slot, j]],
                                  rowbuf.at[slot, pl.ds(j * GROUP, GROUP)],
                                  gsem[slot]).wait()
            transpose_chunk(slot, j)

    def fire_write(u):
        s, q = u // NQ, u % NQ
        pltpu.async_copy(rowt.at[slice(None), pl.ds(0, BBLK)],
                         out_hbm.at[s, slice(None), pl.ds(BBLK * q, BBLK)],
                         wsem)

    def wait_write(u):
        s, q = u // NQ, u % NQ
        pltpu.make_async_copy(rowt.at[slice(None), pl.ds(0, BBLK)],
                              out_hbm.at[s, slice(None), pl.ds(BBLK * q, BBLK)],
                              wsem).wait()

    load_idx(ubase, 0)
    fire_gathers(0)

    def body(i, carry):
        a = ubase + 2 * i
        b = a + 1

        load_idx(b, 1)
        fire_gathers(1)

        @pl.when(i > 0)
        def _():
            wait_write(a - 1)
        drain_and_transpose(0)
        fire_write(a)

        @pl.when(i + 1 < NHALF)
        def _():
            load_idx(a + 2, 0)
            fire_gathers(0)

        wait_write(a)
        drain_and_transpose(1)
        fire_write(b)
        return carry

    lax.fori_loop(0, NHALF, body, 0)

    wait_write(ubase + UPW - 1)


@jax.jit
def _emb_call(idx3, table):
    mesh = plsc.VectorSubcoreMesh(core_axis_name="c", subcore_axis_name="s")
    run = functools.partial(
        pl.kernel,
        mesh=mesh,
        compiler_params=pltpu.CompilerParams(
            use_tc_tiling_on_sc=False, needs_layout_passes=False),
        out_type=jax.ShapeDtypeStruct((SEQ, D, BATCH), jnp.float32),
        scratch_types=[
            pltpu.VMEM((2, NGRP, GROUP), jnp.int32),
            pltpu.VMEM((2, BBLK, D), jnp.float32),
            pltpu.VMEM((D, BBLK + 1), jnp.float32),
            pltpu.SemaphoreType.DMA,
            pltpu.SemaphoreType.DMA,
            pltpu.SemaphoreType.DMA,
        ],
    )(_emb_body)
    return run(idx3, table)


def kernel(indices, table):
    idx3 = indices.astype(jnp.int32).T.reshape(SEQ, BATCH // GROUP, GROUP)
    out_t = _emb_call(idx3, table)
    return jnp.transpose(out_t, (2, 0, 1))

# --- scband reference (transcript-rebuilt; emitter-appended) ---
"""Pipeline reference for scband-w2-vembeddings-65558380806402 (READ-ONLY COPY).

The authoritative reference and input builder live on the scoring server;
editing this copy changes nothing except your own understanding.
"""

import jax, jax.numpy as jnp
import numpy as np

VOCAB = 1000000
EMBED_DIM = 64
BATCH = 4096
SEQ = 200

def setup_inputs(seed: int = 0) -> dict:
    key = jax.random.key(seed)
    k_idx, k_tab = jax.random.split(key)
    # token indices already in [0, VOCAB); padding index would be VOCAB
    indices = jax.random.randint(k_idx, (BATCH, SEQ), 0, VOCAB, dtype=jnp.int64 if jax.config.jax_enable_x64 else jnp.int32)
    # pretrained vectors plus an extra zero row as padding_idx = VOCAB
    vectors = jax.random.normal(k_tab, (VOCAB, EMBED_DIM), dtype=jnp.float32) * 0.1
    table = jnp.concatenate([vectors, jnp.zeros((1, EMBED_DIM), dtype=jnp.float32)], axis=0)
    return {"indices": indices, "table": table}

def reference(indices, table):
    # nn.Embedding.from_pretrained(weights, padding_idx=vocab_size) forward:
    # pure gather; padding row is zeros and indices may also hit it (here they don't).
    embedded = jnp.take(table, indices, axis=0)
    return embedded

if __name__ == "__main__":
    import jax
    _d = setup_inputs()
    print(jax.jit(kernel)(*tuple(_d.values())))

</pallas_src>

<mosaic_0001>
#map = affine_map<(d0, d1) -> (0, 0, 0)>
#map1 = affine_map<(d0, d1) -> (0, 0)>
module attributes {stable_mosaic.version = 14 : i64} {
  func.func @_emb_body(%arg0: i32, %arg1: i32, %arg2: memref<200x32x128xi32, #tpu.memory_space<hbm>>, %arg3: memref<1000001x64xf32, #tpu.memory_space<hbm>>, %arg4: memref<200x64x4096xf32, #tpu.memory_space<hbm>>, %arg5: memref<2x4x128xi32, #tpu.memory_space<vmem>>, %arg6: memref<2x512x64xf32, #tpu.memory_space<vmem>>, %arg7: memref<64x513xf32, #tpu.memory_space<vmem>>, %arg8: memref<!tpu.dma_semaphore, #tpu.memory_space<semaphore_mem>>, %arg9: memref<!tpu.dma_semaphore, #tpu.memory_space<semaphore_mem>>, %arg10: memref<!tpu.dma_semaphore, #tpu.memory_space<semaphore_mem>>) attributes {dimension_semantics = [#tpu.dimension_semantics<core_parallel>, #tpu.dimension_semantics<subcore_parallel>], iteration_bounds = array<i64: 2, 16>, scalar_prefetch = 0 : i64, scratch_operands = 6 : i64, tpu.core_type = #tpu.core_type<sc_vector_subcore>, window_params = [{transform_indices = #map}, {transform_indices = #map1}, {transform_indices = #map}]} {
    %mul3A = arith.constant 2 : i32
    %mul3A_0 = arith.muli %arg1, %mul3A : i32
    %add3A = arith.addi %mul3A_0, %arg0 : i32
    %mul3A_1 = arith.constant 50 : i32
    %mul3A_2 = arith.muli %add3A, %mul3A_1 : i32
    %jit3A = arith.constant 8 : i32
    %div3A = arith.divsi %mul3A_2, %jit3A : i32
    %sign3A = arith.constant 0 : i32
    %sign3A_3 = arith.cmpi sgt, %mul3A_2, %sign3A : i32
    %sign3A_4 = arith.extui %sign3A_3 : i1 to i32
    %sign3A_5 = arith.constant 0 : i32
    %sign3A_6 = arith.cmpi slt, %mul3A_2, %sign3A_5 : i32
    %sign3A_7 = arith.extui %sign3A_6 : i1 to i32
    %sign3A_8 = arith.subi %sign3A_4, %sign3A_7 : i32
    %sign3A_9 = arith.constant 0 : i32
    %sign3A_10 = arith.cmpi sgt, %jit3A, %sign3A_9 : i32
    %sign3A_11 = arith.extui %sign3A_10 : i1 to i32
    %sign3A_12 = arith.constant 0 : i32
    %sign3A_13 = arith.cmpi slt, %jit3A, %sign3A_12 : i32
    %sign3A_14 = arith.extui %sign3A_13 : i1 to i32
    %sign3A_15 = arith.subi %sign3A_11, %sign3A_14 : i32
    %ne3A = arith.cmpi ne, %sign3A_8, %sign3A_15 : i32
    %rem3A = arith.remsi %mul3A_2, %jit3A : i32
    %ne3A_16 = arith.constant 0 : i32
    %ne3A_17 = arith.cmpi ne, %rem3A, %ne3A_16 : i32
    %and3A = arith.andi %ne3A, %ne3A_17 : i1
    %sub3A = arith.constant 1 : i32
    %sub3A_18 = arith.subi %div3A, %sub3A : i32
    %select_n3A = arith.select %and3A, %sub3A_18, %div3A : i32
    %jit3A_19 = arith.constant 8 : i32
    %eq3A = arith.constant 0 : i32
    %eq3A_20 = arith.cmpi eq, %jit3A_19, %eq3A : i32
    %jit3A_21 = arith.constant 1 : i32
    %select_n3A_22 = arith.select %eq3A_20, %jit3A_21, %jit3A_19 : i32
    %rem3A_23 = arith.remsi %mul3A_2, %select_n3A_22 : i32
    %ne3A_24 = arith.constant 0 : i32
    %ne3A_25 = arith.cmpi ne, %rem3A_23, %ne3A_24 : i32
    %lt3A = arith.constant 0 : i32
    %lt3A_26 = arith.cmpi slt, %rem3A_23, %lt3A : i32
    %lt3A_27 = arith.constant 0 : i32
    %lt3A_28 = arith.cmpi slt, %select_n3A_22, %lt3A_27 : i32
    %ne3A_29 = arith.xori %lt3A_26, %lt3A_28 : i1
    %and3A_30 = arith.andi %ne3A_29, %ne3A_25 : i1
    %add3A_31 = arith.addi %rem3A_23, %select_n3A_22 : i32
    %select_n3A_32 = arith.select %and3A_30, %add3A_31, %rem3A_23 : i32
    %mul3A_33 = arith.constant 4 : i32
    %mul3A_34 = arith.muli %mul3A_33, %select_n3A_32 : i32
    %run_scoped3A = arith.constant 0 : i32
    "tpu.region"() ({
      %run_scoped3A_148 = tpu.sem_alloc : memref<!tpu.dma_semaphore, #tpu.memory_space<semaphore_mem>>
      %dma_start3A_149 = arith.constant 0 : i32
      %dma_start3A_150 = arith.constant 0 : i32
      %dma_start3A_151 = tpu.memref_slice %arg5[%run_scoped3A, %dma_start3A_149, %dma_start3A_150] : memref<2x4x128xi32, #tpu.memory_space<vmem>> -> memref<1x4x128xi32, #tpu.memory_space<vmem>>
      %dma_start3A_152 = tpu.memref_squeeze %dma_start3A_151 : memref<1x4x128xi32, #tpu.memory_space<vmem>> -> memref<4x128xi32, #tpu.memory_space<vmem>>
      %dma_start3A_153 = arith.constant 0 : i32
      %dma_start3A_154 = tpu.memref_slice %arg2[%select_n3A, %mul3A_34, %dma_start3A_153] : memref<200x32x128xi32, #tpu.memory_space<hbm>> -> memref<1x4x128xi32, #tpu.memory_space<hbm>>
      %dma_start3A_155 = tpu.memref_squeeze %dma_start3A_154 : memref<1x4x128xi32, #tpu.memory_space<hbm>> -> memref<4x128xi32, #tpu.memory_space<hbm>>
      %dma_start3A_156 = arith.constant 0 : i32
      %dma_start3A_157 = arith.constant 0 : i32
      %dma_start3A_158 = tpu.memref_slice %arg5[%run_scoped3A, %dma_start3A_156, %dma_start3A_157] : memref<2x4x128xi32, #tpu.memory_space<vmem>> -> memref<1x4x128xi32, #tpu.memory_space<vmem>>
      %dma_start3A_159 = tpu.memref_squeeze %dma_start3A_158 : memref<1x4x128xi32, #tpu.memory_space<vmem>> -> memref<4x128xi32, #tpu.memory_space<vmem>>
      %dma_start3A_160 = arith.constant 0 : i32
      %dma_start3A_161 = tpu.memref_slice %arg2[%select_n3A, %mul3A_34, %dma_start3A_160] : memref<200x32x128xi32, #tpu.memory_space<hbm>> -> memref<1x4x128xi32, #tpu.memory_space<hbm>>
      %dma_start3A_162 = tpu.memref_squeeze %dma_start3A_161 : memref<1x4x128xi32, #tpu.memory_space<hbm>> -> memref<4x128xi32, #tpu.memory_space<hbm>>
      tpu.enqueue_dma source(%dma_start3A_162 : memref<4x128xi32, #tpu.memory_space<hbm>>) target(%dma_start3A_159 : memref<4x128xi32, #tpu.memory_space<vmem>>) target_semaphore(%run_scoped3A_148 : memref<!tpu.dma_semaphore, #tpu.memory_space<semaphore_mem>>)
      %dma_wait3A_163 = arith.constant 0 : i32
      %dma_wait3A_164 = arith.constant 0 : i32
      %dma_wait3A_165 = tpu.memref_slice %arg5[%run_scoped3A, %dma_wait3A_163, %dma_wait3A_164] : memref<2x4x128xi32, #tpu.memory_space<vmem>> -> memref<1x4x128xi32, #tpu.memory_space<vmem>>
      %dma_wait3A_166 = tpu.memref_squeeze %dma_wait3A_165 : memref<1x4x128xi32, #tpu.memory_space<vmem>> -> memref<4x128xi32, #tpu.memory_space<vmem>>
      %dma_wait3A_167 = arith.constant 0 : i32
      %dma_wait3A_168 = tpu.memref_slice %arg2[%select_n3A, %mul3A_34, %dma_wait3A_167] : memref<200x32x128xi32, #tpu.memory_space<hbm>> -> memref<1x4x128xi32, #tpu.memory_space<hbm>>
      %dma_wait3A_169 = tpu.memref_squeeze %dma_wait3A_168 : memref<1x4x128xi32, #tpu.memory_space<hbm>> -> memref<4x128xi32, #tpu.memory_space<hbm>>
      %dma_wait3A_170 = arith.constant 0 : i32
      %dma_wait3A_171 = arith.constant 0 : i32
      %dma_wait3A_172 = tpu.memref_slice %arg5[%run_scoped3A, %dma_wait3A_170, %dma_wait3A_171] : memref<2x4x128xi32, #tpu.memory_space<vmem>> -> memref<1x4x128xi32, #tpu.memory_space<vmem>>
      %dma_wait3A_173 = tpu.memref_squeeze %dma_wait3A_172 : memref<1x4x128xi32, #tpu.memory_space<vmem>> -> memref<4x128xi32, #tpu.memory_space<vmem>>
      %dma_wait3A_174 = arith.constant 0 : i32
      %dma_wait3A_175 = tpu.memref_slice %arg2[%select_n3A, %mul3A_34, %dma_wait3A_174] : memref<200x32x128xi32, #tpu.memory_space<hbm>> -> memref<1x4x128xi32, #tpu.memory_space<hbm>>
      %dma_wait3A_176 = tpu.memref_squeeze %dma_wait3A_175 : memref<1x4x128xi32, #tpu.memory_space<hbm>> -> memref<4x128xi32, #tpu.memory_space<hbm>>
      tpu.wait_dma2 semaphore(%run_scoped3A_148 : memref<!tpu.dma_semaphore, #tpu.memory_space<semaphore_mem>>) src(%dma_wait3A_176 : memref<4x128xi32, #tpu.memory_space<hbm>>) dst(%dma_wait3A_173 : memref<4x128xi32, #tpu.memory_space<vmem>>)
      tpu.yield
    }) : () -> ()
    %dma_start3A = arith.constant 0 : i32
    %dma_start3A_35 = arith.constant 0 : i32
    %dma_start3A_36 = arith.constant 0 : i32
    %dma_start3A_37 = arith.constant 0 : i32
    %dma_start3A_38 = arith.constant 0 : i32
    %dma_start3A_39 = tpu.memref_slice %arg6[%dma_start3A_36, %dma_start3A_37, %dma_start3A_38] : memref<2x512x64xf32, #tpu.memory_space<vmem>> -> memref<1x128x64xf32, #tpu.memory_space<vmem>>
    %dma_start3A_40 = tpu.memref_squeeze %dma_start3A_39 : memref<1x128x64xf32, #tpu.memory_space<vmem>> -> memref<128x64xf32, #tpu.memory_space<vmem>>
    %dma_start3A_41 = arith.constant 0 : i32
    %dma_start3A_42 = tpu.memref_slice %arg5[%dma_start3A, %dma_start3A_35, %dma_start3A_41] : memref<2x4x128xi32, #tpu.memory_space<vmem>> -> memref<1x1x128xi32, #tpu.memory_space<vmem>>
    %dma_start3A_43 = tpu.memref_squeeze %dma_start3A_42 : memref<1x1x128xi32, #tpu.memory_space<vmem>> -> memref<128xi32, #tpu.memory_space<vmem>>
    %dma_start3A_44 = arith.constant 0 : i32
    %dma_start3A_45 = arith.constant 0 : i32
    %dma_start3A_46 = tpu.memref_slice %arg3[%dma_start3A_44, %dma_start3A_45] : memref<1000001x64xf32, #tpu.memory_space<hbm>> -> memref<1000001x64xf32, #tpu.memory_space<hbm>>
    tpu.enqueue_indirect_dma source(%dma_start3A_46 : memref<1000001x64xf32, #tpu.memory_space<hbm>>) target(%dma_start3A_40 : memref<128x64xf32, #tpu.memory_space<vmem>>) offsets(%dma_start3A_43 : memref<128xi32, #tpu.memory_space<vmem>>) semaphore(%arg8 : memref<!tpu.dma_semaphore, #tpu.memory_space<semaphore_mem>>)
    %dma_start3A_47 = arith.constant 0 : i32
    %dma_start3A_48 = arith.constant 1 : i32
    %dma_start3A_49 = arith.constant 0 : i32
    %dma_start3A_50 = arith.constant 128 : i32
    %dma_start3A_51 = arith.constant 0 : i32
    %dma_start3A_52 = tpu.memref_slice %arg6[%dma_start3A_49, %dma_start3A_50, %dma_start3A_51] : memref<2x512x64xf32, #tpu.memory_space<vmem>> -> memref<1x128x64xf32, #tpu.memory_space<vmem>>
    %dma_start3A_53 = tpu.memref_squeeze %dma_start3A_52 : memref<1x128x64xf32, #tpu.memory_space<vmem>> -> memref<128x64xf32, #tpu.memory_space<vmem>>
    %dma_start3A_54 = arith.constant 0 : i32
    %dma_start3A_55 = tpu.memref_slice %arg5[%dma_start3A_47, %dma_start3A_48, %dma_start3A_54] : memref<2x4x128xi32, #tpu.memory_space<vmem>> -> memref<1x1x128xi32, #tpu.memory_space<vmem>>
    %dma_start3A_56 = tpu.memref_squeeze %dma_start3A_55 : memref<1x1x128xi32, #tpu.memory_space<vmem>> -> memref<128xi32, #tpu.memory_space<vmem>>
    %dma_start3A_57 = arith.constant 0 : i32
    %dma_start3A_58 = arith.constant 0 : i32
    %dma_start3A_59 = tpu.memref_slice %arg3[%dma_start3A_57, %dma_start3A_58] : memref<1000001x64xf32, #tpu.memory_space<hbm>> -> memref<1000001x64xf32, #tpu.memory_space<hbm>>
    tpu.enqueue_indirect_dma source(%dma_start3A_59 : memref<1000001x64xf32, #tpu.memory_space<hbm>>) target(%dma_start3A_53 : memref<128x64xf32, #tpu.memory_space<vmem>>) offsets(%dma_start3A_56 : memref<128xi32, #tpu.memory_space<vmem>>) semaphore(%arg8 : memref<!tpu.dma_semaphore, #tpu.memory_space<semaphore_mem>>)
    %dma_start3A_60 = arith.constant 0 : i32
    %dma_start3A_61 = arith.constant 2 : i32
    %dma_start3A_62 = arith.constant 0 : i32
    %dma_start3A_63 = arith.constant 256 : i32
    %dma_start3A_64 = arith.constant 0 : i32
    %dma_start3A_65 = tpu.memref_slice %arg6[%dma_start3A_62, %dma_start3A_63, %dma_start3A_64] : memref<2x512x64xf32, #tpu.memory_space<vmem>> -> memref<1x128x64xf32, #tpu.memory_space<vmem>>
    %dma_start3A_66 = tpu.memref_squeeze %dma_start3A_65 : memref<1x128x64xf32, #tpu.memory_space<vmem>> -> memref<128x64xf32, #tpu.memory_space<vmem>>
    %dma_start3A_67 = arith.constant 0 : i32
    %dma_start3A_68 = tpu.memref_slice %arg5[%dma_start3A_60, %dma_start3A_61, %dma_start3A_67] : memref<2x4x128xi32, #tpu.memory_space<vmem>> -> memref<1x1x128xi32, #tpu.memory_space<vmem>>
    %dma_start3A_69 = tpu.memref_squeeze %dma_start3A_68 : memref<1x1x128xi32, #tpu.memory_space<vmem>> -> memref<128xi32, #tpu.memory_space<vmem>>
    %dma_start3A_70 = arith.constant 0 : i32
    %dma_start3A_71 = arith.constant 0 : i32
    %dma_start3A_72 = tpu.memref_slice %arg3[%dma_start3A_70, %dma_start3A_71] : memref<1000001x64xf32, #tpu.memory_space<hbm>> -> memref<1000001x64xf32, #tpu.memory_space<hbm>>
    tpu.enqueue_indirect_dma source(%dma_start3A_72 : memref<1000001x64xf32, #tpu.memory_space<hbm>>) target(%dma_start3A_66 : memref<128x64xf32, #tpu.memory_space<vmem>>) offsets(%dma_start3A_69 : memref<128xi32, #tpu.memory_space<vmem>>) semaphore(%arg8 : memref<!tpu.dma_semaphore, #tpu.memory_space<semaphore_mem>>)
    %dma_start3A_73 = arith.constant 0 : i32
    %dma_start3A_74 = arith.constant 3 : i32
    %dma_start3A_75 = arith.constant 0 : i32
    %dma_start3A_76 = arith.constant 384 : i32
    %dma_start3A_77 = arith.constant 0 : i32
    %dma_start3A_78 = tpu.memref_slice %arg6[%dma_start3A_75, %dma_start3A_76, %dma_start3A_77] : memref<2x512x64xf32, #tpu.memory_space<vmem>> -> memref<1x128x64xf32, #tpu.memory_space<vmem>>
    %dma_start3A_79 = tpu.memref_squeeze %dma_start3A_78 : memref<1x128x64xf32, #tpu.memory_space<vmem>> -> memref<128x64xf32, #tpu.memory_space<vmem>>
    %dma_start3A_80 = arith.constant 0 : i32
    %dma_start3A_81 = tpu.memref_slice %arg5[%dma_start3A_73, %dma_start3A_74, %dma_start3A_80] : memref<2x4x128xi32, #tpu.memory_space<vmem>> -> memref<1x1x128xi32, #tpu.memory_space<vmem>>
    %dma_start3A_82 = tpu.memref_squeeze %dma_start3A_81 : memref<1x1x128xi32, #tpu.memory_space<vmem>> -> memref<128xi32, #tpu.memory_space<vmem>>
    %dma_start3A_83 = arith.constant 0 : i32
    %dma_start3A_84 = arith.constant 0 : i32
    %dma_start3A_85 = tpu.memref_slice %arg3[%dma_start3A_83, %dma_start3A_84] : memref<1000001x64xf32, #tpu.memory_space<hbm>> -> memref<1000001x64xf32, #tpu.memory_space<hbm>>
    tpu.enqueue_indirect_dma source(%dma_start3A_85 : memref<1000001x64xf32, #tpu.memory_space<hbm>>) target(%dma_start3A_79 : memref<128x64xf32, #tpu.memory_space<vmem>>) offsets(%dma_start3A_82 : memref<128xi32, #tpu.memory_space<vmem>>) semaphore(%arg8 : memref<!tpu.dma_semaphore, #tpu.memory_space<semaphore_mem>>)
    %scan3A = arith.constant 0 : i32
    %scan3A_86 = arith.constant 0 : i32
    %scan3A_87 = arith.constant 25 : i32
    %scan3A_88 = arith.addi %scan3A_86, %scan3A_87 : i32
    %scan3A_89 = arith.constant 1 : i32
    scf.for %scan3A_148 = %scan3A_86 to %scan3A_88 step %scan3A_89  : i32 {
      %mul3A_149 = arith.constant 2 : i32
      %mul3A_150 = arith.muli %mul3A_149, %scan3A_148 : i32
      %add3A_151 = arith.addi %mul3A_2, %mul3A_150 : i32
      %add3A_152 = arith.constant 1 : i32
      %add3A_153 = arith.addi %add3A_151, %add3A_152 : i32
      %jit3A_154 = arith.constant 8 : i32
      %div3A_155 = arith.divsi %add3A_153, %jit3A_154 : i32
      %sign3A_156 = arith.constant 0 : i32
      %sign3A_157 = arith.cmpi sgt, %add3A_153, %sign3A_156 : i32
      %sign3A_158 = arith.extui %sign3A_157 : i1 to i32
      %sign3A_159 = arith.constant 0 : i32
      %sign3A_160 = arith.cmpi slt, %add3A_153, %sign3A_159 : i32
      %sign3A_161 = arith.extui %sign3A_160 : i1 to i32
      %sign3A_162 = arith.subi %sign3A_158, %sign3A_161 : i32
      %sign3A_163 = arith.constant 0 : i32
      %sign3A_164 = arith.cmpi sgt, %jit3A_154, %sign3A_163 : i32
      %sign3A_165 = arith.extui %sign3A_164 : i1 to i32
      %sign3A_166 = arith.constant 0 : i32
      %sign3A_167 = arith.cmpi slt, %jit3A_154, %sign3A_166 : i32
      %sign3A_168 = arith.extui %sign3A_167 : i1 to i32
      %sign3A_169 = arith.subi %sign3A_165, %sign3A_168 : i32
      %ne3A_170 = arith.cmpi ne, %sign3A_162, %sign3A_169 : i32
      %rem3A_171 = arith.remsi %add3A_153, %jit3A_154 : i32
      %ne3A_172 = arith.constant 0 : i32
      %ne3A_173 = arith.cmpi ne, %rem3A_171, %ne3A_172 : i32
      %and3A_174 = arith.andi %ne3A_170, %ne3A_173 : i1
      %sub3A_175 = arith.constant 1 : i32
      %sub3A_176 = arith.subi %div3A_155, %sub3A_175 : i32
      %select_n3A_177 = arith.select %and3A_174, %sub3A_176, %div3A_155 : i32
      %jit3A_178 = arith.constant 8 : i32
      %eq3A_179 = arith.constant 0 : i32
      %eq3A_180 = arith.cmpi eq, %jit3A_178, %eq3A_179 : i32
      %jit3A_181 = arith.constant 1 : i32
      %select_n3A_182 = arith.select %eq3A_180, %jit3A_181, %jit3A_178 : i32
      %rem3A_183 = arith.remsi %add3A_153, %select_n3A_182 : i32
      %ne3A_184 = arith.constant 0 : i32
      %ne3A_185 = arith.cmpi ne, %rem3A_183, %ne3A_184 : i32
      %lt3A_186 = arith.constant 0 : i32
      %lt3A_187 = arith.cmpi slt, %rem3A_183, %lt3A_186 : i32
      %lt3A_188 = arith.constant 0 : i32
      %lt3A_189 = arith.cmpi slt, %select_n3A_182, %lt3A_188 : i32
      %ne3A_190 = arith.xori %lt3A_187, %lt3A_189 : i1
      %and3A_191 = arith.andi %ne3A_190, %ne3A_185 : i1
      %add3A_192 = arith.addi %rem3A_183, %select_n3A_182 : i32
      %select_n3A_193 = arith.select %and3A_191, %add3A_192, %rem3A_183 : i32
      %mul3A_194 = arith.constant 4 : i32
      %mul3A_195 = arith.muli %mul3A_194, %select_n3A_193 : i32
      %run_scoped3A_196 = arith.constant 1 : i32
      "tpu.region"() ({
        %run_scoped3A_698 = tpu.sem_alloc : memref<!tpu.dma_semaphore, #tpu.memory_space<semaphore_mem>>
        %dma_start3A_699 = arith.constant 0 : i32
        %dma_start3A_700 = arith.constant 0 : i32
        %dma_start3A_701 = tpu.memref_slice %arg5[%run_scoped3A_196, %dma_start3A_699, %dma_start3A_700] : memref<2x4x128xi32, #tpu.memory_space<vmem>> -> memref<1x4x128xi32, #tpu.memory_space<vmem>>
        %dma_start3A_702 = tpu.memref_squeeze %dma_start3A_701 : memref<1x4x128xi32, #tpu.memory_space<vmem>> -> memref<4x128xi32, #tpu.memory_space<vmem>>
        %dma_start3A_703 = arith.constant 0 : i32
        %dma_start3A_704 = tpu.memref_slice %arg2[%select_n3A_177, %mul3A_195, %dma_start3A_703] : memref<200x32x128xi32, #tpu.memory_space<hbm>> -> memref<1x4x128xi32, #tpu.memory_space<hbm>>
        %dma_start3A_705 = tpu.memref_squeeze %dma_start3A_704 : memref<1x4x128xi32, #tpu.memory_space<hbm>> -> memref<4x128xi32, #tpu.memory_space<hbm>>
        %dma_start3A_706 = arith.constant 0 : i32
        %dma_start3A_707 = arith.constant 0 : i32
        %dma_start3A_708 = tpu.memref_slice %arg5[%run_scoped3A_196, %dma_start3A_706, %dma_start3A_707] : memref<2x4x128xi32, #tpu.memory_space<vmem>> -> memref<1x4x128xi32, #tpu.memory_space<vmem>>
        %dma_start3A_709 = tpu.memref_squeeze %dma_start3A_708 : memref<1x4x128xi32, #tpu.memory_space<vmem>> -> memref<4x128xi32, #tpu.memory_space<vmem>>
        %dma_start3A_710 = arith.constant 0 : i32
        %dma_start3A_711 = tpu.memref_slice %arg2[%select_n3A_177, %mul3A_195, %dma_start3A_710] : memref<200x32x128xi32, #tpu.memory_space<hbm>> -> memref<1x4x128xi32, #tpu.memory_space<hbm>>
        %dma_start3A_712 = tpu.memref_squeeze %dma_start3A_711 : memref<1x4x128xi32, #tpu.memory_space<hbm>> -> memref<4x128xi32, #tpu.memory_space<hbm>>
        tpu.enqueue_dma source(%dma_start3A_712 : memref<4x128xi32, #tpu.memory_space<hbm>>) target(%dma_start3A_709 : memref<4x128xi32, #tpu.memory_space<vmem>>) target_semaphore(%run_scoped3A_698 : memref<!tpu.dma_semaphore, #tpu.memory_space<semaphore_mem>>)
        %dma_wait3A_713 = arith.constant 0 : i32
        %dma_wait3A_714 = arith.constant 0 : i32
        %dma_wait3A_715 = tpu.memref_slice %arg5[%run_scoped3A_196, %dma_wait3A_713, %dma_wait3A_714] : memref<2x4x128xi32, #tpu.memory_space<vmem>> -> memref<1x4x128xi32, #tpu.memory_space<vmem>>
        %dma_wait3A_716 = tpu.memref_squeeze %dma_wait3A_715 : memref<1x4x128xi32, #tpu.memory_space<vmem>> -> memref<4x128xi32, #tpu.memory_space<vmem>>
        %dma_wait3A_717 = arith.constant 0 : i32
        %dma_wait3A_718 = tpu.memref_slice %arg2[%select_n3A_177, %mul3A_195, %dma_wait3A_717] : memref<200x32x128xi32, #tpu.memory_space<hbm>> -> memref<1x4x128xi32, #tpu.memory_space<hbm>>
        %dma_wait3A_719 = tpu.memref_squeeze %dma_wait3A_718 : memref<1x4x128xi32, #tpu.memory_space<hbm>> -> memref<4x128xi32, #tpu.memory_space<hbm>>
        %dma_wait3A_720 = arith.constant 0 : i32
        %dma_wait3A_721 = arith.constant 0 : i32
        %dma_wait3A_722 = tpu.memref_slice %arg5[%run_scoped3A_196, %dma_wait3A_720, %dma_wait3A_721] : memref<2x4x128xi32, #tpu.memory_space<vmem>> -> memref<1x4x128xi32, #tpu.memory_space<vmem>>
        %dma_wait3A_723 = tpu.memref_squeeze %dma_wait3A_722 : memref<1x4x128xi32, #tpu.memory_space<vmem>> -> memref<4x128xi32, #tpu.memory_space<vmem>>
        %dma_wait3A_724 = arith.constant 0 : i32
        %dma_wait3A_725 = tpu.memref_slice %arg2[%select_n3A_177, %mul3A_195, %dma_wait3A_724] : memref<200x32x128xi32, #tpu.memory_space<hbm>> -> memref<1x4x128xi32, #tpu.memory_space<hbm>>
        %dma_wait3A_726 = tpu.memref_squeeze %dma_wait3A_725 : memref<1x4x128xi32, #tpu.memory_space<hbm>> -> memref<4x128xi32, #tpu.memory_space<hbm>>
        tpu.wait_dma2 semaphore(%run_scoped3A_698 : memref<!tpu.dma_semaphore, #tpu.memory_space<semaphore_mem>>) src(%dma_wait3A_726 : memref<4x128xi32, #tpu.memory_space<hbm>>) dst(%dma_wait3A_723 : memref<4x128xi32, #tpu.memory_space<vmem>>)
        tpu.yield
      }) : () -> ()
      %dma_start3A_197 = arith.constant 1 : i32
      %dma_start3A_198 = arith.constant 0 : i32
      %dma_start3A_199 = arith.constant 1 : i32
      %dma_start3A_200 = arith.constant 0 : i32
      %dma_start3A_201 = arith.constant 0 : i32
      %dma_start3A_202 = tpu.memref_slice %arg6[%dma_start3A_199, %dma_start3A_200, %dma_start3A_201] : memref<2x512x64xf32, #tpu.memory_space<vmem>> -> memref<1x128x64xf32, #tpu.memory_space<vmem>>
      %dma_start3A_203 = tpu.memref_squeeze %dma_start3A_202 : memref<1x128x64xf32, #tpu.memory_space<vmem>> -> memref<128x64xf32, #tpu.memory_space<vmem>>
      %dma_start3A_204 = arith.constant 0 : i32
      %dma_start3A_205 = tpu.memref_slice %arg5[%dma_start3A_197, %dma_start3A_198, %dma_start3A_204] : memref<2x4x128xi32, #tpu.memory_space<vmem>> -> memref<1x1x128xi32, #tpu.memory_space<vmem>>
      %dma_start3A_206 = tpu.memref_squeeze %dma_start3A_205 : memref<1x1x128xi32, #tpu.memory_space<vmem>> -> memref<128xi32, #tpu.memory_space<vmem>>
      %dma_start3A_207 = arith.constant 0 : i32
      %dma_start3A_208 = arith.constant 0 : i32
      %dma_start3A_209 = tpu.memref_slice %arg3[%dma_start3A_207, %dma_start3A_208] : memref<1000001x64xf32, #tpu.memory_space<hbm>> -> memref<1000001x64xf32, #tpu.memory_space<hbm>>
      tpu.enqueue_indirect_dma source(%dma_start3A_209 : memref<1000001x64xf32, #tpu.memory_space<hbm>>) target(%dma_start3A_203 : memref<128x64xf32, #tpu.memory_space<vmem>>) offsets(%dma_start3A_206 : memref<128xi32, #tpu.memory_space<vmem>>) semaphore(%arg9 : memref<!tpu.dma_semaphore, #tpu.memory_space<semaphore_mem>>)
      %dma_start3A_210 = arith.constant 1 : i32
      %dma_start3A_211 = arith.constant 1 : i32
      %dma_start3A_212 = arith.constant 1 : i32
      %dma_start3A_213 = arith.constant 128 : i32
      %dma_start3A_214 = arith.constant 0 : i32
      %dma_start3A_215 = tpu.memref_slice %arg6[%dma_start3A_212, %dma_start3A_213, %dma_start3A_214] : memref<2x512x64xf32, #tpu.memory_space<vmem>> -> memref<1x128x64xf32, #tpu.memory_space<vmem>>
      %dma_start3A_216 = tpu.memref_squeeze %dma_start3A_215 : memref<1x128x64xf32, #tpu.memory_space<vmem>> -> memref<128x64xf32, #tpu.memory_space<vmem>>
      %dma_start3A_217 = arith.constant 0 : i32
      %dma_start3A_218 = tpu.memref_slice %arg5[%dma_start3A_210, %dma_start3A_211, %dma_start3A_217] : memref<2x4x128xi32, #tpu.memory_space<vmem>> -> memref<1x1x128xi32, #tpu.memory_space<vmem>>
      %dma_start3A_219 = tpu.memref_squeeze %dma_start3A_218 : memref<1x1x128xi32, #tpu.memory_space<vmem>> -> memref<128xi32, #tpu.memory_space<vmem>>
      %dma_start3A_220 = arith.constant 0 : i32
      %dma_start3A_221 = arith.constant 0 : i32
      %dma_start3A_222 = tpu.memref_slice %arg3[%dma_start3A_220, %dma_start3A_221] : memref<1000001x64xf32, #tpu.memory_space<hbm>> -> memref<1000001x64xf32, #tpu.memory_space<hbm>>
      tpu.enqueue_indirect_dma source(%dma_start3A_222 : memref<1000001x64xf32, #tpu.memory_space<hbm>>) target(%dma_start3A_216 : memref<128x64xf32, #tpu.memory_space<vmem>>) offsets(%dma_start3A_219 : memref<128xi32, #tpu.memory_space<vmem>>) semaphore(%arg9 : memref<!tpu.dma_semaphore, #tpu.memory_space<semaphore_mem>>)
      %dma_start3A_223 = arith.constant 1 : i32
      %dma_start3A_224 = arith.constant 2 : i32
      %dma_start3A_225 = arith.constant 1 : i32
      %dma_start3A_226 = arith.constant 256 : i32
      %dma_start3A_227 = arith.constant 0 : i32
      %dma_start3A_228 = tpu.memref_slice %arg6[%dma_start3A_225, %dma_start3A_226, %dma_start3A_227] : memref<2x512x64xf32, #tpu.memory_space<vmem>> -> memref<1x128x64xf32, #tpu.memory_space<vmem>>
      %dma_start3A_229 = tpu.memref_squeeze %dma_start3A_228 : memref<1x128x64xf32, #tpu.memory_space<vmem>> -> memref<128x64xf32, #tpu.memory_space<vmem>>
      %dma_start3A_230 = arith.constant 0 : i32
      %dma_start3A_231 = tpu.memref_slice %arg5[%dma_start3A_223, %dma_start3A_224, %dma_start3A_230] : memref<2x4x128xi32, #tpu.memory_space<vmem>> -> memref<1x1x128xi32, #tpu.memory_space<vmem>>
      %dma_start3A_232 = tpu.memref_squeeze %dma_start3A_231 : memref<1x1x128xi32, #tpu.memory_space<vmem>> -> memref<128xi32, #tpu.memory_space<vmem>>
      %dma_start3A_233 = arith.constant 0 : i32
      %dma_start3A_234 = arith.constant 0 : i32
      %dma_start3A_235 = tpu.memref_slice %arg3[%dma_start3A_233, %dma_start3A_234] : memref<1000001x64xf32, #tpu.memory_space<hbm>> -> memref<1000001x64xf32, #tpu.memory_space<hbm>>
      tpu.enqueue_indirect_dma source(%dma_start3A_235 : memref<1000001x64xf32, #tpu.memory_space<hbm>>) target(%dma_start3A_229 : memref<128x64xf32, #tpu.memory_space<vmem>>) offsets(%dma_start3A_232 : memref<128xi32, #tpu.memory_space<vmem>>) semaphore(%arg9 : memref<!tpu.dma_semaphore, #tpu.memory_space<semaphore_mem>>)
      %dma_start3A_236 = arith.constant 1 : i32
      %dma_start3A_237 = arith.constant 3 : i32
      %dma_start3A_238 = arith.constant 1 : i32
      %dma_start3A_239 = arith.constant 384 : i32
      %dma_start3A_240 = arith.constant 0 : i32
      %dma_start3A_241 = tpu.memref_slice %arg6[%dma_start3A_238, %dma_start3A_239, %dma_start3A_240] : memref<2x512x64xf32, #tpu.memory_space<vmem>> -> memref<1x128x64xf32, #tpu.memory_space<vmem>>
      %dma_start3A_242 = tpu.memref_squeeze %dma_start3A_241 : memref<1x128x64xf32, #tpu.memory_space<vmem>> -> memref<128x64xf32, #tpu.memory_space<vmem>>
      %dma_start3A_243 = arith.constant 0 : i32
      %dma_start3A_244 = tpu.memref_slice %arg5[%dma_start3A_236, %dma_start3A_237, %dma_start3A_243] : memref<2x4x128xi32, #tpu.memory_space<vmem>> -> memref<1x1x128xi32, #tpu.memory_space<vmem>>
      %dma_start3A_245 = tpu.memref_squeeze %dma_start3A_244 : memref<1x1x128xi32, #tpu.memory_space<vmem>> -> memref<128xi32, #tpu.memory_space<vmem>>
      %dma_start3A_246 = arith.constant 0 : i32
      %dma_start3A_247 = arith.constant 0 : i32
      %dma_start3A_248 = tpu.memref_slice %arg3[%dma_start3A_246, %dma_start3A_247] : memref<1000001x64xf32, #tpu.memory_space<hbm>> -> memref<1000001x64xf32, #tpu.memory_space<hbm>>
      tpu.enqueue_indirect_dma source(%dma_start3A_248 : memref<1000001x64xf32, #tpu.memory_space<hbm>>) target(%dma_start3A_242 : memref<128x64xf32, #tpu.memory_space<vmem>>) offsets(%dma_start3A_245 : memref<128xi32, #tpu.memory_space<vmem>>) semaphore(%arg9 : memref<!tpu.dma_semaphore, #tpu.memory_space<semaphore_mem>>)
      %gt3A = arith.constant 0 : i32
      %gt3A_249 = arith.cmpi sgt, %scan3A_148, %gt3A : i32
      %convert_element_type3A = arith.extui %gt3A_249 : i1 to i32
      %cond3A = arith.constant 0 : i32
      %cond3A_250 = arith.cmpi ne, %convert_element_type3A, %cond3A : i32
      scf.if %cond3A_250 {
        %sub3A_698 = arith.constant 1 : i32
        %sub3A_699 = arith.subi %add3A_151, %sub3A_698 : i32
        %jit3A_700 = arith.constant 8 : i32
        %div3A_701 = arith.divsi %sub3A_699, %jit3A_700 : i32
        %sign3A_702 = arith.constant 0 : i32
        %sign3A_703 = arith.cmpi sgt, %sub3A_699, %sign3A_702 : i32
        %sign3A_704 = arith.extui %sign3A_703 : i1 to i32
        %sign3A_705 = arith.constant 0 : i32
        %sign3A_706 = arith.cmpi slt, %sub3A_699, %sign3A_705 : i32
        %sign3A_707 = arith.extui %sign3A_706 : i1 to i32
        %sign3A_708 = arith.subi %sign3A_704, %sign3A_707 : i32
        %sign3A_709 = arith.constant 0 : i32
        %sign3A_710 = arith.cmpi sgt, %jit3A_700, %sign3A_709 : i32
        %sign3A_711 = arith.extui %sign3A_710 : i1 to i32
        %sign3A_712 = arith.constant 0 : i32
        %sign3A_713 = arith.cmpi slt, %jit3A_700, %sign3A_712 : i32
        %sign3A_714 = arith.extui %sign3A_713 : i1 to i32
        %sign3A_715 = arith.subi %sign3A_711, %sign3A_714 : i32
        %ne3A_716 = arith.cmpi ne, %sign3A_708, %sign3A_715 : i32
        %rem3A_717 = arith.remsi %sub3A_699, %jit3A_700 : i32
        %ne3A_718 = arith.constant 0 : i32
        %ne3A_719 = arith.cmpi ne, %rem3A_717, %ne3A_718 : i32
        %and3A_720 = arith.andi %ne3A_716, %ne3A_719 : i1
        %sub3A_721 = arith.constant 1 : i32
        %sub3A_722 = arith.subi %div3A_701, %sub3A_721 : i32
        %select_n3A_723 = arith.select %and3A_720, %sub3A_722, %div3A_701 : i32
        %jit3A_724 = arith.constant 8 : i32
        %eq3A_725 = arith.constant 0 : i32
        %eq3A_726 = arith.cmpi eq, %jit3A_724, %eq3A_725 : i32
        %jit3A_727 = arith.constant 1 : i32
        %select_n3A_728 = arith.select %eq3A_726, %jit3A_727, %jit3A_724 : i32
        %rem3A_729 = arith.remsi %sub3A_699, %select_n3A_728 : i32
        %ne3A_730 = arith.constant 0 : i32
        %ne3A_731 = arith.cmpi ne, %rem3A_729, %ne3A_730 : i32
        %lt3A_732 = arith.constant 0 : i32
        %lt3A_733 = arith.cmpi slt, %rem3A_729, %lt3A_732 : i32
        %lt3A_734 = arith.constant 0 : i32
        %lt3A_735 = arith.cmpi slt, %select_n3A_728, %lt3A_734 : i32
        %ne3A_736 = arith.xori %lt3A_733, %lt3A_735 : i1
        %and3A_737 = arith.andi %ne3A_736, %ne3A_731 : i1
        %add3A_738 = arith.addi %rem3A_729, %select_n3A_728 : i32
        %select_n3A_739 = arith.select %and3A_737, %add3A_738, %rem3A_729 : i32
        %mul3A_740 = arith.constant 512 : i32
        %mul3A_741 = arith.muli %mul3A_740, %select_n3A_739 : i32
        %dma_wait3A_742 = arith.constant 0 : i32
        %dma_wait3A_743 = arith.constant 0 : i32
        %dma_wait3A_744 = tpu.memref_slice %arg7[%dma_wait3A_742, %dma_wait3A_743] : memref<64x513xf32, #tpu.memory_space<vmem>> -> memref<64x512xf32, #tpu.memory_space<vmem>>
        %dma_wait3A_745 = arith.constant 0 : i32
        %dma_wait3A_746 = tpu.memref_slice %arg4[%select_n3A_723, %dma_wait3A_745, %mul3A_741] : memref<200x64x4096xf32, #tpu.memory_space<hbm>> -> memref<1x64x512xf32, #tpu.memory_space<hbm>>
        %dma_wait3A_747 = tpu.memref_squeeze %dma_wait3A_746 : memref<1x64x512xf32, #tpu.memory_space<hbm>> -> memref<64x512xf32, #tpu.memory_space<hbm>>
        %dma_wait3A_748 = arith.constant 0 : i32
        %dma_wait3A_749 = tpu.memref_slice %arg4[%select_n3A_723, %dma_wait3A_748, %mul3A_741] : memref<200x64x4096xf32, #tpu.memory_space<hbm>> -> memref<1x64x512xf32, #tpu.memory_space<hbm>>
        %dma_wait3A_750 = tpu.memref_squeeze %dma_wait3A_749 : memref<1x64x512xf32, #tpu.memory_space<hbm>> -> memref<64x512xf32, #tpu.memory_space<hbm>>
        %dma_wait3A_751 = arith.constant 0 : i32
        %dma_wait3A_752 = arith.constant 0 : i32
        %dma_wait3A_753 = tpu.memref_slice %arg7[%dma_wait3A_751, %dma_wait3A_752] : memref<64x513xf32, #tpu.memory_space<vmem>> -> memref<64x512xf32, #tpu.memory_space<vmem>>
        tpu.wait_dma2 semaphore(%arg10 : memref<!tpu.dma_semaphore, #tpu.memory_space<semaphore_mem>>) src(%dma_wait3A_753 : memref<64x512xf32, #tpu.memory_space<vmem>>) dst(%dma_wait3A_750 : memref<64x512xf32, #tpu.memory_space<hbm>>)
      } else {
      }
      %dma_wait3A_251 = arith.constant 0 : i32
      %dma_wait3A_252 = arith.constant 0 : i32
      %dma_wait3A_253 = arith.constant 0 : i32
      %dma_wait3A_254 = arith.constant 0 : i32
      %dma_wait3A_255 = arith.constant 0 : i32
      %dma_wait3A_256 = tpu.memref_slice %arg6[%dma_wait3A_253, %dma_wait3A_254, %dma_wait3A_255] : memref<2x512x64xf32, #tpu.memory_space<vmem>> -> memref<1x128x64xf32, #tpu.memory_space<vmem>>
      %dma_wait3A_257 = tpu.memref_squeeze %dma_wait3A_256 : memref<1x128x64xf32, #tpu.memory_space<vmem>> -> memref<128x64xf32, #tpu.memory_space<vmem>>
      %dma_wait3A_258 = arith.constant 0 : i32
      %dma_wait3A_259 = tpu.memref_slice %arg5[%dma_wait3A_251, %dma_wait3A_252, %dma_wait3A_258] : memref<2x4x128xi32, #tpu.memory_space<vmem>> -> memref<1x1x128xi32, #tpu.memory_space<vmem>>
      %dma_wait3A_260 = tpu.memref_squeeze %dma_wait3A_259 : memref<1x1x128xi32, #tpu.memory_space<vmem>> -> memref<128xi32, #tpu.memory_space<vmem>>
      %dma_wait3A_261 = arith.constant 0 : i32
      %dma_wait3A_262 = arith.constant 0 : i32
      %dma_wait3A_263 = tpu.memref_slice %arg3[%dma_wait3A_261, %dma_wait3A_262] : memref<1000001x64xf32, #tpu.memory_space<hbm>> -> memref<1000001x64xf32, #tpu.memory_space<hbm>>
      tpu.wait_indirect_dma semaphore(%arg8 : memref<!tpu.dma_semaphore, #tpu.memory_space<semaphore_mem>>) src(%dma_wait3A_263 : memref<1000001x64xf32, #tpu.memory_space<hbm>>) dst(%dma_wait3A_257 : memref<128x64xf32, #tpu.memory_space<vmem>>)
      %iota3A = tpu.iota {dimensions = array<i32: 0>} : vector<16xi32>
      %add3A_264 = arith.constant 0 : i32
      %add3A_265 = vector.broadcast %add3A_264 : i32 to vector<16xi32>
      %add3A_266 = arith.addi %iota3A, %add3A_265 : vector<16xi32>
      %add3A_267 = arith.constant 16 : i32
      %add3A_268 = vector.broadcast %add3A_267 : i32 to vector<16xi32>
      %add3A_269 = arith.addi %iota3A, %add3A_268 : vector<16xi32>
      %add3A_270 = arith.constant 32 : i32
      %add3A_271 = vector.broadcast %add3A_270 : i32 to vector<16xi32>
      %add3A_272 = arith.addi %iota3A, %add3A_271 : vector<16xi32>
      %add3A_273 = arith.constant 48 : i32
      %add3A_274 = vector.broadcast %add3A_273 : i32 to vector<16xi32>
      %add3A_275 = arith.addi %iota3A, %add3A_274 : vector<16xi32>
      %broadcast_in_dim3A = arith.constant 0 : i32
      %broadcast_in_dim3A_276 = vector.broadcast %broadcast_in_dim3A : i32 to vector<16xi32>
      %scan3A_277 = arith.constant 0 : i32
      %scan3A_278 = arith.constant 0 : i32
      %scan3A_279 = arith.constant 128 : i32
      %scan3A_280 = arith.addi %scan3A_278, %scan3A_279 : i32
      %scan3A_281 = arith.constant 8 : i32
      %scan3A_282 = scf.for %scan3A_698 = %scan3A_278 to %scan3A_280 step %scan3A_281 iter_args(%scan3A_699 = %broadcast_in_dim3A_276) -> (vector<16xi32>)  : i32 {
        %get3A = arith.constant 0 : i32
        %get3A_700 = arith.constant 0 : i32
        %get3A_701 = tpu.memref_slice %arg6[%scan3A_277, %get3A, %get3A_700] : memref<2x512x64xf32, #tpu.memory_space<vmem>> -> memref<1x512x64xf32, #tpu.memory_space<vmem>>
        %get3A_702 = tpu.memref_squeeze %get3A_701 : memref<1x512x64xf32, #tpu.memory_space<vmem>> -> memref<512x64xf32, #tpu.memory_space<vmem>>
        %get3A_703 = arith.index_cast %scan3A_698 : i32 to index
        %get3A_704 = arith.constant 0 : index
        %get3A_705 = tpu.vector_load %get3A_702[%get3A_703, %get3A_704] {strides = array<i32>} : memref<512x64xf32, #tpu.memory_space<vmem>>, vector<16xf32>,
        %get3A_706 = arith.constant 0 : i32
        %get3A_707 = arith.constant 0 : i32
        %get3A_708 = tpu.memref_slice %arg6[%scan3A_277, %get3A_706, %get3A_707] : memref<2x512x64xf32, #tpu.memory_space<vmem>> -> memref<1x512x64xf32, #tpu.memory_space<vmem>>
        %get3A_709 = tpu.memref_squeeze %get3A_708 : memref<1x512x64xf32, #tpu.memory_space<vmem>> -> memref<512x64xf32, #tpu.memory_space<vmem>>
        %get3A_710 = arith.index_cast %scan3A_698 : i32 to index
        %get3A_711 = arith.constant 16 : index
        %get3A_712 = tpu.vector_load %get3A_709[%get3A_710, %get3A_711] {strides = array<i32>} : memref<512x64xf32, #tpu.memory_space<vmem>>, vector<16xf32>,
        %get3A_713 = arith.constant 0 : i32
        %get3A_714 = arith.constant 0 : i32
        %get3A_715 = tpu.memref_slice %arg6[%scan3A_277, %get3A_713, %get3A_714] : memref<2x512x64xf32, #tpu.memory_space<vmem>> -> memref<1x512x64xf32, #tpu.memory_space<vmem>>
        %get3A_716 = tpu.memref_squeeze %get3A_715 : memref<1x512x64xf32, #tpu.memory_space<vmem>> -> memref<512x64xf32, #tpu.memory_space<vmem>>
        %get3A_717 = arith.index_cast %scan3A_698 : i32 to index
        %get3A_718 = arith.constant 32 : index
        %get3A_719 = tpu.vector_load %get3A_716[%get3A_717, %get3A_718] {strides = array<i32>} : memref<512x64xf32, #tpu.memory_space<vmem>>, vector<16xf32>,
        %get3A_720 = arith.constant 0 : i32
        %get3A_721 = arith.constant 0 : i32
        %get3A_722 = tpu.memref_slice %arg6[%scan3A_277, %get3A_720, %get3A_721] : memref<2x512x64xf32, #tpu.memory_space<vmem>> -> memref<1x512x64xf32, #tpu.memory_space<vmem>>
        %get3A_723 = tpu.memref_squeeze %get3A_722 : memref<1x512x64xf32, #tpu.memory_space<vmem>> -> memref<512x64xf32, #tpu.memory_space<vmem>>
        %get3A_724 = arith.index_cast %scan3A_698 : i32 to index
        %get3A_725 = arith.constant 48 : index
        %get3A_726 = tpu.vector_load %get3A_723[%get3A_724, %get3A_725] {strides = array<i32>} : memref<512x64xf32, #tpu.memory_space<vmem>>, vector<16xf32>,
        tpu.vector_store_idx %arg7[%add3A_266, %scan3A_699], %get3A_705 : memref<64x513xf32, #tpu.memory_space<vmem>>[vector<16xi32>, vector<16xi32>], vector<16xf32>,
        tpu.vector_store_idx %arg7[%add3A_269, %scan3A_699], %get3A_712 : memref<64x513xf32, #tpu.memory_space<vmem>>[vector<16xi32>, vector<16xi32>], vector<16xf32>,
        tpu.vector_store_idx %arg7[%add3A_272, %scan3A_699], %get3A_719 : memref<64x513xf32, #tpu.memory_space<vmem>>[vector<16xi32>, vector<16xi32>], vector<16xf32>,
        tpu.vector_store_idx %arg7[%add3A_275, %scan3A_699], %get3A_726 : memref<64x513xf32, #tpu.memory_space<vmem>>[vector<16xi32>, vector<16xi32>], vector<16xf32>,
        %add3A_727 = arith.constant 1 : i32
        %add3A_728 = vector.broadcast %add3A_727 : i32 to vector<16xi32>
        %add3A_729 = arith.addi %scan3A_699, %add3A_728 : vector<16xi32>
        %scan3A_730 = arith.constant 1 : i32
        %scan3A_731 = arith.addi %scan3A_698, %scan3A_730 : i32
        %get3A_732 = arith.constant 0 : i32
        %get3A_733 = arith.constant 0 : i32
        %get3A_734 = tpu.memref_slice %arg6[%scan3A_277, %get3A_732, %get3A_733] : memref<2x512x64xf32, #tpu.memory_space<vmem>> -> memref<1x512x64xf32, #tpu.memory_space<vmem>>
        %get3A_735 = tpu.memref_squeeze %get3A_734 : memref<1x512x64xf32, #tpu.memory_space<vmem>> -> memref<512x64xf32, #tpu.memory_space<vmem>>
        %get3A_736 = arith.index_cast %scan3A_731 : i32 to index
        %get3A_737 = arith.constant 0 : index
        %get3A_738 = tpu.vector_load %get3A_735[%get3A_736, %get3A_737] {strides = array<i32>} : memref<512x64xf32, #tpu.memory_space<vmem>>, vector<16xf32>,
        %get3A_739 = arith.constant 0 : i32
        %get3A_740 = arith.constant 0 : i32
        %get3A_741 = tpu.memref_slice %arg6[%scan3A_277, %get3A_739, %get3A_740] : memref<2x512x64xf32, #tpu.memory_space<vmem>> -> memref<1x512x64xf32, #tpu.memory_space<vmem>>
        %get3A_742 = tpu.memref_squeeze %get3A_741 : memref<1x512x64xf32, #tpu.memory_space<vmem>> -> memref<512x64xf32, #tpu.memory_space<vmem>>
        %get3A_743 = arith.index_cast %scan3A_731 : i32 to index
        %get3A_744 = arith.constant 16 : index
        %get3A_745 = tpu.vector_load %get3A_742[%get3A_743, %get3A_744] {strides = array<i32>} : memref<512x64xf32, #tpu.memory_space<vmem>>, vector<16xf32>,
        %get3A_746 = arith.constant 0 : i32
        %get3A_747 = arith.constant 0 : i32
        %get3A_748 = tpu.memref_slice %arg6[%scan3A_277, %get3A_746, %get3A_747] : memref<2x512x64xf32, #tpu.memory_space<vmem>> -> memref<1x512x64xf32, #tpu.memory_space<vmem>>
        %get3A_749 = tpu.memref_squeeze %get3A_748 : memref<1x512x64xf32, #tpu.memory_space<vmem>> -> memref<512x64xf32, #tpu.memory_space<vmem>>
        %get3A_750 = arith.index_cast %scan3A_731 : i32 to index
        %get3A_751 = arith.constant 32 : index
        %get3A_752 = tpu.vector_load %get3A_749[%get3A_750, %get3A_751] {strides = array<i32>} : memref<512x64xf32, #tpu.memory_space<vmem>>, vector<16xf32>,
        %get3A_753 = arith.constant 0 : i32
        %get3A_754 = arith.constant 0 : i32
        %get3A_755 = tpu.memref_slice %arg6[%scan3A_277, %get3A_753, %get3A_754] : memref<2x512x64xf32, #tpu.memory_space<vmem>> -> memref<1x512x64xf32, #tpu.memory_space<vmem>>
        %get3A_756 = tpu.memref_squeeze %get3A_755 : memref<1x512x64xf32, #tpu.memory_space<vmem>> -> memref<512x64xf32, #tpu.memory_space<vmem>>
        %get3A_757 = arith.index_cast %scan3A_731 : i32 to index
        %get3A_758 = arith.constant 48 : index
        %get3A_759 = tpu.vector_load %get3A_756[%get3A_757, %get3A_758] {strides = array<i32>} : memref<512x64xf32, #tpu.memory_space<vmem>>, vector<16xf32>,
        tpu.vector_store_idx %arg7[%add3A_266, %add3A_729], %get3A_738 : memref<64x513xf32, #tpu.memory_space<vmem>>[vector<16xi32>, vector<16xi32>], vector<16xf32>,
        tpu.vector_store_idx %arg7[%add3A_269, %add3A_729], %get3A_745 : memref<64x513xf32, #tpu.memory_space<vmem>>[vector<16xi32>, vector<16xi32>], vector<16xf32>,
        tpu.vector_store_idx %arg7[%add3A_272, %add3A_729], %get3A_752 : memref<64x513xf32, #tpu.memory_space<vmem>>[vector<16xi32>, vector<16xi32>], vector<16xf32>,
        tpu.vector_store_idx %arg7[%add3A_275, %add3A_729], %get3A_759 : memref<64x513xf32, #tpu.memory_space<vmem>>[vector<16xi32>, vector<16xi32>], vector<16xf32>,
        %add3A_760 = arith.constant 1 : i32
        %add3A_761 = vector.broadcast %add3A_760 : i32 to vector<16xi32>
        %add3A_762 = arith.addi %add3A_729, %add3A_761 : vector<16xi32>
        %scan3A_763 = arith.constant 2 : i32
        %scan3A_764 = arith.addi %scan3A_698, %scan3A_763 : i32
        %get3A_765 = arith.constant 0 : i32
        %get3A_766 = arith.constant 0 : i32
        %get3A_767 = tpu.memref_slice %arg6[%scan3A_277, %get3A_765, %get3A_766] : memref<2x512x64xf32, #tpu.memory_space<vmem>> -> memref<1x512x64xf32, #tpu.memory_space<vmem>>
        %get3A_768 = tpu.memref_squeeze %get3A_767 : memref<1x512x64xf32, #tpu.memory_space<vmem>> -> memref<512x64xf32, #tpu.memory_space<vmem>>
        %get3A_769 = arith.index_cast %scan3A_764 : i32 to index
        %get3A_770 = arith.constant 0 : index
        %get3A_771 = tpu.vector_load %get3A_768[%get3A_769, %get3A_770] {strides = array<i32>} : memref<512x64xf32, #tpu.memory_space<vmem>>, vector<16xf32>,
        %get3A_772 = arith.constant 0 : i32
        %get3A_773 = arith.constant 0 : i32
        %get3A_774 = tpu.memref_slice %arg6[%scan3A_277, %get3A_772, %get3A_773] : memref<2x512x64xf32, #tpu.memory_space<vmem>> -> memref<1x512x64xf32, #tpu.memory_space<vmem>>
        %get3A_775 = tpu.memref_squeeze %get3A_774 : memref<1x512x64xf32, #tpu.memory_space<vmem>> -> memref<512x64xf32, #tpu.memory_space<vmem>>
        %get3A_776 = arith.index_cast %scan3A_764 : i32 to index
        %get3A_777 = arith.constant 16 : index
        %get3A_778 = tpu.vector_load %get3A_775[%get3A_776, %get3A_777] {strides = array<i32>} : memref<512x64xf32, #tpu.memory_space<vmem>>, vector<16xf32>,
        %get3A_779 = arith.constant 0 : i32
        %get3A_780 = arith.constant 0 : i32
        %get3A_781 = tpu.memref_slice %arg6[%scan3A_277, %get3A_779, %get3A_780] : memref<2x512x64xf32, #tpu.memory_space<vmem>> -> memref<1x512x64xf32, #tpu.memory_space<vmem>>
        %get3A_782 = tpu.memref_squeeze %get3A_781 : memref<1x512x64xf32, #tpu.memory_space<vmem>> -> memref<512x64xf32, #tpu.memory_space<vmem>>
        %get3A_783 = arith.index_cast %scan3A_764 : i32 to index
        %get3A_784 = arith.constant 32 : index
        %get3A_785 = tpu.vector_load %get3A_782[%get3A_783, %get3A_784] {strides = array<i32>} : memref<512x64xf32, #tpu.memory_space<vmem>>, vector<16xf32>,
        %get3A_786 = arith.constant 0 : i32
        %get3A_787 = arith.constant 0 : i32
        %get3A_788 = tpu.memref_slice %arg6[%scan3A_277, %get3A_786, %get3A_787] : memref<2x512x64xf32, #tpu.memory_space<vmem>> -> memref<1x512x64xf32, #tpu.memory_space<vmem>>
        %get3A_789 = tpu.memref_squeeze %get3A_788 : memref<1x512x64xf32, #tpu.memory_space<vmem>> -> memref<512x64xf32, #tpu.memory_space<vmem>>
        %get3A_790 = arith.index_cast %scan3A_764 : i32 to index
        %get3A_791 = arith.constant 48 : index
        %get3A_792 = tpu.vector_load %get3A_789[%get3A_790, %get3A_791] {strides = array<i32>} : memref<512x64xf32, #tpu.memory_space<vmem>>, vector<16xf32>,
        tpu.vector_store_idx %arg7[%add3A_266, %add3A_762], %get3A_771 : memref<64x513xf32, #tpu.memory_space<vmem>>[vector<16xi32>, vector<16xi32>], vector<16xf32>,
        tpu.vector_store_idx %arg7[%add3A_269, %add3A_762], %get3A_778 : memref<64x513xf32, #tpu.memory_space<vmem>>[vector<16xi32>, vector<16xi32>], vector<16xf32>,
        tpu.vector_store_idx %arg7[%add3A_272, %add3A_762], %get3A_785 : memref<64x513xf32, #tpu.memory_space<vmem>>[vector<16xi32>, vector<16xi32>], vector<16xf32>,
        tpu.vector_store_idx %arg7[%add3A_275, %add3A_762], %get3A_792 : memref<64x513xf32, #tpu.memory_space<vmem>>[vector<16xi32>, vector<16xi32>], vector<16xf32>,
        %add3A_793 = arith.constant 1 : i32
        %add3A_794 = vector.broadcast %add3A_793 : i32 to vector<16xi32>
        %add3A_795 = arith.addi %add3A_762, %add3A_794 : vector<16xi32>
        %scan3A_796 = arith.constant 3 : i32
        %scan3A_797 = arith.addi %scan3A_698, %scan3A_796 : i32
        %get3A_798 = arith.constant 0 : i32
        %get3A_799 = arith.constant 0 : i32
        %get3A_800 = tpu.memref_slice %arg6[%scan3A_277, %get3A_798, %get3A_799] : memref<2x512x64xf32, #tpu.memory_space<vmem>> -> memref<1x512x64xf32, #tpu.memory_space<vmem>>
        %get3A_801 = tpu.memref_squeeze %get3A_800 : memref<1x512x64xf32, #tpu.memory_space<vmem>> -> memref<512x64xf32, #tpu.memory_space<vmem>>
        %get3A_802 = arith.index_cast %scan3A_797 : i32 to index
        %get3A_803 = arith.constant 0 : index
        %get3A_804 = tpu.vector_load %get3A_801[%get3A_802, %get3A_803] {strides = array<i32>} : memref<512x64xf32, #tpu.memory_space<vmem>>, vector<16xf32>,
        %get3A_805 = arith.constant 0 : i32
        %get3A_806 = arith.constant 0 : i32
        %get3A_807 = tpu.memref_slice %arg6[%scan3A_277, %get3A_805, %get3A_806] : memref<2x512x64xf32, #tpu.memory_space<vmem>> -> memref<1x512x64xf32, #tpu.memory_space<vmem>>
        %get3A_808 = tpu.memref_squeeze %get3A_807 : memref<1x512x64xf32, #tpu.memory_space<vmem>> -> memref<512x64xf32, #tpu.memory_space<vmem>>
        %get3A_809 = arith.index_cast %scan3A_797 : i32 to index
        %get3A_810 = arith.constant 16 : index
        %get3A_811 = tpu.vector_load %get3A_808[%get3A_809, %get3A_810] {strides = array<i32>} : memref<512x64xf32, #tpu.memory_space<vmem>>, vector<16xf32>,
        %get3A_812 = arith.constant 0 : i32
        %get3A_813 = arith.constant 0 : i32
        %get3A_814 = tpu.memref_slice %arg6[%scan3A_277, %get3A_812, %get3A_813] : memref<2x512x64xf32, #tpu.memory_space<vmem>> -> memref<1x512x64xf32, #tpu.memory_space<vmem>>
        %get3A_815 = tpu.memref_squeeze %get3A_814 : memref<1x512x64xf32, #tpu.memory_space<vmem>> -> memref<512x64xf32, #tpu.memory_space<vmem>>
        %get3A_816 = arith.index_cast %scan3A_797 : i32 to index
        %get3A_817 = arith.constant 32 : index
        %get3A_818 = tpu.vector_load %get3A_815[%get3A_816, %get3A_817] {strides = array<i32>} : memref<512x64xf32, #tpu.memory_space<vmem>>, vector<16xf32>,
        %get3A_819 = arith.constant 0 : i32
        %get3A_820 = arith.constant 0 : i32
        %get3A_821 = tpu.memref_slice %arg6[%scan3A_277, %get3A_819, %get3A_820] : memref<2x512x64xf32, #tpu.memory_space<vmem>> -> memref<1x512x64xf32, #tpu.memory_space<vmem>>
        %get3A_822 = tpu.memref_squeeze %get3A_821 : memref<1x512x64xf32, #tpu.memory_space<vmem>> -> memref<512x64xf32, #tpu.memory_space<vmem>>
        %get3A_823 = arith.index_cast %scan3A_797 : i32 to index
        %get3A_824 = arith.constant 48 : index
        %get3A_825 = tpu.vector_load %get3A_822[%get3A_823, %get3A_824] {strides = array<i32>} : memref<512x64xf32, #tpu.memory_space<vmem>>, vector<16xf32>,
        tpu.vector_store_idx %arg7[%add3A_266, %add3A_795], %get3A_804 : memref<64x513xf32, #tpu.memory_space<vmem>>[vector<16xi32>, vector<16xi32>], vector<16xf32>,
        tpu.vector_store_idx %arg7[%add3A_269, %add3A_795], %get3A_811 : memref<64x513xf32, #tpu.memory_space<vmem>>[vector<16xi32>, vector<16xi32>], vector<16xf32>,
        tpu.vector_store_idx %arg7[%add3A_272, %add3A_795], %get3A_818 : memref<64x513xf32, #tpu.memory_space<vmem>>[vector<16xi32>, vector<16xi32>], vector<16xf32>,
        tpu.vector_store_idx %arg7[%add3A_275, %add3A_795], %get3A_825 : memref<64x513xf32, #tpu.memory_space<vmem>>[vector<16xi32>, vector<16xi32>], vector<16xf32>,
        %add3A_826 = arith.constant 1 : i32
        %add3A_827 = vector.broadcast %add3A_826 : i32 to vector<16xi32>
        %add3A_828 = arith.addi %add3A_795, %add3A_827 : vector<16xi32>
        %scan3A_829 = arith.constant 4 : i32
        %scan3A_830 = arith.addi %scan3A_698, %scan3A_829 : i32
        %get3A_831 = arith.constant 0 : i32
        %get3A_832 = arith.constant 0 : i32
        %get3A_833 = tpu.memref_slice %arg6[%scan3A_277, %get3A_831, %get3A_832] : memref<2x512x64xf32, #tpu.memory_space<vmem>> -> memref<1x512x64xf32, #tpu.memory_space<vmem>>
        %get3A_834 = tpu.memref_squeeze %get3A_833 : memref<1x512x64xf32, #tpu.memory_space<vmem>> -> memref<512x64xf32, #tpu.memory_space<vmem>>
        %get3A_835 = arith.index_cast %scan3A_830 : i32 to index
        %get3A_836 = arith.constant 0 : index
        %get3A_837 = tpu.vector_load %get3A_834[%get3A_835, %get3A_836] {strides = array<i32>} : memref<512x64xf32, #tpu.memory_space<vmem>>, vector<16xf32>,
        %get3A_838 = arith.constant 0 : i32
        %get3A_839 = arith.constant 0 : i32
        %get3A_840 = tpu.memref_slice %arg6[%scan3A_277, %get3A_838, %get3A_839] : memref<2x512x64xf32, #tpu.memory_space<vmem>> -> memref<1x512x64xf32, #tpu.memory_space<vmem>>
        %get3A_841 = tpu.memref_squeeze %get3A_840 : memref<1x512x64xf32, #tpu.memory_space<vmem>> -> memref<512x64xf32, #tpu.memory_space<vmem>>
        %get3A_842 = arith.index_cast %scan3A_830 : i32 to index
        %get3A_843 = arith.constant 16 : index
        %get3A_844 = tpu.vector_load %get3A_841[%get3A_842, %get3A_843] {strides = array<i32>} : memref<512x64xf32, #tpu.memory_space<vmem>>, vector<16xf32>,
        %get3A_845 = arith.constant 0 : i32
        %get3A_846 = arith.constant 0 : i32
        %get3A_847 = tpu.memref_slice %arg6[%scan3A_277, %get3A_845, %get3A_846] : memref<2x512x64xf32, #tpu.memory_space<vmem>> -> memref<1x512x64xf32, #tpu.memory_space<vmem>>
        %get3A_848 = tpu.memref_squeeze %get3A_847 : memref<1x512x64xf32, #tpu.memory_space<vmem>> -> memref<512x64xf32, #tpu.memory_space<vmem>>
        %get3A_849 = arith.index_cast %scan3A_830 : i32 to index
        %get3A_850 = arith.constant 32 : index
        %get3A_851 = tpu.vector_load %get3A_848[%get3A_849, %get3A_850] {strides = array<i32>} : memref<512x64xf32, #tpu.memory_space<vmem>>, vector<16xf32>,
        %get3A_852 = arith.constant 0 : i32
        %get3A_853 = arith.constant 0 : i32
        %get3A_854 = tpu.memref_slice %arg6[%scan3A_277, %get3A_852, %get3A_853] : memref<2x512x64xf32, #tpu.memory_space<vmem>> -> memref<1x512x64xf32, #tpu.memory_space<vmem>>
        %get3A_855 = tpu.memref_squeeze %get3A_854 : memref<1x512x64xf32, #tpu.memory_space<vmem>> -> memref<512x64xf32, #tpu.memory_space<vmem>>
        %get3A_856 = arith.index_cast %scan3A_830 : i32 to index
        %get3A_857 = arith.constant 48 : index
        %get3A_858 = tpu.vector_load %get3A_855[%get3A_856, %get3A_857] {strides = array<i32>} : memref<512x64xf32, #tpu.memory_space<vmem>>, vector<16xf32>,
        tpu.vector_store_idx %arg7[%add3A_266, %add3A_828], %get3A_837 : memref<64x513xf32, #tpu.memory_space<vmem>>[vector<16xi32>, vector<16xi32>], vector<16xf32>,
        tpu.vector_store_idx %arg7[%add3A_269, %add3A_828], %get3A_844 : memref<64x513xf32, #tpu.memory_space<vmem>>[vector<16xi32>, vector<16xi32>], vector<16xf32>,
        tpu.vector_store_idx %arg7[%add3A_272, %add3A_828], %get3A_851 : memref<64x513xf32, #tpu.memory_space<vmem>>[vector<16xi32>, vector<16xi32>], vector<16xf32>,
        tpu.vector_store_idx %arg7[%add3A_275, %add3A_828], %get3A_858 : memref<64x513xf32, #tpu.memory_space<vmem>>[vector<16xi32>, vector<16xi32>], vector<16xf32>,
        %add3A_859 = arith.constant 1 : i32
        %add3A_860 = vector.broadcast %add3A_859 : i32 to vector<16xi32>
        %add3A_861 = arith.addi %add3A_828, %add3A_860 : vector<16xi32>
        %scan3A_862 = arith.constant 5 : i32
        %scan3A_863 = arith.addi %scan3A_698, %scan3A_862 : i32
        %get3A_864 = arith.constant 0 : i32
        %get3A_865 = arith.constant 0 : i32
        %get3A_866 = tpu.memref_slice %arg6[%scan3A_277, %get3A_864, %get3A_865] : memref<2x512x64xf32, #tpu.memory_space<vmem>> -> memref<1x512x64xf32, #tpu.memory_space<vmem>>
        %get3A_867 = tpu.memref_squeeze %get3A_866 : memref<1x512x64xf32, #tpu.memory_space<vmem>> -> memref<512x64xf32, #tpu.memory_space<vmem>>
        %get3A_868 = arith.index_cast %scan3A_863 : i32 to index
        %get3A_869 = arith.constant 0 : index
        %get3A_870 = tpu.vector_load %get3A_867[%get3A_868, %get3A_869] {strides = array<i32>} : memref<512x64xf32, #tpu.memory_space<vmem>>, vector<16xf32>,
        %get3A_871 = arith.constant 0 : i32
        %get3A_872 = arith.constant 0 : i32
        %get3A_873 = tpu.memref_slice %arg6[%scan3A_277, %get3A_871, %get3A_872] : memref<2x512x64xf32, #tpu.memory_space<vmem>> -> memref<1x512x64xf32, #tpu.memory_space<vmem>>
        %get3A_874 = tpu.memref_squeeze %get3A_873 : memref<1x512x64xf32, #tpu.memory_space<vmem>> -> memref<512x64xf32, #tpu.memory_space<vmem>>
        %get3A_875 = arith.index_cast %scan3A_863 : i32 to index
        %get3A_876 = arith.constant 16 : index
        %get3A_877 = tpu.vector_load %get3A_874[%get3A_875, %get3A_876] {strides = array<i32>} : memref<512x64xf32, #tpu.memory_space<vmem>>, vector<16xf32>,
        %get3A_878 = arith.constant 0 : i32
        %get3A_879 = arith.constant 0 : i32
        %get3A_880 = tpu.memref_slice %arg6[%scan3A_277, %get3A_878, %get3A_879] : memref<2x512x64xf32, #tpu.memory_space<vmem>> -> memref<1x512x64xf32, #tpu.memory_space<vmem>>
        %get3A_881 = tpu.memref_squeeze %get3A_880 : memref<1x512x64xf32, #tpu.memory_space<vmem>> -> memref<512x64xf32, #tpu.memory_space<vmem>>
        %get3A_882 = arith.index_cast %scan3A_863 : i32 to index
        %get3A_883 = arith.constant 32 : index
        %get3A_884 = tpu.vector_load %get3A_881[%get3A_882, %get3A_883] {strides = array<i32>} : memref<512x64xf32, #tpu.memory_space<vmem>>, vector<16xf32>,
        %get3A_885 = arith.constant 0 : i32
        %get3A_886 = arith.constant 0 : i32
        %get3A_887 = tpu.memref_slice %arg6[%scan3A_277, %get3A_885, %get3A_886] : memref<2x512x64xf32, #tpu.memory_space<vmem>> -> memref<1x512x64xf32, #tpu.memory_space<vmem>>
        %get3A_888 = tpu.memref_squeeze %get3A_887 : memref<1x512x64xf32, #tpu.memory_space<vmem>> -> memref<512x64xf32, #tpu.memory_space<vmem>>
        %get3A_889 = arith.index_cast %scan3A_863 : i32 to index
        %get3A_890 = arith.constant 48 : index
        %get3A_891 = tpu.vector_load %get3A_888[%get3A_889, %get3A_890] {strides = array<i32>} : memref<512x64xf32, #tpu.memory_space<vmem>>, vector<16xf32>,
        tpu.vector_store_idx %arg7[%add3A_266, %add3A_861], %get3A_870 : memref<64x513xf32, #tpu.memory_space<vmem>>[vector<16xi32>, vector<16xi32>], vector<16xf32>,
        tpu.vector_store_idx %arg7[%add3A_269, %add3A_861], %get3A_877 : memref<64x513xf32, #tpu.memory_space<vmem>>[vector<16xi32>, vector<16xi32>], vector<16xf32>,
        tpu.vector_store_idx %arg7[%add3A_272, %add3A_861], %get3A_884 : memref<64x513xf32, #tpu.memory_space<vmem>>[vector<16xi32>, vector<16xi32>], vector<16xf32>,
        tpu.vector_store_idx %arg7[%add3A_275, %add3A_861], %get3A_891 : memref<64x513xf32, #tpu.memory_space<vmem>>[vector<16xi32>, vector<16xi32>], vector<16xf32>,
        %add3A_892 = arith.constant 1 : i32
        %add3A_893 = vector.broadcast %add3A_892 : i32 to vector<16xi32>
        %add3A_894 = arith.addi %add3A_861, %add3A_893 : vector<16xi32>
        %scan3A_895 = arith.constant 6 : i32
        %scan3A_896 = arith.addi %scan3A_698, %scan3A_895 : i32
        %get3A_897 = arith.constant 0 : i32
        %get3A_898 = arith.constant 0 : i32
        %get3A_899 = tpu.memref_slice %arg6[%scan3A_277, %get3A_897, %get3A_898] : memref<2x512x64xf32, #tpu.memory_space<vmem>> -> memref<1x512x64xf32, #tpu.memory_space<vmem>>
        %get3A_900 = tpu.memref_squeeze %get3A_899 : memref<1x512x64xf32, #tpu.memory_space<vmem>> -> memref<512x64xf32, #tpu.memory_space<vmem>>
        %get3A_901 = arith.index_cast %scan3A_896 : i32 to index
        %get3A_902 = arith.constant 0 : index
        %get3A_903 = tpu.vector_load %get3A_900[%get3A_901, %get3A_902] {strides = array<i32>} : memref<512x64xf32, #tpu.memory_space<vmem>>, vector<16xf32>,
        %get3A_904 = arith.constant 0 : i32
        %get3A_905 = arith.constant 0 : i32
        %get3A_906 = tpu.memref_slice %arg6[%scan3A_277, %get3A_904, %get3A_905] : memref<2x512x64xf32, #tpu.memory_space<vmem>> -> memref<1x512x64xf32, #tpu.memory_space<vmem>>
        %get3A_907 = tpu.memref_squeeze %get3A_906 : memref<1x512x64xf32, #tpu.memory_space<vmem>> -> memref<512x64xf32, #tpu.memory_space<vmem>>
        %get3A_908 = arith.index_cast %scan3A_896 : i32 to index
        %get3A_909 = arith.constant 16 : index
        %get3A_910 = tpu.vector_load %get3A_907[%get3A_908, %get3A_909] {strides = array<i32>} : memref<512x64xf32, #tpu.memory_space<vmem>>, vector<16xf32>,
        %get3A_911 = arith.constant 0 : i32
        %get3A_912 = arith.constant 0 : i32
        %get3A_913 = tpu.memref_slice %arg6[%scan3A_277, %get3A_911, %get3A_912] : memref<2x512x64xf32, #tpu.memory_space<vmem>> -> memref<1x512x64xf32, #tpu.memory_space<vmem>>
        %get3A_914 = tpu.memref_squeeze %get3A_913 : memref<1x512x64xf32, #tpu.memory_space<vmem>> -> memref<512x64xf32, #tpu.memory_space<vmem>>
        %get3A_915 = arith.index_cast %scan3A_896 : i32 to index
        %get3A_916 = arith.constant 32 : index
        %get3A_917 = tpu.vector_load %get3A_914[%get3A_915, %get3A_916] {strides = array<i32>} : memref<512x64xf32, #tpu.memory_space<vmem>>, vector<16xf32>,
        %get3A_918 = arith.constant 0 : i32
        %get3A_919 = arith.constant 0 : i32
        %get3A_920 = tpu.memref_slice %arg6[%scan3A_277, %get3A_918, %get3A_919] : memref<2x512x64xf32, #tpu.memory_space<vmem>> -> memref<1x512x64xf32, #tpu.memory_space<vmem>>
        %get3A_921 = tpu.memref_squeeze %get3A_920 : memref<1x512x64xf32, #tpu.memory_space<vmem>> -> memref<512x64xf32, #tpu.memory_space<vmem>>
        %get3A_922 = arith.index_cast %scan3A_896 : i32 to index
        %get3A_923 = arith.constant 48 : index
        %get3A_924 = tpu.vector_load %get3A_921[%get3A_922, %get3A_923] {strides = array<i32>} : memref<512x64xf32, #tpu.memory_space<vmem>>, vector<16xf32>,
        tpu.vector_store_idx %arg7[%add3A_266, %add3A_894], %get3A_903 : memref<64x513xf32, #tpu.memory_space<vmem>>[vector<16xi32>, vector<16xi32>], vector<16xf32>,
        tpu.vector_store_idx %arg7[%add3A_269, %add3A_894], %get3A_910 : memref<64x513xf32, #tpu.memory_space<vmem>>[vector<16xi32>, vector<16xi32>], vector<16xf32>,
        tpu.vector_store_idx %arg7[%add3A_272, %add3A_894], %get3A_917 : memref<64x513xf32, #tpu.memory_space<vmem>>[vector<16xi32>, vector<16xi32>], vector<16xf32>,
        tpu.vector_store_idx %arg7[%add3A_275, %add3A_894], %get3A_924 : memref<64x513xf32, #tpu.memory_space<vmem>>[vector<16xi32>, vector<16xi32>], vector<16xf32>,
        %add3A_925 = arith.constant 1 : i32
        %add3A_926 = vector.broadcast %add3A_925 : i32 to vector<16xi32>
        %add3A_927 = arith.addi %add3A_894, %add3A_926 : vector<16xi32>
        %scan3A_928 = arith.constant 7 : i32
        %scan3A_929 = arith.addi %scan3A_698, %scan3A_928 : i32
        %get3A_930 = arith.constant 0 : i32
        %get3A_931 = arith.constant 0 : i32
        %get3A_932 = tpu.memref_slice %arg6[%scan3A_277, %get3A_930, %get3A_931] : memref<2x512x64xf32, #tpu.memory_space<vmem>> -> memref<1x512x64xf32, #tpu.memory_space<vmem>>
        %get3A_933 = tpu.memref_squeeze %get3A_932 : memref<1x512x64xf32, #tpu.memory_space<vmem>> -> memref<512x64xf32, #tpu.memory_space<vmem>>
        %get3A_934 = arith.index_cast %scan3A_929 : i32 to index
        %get3A_935 = arith.constant 0 : index
        %get3A_936 = tpu.vector_load %get3A_933[%get3A_934, %get3A_935] {strides = array<i32>} : memref<512x64xf32, #tpu.memory_space<vmem>>, vector<16xf32>,
        %get3A_937 = arith.constant 0 : i32
        %get3A_938 = arith.constant 0 : i32
        %get3A_939 = tpu.memref_slice %arg6[%scan3A_277, %get3A_937, %get3A_938] : memref<2x512x64xf32, #tpu.memory_space<vmem>> -> memref<1x512x64xf32, #tpu.memory_space<vmem>>
        %get3A_940 = tpu.memref_squeeze %get3A_939 : memref<1x512x64xf32, #tpu.memory_space<vmem>> -> memref<512x64xf32, #tpu.memory_space<vmem>>
        %get3A_941 = arith.index_cast %scan3A_929 : i32 to index
        %get3A_942 = arith.constant 16 : index
        %get3A_943 = tpu.vector_load %get3A_940[%get3A_941, %get3A_942] {strides = array<i32>} : memref<512x64xf32, #tpu.memory_space<vmem>>, vector<16xf32>,
        %get3A_944 = arith.constant 0 : i32
        %get3A_945 = arith.constant 0 : i32
        %get3A_946 = tpu.memref_slice %arg6[%scan3A_277, %get3A_944, %get3A_945] : memref<2x512x64xf32, #tpu.memory_space<vmem>> -> memref<1x512x64xf32, #tpu.memory_space<vmem>>
        %get3A_947 = tpu.memref_squeeze %get3A_946 : memref<1x512x64xf32, #tpu.memory_space<vmem>> -> memref<512x64xf32, #tpu.memory_space<vmem>>
        %get3A_948 = arith.index_cast %scan3A_929 : i32 to index
        %get3A_949 = arith.constant 32 : index
        %get3A_950 = tpu.vector_load %get3A_947[%get3A_948, %get3A_949] {strides = array<i32>} : memref<512x64xf32, #tpu.memory_space<vmem>>, vector<16xf32>,
        %get3A_951 = arith.constant 0 : i32
        %get3A_952 = arith.constant 0 : i32
        %get3A_953 = tpu.memref_slice %arg6[%scan3A_277, %get3A_951, %get3A_952] : memref<2x512x64xf32, #tpu.memory_space<vmem>> -> memref<1x512x64xf32, #tpu.memory_space<vmem>>
        %get3A_954 = tpu.memref_squeeze %get3A_953 : memref<1x512x64xf32, #tpu.memory_space<vmem>> -> memref<512x64xf32, #tpu.memory_space<vmem>>
        %get3A_955 = arith.index_cast %scan3A_929 : i32 to index
        %get3A_956 = arith.constant 48 : index
        %get3A_957 = tpu.vector_load %get3A_954[%get3A_955, %get3A_956] {strides = array<i32>} : memref<512x64xf32, #tpu.memory_space<vmem>>, vector<16xf32>,
        tpu.vector_store_idx %arg7[%add3A_266, %add3A_927], %get3A_936 : memref<64x513xf32, #tpu.memory_space<vmem>>[vector<16xi32>, vector<16xi32>], vector<16xf32>,
        tpu.vector_store_idx %arg7[%add3A_269, %add3A_927], %get3A_943 : memref<64x513xf32, #tpu.memory_space<vmem>>[vector<16xi32>, vector<16xi32>], vector<16xf32>,
        tpu.vector_store_idx %arg7[%add3A_272, %add3A_927], %get3A_950 : memref<64x513xf32, #tpu.memory_space<vmem>>[vector<16xi32>, vector<16xi32>], vector<16xf32>,
        tpu.vector_store_idx %arg7[%add3A_275, %add3A_927], %get3A_957 : memref<64x513xf32, #tpu.memory_space<vmem>>[vector<16xi32>, vector<16xi32>], vector<16xf32>,
        %add3A_958 = arith.constant 1 : i32
        %add3A_959 = vector.broadcast %add3A_958 : i32 to vector<16xi32>
        %add3A_960 = arith.addi %add3A_927, %add3A_959 : vector<16xi32>
        scf.yield %add3A_960 : vector<16xi32>
      }
      %scan3A_283 = arith.constant 128 : i32
      %dma_wait3A_284 = arith.constant 0 : i32
      %dma_wait3A_285 = arith.constant 1 : i32
      %dma_wait3A_286 = arith.constant 0 : i32
      %dma_wait3A_287 = arith.constant 128 : i32
      %dma_wait3A_288 = arith.constant 0 : i32
      %dma_wait3A_289 = tpu.memref_slice %arg6[%dma_wait3A_286, %dma_wait3A_287, %dma_wait3A_288] : memref<2x512x64xf32, #tpu.memory_space<vmem>> -> memref<1x128x64xf32, #tpu.memory_space<vmem>>
      %dma_wait3A_290 = tpu.memref_squeeze %dma_wait3A_289 : memref<1x128x64xf32, #tpu.memory_space<vmem>> -> memref<128x64xf32, #tpu.memory_space<vmem>>
      %dma_wait3A_291 = arith.constant 0 : i32
      %dma_wait3A_292 = tpu.memref_slice %arg5[%dma_wait3A_284, %dma_wait3A_285, %dma_wait3A_291] : memref<2x4x128xi32, #tpu.memory_space<vmem>> -> memref<1x1x128xi32, #tpu.memory_space<vmem>>
      %dma_wait3A_293 = tpu.memref_squeeze %dma_wait3A_292 : memref<1x1x128xi32, #tpu.memory_space<vmem>> -> memref<128xi32, #tpu.memory_space<vmem>>
      %dma_wait3A_294 = arith.constant 0 : i32
      %dma_wait3A_295 = arith.constant 0 : i32
      %dma_wait3A_296 = tpu.memref_slice %arg3[%dma_wait3A_294, %dma_wait3A_295] : memref<1000001x64xf32, #tpu.memory_space<hbm>> -> memref<1000001x64xf32, #tpu.memory_space<hbm>>
      tpu.wait_indirect_dma semaphore(%arg8 : memref<!tpu.dma_semaphore, #tpu.memory_space<semaphore_mem>>) src(%dma_wait3A_296 : memref<1000001x64xf32, #tpu.memory_space<hbm>>) dst(%dma_wait3A_290 : memref<128x64xf32, #tpu.memory_space<vmem>>)
      %iota3A_297 = tpu.iota {dimensions = array<i32: 0>} : vector<16xi32>
      %add3A_298 = arith.constant 0 : i32
      %add3A_299 = vector.broadcast %add3A_298 : i32 to vector<16xi32>
      %add3A_300 = arith.addi %iota3A_297, %add3A_299 : vector<16xi32>
      %add3A_301 = arith.constant 16 : i32
      %add3A_302 = vector.broadcast %add3A_301 : i32 to vector<16xi32>
      %add3A_303 = arith.addi %iota3A_297, %add3A_302 : vector<16xi32>
      %add3A_304 = arith.constant 32 : i32
      %add3A_305 = vector.broadcast %add3A_304 : i32 to vector<16xi32>
      %add3A_306 = arith.addi %iota3A_297, %add3A_305 : vector<16xi32>
      %add3A_307 = arith.constant 48 : i32
      %add3A_308 = vector.broadcast %add3A_307 : i32 to vector<16xi32>
      %add3A_309 = arith.addi %iota3A_297, %add3A_308 : vector<16xi32>
      %broadcast_in_dim3A_310 = arith.constant 128 : i32
      %broadcast_in_dim3A_311 = vector.broadcast %broadcast_in_dim3A_310 : i32 to vector<16xi32>
      %scan3A_312 = arith.constant 0 : i32
      %scan3A_313 = arith.constant 128 : i32
      %scan3A_314 = arith.constant 128 : i32
      %scan3A_315 = arith.addi %scan3A_313, %scan3A_314 : i32
      %scan3A_316 = arith.constant 8 : i32
      %scan3A_317 = scf.for %scan3A_698 = %scan3A_313 to %scan3A_315 step %scan3A_316 iter_args(%scan3A_699 = %broadcast_in_dim3A_311) -> (vector<16xi32>)  : i32 {
        %get3A = arith.constant 0 : i32
        %get3A_700 = arith.constant 0 : i32
        %get3A_701 = tpu.memref_slice %arg6[%scan3A_312, %get3A, %get3A_700] : memref<2x512x64xf32, #tpu.memory_space<vmem>> -> memref<1x512x64xf32, #tpu.memory_space<vmem>>
        %get3A_702 = tpu.memref_squeeze %get3A_701 : memref<1x512x64xf32, #tpu.memory_space<vmem>> -> memref<512x64xf32, #tpu.memory_space<vmem>>
        %get3A_703 = arith.index_cast %scan3A_698 : i32 to index
        %get3A_704 = arith.constant 0 : index
        %get3A_705 = tpu.vector_load %get3A_702[%get3A_703, %get3A_704] {strides = array<i32>} : memref<512x64xf32, #tpu.memory_space<vmem>>, vector<16xf32>,
        %get3A_706 = arith.constant 0 : i32
        %get3A_707 = arith.constant 0 : i32
        %get3A_708 = tpu.memref_slice %arg6[%scan3A_312, %get3A_706, %get3A_707] : memref<2x512x64xf32, #tpu.memory_space<vmem>> -> memref<1x512x64xf32, #tpu.memory_space<vmem>>
        %get3A_709 = tpu.memref_squeeze %get3A_708 : memref<1x512x64xf32, #tpu.memory_space<vmem>> -> memref<512x64xf32, #tpu.memory_space<vmem>>
        %get3A_710 = arith.index_cast %scan3A_698 : i32 to index
        %get3A_711 = arith.constant 16 : index
        %get3A_712 = tpu.vector_load %get3A_709[%get3A_710, %get3A_711] {strides = array<i32>} : memref<512x64xf32, #tpu.memory_space<vmem>>, vector<16xf32>,
        %get3A_713 = arith.constant 0 : i32
        %get3A_714 = arith.constant 0 : i32
        %get3A_715 = tpu.memref_slice %arg6[%scan3A_312, %get3A_713, %get3A_714] : memref<2x512x64xf32, #tpu.memory_space<vmem>> -> memref<1x512x64xf32, #tpu.memory_space<vmem>>
        %get3A_716 = tpu.memref_squeeze %get3A_715 : memref<1x512x64xf32, #tpu.memory_space<vmem>> -> memref<512x64xf32, #tpu.memory_space<vmem>>
        %get3A_717 = arith.index_cast %scan3A_698 : i32 to index
        %get3A_718 = arith.constant 32 : index
        %get3A_719 = tpu.vector_load %get3A_716[%get3A_717, %get3A_718] {strides = array<i32>} : memref<512x64xf32, #tpu.memory_space<vmem>>, vector<16xf32>,
        %get3A_720 = arith.constant 0 : i32
        %get3A_721 = arith.constant 0 : i32
        %get3A_722 = tpu.memref_slice %arg6[%scan3A_312, %get3A_720, %get3A_721] : memref<2x512x64xf32, #tpu.memory_space<vmem>> -> memref<1x512x64xf32, #tpu.memory_space<vmem>>
        %get3A_723 = tpu.memref_squeeze %get3A_722 : memref<1x512x64xf32, #tpu.memory_space<vmem>> -> memref<512x64xf32, #tpu.memory_space<vmem>>
        %get3A_724 = arith.index_cast %scan3A_698 : i32 to index
        %get3A_725 = arith.constant 48 : index
        %get3A_726 = tpu.vector_load %get3A_723[%get3A_724, %get3A_725] {strides = array<i32>} : memref<512x64xf32, #tpu.memory_space<vmem>>, vector<16xf32>,
        tpu.vector_store_idx %arg7[%add3A_300, %scan3A_699], %get3A_705 : memref<64x513xf32, #tpu.memory_space<vmem>>[vector<16xi32>, vector<16xi32>], vector<16xf32>,
        tpu.vector_store_idx %arg7[%add3A_303, %scan3A_699], %get3A_712 : memref<64x513xf32, #tpu.memory_space<vmem>>[vector<16xi32>, vector<16xi32>], vector<16xf32>,
        tpu.vector_store_idx %arg7[%add3A_306, %scan3A_699], %get3A_719 : memref<64x513xf32, #tpu.memory_space<vmem>>[vector<16xi32>, vector<16xi32>], vector<16xf32>,
        tpu.vector_store_idx %arg7[%add3A_309, %scan3A_699], %get3A_726 : memref<64x513xf32, #tpu.memory_space<vmem>>[vector<16xi32>, vector<16xi32>], vector<16xf32>,
        %add3A_727 = arith.constant 1 : i32
        %add3A_728 = vector.broadcast %add3A_727 : i32 to vector<16xi32>
        %add3A_729 = arith.addi %scan3A_699, %add3A_728 : vector<16xi32>
        %scan3A_730 = arith.constant 1 : i32
        %scan3A_731 = arith.addi %scan3A_698, %scan3A_730 : i32
        %get3A_732 = arith.constant 0 : i32
        %get3A_733 = arith.constant 0 : i32
        %get3A_734 = tpu.memref_slice %arg6[%scan3A_312, %get3A_732, %get3A_733] : memref<2x512x64xf32, #tpu.memory_space<vmem>> -> memref<1x512x64xf32, #tpu.memory_space<vmem>>
        %get3A_735 = tpu.memref_squeeze %get3A_734 : memref<1x512x64xf32, #tpu.memory_space<vmem>> -> memref<512x64xf32, #tpu.memory_space<vmem>>
        %get3A_736 = arith.index_cast %scan3A_731 : i32 to index
        %get3A_737 = arith.constant 0 : index
        %get3A_738 = tpu.vector_load %get3A_735[%get3A_736, %get3A_737] {strides = array<i32>} : memref<512x64xf32, #tpu.memory_space<vmem>>, vector<16xf32>,
        %get3A_739 = arith.constant 0 : i32
        %get3A_740 = arith.constant 0 : i32
        %get3A_741 = tpu.memref_slice %arg6[%scan3A_312, %get3A_739, %get3A_740] : memref<2x512x64xf32, #tpu.memory_space<vmem>> -> memref<1x512x64xf32, #tpu.memory_space<vmem>>
        %get3A_742 = tpu.memref_squeeze %get3A_741 : memref<1x512x64xf32, #tpu.memory_space<vmem>> -> memref<512x64xf32, #tpu.memory_space<vmem>>
        %get3A_743 = arith.index_cast %scan3A_731 : i32 to index
        %get3A_744 = arith.constant 16 : index
        %get3A_745 = tpu.vector_load %get3A_742[%get3A_743, %get3A_744] {strides = array<i32>} : memref<512x64xf32, #tpu.memory_space<vmem>>, vector<16xf32>,
        %get3A_746 = arith.constant 0 : i32
        %get3A_747 = arith.constant 0 : i32
        %get3A_748 = tpu.memref_slice %arg6[%scan3A_312, %get3A_746, %get3A_747] : memref<2x512x64xf32, #tpu.memory_space<vmem>> -> memref<1x512x64xf32, #tpu.memory_space<vmem>>
        %get3A_749 = tpu.memref_squeeze %get3A_748 : memref<1x512x64xf32, #tpu.memory_space<vmem>> -> memref<512x64xf32, #tpu.memory_space<vmem>>
        %get3A_750 = arith.index_cast %scan3A_731 : i32 to index
        %get3A_751 = arith.constant 32 : index
        %get3A_752 = tpu.vector_load %get3A_749[%get3A_750, %get3A_751] {strides = array<i32>} : memref<512x64xf32, #tpu.memory_space<vmem>>, vector<16xf32>,
        %get3A_753 = arith.constant 0 : i32
        %get3A_754 = arith.constant 0 : i32
        %get3A_755 = tpu.memref_slice %arg6[%scan3A_312, %get3A_753, %get3A_754] : memref<2x512x64xf32, #tpu.memory_space<vmem>> -> memref<1x512x64xf32, #tpu.memory_space<vmem>>
        %get3A_756 = tpu.memref_squeeze %get3A_755 : memref<1x512x64xf32, #tpu.memory_space<vmem>> -> memref<512x64xf32, #tpu.memory_space<vmem>>
        %get3A_757 = arith.index_cast %scan3A_731 : i32 to index
        %get3A_758 = arith.constant 48 : index
        %get3A_759 = tpu.vector_load %get3A_756[%get3A_757, %get3A_758] {strides = array<i32>} : memref<512x64xf32, #tpu.memory_space<vmem>>, vector<16xf32>,
        tpu.vector_store_idx %arg7[%add3A_300, %add3A_729], %get3A_738 : memref<64x513xf32, #tpu.memory_space<vmem>>[vector<16xi32>, vector<16xi32>], vector<16xf32>,
        tpu.vector_store_idx %arg7[%add3A_303, %add3A_729], %get3A_745 : memref<64x513xf32, #tpu.memory_space<vmem>>[vector<16xi32>, vector<16xi32>], vector<16xf32>,
        tpu.vector_store_idx %arg7[%add3A_306, %add3A_729], %get3A_752 : memref<64x513xf32, #tpu.memory_space<vmem>>[vector<16xi32>, vector<16xi32>], vector<16xf32>,
        tpu.vector_store_idx %arg7[%add3A_309, %add3A_729], %get3A_759 : memref<64x513xf32, #tpu.memory_space<vmem>>[vector<16xi32>, vector<16xi32>], vector<16xf32>,
        %add3A_760 = arith.constant 1 : i32
        %add3A_761 = vector.broadcast %add3A_760 : i32 to vector<16xi32>
        %add3A_762 = arith.addi %add3A_729, %add3A_761 : vector<16xi32>
        %scan3A_763 = arith.constant 2 : i32
        %scan3A_764 = arith.addi %scan3A_698, %scan3A_763 : i32
        %get3A_765 = arith.constant 0 : i32
        %get3A_766 = arith.constant 0 : i32
        %get3A_767 = tpu.memref_slice %arg6[%scan3A_312, %get3A_765, %get3A_766] : memref<2x512x64xf32, #tpu.memory_space<vmem>> -> memref<1x512x64xf32, #tpu.memory_space<vmem>>
        %get3A_768 = tpu.memref_squeeze %get3A_767 : memref<1x512x64xf32, #tpu.memory_space<vmem>> -> memref<512x64xf32, #tpu.memory_space<vmem>>
        %get3A_769 = arith.index_cast %scan3A_764 : i32 to index
        %get3A_770 = arith.constant 0 : index
        %get3A_771 = tpu.vector_load %get3A_768[%get3A_769, %get3A_770] {strides = array<i32>} : memref<512x64xf32, #tpu.memory_space<vmem>>, vector<16xf32>,
        %get3A_772 = arith.constant 0 : i32
        %get3A_773 = arith.constant 0 : i32
        %get3A_774 = tpu.memref_slice %arg6[%scan3A_312, %get3A_772, %get3A_773] : memref<2x512x64xf32, #tpu.memory_space<vmem>> -> memref<1x512x64xf32, #tpu.memory_space<vmem>>
        %get3A_775 = tpu.memref_squeeze %get3A_774 : memref<1x512x64xf32, #tpu.memory_space<vmem>> -> memref<512x64xf32, #tpu.memory_space<vmem>>
        %get3A_776 = arith.index_cast %scan3A_764 : i32 to index
        %get3A_777 = arith.constant 16 : index
        %get3A_778 = tpu.vector_load %get3A_775[%get3A_776, %get3A_777] {strides = array<i32>} : memref<512x64xf32, #tpu.memory_space<vmem>>, vector<16xf32>,
        %get3A_779 = arith.constant 0 : i32
        %get3A_780 = arith.constant 0 : i32
        %get3A_781 = tpu.memref_slice %arg6[%scan3A_312, %get3A_779, %get3A_780] : memref<2x512x64xf32, #tpu.memory_space<vmem>> -> memref<1x512x64xf32, #tpu.memory_space<vmem>>
        %get3A_782 = tpu.memref_squeeze %get3A_781 : memref<1x512x64xf32, #tpu.memory_space<vmem>> -> memref<512x64xf32, #tpu.memory_space<vmem>>
        %get3A_783 = arith.index_cast %scan3A_764 : i32 to index
        %get3A_784 = arith.constant 32 : index
        %get3A_785 = tpu.vector_load %get3A_782[%get3A_783, %get3A_784] {strides = array<i32>} : memref<512x64xf32, #tpu.memory_space<vmem>>, vector<16xf32>,
        %get3A_786 = arith.constant 0 : i32
        %get3A_787 = arith.constant 0 : i32
        %get3A_788 = tpu.memref_slice %arg6[%scan3A_312, %get3A_786, %get3A_787] : memref<2x512x64xf32, #tpu.memory_space<vmem>> -> memref<1x512x64xf32, #tpu.memory_space<vmem>>
        %get3A_789 = tpu.memref_squeeze %get3A_788 : memref<1x512x64xf32, #tpu.memory_space<vmem>> -> memref<512x64xf32, #tpu.memory_space<vmem>>
        %get3A_790 = arith.index_cast %scan3A_764 : i32 to index
        %get3A_791 = arith.constant 48 : index
        %get3A_792 = tpu.vector_load %get3A_789[%get3A_790, %get3A_791] {strides = array<i32>} : memref<512x64xf32, #tpu.memory_space<vmem>>, vector<16xf32>,
        tpu.vector_store_idx %arg7[%add3A_300, %add3A_762], %get3A_771 : memref<64x513xf32, #tpu.memory_space<vmem>>[vector<16xi32>, vector<16xi32>], vector<16xf32>,
        tpu.vector_store_idx %arg7[%add3A_303, %add3A_762], %get3A_778 : memref<64x513xf32, #tpu.memory_space<vmem>>[vector<16xi32>, vector<16xi32>], vector<16xf32>,
        tpu.vector_store_idx %arg7[%add3A_306, %add3A_762], %get3A_785 : memref<64x513xf32, #tpu.memory_space<vmem>>[vector<16xi32>, vector<16xi32>], vector<16xf32>,
        tpu.vector_store_idx %arg7[%add3A_309, %add3A_762], %get3A_792 : memref<64x513xf32, #tpu.memory_space<vmem>>[vector<16xi32>, vector<16xi32>], vector<16xf32>,
        %add3A_793 = arith.constant 1 : i32
        %add3A_794 = vector.broadcast %add3A_793 : i32 to vector<16xi32>
        %add3A_795 = arith.addi %add3A_762, %add3A_794 : vector<16xi32>
        %scan3A_796 = arith.constant 3 : i32
        %scan3A_797 = arith.addi %scan3A_698, %scan3A_796 : i32
        %get3A_798 = arith.constant 0 : i32
        %get3A_799 = arith.constant 0 : i32
        %get3A_800 = tpu.memref_slice %arg6[%scan3A_312, %get3A_798, %get3A_799] : memref<2x512x64xf32, #tpu.memory_space<vmem>> -> memref<1x512x64xf32, #tpu.memory_space<vmem>>
        %get3A_801 = tpu.memref_squeeze %get3A_800 : memref<1x512x64xf32, #tpu.memory_space<vmem>> -> memref<512x64xf32, #tpu.memory_space<vmem>>
        %get3A_802 = arith.index_cast %scan3A_797 : i32 to index
        %get3A_803 = arith.constant 0 : index
        %get3A_804 = tpu.vector_load %get3A_801[%get3A_802, %get3A_803] {strides = array<i32>} : memref<512x64xf32, #tpu.memory_space<vmem>>, vector<16xf32>,
        %get3A_805 = arith.constant 0 : i32
        %get3A_806 = arith.constant 0 : i32
        %get3A_807 = tpu.memref_slice %arg6[%scan3A_312, %get3A_805, %get3A_806] : memref<2x512x64xf32, #tpu.memory_space<vmem>> -> memref<1x512x64xf32, #tpu.memory_space<vmem>>
        %get3A_808 = tpu.memref_squeeze %get3A_807 : memref<1x512x64xf32, #tpu.memory_space<vmem>> -> memref<512x64xf32, #tpu.memory_space<vmem>>
        %get3A_809 = arith.index_cast %scan3A_797 : i32 to index
        %get3A_810 = arith.constant 16 : index
        %get3A_811 = tpu.vector_load %get3A_808[%get3A_809, %get3A_810] {strides = array<i32>} : memref<512x64xf32, #tpu.memory_space<vmem>>, vector<16xf32>,
        %get3A_812 = arith.constant 0 : i32
        %get3A_813 = arith.constant 0 : i32
        %get3A_814 = tpu.memref_slice %arg6[%scan3A_312, %get3A_812, %get3A_813] : memref<2x512x64xf32, #tpu.memory_space<vmem>> -> memref<1x512x64xf32, #tpu.memory_space<vmem>>
        %get3A_815 = tpu.memref_squeeze %get3A_814 : memref<1x512x64xf32, #tpu.memory_space<vmem>> -> memref<512x64xf32, #tpu.memory_space<vmem>>
        %get3A_816 = arith.index_cast %scan3A_797 : i32 to index
        %get3A_817 = arith.constant 32 : index
        %get3A_818 = tpu.vector_load %get3A_815[%get3A_816, %get3A_817] {strides = array<i32>} : memref<512x64xf32, #tpu.memory_space<vmem>>, vector<16xf32>,
        %get3A_819 = arith.constant 0 : i32
        %get3A_820 = arith.constant 0 : i32
        %get3A_821 = tpu.memref_slice %arg6[%scan3A_312, %get3A_819, %get3A_820] : memref<2x512x64xf32, #tpu.memory_space<vmem>> -> memref<1x512x64xf32, #tpu.memory_space<vmem>>
        %get3A_822 = tpu.memref_squeeze %get3A_821 : memref<1x512x64xf32, #tpu.memory_space<vmem>> -> memref<512x64xf32, #tpu.memory_space<vmem>>
        %get3A_823 = arith.index_cast %scan3A_797 : i32 to index
        %get3A_824 = arith.constant 48 : index
        %get3A_825 = tpu.vector_load %get3A_822[%get3A_823, %get3A_824] {strides = array<i32>} : memref<512x64xf32, #tpu.memory_space<vmem>>, vector<16xf32>,
        tpu.vector_store_idx %arg7[%add3A_300, %add3A_795], %get3A_804 : memref<64x513xf32, #tpu.memory_space<vmem>>[vector<16xi32>, vector<16xi32>], vector<16xf32>,
        tpu.vector_store_idx %arg7[%add3A_303, %add3A_795], %get3A_811 : memref<64x513xf32, #tpu.memory_space<vmem>>[vector<16xi32>, vector<16xi32>], vector<16xf32>,
        tpu.vector_store_idx %arg7[%add3A_306, %add3A_795], %get3A_818 : memref<64x513xf32, #tpu.memory_space<vmem>>[vector<16xi32>, vector<16xi32>], vector<16xf32>,
        tpu.vector_store_idx %arg7[%add3A_309, %add3A_795], %get3A_825 : memref<64x513xf32, #tpu.memory_space<vmem>>[vector<16xi32>, vector<16xi32>], vector<16xf32>,
        %add3A_826 = arith.constant 1 : i32
        %add3A_827 = vector.broadcast %add3A_826 : i32 to vector<16xi32>
        %add3A_828 = arith.addi %add3A_795, %add3A_827 : vector<16xi32>
        %scan3A_829 = arith.constant 4 : i32
        %scan3A_830 = arith.addi %scan3A_698, %scan3A_829 : i32
        %get3A_831 = arith.constant 0 : i32
        %get3A_832 = arith.constant 0 : i32
        %get3A_833 = tpu.memref_slice %arg6[%scan3A_312, %get3A_831, %get3A_832] : memref<2x512x64xf32, #tpu.memory_space<vmem>> -> memref<1x512x64xf32, #tpu.memory_space<vmem>>
        %get3A_834 = tpu.memref_squeeze %get3A_833 : memref<1x512x64xf32, #tpu.memory_space<vmem>> -> memref<512x64xf32, #tpu.memory_space<vmem>>
        %get3A_835 = arith.index_cast %scan3A_830 : i32 to index
        %get3A_836 = arith.constant 0 : index
        %get3A_837 = tpu.vector_load %get3A_834[%get3A_835, %get3A_836] {strides = array<i32>} : memref<512x64xf32, #tpu.memory_space<vmem>>, vector<16xf32>,
        %get3A_838 = arith.constant 0 : i32
        %get3A_839 = arith.constant 0 : i32
        %get3A_840 = tpu.memref_slice %arg6[%scan3A_312, %get3A_838, %get3A_839] : memref<2x512x64xf32, #tpu.memory_space<vmem>> -> memref<1x512x64xf32, #tpu.memory_space<vmem>>
        %get3A_841 = tpu.memref_squeeze %get3A_840 : memref<1x512x64xf32, #tpu.memory_space<vmem>> -> memref<512x64xf32, #tpu.memory_space<vmem>>
        %get3A_842 = arith.index_cast %scan3A_830 : i32 to index
        %get3A_843 = arith.constant 16 : index
        %get3A_844 = tpu.vector_load %get3A_841[%get3A_842, %get3A_843] {strides = array<i32>} : memref<512x64xf32, #tpu.memory_space<vmem>>, vector<16xf32>,
        %get3A_845 = arith.constant 0 : i32
        %get3A_846 = arith.constant 0 : i32
        %get3A_847 = tpu.memref_slice %arg6[%scan3A_312, %get3A_845, %get3A_846] : memref<2x512x64xf32, #tpu.memory_space<vmem>> -> memref<1x512x64xf32, #tpu.memory_space<vmem>>
        %get3A_848 = tpu.memref_squeeze %get3A_847 : memref<1x512x64xf32, #tpu.memory_space<vmem>> -> memref<512x64xf32, #tpu.memory_space<vmem>>
        %get3A_849 = arith.index_cast %scan3A_830 : i32 to index
        %get3A_850 = arith.constant 32 : index
        %get3A_851 = tpu.vector_load %get3A_848[%get3A_849, %get3A_850] {strides = array<i32>} : memref<512x64xf32, #tpu.memory_space<vmem>>, vector<16xf32>,
        %get3A_852 = arith.constant 0 : i32
        %get3A_853 = arith.constant 0 : i32
        %get3A_854 = tpu.memref_slice %arg6[%scan3A_312, %get3A_852, %get3A_853] : memref<2x512x64xf32, #tpu.memory_space<vmem>> -> memref<1x512x64xf32, #tpu.memory_space<vmem>>
        %get3A_855 = tpu.memref_squeeze %get3A_854 : memref<1x512x64xf32, #tpu.memory_space<vmem>> -> memref<512x64xf32, #tpu.memory_space<vmem>>
        %get3A_856 = arith.index_cast %scan3A_830 : i32 to index
        %get3A_857 = arith.constant 48 : index
        %get3A_858 = tpu.vector_load %get3A_855[%get3A_856, %get3A_857] {strides = array<i32>} : memref<512x64xf32, #tpu.memory_space<vmem>>, vector<16xf32>,
        tpu.vector_store_idx %arg7[%add3A_300, %add3A_828], %get3A_837 : memref<64x513xf32, #tpu.memory_space<vmem>>[vector<16xi32>, vector<16xi32>], vector<16xf32>,
        tpu.vector_store_idx %arg7[%add3A_303, %add3A_828], %get3A_844 : memref<64x513xf32, #tpu.memory_space<vmem>>[vector<16xi32>, vector<16xi32>], vector<16xf32>,
        tpu.vector_store_idx %arg7[%add3A_306, %add3A_828], %get3A_851 : memref<64x513xf32, #tpu.memory_space<vmem>>[vector<16xi32>, vector<16xi32>], vector<16xf32>,
        tpu.vector_store_idx %arg7[%add3A_309, %add3A_828], %get3A_858 : memref<64x513xf32, #tpu.memory_space<vmem>>[vector<16xi32>, vector<16xi32>], vector<16xf32>,
        %add3A_859 = arith.constant 1 : i32
        %add3A_860 = vector.broadcast %add3A_859 : i32 to vector<16xi32>
        %add3A_861 = arith.addi %add3A_828, %add3A_860 : vector<16xi32>
        %scan3A_862 = arith.constant 5 : i32
        %scan3A_863 = arith.addi %scan3A_698, %scan3A_862 : i32
        %get3A_864 = arith.constant 0 : i32
        %get3A_865 = arith.constant 0 : i32
        %get3A_866 = tpu.memref_slice %arg6[%scan3A_312, %get3A_864, %get3A_865] : memref<2x512x64xf32, #tpu.memory_space<vmem>> -> memref<1x512x64xf32, #tpu.memory_space<vmem>>
        %get3A_867 = tpu.memref_squeeze %get3A_866 : memref<1x512x64xf32, #tpu.memory_space<vmem>> -> memref<512x64xf32, #tpu.memory_space<vmem>>
        %get3A_868 = arith.index_cast %scan3A_863 : i32 to index
        %get3A_869 = arith.constant 0 : index
        %get3A_870 = tpu.vector_load %get3A_867[%get3A_868, %get3A_869] {strides = array<i32>} : memref<512x64xf32, #tpu.memory_space<vmem>>, vector<16xf32>,
        %get3A_871 = arith.constant 0 : i32
        %get3A_872 = arith.constant 0 : i32
        %get3A_873 = tpu.memref_slice %arg6[%scan3A_312, %get3A_871, %get3A_872] : memref<2x512x64xf32, #tpu.memory_space<vmem>> -> memref<1x512x64xf32, #tpu.memory_space<vmem>>
        %get3A_874 = tpu.memref_squeeze %get3A_873 : memref<1x512x64xf32, #tpu.memory_space<vmem>> -> memref<512x64xf32, #tpu.memory_space<vmem>>
        %get3A_875 = arith.index_cast %scan3A_863 : i32 to index
        %get3A_876 = arith.constant 16 : index
        %get3A_877 = tpu.vector_load %get3A_874[%get3A_875, %get3A_876] {strides = array<i32>} : memref<512x64xf32, #tpu.memory_space<vmem>>, vector<16xf32>,
        %get3A_878 = arith.constant 0 : i32
        %get3A_879 = arith.constant 0 : i32
        %get3A_880 = tpu.memref_slice %arg6[%scan3A_312, %get3A_878, %get3A_879] : memref<2x512x64xf32, #tpu.memory_space<vmem>> -> memref<1x512x64xf32, #tpu.memory_space<vmem>>
        %get3A_881 = tpu.memref_squeeze %get3A_880 : memref<1x512x64xf32, #tpu.memory_space<vmem>> -> memref<512x64xf32, #tpu.memory_space<vmem>>
        %get3A_882 = arith.index_cast %scan3A_863 : i32 to index
        %get3A_883 = arith.constant 32 : index
        %get3A_884 = tpu.vector_load %get3A_881[%get3A_882, %get3A_883] {strides = array<i32>} : memref<512x64xf32, #tpu.memory_space<vmem>>, vector<16xf32>,
        %get3A_885 = arith.constant 0 : i32
        %get3A_886 = arith.constant 0 : i32
        %get3A_887 = tpu.memref_slice %arg6[%scan3A_312, %get3A_885, %get3A_886] : memref<2x512x64xf32, #tpu.memory_space<vmem>> -> memref<1x512x64xf32, #tpu.memory_space<vmem>>
        %get3A_888 = tpu.memref_squeeze %get3A_887 : memref<1x512x64xf32, #tpu.memory_space<vmem>> -> memref<512x64xf32, #tpu.memory_space<vmem>>
        %get3A_889 = arith.index_cast %scan3A_863 : i32 to index
        %get3A_890 = arith.constant 48 : index
        %get3A_891 = tpu.vector_load %get3A_888[%get3A_889, %get3A_890] {strides = array<i32>} : memref<512x64xf32, #tpu.memory_space<vmem>>, vector<16xf32>,
        tpu.vector_store_idx %arg7[%add3A_300, %add3A_861], %get3A_870 : memref<64x513xf32, #tpu.memory_space<vmem>>[vector<16xi32>, vector<16xi32>], vector<16xf32>,
        tpu.vector_store_idx %arg7[%add3A_303, %add3A_861], %get3A_877 : memref<64x513xf32, #tpu.memory_space<vmem>>[vector<16xi32>, vector<16xi32>], vector<16xf32>,
        tpu.vector_store_idx %arg7[%add3A_306, %add3A_861], %get3A_884 : memref<64x513xf32, #tpu.memory_space<vmem>>[vector<16xi32>, vector<16xi32>], vector<16xf32>,
        tpu.vector_store_idx %arg7[%add3A_309, %add3A_861], %get3A_891 : memref<64x513xf32, #tpu.memory_space<vmem>>[vector<16xi32>, vector<16xi32>], vector<16xf32>,
        %add3A_892 = arith.constant 1 : i32
        %add3A_893 = vector.broadcast %add3A_892 : i32 to vector<16xi32>
        %add3A_894 = arith.addi %add3A_861, %add3A_893 : vector<16xi32>
        %scan3A_895 = arith.constant 6 : i32
        %scan3A_896 = arith.addi %scan3A_698, %scan3A_895 : i32
        %get3A_897 = arith.constant 0 : i32
        %get3A_898 = arith.constant 0 : i32
        %get3A_899 = tpu.memref_slice %arg6[%scan3A_312, %get3A_897, %get3A_898] : memref<2x512x64xf32, #tpu.memory_space<vmem>> -> memref<1x512x64xf32, #tpu.memory_space<vmem>>
        %get3A_900 = tpu.memref_squeeze %get3A_899 : memref<1x512x64xf32, #tpu.memory_space<vmem>> -> memref<512x64xf32, #tpu.memory_space<vmem>>
        %get3A_901 = arith.index_cast %scan3A_896 : i32 to index
        %get3A_902 = arith.constant 0 : index
        %get3A_903 = tpu.vector_load %get3A_900[%get3A_901, %get3A_902] {strides = array<i32>} : memref<512x64xf32, #tpu.memory_space<vmem>>, vector<16xf32>,
        %get3A_904 = arith.constant 0 : i32
        %get3A_905 = arith.constant 0 : i32
        %get3A_906 = tpu.memref_slice %arg6[%scan3A_312, %get3A_904, %get3A_905] : memref<2x512x64xf32, #tpu.memory_space<vmem>> -> memref<1x512x64xf32, #tpu.memory_space<vmem>>
        %get3A_907 = tpu.memref_squeeze %get3A_906 : memref<1x512x64xf32, #tpu.memory_space<vmem>> -> memref<512x64xf32, #tpu.memory_space<vmem>>
        %get3A_908 = arith.index_cast %scan3A_896 : i32 to index
        %get3A_909 = arith.constant 16 : index
        %get3A_910 = tpu.vector_load %get3A_907[%get3A_908, %get3A_909] {strides = array<i32>} : memref<512x64xf32, #tpu.memory_space<vmem>>, vector<16xf32>,
        %get3A_911 = arith.constant 0 : i32
        %get3A_912 = arith.constant 0 : i32
        %get3A_913 = tpu.memref_slice %arg6[%scan3A_312, %get3A_911, %get3A_912] : memref<2x512x64xf32, #tpu.memory_space<vmem>> -> memref<1x512x64xf32, #tpu.memory_space<vmem>>
        %get3A_914 = tpu.memref_squeeze %get3A_913 : memref<1x512x64xf32, #tpu.memory_space<vmem>> -> memref<512x64xf32, #tpu.memory_space<vmem>>
        %get3A_915 = arith.index_cast %scan3A_896 : i32 to index
        %get3A_916 = arith.constant 32 : index
        %get3A_917 = tpu.vector_load %get3A_914[%get3A_915, %get3A_916] {strides = array<i32>} : memref<512x64xf32, #tpu.memory_space<vmem>>, vector<16xf32>,
        %get3A_918 = arith.constant 0 : i32
        %get3A_919 = arith.constant 0 : i32
        %get3A_920 = tpu.memref_slice %arg6[%scan3A_312, %get3A_918, %get3A_919] : memref<2x512x64xf32, #tpu.memory_space<vmem>> -> memref<1x512x64xf32, #tpu.memory_space<vmem>>
        %get3A_921 = tpu.memref_squeeze %get3A_920 : memref<1x512x64xf32, #tpu.memory_space<vmem>> -> memref<512x64xf32, #tpu.memory_space<vmem>>
        %get3A_922 = arith.index_cast %scan3A_896 : i32 to index
        %get3A_923 = arith.constant 48 : index
        %get3A_924 = tpu.vector_load %get3A_921[%get3A_922, %get3A_923] {strides = array<i32>} : memref<512x64xf32, #tpu.memory_space<vmem>>, vector<16xf32>,
        tpu.vector_store_idx %arg7[%add3A_300, %add3A_894], %get3A_903 : memref<64x513xf32, #tpu.memory_space<vmem>>[vector<16xi32>, vector<16xi32>], vector<16xf32>,
        tpu.vector_store_idx %arg7[%add3A_303, %add3A_894], %get3A_910 : memref<64x513xf32, #tpu.memory_space<vmem>>[vector<16xi32>, vector<16xi32>], vector<16xf32>,
        tpu.vector_store_idx %arg7[%add3A_306, %add3A_894], %get3A_917 : memref<64x513xf32, #tpu.memory_space<vmem>>[vector<16xi32>, vector<16xi32>], vector<16xf32>,
        tpu.vector_store_idx %arg7[%add3A_309, %add3A_894], %get3A_924 : memref<64x513xf32, #tpu.memory_space<vmem>>[vector<16xi32>, vector<16xi32>], vector<16xf32>,
        %add3A_925 = arith.constant 1 : i32
        %add3A_926 = vector.broadcast %add3A_925 : i32 to vector<16xi32>
        %add3A_927 = arith.addi %add3A_894, %add3A_926 : vector<16xi32>
        %scan3A_928 = arith.constant 7 : i32
        %scan3A_929 = arith.addi %scan3A_698, %scan3A_928 : i32
        %get3A_930 = arith.constant 0 : i32
        %get3A_931 = arith.constant 0 : i32
        %get3A_932 = tpu.memref_slice %arg6[%scan3A_312, %get3A_930, %get3A_931] : memref<2x512x64xf32, #tpu.memory_space<vmem>> -> memref<1x512x64xf32, #tpu.memory_space<vmem>>
        %get3A_933 = tpu.memref_squeeze %get3A_932 : memref<1x512x64xf32, #tpu.memory_space<vmem>> -> memref<512x64xf32, #tpu.memory_space<vmem>>
        %get3A_934 = arith.index_cast %scan3A_929 : i32 to index
        %get3A_935 = arith.constant 0 : index
        %get3A_936 = tpu.vector_load %get3A_933[%get3A_934, %get3A_935] {strides = array<i32>} : memref<512x64xf32, #tpu.memory_space<vmem>>, vector<16xf32>,
        %get3A_937 = arith.constant 0 : i32
        %get3A_938 = arith.constant 0 : i32
        %get3A_939 = tpu.memref_slice %arg6[%scan3A_312, %get3A_937, %get3A_938] : memref<2x512x64xf32, #tpu.memory_space<vmem>> -> memref<1x512x64xf32, #tpu.memory_space<vmem>>
        %get3A_940 = tpu.memref_squeeze %get3A_939 : memref<1x512x64xf32, #tpu.memory_space<vmem>> -> memref<512x64xf32, #tpu.memory_space<vmem>>
        %get3A_941 = arith.index_cast %scan3A_929 : i32 to index
        %get3A_942 = arith.constant 16 : index
        %get3A_943 = tpu.vector_load %get3A_940[%get3A_941, %get3A_942] {strides = array<i32>} : memref<512x64xf32, #tpu.memory_space<vmem>>, vector<16xf32>,
        %get3A_944 = arith.constant 0 : i32
        %get3A_945 = arith.constant 0 : i32
        %get3A_946 = tpu.memref_slice %arg6[%scan3A_312, %get3A_944, %get3A_945] : memref<2x512x64xf32, #tpu.memory_space<vmem>> -> memref<1x512x64xf32, #tpu.memory_space<vmem>>
        %get3A_947 = tpu.memref_squeeze %get3A_946 : memref<1x512x64xf32, #tpu.memory_space<vmem>> -> memref<512x64xf32, #tpu.memory_space<vmem>>
        %get3A_948 = arith.index_cast %scan3A_929 : i32 to index
        %get3A_949 = arith.constant 32 : index
        %get3A_950 = tpu.vector_load %get3A_947[%get3A_948, %get3A_949] {strides = array<i32>} : memref<512x64xf32, #tpu.memory_space<vmem>>, vector<16xf32>,
        %get3A_951 = arith.constant 0 : i32
        %get3A_952 = arith.constant 0 : i32
        %get3A_953 = tpu.memref_slice %arg6[%scan3A_312, %get3A_951, %get3A_952] : memref<2x512x64xf32, #tpu.memory_space<vmem>> -> memref<1x512x64xf32, #tpu.memory_space<vmem>>
        %get3A_954 = tpu.memref_squeeze %get3A_953 : memref<1x512x64xf32, #tpu.memory_space<vmem>> -> memref<512x64xf32, #tpu.memory_space<vmem>>
        %get3A_955 = arith.index_cast %scan3A_929 : i32 to index
        %get3A_956 = arith.constant 48 : index
        %get3A_957 = tpu.vector_load %get3A_954[%get3A_955, %get3A_956] {strides = array<i32>} : memref<512x64xf32, #tpu.memory_space<vmem>>, vector<16xf32>,
        tpu.vector_store_idx %arg7[%add3A_300, %add3A_927], %get3A_936 : memref<64x513xf32, #tpu.memory_space<vmem>>[vector<16xi32>, vector<16xi32>], vector<16xf32>,
        tpu.vector_store_idx %arg7[%add3A_303, %add3A_927], %get3A_943 : memref<64x513xf32, #tpu.memory_space<vmem>>[vector<16xi32>, vector<16xi32>], vector<16xf32>,
        tpu.vector_store_idx %arg7[%add3A_306, %add3A_927], %get3A_950 : memref<64x513xf32, #tpu.memory_space<vmem>>[vector<16xi32>, vector<16xi32>], vector<16xf32>,
        tpu.vector_store_idx %arg7[%add3A_309, %add3A_927], %get3A_957 : memref<64x513xf32, #tpu.memory_space<vmem>>[vector<16xi32>, vector<16xi32>], vector<16xf32>,
        %add3A_958 = arith.constant 1 : i32
        %add3A_959 = vector.broadcast %add3A_958 : i32 to vector<16xi32>
        %add3A_960 = arith.addi %add3A_927, %add3A_959 : vector<16xi32>
        scf.yield %add3A_960 : vector<16xi32>
      }
      %scan3A_318 = arith.constant 128 : i32
      %dma_wait3A_319 = arith.constant 0 : i32
      %dma_wait3A_320 = arith.constant 2 : i32
      %dma_wait3A_321 = arith.constant 0 : i32
      %dma_wait3A_322 = arith.constant 256 : i32
      %dma_wait3A_323 = arith.constant 0 : i32
      %dma_wait3A_324 = tpu.memref_slice %arg6[%dma_wait3A_321, %dma_wait3A_322, %dma_wait3A_323] : memref<2x512x64xf32, #tpu.memory_space<vmem>> -> memref<1x128x64xf32, #tpu.memory_space<vmem>>
      %dma_wait3A_325 = tpu.memref_squeeze %dma_wait3A_324 : memref<1x128x64xf32, #tpu.memory_space<vmem>> -> memref<128x64xf32, #tpu.memory_space<vmem>>
      %dma_wait3A_326 = arith.constant 0 : i32
      %dma_wait3A_327 = tpu.memref_slice %arg5[%dma_wait3A_319, %dma_wait3A_320, %dma_wait3A_326] : memref<2x4x128xi32, #tpu.memory_space<vmem>> -> memref<1x1x128xi32, #tpu.memory_space<vmem>>
      %dma_wait3A_328 = tpu.memref_squeeze %dma_wait3A_327 : memref<1x1x128xi32, #tpu.memory_space<vmem>> -> memref<128xi32, #tpu.memory_space<vmem>>
      %dma_wait3A_329 = arith.constant 0 : i32
      %dma_wait3A_330 = arith.constant 0 : i32
      %dma_wait3A_331 = tpu.memref_slice %arg3[%dma_wait3A_329, %dma_wait3A_330] : memref<1000001x64xf32, #tpu.memory_space<hbm>> -> memref<1000001x64xf32, #tpu.memory_space<hbm>>
      tpu.wait_indirect_dma semaphore(%arg8 : memref<!tpu.dma_semaphore, #tpu.memory_space<semaphore_mem>>) src(%dma_wait3A_331 : memref<1000001x64xf32, #tpu.memory_space<hbm>>) dst(%dma_wait3A_325 : memref<128x64xf32, #tpu.memory_space<vmem>>)
      %iota3A_332 = tpu.iota {dimensions = array<i32: 0>} : vector<16xi32>
      %add3A_333 = arith.constant 0 : i32
      %add3A_334 = vector.broadcast %add3A_333 : i32 to vector<16xi32>
      %add3A_335 = arith.addi %iota3A_332, %add3A_334 : vector<16xi32>
      %add3A_336 = arith.constant 16 : i32
      %add3A_337 = vector.broadcast %add3A_336 : i32 to vector<16xi32>
      %add3A_338 = arith.addi %iota3A_332, %add3A_337 : vector<16xi32>
      %add3A_339 = arith.constant 32 : i32
      %add3A_340 = vector.broadcast %add3A_339 : i32 to vector<16xi32>
      %add3A_341 = arith.addi %iota3A_332, %add3A_340 : vector<16xi32>
      %add3A_342 = arith.constant 48 : i32
      %add3A_343 = vector.broadcast %add3A_342 : i32 to vector<16xi32>
      %add3A_344 = arith.addi %iota3A_332, %add3A_343 : vector<16xi32>
      %broadcast_in_dim3A_345 = arith.constant 256 : i32
      %broadcast_in_dim3A_346 = vector.broadcast %broadcast_in_dim3A_345 : i32 to vector<16xi32>
      %scan3A_347 = arith.constant 0 : i32
      %scan3A_348 = arith.constant 256 : i32
      %scan3A_349 = arith.constant 128 : i32
      %scan3A_350 = arith.addi %scan3A_348, %scan3A_349 : i32
      %scan3A_351 = arith.constant 8 : i32
      %scan3A_352 = scf.for %scan3A_698 = %scan3A_348 to %scan3A_350 step %scan3A_351 iter_args(%scan3A_699 = %broadcast_in_dim3A_346) -> (vector<16xi32>)  : i32 {
        %get3A = arith.constant 0 : i32
        %get3A_700 = arith.constant 0 : i32
        %get3A_701 = tpu.memref_slice %arg6[%scan3A_347, %get3A, %get3A_700] : memref<2x512x64xf32, #tpu.memory_space<vmem>> -> memref<1x512x64xf32, #tpu.memory_space<vmem>>
        %get3A_702 = tpu.memref_squeeze %get3A_701 : memref<1x512x64xf32, #tpu.memory_space<vmem>> -> memref<512x64xf32, #tpu.memory_space<vmem>>
        %get3A_703 = arith.index_cast %scan3A_698 : i32 to index
        %get3A_704 = arith.constant 0 : index
        %get3A_705 = tpu.vector_load %get3A_702[%get3A_703, %get3A_704] {strides = array<i32>} : memref<512x64xf32, #tpu.memory_space<vmem>>, vector<16xf32>,
        %get3A_706 = arith.constant 0 : i32
        %get3A_707 = arith.constant 0 : i32
        %get3A_708 = tpu.memref_slice %arg6[%scan3A_347, %get3A_706, %get3A_707] : memref<2x512x64xf32, #tpu.memory_space<vmem>> -> memref<1x512x64xf32, #tpu.memory_space<vmem>>
        %get3A_709 = tpu.memref_squeeze %get3A_708 : memref<1x512x64xf32, #tpu.memory_space<vmem>> -> memref<512x64xf32, #tpu.memory_space<vmem>>
        %get3A_710 = arith.index_cast %scan3A_698 : i32 to index
        %get3A_711 = arith.constant 16 : index
        %get3A_712 = tpu.vector_load %get3A_709[%get3A_710, %get3A_711] {strides = array<i32>} : memref<512x64xf32, #tpu.memory_space<vmem>>, vector<16xf32>,
        %get3A_713 = arith.constant 0 : i32
        %get3A_714 = arith.constant 0 : i32
        %get3A_715 = tpu.memref_slice %arg6[%scan3A_347, %get3A_713, %get3A_714] : memref<2x512x64xf32, #tpu.memory_space<vmem>> -> memref<1x512x64xf32, #tpu.memory_space<vmem>>
        %get3A_716 = tpu.memref_squeeze %get3A_715 : memref<1x512x64xf32, #tpu.memory_space<vmem>> -> memref<512x64xf32, #tpu.memory_space<vmem>>
        %get3A_717 = arith.index_cast %scan3A_698 : i32 to index
        %get3A_718 = arith.constant 32 : index
        %get3A_719 = tpu.vector_load %get3A_716[%get3A_717, %get3A_718] {strides = array<i32>} : memref<512x64xf32, #tpu.memory_space<vmem>>, vector<16xf32>,
        %get3A_720 = arith.constant 0 : i32
        %get3A_721 = arith.constant 0 : i32
        %get3A_722 = tpu.memref_slice %arg6[%scan3A_347, %get3A_720, %get3A_721] : memref<2x512x64xf32, #tpu.memory_space<vmem>> -> memref<1x512x64xf32, #tpu.memory_space<vmem>>
        %get3A_723 = tpu.memref_squeeze %get3A_722 : memref<1x512x64xf32, #tpu.memory_space<vmem>> -> memref<512x64xf32, #tpu.memory_space<vmem>>
        %get3A_724 = arith.index_cast %scan3A_698 : i32 to index
        %get3A_725 = arith.constant 48 : index
        %get3A_726 = tpu.vector_load %get3A_723[%get3A_724, %get3A_725] {strides = array<i32>} : memref<512x64xf32, #tpu.memory_space<vmem>>, vector<16xf32>,
        tpu.vector_store_idx %arg7[%add3A_335, %scan3A_699], %get3A_705 : memref<64x513xf32, #tpu.memory_space<vmem>>[vector<16xi32>, vector<16xi32>], vector<16xf32>,
        tpu.vector_store_idx %arg7[%add3A_338, %scan3A_699], %get3A_712 : memref<64x513xf32, #tpu.memory_space<vmem>>[vector<16xi32>, vector<16xi32>], vector<16xf32>,
        tpu.vector_store_idx %arg7[%add3A_341, %scan3A_699], %get3A_719 : memref<64x513xf32, #tpu.memory_space<vmem>>[vector<16xi32>, vector<16xi32>], vector<16xf32>,
        tpu.vector_store_idx %arg7[%add3A_344, %scan3A_699], %get3A_726 : memref<64x513xf32, #tpu.memory_space<vmem>>[vector<16xi32>, vector<16xi32>], vector<16xf32>,
        %add3A_727 = arith.constant 1 : i32
        %add3A_728 = vector.broadcast %add3A_727 : i32 to vector<16xi32>
        %add3A_729 = arith.addi %scan3A_699, %add3A_728 : vector<16xi32>
        %scan3A_730 = arith.constant 1 : i32
        %scan3A_731 = arith.addi %scan3A_698, %scan3A_730 : i32
        %get3A_732 = arith.constant 0 : i32
        %get3A_733 = arith.constant 0 : i32
        %get3A_734 = tpu.memref_slice %arg6[%scan3A_347, %get3A_732, %get3A_733] : memref<2x512x64xf32, #tpu.memory_space<vmem>> -> memref<1x512x64xf32, #tpu.memory_space<vmem>>
        %get3A_735 = tpu.memref_squeeze %get3A_734 : memref<1x512x64xf32, #tpu.memory_space<vmem>> -> memref<512x64xf32, #tpu.memory_space<vmem>>
        %get3A_736 = arith.index_cast %scan3A_731 : i32 to index
        %get3A_737 = arith.constant 0 : index
        %get3A_738 = tpu.vector_load %get3A_735[%get3A_736, %get3A_737] {strides = array<i32>} : memref<512x64xf32, #tpu.memory_space<vmem>>, vector<16xf32>,
        %get3A_739 = arith.constant 0 : i32
        %get3A_740 = arith.constant 0 : i32
        %get3A_741 = tpu.memref_slice %arg6[%scan3A_347, %get3A_739, %get3A_740] : memref<2x512x64xf32, #tpu.memory_space<vmem>> -> memref<1x512x64xf32, #tpu.memory_space<vmem>>
        %get3A_742 = tpu.memref_squeeze %get3A_741 : memref<1x512x64xf32, #tpu.memory_space<vmem>> -> memref<512x64xf32, #tpu.memory_space<vmem>>
        %get3A_743 = arith.index_cast %scan3A_731 : i32 to index
        %get3A_744 = arith.constant 16 : index
        %get3A_745 = tpu.vector_load %get3A_742[%get3A_743, %get3A_744] {strides = array<i32>} : memref<512x64xf32, #tpu.memory_space<vmem>>, vector<16xf32>,
        %get3A_746 = arith.constant 0 : i32
        %get3A_747 = arith.constant 0 : i32
        %get3A_748 = tpu.memref_slice %arg6[%scan3A_347, %get3A_746, %get3A_747] : memref<2x512x64xf32, #tpu.memory_space<vmem>> -> memref<1x512x64xf32, #tpu.memory_space<vmem>>
        %get3A_749 = tpu.memref_squeeze %get3A_748 : memref<1x512x64xf32, #tpu.memory_space<vmem>> -> memref<512x64xf32, #tpu.memory_space<vmem>>
        %get3A_750 = arith.index_cast %scan3A_731 : i32 to index
        %get3A_751 = arith.constant 32 : index
        %get3A_752 = tpu.vector_load %get3A_749[%get3A_750, %get3A_751] {strides = array<i32>} : memref<512x64xf32, #tpu.memory_space<vmem>>, vector<16xf32>,
        %get3A_753 = arith.constant 0 : i32
        %get3A_754 = arith.constant 0 : i32
        %get3A_755 = tpu.memref_slice %arg6[%scan3A_347, %get3A_753, %get3A_754] : memref<2x512x64xf32, #tpu.memory_space<vmem>> -> memref<1x512x64xf32, #tpu.memory_space<vmem>>
        %get3A_756 = tpu.memref_squeeze %get3A_755 : memref<1x512x64xf32, #tpu.memory_space<vmem>> -> memref<512x64xf32, #tpu.memory_space<vmem>>
        %get3A_757 = arith.index_cast %scan3A_731 : i32 to index
        %get3A_758 = arith.constant 48 : index
        %get3A_759 = tpu.vector_load %get3A_756[%get3A_757, %get3A_758] {strides = array<i32>} : memref<512x64xf32, #tpu.memory_space<vmem>>, vector<16xf32>,
        tpu.vector_store_idx %arg7[%add3A_335, %add3A_729], %get3A_738 : memref<64x513xf32, #tpu.memory_space<vmem>>[vector<16xi32>, vector<16xi32>], vector<16xf32>,
        tpu.vector_store_idx %arg7[%add3A_338, %add3A_729], %get3A_745 : memref<64x513xf32, #tpu.memory_space<vmem>>[vector<16xi32>, vector<16xi32>], vector<16xf32>,
        tpu.vector_store_idx %arg7[%add3A_341, %add3A_729], %get3A_752 : memref<64x513xf32, #tpu.memory_space<vmem>>[vector<16xi32>, vector<16xi32>], vector<16xf32>,
        tpu.vector_store_idx %arg7[%add3A_344, %add3A_729], %get3A_759 : memref<64x513xf32, #tpu.memory_space<vmem>>[vector<16xi32>, vector<16xi32>], vector<16xf32>,
        %add3A_760 = arith.constant 1 : i32
        %add3A_761 = vector.broadcast %add3A_760 : i32 to vector<16xi32>
        %add3A_762 = arith.addi %add3A_729, %add3A_761 : vector<16xi32>
        %scan3A_763 = arith.constant 2 : i32
        %scan3A_764 = arith.addi %scan3A_698, %scan3A_763 : i32
        %get3A_765 = arith.constant 0 : i32
        %get3A_766 = arith.constant 0 : i32
        %get3A_767 = tpu.memref_slice %arg6[%scan3A_347, %get3A_765, %get3A_766] : memref<2x512x64xf32, #tpu.memory_space<vmem>> -> memref<1x512x64xf32, #tpu.memory_space<vmem>>
        %get3A_768 = tpu.memref_squeeze %get3A_767 : memref<1x512x64xf32, #tpu.memory_space<vmem>> -> memref<512x64xf32, #tpu.memory_space<vmem>>
        %get3A_769 = arith.index_cast %scan3A_764 : i32 to index
        %get3A_770 = arith.constant 0 : index
        %get3A_771 = tpu.vector_load %get3A_768[%get3A_769, %get3A_770] {strides = array<i32>} : memref<512x64xf32, #tpu.memory_space<vmem>>, vector<16xf32>,
        %get3A_772 = arith.constant 0 : i32
        %get3A_773 = arith.constant 0 : i32
        %get3A_774 = tpu.memref_slice %arg6[%scan3A_347, %get3A_772, %get3A_773] : memref<2x512x64xf32, #tpu.memory_space<vmem>> -> memref<1x512x64xf32, #tpu.memory_space<vmem>>
        %get3A_775 = tpu.memref_squeeze %get3A_774 : memref<1x512x64xf32, #tpu.memory_space<vmem>> -> memref<512x64xf32, #tpu.memory_space<vmem>>
        %get3A_776 = arith.index_cast %scan3A_764 : i32 to index
        %get3A_777 = arith.constant 16 : index
        %get3A_778 = tpu.vector_load %get3A_775[%get3A_776, %get3A_777] {strides = array<i32>} : memref<512x64xf32, #tpu.memory_space<vmem>>, vector<16xf32>,
        %get3A_779 = arith.constant 0 : i32
        %get3A_780 = arith.constant 0 : i32
        %get3A_781 = tpu.memref_slice %arg6[%scan3A_347, %get3A_779, %get3A_780] : memref<2x512x64xf32, #tpu.memory_space<vmem>> -> memref<1x512x64xf32, #tpu.memory_space<vmem>>
        %get3A_782 = tpu.memref_squeeze %get3A_781 : memref<1x512x64xf32, #tpu.memory_space<vmem>> -> memref<512x64xf32, #tpu.memory_space<vmem>>
        %get3A_783 = arith.index_cast %scan3A_764 : i32 to index
        %get3A_784 = arith.constant 32 : index
        %get3A_785 = tpu.vector_load %get3A_782[%get3A_783, %get3A_784] {strides = array<i32>} : memref<512x64xf32, #tpu.memory_space<vmem>>, vector<16xf32>,
        %get3A_786 = arith.constant 0 : i32
        %get3A_787 = arith.constant 0 : i32
        %get3A_788 = tpu.memref_slice %arg6[%scan3A_347, %get3A_786, %get3A_787] : memref<2x512x64xf32, #tpu.memory_space<vmem>> -> memref<1x512x64xf32, #tpu.memory_space<vmem>>
        %get3A_789 = tpu.memref_squeeze %get3A_788 : memref<1x512x64xf32, #tpu.memory_space<vmem>> -> memref<512x64xf32, #tpu.memory_space<vmem>>
        %get3A_790 = arith.index_cast %scan3A_764 : i32 to index
        %get3A_791 = arith.constant 48 : index
        %get3A_792 = tpu.vector_load %get3A_789[%get3A_790, %get3A_791] {strides = array<i32>} : memref<512x64xf32, #tpu.memory_space<vmem>>, vector<16xf32>,
        tpu.vector_store_idx %arg7[%add3A_335, %add3A_762], %get3A_771 : memref<64x513xf32, #tpu.memory_space<vmem>>[vector<16xi32>, vector<16xi32>], vector<16xf32>,
        tpu.vector_store_idx %arg7[%add3A_338, %add3A_762], %get3A_778 : memref<64x513xf32, #tpu.memory_space<vmem>>[vector<16xi32>, vector<16xi32>], vector<16xf32>,
        tpu.vector_store_idx %arg7[%add3A_341, %add3A_762], %get3A_785 : memref<64x513xf32, #tpu.memory_space<vmem>>[vector<16xi32>, vector<16xi32>], vector<16xf32>,
        tpu.vector_store_idx %arg7[%add3A_344, %add3A_762], %get3A_792 : memref<64x513xf32, #tpu.memory_space<vmem>>[vector<16xi32>, vector<16xi32>], vector<16xf32>,
        %add3A_793 = arith.constant 1 : i32
        %add3A_794 = vector.broadcast %add3A_793 : i32 to vector<16xi32>
        %add3A_795 = arith.addi %add3A_762, %add3A_794 : vector<16xi32>
        %scan3A_796 = arith.constant 3 : i32
        %scan3A_797 = arith.addi %scan3A_698, %scan3A_796 : i32
        %get3A_798 = arith.constant 0 : i32
        %get3A_799 = arith.constant 0 : i32
        %get3A_800 = tpu.memref_slice %arg6[%scan3A_347, %get3A_798, %get3A_799] : memref<2x512x64xf32, #tpu.memory_space<vmem>> -> memref<1x512x64xf32, #tpu.memory_space<vmem>>
        %get3A_801 = tpu.memref_squeeze %get3A_800 : memref<1x512x64xf32, #tpu.memory_space<vmem>> -> memref<512x64xf32, #tpu.memory_space<vmem>>
        %get3A_802 = arith.index_cast %scan3A_797 : i32 to index
        %get3A_803 = arith.constant 0 : index
        %get3A_804 = tpu.vector_load %get3A_801[%get3A_802, %get3A_803] {strides = array<i32>} : memref<512x64xf32, #tpu.memory_space<vmem>>, vector<16xf32>,
        %get3A_805 = arith.constant 0 : i32
        %get3A_806 = arith.constant 0 : i32
        %get3A_807 = tpu.memref_slice %arg6[%scan3A_347, %get3A_805, %get3A_806] : memref<2x512x64xf32, #tpu.memory_space<vmem>> -> memref<1x512x64xf32, #tpu.memory_space<vmem>>
        %get3A_808 = tpu.memref_squeeze %get3A_807 : memref<1x512x64xf32, #tpu.memory_space<vmem>> -> memref<512x64xf32, #tpu.memory_space<vmem>>
        %get3A_809 = arith.index_cast %scan3A_797 : i32 to index
        %get3A_810 = arith.constant 16 : index
        %get3A_811 = tpu.vector_load %get3A_808[%get3A_809, %get3A_810] {strides = array<i32>} : memref<512x64xf32, #tpu.memory_space<vmem>>, vector<16xf32>,
        %get3A_812 = arith.constant 0 : i32
        %get3A_813 = arith.constant 0 : i32
        %get3A_814 = tpu.memref_slice %arg6[%scan3A_347, %get3A_812, %get3A_813] : memref<2x512x64xf32, #tpu.memory_space<vmem>> -> memref<1x512x64xf32, #tpu.memory_space<vmem>>
        %get3A_815 = tpu.memref_squeeze %get3A_814 : memref<1x512x64xf32, #tpu.memory_space<vmem>> -> memref<512x64xf32, #tpu.memory_space<vmem>>
        %get3A_816 = arith.index_cast %scan3A_797 : i32 to index
        %get3A_817 = arith.constant 32 : index
        %get3A_818 = tpu.vector_load %get3A_815[%get3A_816, %get3A_817] {strides = array<i32>} : memref<512x64xf32, #tpu.memory_space<vmem>>, vector<16xf32>,
        %get3A_819 = arith.constant 0 : i32
        %get3A_820 = arith.constant 0 : i32
        %get3A_821 = tpu.memref_slice %arg6[%scan3A_347, %get3A_819, %get3A_820] : memref<2x512x64xf32, #tpu.memory_space<vmem>> -> memref<1x512x64xf32, #tpu.memory_space<vmem>>
        %get3A_822 = tpu.memref_squeeze %get3A_821 : memref<1x512x64xf32, #tpu.memory_space<vmem>> -> memref<512x64xf32, #tpu.memory_space<vmem>>
        %get3A_823 = arith.index_cast %scan3A_797 : i32 to index
        %get3A_824 = arith.constant 48 : index
        %get3A_825 = tpu.vector_load %get3A_822[%get3A_823, %get3A_824] {strides = array<i32>} : memref<512x64xf32, #tpu.memory_space<vmem>>, vector<16xf32>,
        tpu.vector_store_idx %arg7[%add3A_335, %add3A_795], %get3A_804 : memref<64x513xf32, #tpu.memory_space<vmem>>[vector<16xi32>, vector<16xi32>], vector<16xf32>,
        tpu.vector_store_idx %arg7[%add3A_338, %add3A_795], %get3A_811 : memref<64x513xf32, #tpu.memory_space<vmem>>[vector<16xi32>, vector<16xi32>], vector<16xf32>,
        tpu.vector_store_idx %arg7[%add3A_341, %add3A_795], %get3A_818 : memref<64x513xf32, #tpu.memory_space<vmem>>[vector<16xi32>, vector<16xi32>], vector<16xf32>,
        tpu.vector_store_idx %arg7[%add3A_344, %add3A_795], %get3A_825 : memref<64x513xf32, #tpu.memory_space<vmem>>[vector<16xi32>, vector<16xi32>], vector<16xf32>,
        %add3A_826 = arith.constant 1 : i32
        %add3A_827 = vector.broadcast %add3A_826 : i32 to vector<16xi32>
        %add3A_828 = arith.addi %add3A_795, %add3A_827 : vector<16xi32>
        %scan3A_829 = arith.constant 4 : i32
        %scan3A_830 = arith.addi %scan3A_698, %scan3A_829 : i32
        %get3A_831 = arith.constant 0 : i32
        %get3A_832 = arith.constant 0 : i32
        %get3A_833 = tpu.memref_slice %arg6[%scan3A_347, %get3A_831, %get3A_832] : memref<2x512x64xf32, #tpu.memory_space<vmem>> -> memref<1x512x64xf32, #tpu.memory_space<vmem>>
        %get3A_834 = tpu.memref_squeeze %get3A_833 : memref<1x512x64xf32, #tpu.memory_space<vmem>> -> memref<512x64xf32, #tpu.memory_space<vmem>>
        %get3A_835 = arith.index_cast %scan3A_830 : i32 to index
        %get3A_836 = arith.constant 0 : index
        %get3A_837 = tpu.vector_load %get3A_834[%get3A_835, %get3A_836] {strides = array<i32>} : memref<512x64xf32, #tpu.memory_space<vmem>>, vector<16xf32>,
        %get3A_838 = arith.constant 0 : i32
        %get3A_839 = arith.constant 0 : i32
        %get3A_840 = tpu.memref_slice %arg6[%scan3A_347, %get3A_838, %get3A_839] : memref<2x512x64xf32, #tpu.memory_space<vmem>> -> memref<1x512x64xf32, #tpu.memory_space<vmem>>
        %get3A_841 = tpu.memref_squeeze %get3A_840 : memref<1x512x64xf32, #tpu.memory_space<vmem>> -> memref<512x64xf32, #tpu.memory_space<vmem>>
        %get3A_842 = arith.index_cast %scan3A_830 : i32 to index
        %get3A_843 = arith.constant 16 : index
        %get3A_844 = tpu.vector_load %get3A_841[%get3A_842, %get3A_843] {strides = array<i32>} : memref<512x64xf32, #tpu.memory_space<vmem>>, vector<16xf32>,
        %get3A_845 = arith.constant 0 : i32
        %get3A_846 = arith.constant 0 : i32
        %get3A_847 = tpu.memref_slice %arg6[%scan3A_347, %get3A_845, %get3A_846] : memref<2x512x64xf32, #tpu.memory_space<vmem>> -> memref<1x512x64xf32, #tpu.memory_space<vmem>>
        %get3A_848 = tpu.memref_squeeze %get3A_847 : memref<1x512x64xf32, #tpu.memory_space<vmem>> -> memref<512x64xf32, #tpu.memory_space<vmem>>
        %get3A_849 = arith.index_cast %scan3A_830 : i32 to index
        %get3A_850 = arith.constant 32 : index
        %get3A_851 = tpu.vector_load %get3A_848[%get3A_849, %get3A_850] {strides = array<i32>} : memref<512x64xf32, #tpu.memory_space<vmem>>, vector<16xf32>,
        %get3A_852 = arith.constant 0 : i32
        %get3A_853 = arith.constant 0 : i32
        %get3A_854 = tpu.memref_slice %arg6[%scan3A_347, %get3A_852, %get3A_853] : memref<2x512x64xf32, #tpu.memory_space<vmem>> -> memref<1x512x64xf32, #tpu.memory_space<vmem>>
        %get3A_855 = tpu.memref_squeeze %get3A_854 : memref<1x512x64xf32, #tpu.memory_space<vmem>> -> memref<512x64xf32, #tpu.memory_space<vmem>>
        %get3A_856 = arith.index_cast %scan3A_830 : i32 to index
        %get3A_857 = arith.constant 48 : index
        %get3A_858 = tpu.vector_load %get3A_855[%get3A_856, %get3A_857] {strides = array<i32>} : memref<512x64xf32, #tpu.memory_space<vmem>>, vector<16xf32>,
        tpu.vector_store_idx %arg7[%add3A_335, %add3A_828], %get3A_837 : memref<64x513xf32, #tpu.memory_space<vmem>>[vector<16xi32>, vector<16xi32>], vector<16xf32>,
        tpu.vector_store_idx %arg7[%add3A_338, %add3A_828], %get3A_844 : memref<64x513xf32, #tpu.memory_space<vmem>>[vector<16xi32>, vector<16xi32>], vector<16xf32>,
        tpu.vector_store_idx %arg7[%add3A_341, %add3A_828], %get3A_851 : memref<64x513xf32, #tpu.memory_space<vmem>>[vector<16xi32>, vector<16xi32>], vector<16xf32>,
        tpu.vector_store_idx %arg7[%add3A_344, %add3A_828], %get3A_858 : memref<64x513xf32, #tpu.memory_space<vmem>>[vector<16xi32>, vector<16xi32>], vector<16xf32>,
        %add3A_859 = arith.constant 1 : i32
        %add3A_860 = vector.broadcast %add3A_859 : i32 to vector<16xi32>
        %add3A_861 = arith.addi %add3A_828, %add3A_860 : vector<16xi32>
        %scan3A_862 = arith.constant 5 : i32
        %scan3A_863 = arith.addi %scan3A_698, %scan3A_862 : i32
        %get3A_864 = arith.constant 0 : i32
        %get3A_865 = arith.constant 0 : i32
        %get3A_866 = tpu.memref_slice %arg6[%scan3A_347, %get3A_864, %get3A_865] : memref<2x512x64xf32, #tpu.memory_space<vmem>> -> memref<1x512x64xf32, #tpu.memory_space<vmem>>
        %get3A_867 = tpu.memref_squeeze %get3A_866 : memref<1x512x64xf32, #tpu.memory_space<vmem>> -> memref<512x64xf32, #tpu.memory_space<vmem>>
        %get3A_868 = arith.index_cast %scan3A_863 : i32 to index
        %get3A_869 = arith.constant 0 : index
        %get3A_870 = tpu.vector_load %get3A_867[%get3A_868, %get3A_869] {strides = array<i32>} : memref<512x64xf32, #tpu.memory_space<vmem>>, vector<16xf32>,
        %get3A_871 = arith.constant 0 : i32
        %get3A_872 = arith.constant 0 : i32
        %get3A_873 = tpu.memref_slice %arg6[%scan3A_347, %get3A_871, %get3A_872] : memref<2x512x64xf32, #tpu.memory_space<vmem>> -> memref<1x512x64xf32, #tpu.memory_space<vmem>>
        %get3A_874 = tpu.memref_squeeze %get3A_873 : memref<1x512x64xf32, #tpu.memory_space<vmem>> -> memref<512x64xf32, #tpu.memory_space<vmem>>
        %get3A_875 = arith.index_cast %scan3A_863 : i32 to index
        %get3A_876 = arith.constant 16 : index
        %get3A_877 = tpu.vector_load %get3A_874[%get3A_875, %get3A_876] {strides = array<i32>} : memref<512x64xf32, #tpu.memory_space<vmem>>, vector<16xf32>,
        %get3A_878 = arith.constant 0 : i32
        %get3A_879 = arith.constant 0 : i32
        %get3A_880 = tpu.memref_slice %arg6[%scan3A_347, %get3A_878, %get3A_879] : memref<2x512x64xf32, #tpu.memory_space<vmem>> -> memref<1x512x64xf32, #tpu.memory_space<vmem>>
        %get3A_881 = tpu.memref_squeeze %get3A_880 : memref<1x512x64xf32, #tpu.memory_space<vmem>> -> memref<512x64xf32, #tpu.memory_space<vmem>>
        %get3A_882 = arith.index_cast %scan3A_863 : i32 to index
        %get3A_883 = arith.constant 32 : index
        %get3A_884 = tpu.vector_load %get3A_881[%get3A_882, %get3A_883] {strides = array<i32>} : memref<512x64xf32, #tpu.memory_space<vmem>>, vector<16xf32>,
        %get3A_885 = arith.constant 0 : i32
        %get3A_886 = arith.constant 0 : i32
        %get3A_887 = tpu.memref_slice %arg6[%scan3A_347, %get3A_885, %get3A_886] : memref<2x512x64xf32, #tpu.memory_space<vmem>> -> memref<1x512x64xf32, #tpu.memory_space<vmem>>
        %get3A_888 = tpu.memref_squeeze %get3A_887 : memref<1x512x64xf32, #tpu.memory_space<vmem>> -> memref<512x64xf32, #tpu.memory_space<vmem>>
        %get3A_889 = arith.index_cast %scan3A_863 : i32 to index
        %get3A_890 = arith.constant 48 : index
        %get3A_891 = tpu.vector_load %get3A_888[%get3A_889, %get3A_890] {strides = array<i32>} : memref<512x64xf32, #tpu.memory_space<vmem>>, vector<16xf32>,
        tpu.vector_store_idx %arg7[%add3A_335, %add3A_861], %get3A_870 : memref<64x513xf32, #tpu.memory_space<vmem>>[vector<16xi32>, vector<16xi32>], vector<16xf32>,
        tpu.vector_store_idx %arg7[%add3A_338, %add3A_861], %get3A_877 : memref<64x513xf32, #tpu.memory_space<vmem>>[vector<16xi32>, vector<16xi32>], vector<16xf32>,
        tpu.vector_store_idx %arg7[%add3A_341, %add3A_861], %get3A_884 : memref<64x513xf32, #tpu.memory_space<vmem>>[vector<16xi32>, vector<16xi32>], vector<16xf32>,
        tpu.vector_store_idx %arg7[%add3A_344, %add3A_861], %get3A_891 : memref<64x513xf32, #tpu.memory_space<vmem>>[vector<16xi32>, vector<16xi32>], vector<16xf32>,
        %add3A_892 = arith.constant 1 : i32
        %add3A_893 = vector.broadcast %add3A_892 : i32 to vector<16xi32>
        %add3A_894 = arith.addi %add3A_861, %add3A_893 : vector<16xi32>
        %scan3A_895 = arith.constant 6 : i32
        %scan3A_896 = arith.addi %scan3A_698, %scan3A_895 : i32
        %get3A_897 = arith.constant 0 : i32
        %get3A_898 = arith.constant 0 : i32
        %get3A_899 = tpu.memref_slice %arg6[%scan3A_347, %get3A_897, %get3A_898] : memref<2x512x64xf32, #tpu.memory_space<vmem>> -> memref<1x512x64xf32, #tpu.memory_space<vmem>>
        %get3A_900 = tpu.memref_squeeze %get3A_899 : memref<1x512x64xf32, #tpu.memory_space<vmem>> -> memref<512x64xf32, #tpu.memory_space<vmem>>
        %get3A_901 = arith.index_cast %scan3A_896 : i32 to index
        %get3A_902 = arith.constant 0 : index
        %get3A_903 = tpu.vector_load %get3A_900[%get3A_901, %get3A_902] {strides = array<i32>} : memref<512x64xf32, #tpu.memory_space<vmem>>, vector<16xf32>,
        %get3A_904 = arith.constant 0 : i32
        %get3A_905 = arith.constant 0 : i32
        %get3A_906 = tpu.memref_slice %arg6[%scan3A_347, %get3A_904, %get3A_905] : memref<2x512x64xf32, #tpu.memory_space<vmem>> -> memref<1x512x64xf32, #tpu.memory_space<vmem>>
        %get3A_907 = tpu.memref_squeeze %get3A_906 : memref<1x512x64xf32, #tpu.memory_space<vmem>> -> memref<512x64xf32, #tpu.memory_space<vmem>>
        %get3A_908 = arith.index_cast %scan3A_896 : i32 to index
        %get3A_909 = arith.constant 16 : index
        %get3A_910 = tpu.vector_load %get3A_907[%get3A_908, %get3A_909] {strides = array<i32>} : memref<512x64xf32, #tpu.memory_space<vmem>>, vector<16xf32>,
        %get3A_911 = arith.constant 0 : i32
        %get3A_912 = arith.constant 0 : i32
        %get3A_913 = tpu.memref_slice %arg6[%scan3A_347, %get3A_911, %get3A_912] : memref<2x512x64xf32, #tpu.memory_space<vmem>> -> memref<1x512x64xf32, #tpu.memory_space<vmem>>
        %get3A_914 = tpu.memref_squeeze %get3A_913 : memref<1x512x64xf32, #tpu.memory_space<vmem>> -> memref<512x64xf32, #tpu.memory_space<vmem>>
        %get3A_915 = arith.index_cast %scan3A_896 : i32 to index
        %get3A_916 = arith.constant 32 : index
        %get3A_917 = tpu.vector_load %get3A_914[%get3A_915, %get3A_916] {strides = array<i32>} : memref<512x64xf32, #tpu.memory_space<vmem>>, vector<16xf32>,
        %get3A_918 = arith.constant 0 : i32
        %get3A_919 = arith.constant 0 : i32
        %get3A_920 = tpu.memref_slice %arg6[%scan3A_347, %get3A_918, %get3A_919] : memref<2x512x64xf32, #tpu.memory_space<vmem>> -> memref<1x512x64xf32, #tpu.memory_space<vmem>>
        %get3A_921 = tpu.memref_squeeze %get3A_920 : memref<1x512x64xf32, #tpu.memory_space<vmem>> -> memref<512x64xf32, #tpu.memory_space<vmem>>
        %get3A_922 = arith.index_cast %scan3A_896 : i32 to index
        %get3A_923 = arith.constant 48 : index
        %get3A_924 = tpu.vector_load %get3A_921[%get3A_922, %get3A_923] {strides = array<i32>} : memref<512x64xf32, #tpu.memory_space<vmem>>, vector<16xf32>,
        tpu.vector_store_idx %arg7[%add3A_335, %add3A_894], %get3A_903 : memref<64x513xf32, #tpu.memory_space<vmem>>[vector<16xi32>, vector<16xi32>], vector<16xf32>,
        tpu.vector_store_idx %arg7[%add3A_338, %add3A_894], %get3A_910 : memref<64x513xf32, #tpu.memory_space<vmem>>[vector<16xi32>, vector<16xi32>], vector<16xf32>,
        tpu.vector_store_idx %arg7[%add3A_341, %add3A_894], %get3A_917 : memref<64x513xf32, #tpu.memory_space<vmem>>[vector<16xi32>, vector<16xi32>], vector<16xf32>,
        tpu.vector_store_idx %arg7[%add3A_344, %add3A_894], %get3A_924 : memref<64x513xf32, #tpu.memory_space<vmem>>[vector<16xi32>, vector<16xi32>], vector<16xf32>,
        %add3A_925 = arith.constant 1 : i32
        %add3A_926 = vector.broadcast %add3A_925 : i32 to vector<16xi32>
        %add3A_927 = arith.addi %add3A_894, %add3A_926 : vector<16xi32>
        %scan3A_928 = arith.constant 7 : i32
        %scan3A_929 = arith.addi %scan3A_698, %scan3A_928 : i32
        %get3A_930 = arith.constant 0 : i32
        %get3A_931 = arith.constant 0 : i32
        %get3A_932 = tpu.memref_slice %arg6[%scan3A_347, %get3A_930, %get3A_931] : memref<2x512x64xf32, #tpu.memory_space<vmem>> -> memref<1x512x64xf32, #tpu.memory_space<vmem>>
        %get3A_933 = tpu.memref_squeeze %get3A_932 : memref<1x512x64xf32, #tpu.memory_space<vmem>> -> memref<512x64xf32, #tpu.memory_space<vmem>>
        %get3A_934 = arith.index_cast %scan3A_929 : i32 to index
        %get3A_935 = arith.constant 0 : index
        %get3A_936 = tpu.vector_load %get3A_933[%get3A_934, %get3A_935] {strides = array<i32>} : memref<512x64xf32, #tpu.memory_space<vmem>>, vector<16xf32>,
        %get3A_937 = arith.constant 0 : i32
        %get3A_938 = arith.constant 0 : i32
        %get3A_939 = tpu.memref_slice %arg6[%scan3A_347, %get3A_937, %get3A_938] : memref<2x512x64xf32, #tpu.memory_space<vmem>> -> memref<1x512x64xf32, #tpu.memory_space<vmem>>
        %get3A_940 = tpu.memref_squeeze %get3A_939 : memref<1x512x64xf32, #tpu.memory_space<vmem>> -> memref<512x64xf32, #tpu.memory_space<vmem>>
        %get3A_941 = arith.index_cast %scan3A_929 : i32 to index
        %get3A_942 = arith.constant 16 : index
        %get3A_943 = tpu.vector_load %get3A_940[%get3A_941, %get3A_942] {strides = array<i32>} : memref<512x64xf32, #tpu.memory_space<vmem>>, vector<16xf32>,
        %get3A_944 = arith.constant 0 : i32
        %get3A_945 = arith.constant 0 : i32
        %get3A_946 = tpu.memref_slice %arg6[%scan3A_347, %get3A_944, %get3A_945] : memref<2x512x64xf32, #tpu.memory_space<vmem>> -> memref<1x512x64xf32, #tpu.memory_space<vmem>>
        %get3A_947 = tpu.memref_squeeze %get3A_946 : memref<1x512x64xf32, #tpu.memory_space<vmem>> -> memref<512x64xf32, #tpu.memory_space<vmem>>
        %get3A_948 = arith.index_cast %scan3A_929 : i32 to index
        %get3A_949 = arith.constant 32 : index
        %get3A_950 = tpu.vector_load %get3A_947[%get3A_948, %get3A_949] {strides = array<i32>} : memref<512x64xf32, #tpu.memory_space<vmem>>, vector<16xf32>,
        %get3A_951 = arith.constant 0 : i32
        %get3A_952 = arith.constant 0 : i32
        %get3A_953 = tpu.memref_slice %arg6[%scan3A_347, %get3A_951, %get3A_952] : memref<2x512x64xf32, #tpu.memory_space<vmem>> -> memref<1x512x64xf32, #tpu.memory_space<vmem>>
        %get3A_954 = tpu.memref_squeeze %get3A_953 : memref<1x512x64xf32, #tpu.memory_space<vmem>> -> memref<512x64xf32, #tpu.memory_space<vmem>>
        %get3A_955 = arith.index_cast %scan3A_929 : i32 to index
        %get3A_956 = arith.constant 48 : index
        %get3A_957 = tpu.vector_load %get3A_954[%get3A_955, %get3A_956] {strides = array<i32>} : memref<512x64xf32, #tpu.memory_space<vmem>>, vector<16xf32>,
        tpu.vector_store_idx %arg7[%add3A_335, %add3A_927], %get3A_936 : memref<64x513xf32, #tpu.memory_space<vmem>>[vector<16xi32>, vector<16xi32>], vector<16xf32>,
        tpu.vector_store_idx %arg7[%add3A_338, %add3A_927], %get3A_943 : memref<64x513xf32, #tpu.memory_space<vmem>>[vector<16xi32>, vector<16xi32>], vector<16xf32>,
        tpu.vector_store_idx %arg7[%add3A_341, %add3A_927], %get3A_950 : memref<64x513xf32, #tpu.memory_space<vmem>>[vector<16xi32>, vector<16xi32>], vector<16xf32>,
        tpu.vector_store_idx %arg7[%add3A_344, %add3A_927], %get3A_957 : memref<64x513xf32, #tpu.memory_space<vmem>>[vector<16xi32>, vector<16xi32>], vector<16xf32>,
        %add3A_958 = arith.constant 1 : i32
        %add3A_959 = vector.broadcast %add3A_958 : i32 to vector<16xi32>
        %add3A_960 = arith.addi %add3A_927, %add3A_959 : vector<16xi32>
        scf.yield %add3A_960 : vector<16xi32>
      }
      %scan3A_353 = arith.constant 128 : i32
      %dma_wait3A_354 = arith.constant 0 : i32
      %dma_wait3A_355 = arith.constant 3 : i32
      %dma_wait3A_356 = arith.constant 0 : i32
      %dma_wait3A_357 = arith.constant 384 : i32
      %dma_wait3A_358 = arith.constant 0 : i32
      %dma_wait3A_359 = tpu.memref_slice %arg6[%dma_wait3A_356, %dma_wait3A_357, %dma_wait3A_358] : memref<2x512x64xf32, #tpu.memory_space<vmem>> -> memref<1x128x64xf32, #tpu.memory_space<vmem>>
      %dma_wait3A_360 = tpu.memref_squeeze %dma_wait3A_359 : memref<1x128x64xf32, #tpu.memory_space<vmem>> -> memref<128x64xf32, #tpu.memory_space<vmem>>
      %dma_wait3A_361 = arith.constant 0 : i32
      %dma_wait3A_362 = tpu.memref_slice %arg5[%dma_wait3A_354, %dma_wait3A_355, %dma_wait3A_361] : memref<2x4x128xi32, #tpu.memory_space<vmem>> -> memref<1x1x128xi32, #tpu.memory_space<vmem>>
      %dma_wait3A_363 = tpu.memref_squeeze %dma_wait3A_362 : memref<1x1x128xi32, #tpu.memory_space<vmem>> -> memref<128xi32, #tpu.memory_space<vmem>>
      %dma_wait3A_364 = arith.constant 0 : i32
      %dma_wait3A_365 = arith.constant 0 : i32
      %dma_wait3A_366 = tpu.memref_slice %arg3[%dma_wait3A_364, %dma_wait3A_365] : memref<1000001x64xf32, #tpu.memory_space<hbm>> -> memref<1000001x64xf32, #tpu.memory_space<hbm>>
      tpu.wait_indirect_dma semaphore(%arg8 : memref<!tpu.dma_semaphore, #tpu.memory_space<semaphore_mem>>) src(%dma_wait3A_366 : memref<1000001x64xf32, #tpu.memory_space<hbm>>) dst(%dma_wait3A_360 : memref<128x64xf32, #tpu.memory_space<vmem>>)
      %iota3A_367 = tpu.iota {dimensions = array<i32: 0>} : vector<16xi32>
      %add3A_368 = arith.constant 0 : i32
      %add3A_369 = vector.broadcast %add3A_368 : i32 to vector<16xi32>
      %add3A_370 = arith.addi %iota3A_367, %add3A_369 : vector<16xi32>
      %add3A_371 = arith.constant 16 : i32
      %add3A_372 = vector.broadcast %add3A_371 : i32 to vector<16xi32>
      %add3A_373 = arith.addi %iota3A_367, %add3A_372 : vector<16xi32>
      %add3A_374 = arith.constant 32 : i32
      %add3A_375 = vector.broadcast %add3A_374 : i32 to vector<16xi32>
      %add3A_376 = arith.addi %iota3A_367, %add3A_375 : vector<16xi32>
      %add3A_377 = arith.constant 48 : i32
      %add3A_378 = vector.broadcast %add3A_377 : i32 to vector<16xi32>
      %add3A_379 = arith.addi %iota3A_367, %add3A_378 : vector<16xi32>
      %broadcast_in_dim3A_380 = arith.constant 384 : i32
      %broadcast_in_dim3A_381 = vector.broadcast %broadcast_in_dim3A_380 : i32 to vector<16xi32>
      %scan3A_382 = arith.constant 0 : i32
      %scan3A_383 = arith.constant 384 : i32
      %scan3A_384 = arith.constant 128 : i32
      %scan3A_385 = arith.addi %scan3A_383, %scan3A_384 : i32
      %scan3A_386 = arith.constant 8 : i32
      %scan3A_387 = scf.for %scan3A_698 = %scan3A_383 to %scan3A_385 step %scan3A_386 iter_args(%scan3A_699 = %broadcast_in_dim3A_381) -> (vector<16xi32>)  : i32 {
        %get3A = arith.constant 0 : i32
        %get3A_700 = arith.constant 0 : i32
        %get3A_701 = tpu.memref_slice %arg6[%scan3A_382, %get3A, %get3A_700] : memref<2x512x64xf32, #tpu.memory_space<vmem>> -> memref<1x512x64xf32, #tpu.memory_space<vmem>>
        %get3A_702 = tpu.memref_squeeze %get3A_701 : memref<1x512x64xf32, #tpu.memory_space<vmem>> -> memref<512x64xf32, #tpu.memory_space<vmem>>
        %get3A_703 = arith.index_cast %scan3A_698 : i32 to index
        %get3A_704 = arith.constant 0 : index
        %get3A_705 = tpu.vector_load %get3A_702[%get3A_703, %get3A_704] {strides = array<i32>} : memref<512x64xf32, #tpu.memory_space<vmem>>, vector<16xf32>,
        %get3A_706 = arith.constant 0 : i32
        %get3A_707 = arith.constant 0 : i32
        %get3A_708 = tpu.memref_slice %arg6[%scan3A_382, %get3A_706, %get3A_707] : memref<2x512x64xf32, #tpu.memory_space<vmem>> -> memref<1x512x64xf32, #tpu.memory_space<vmem>>
        %get3A_709 = tpu.memref_squeeze %get3A_708 : memref<1x512x64xf32, #tpu.memory_space<vmem>> -> memref<512x64xf32, #tpu.memory_space<vmem>>
        %get3A_710 = arith.index_cast %scan3A_698 : i32 to index
        %get3A_711 = arith.constant 16 : index
        %get3A_712 = tpu.vector_load %get3A_709[%get3A_710, %get3A_711] {strides = array<i32>} : memref<512x64xf32, #tpu.memory_space<vmem>>, vector<16xf32>,
        %get3A_713 = arith.constant 0 : i32
        %get3A_714 = arith.constant 0 : i32
        %get3A_715 = tpu.memref_slice %arg6[%scan3A_382, %get3A_713, %get3A_714] : memref<2x512x64xf32, #tpu.memory_space<vmem>> -> memref<1x512x64xf32, #tpu.memory_space<vmem>>
        %get3A_716 = tpu.memref_squeeze %get3A_715 : memref<1x512x64xf32, #tpu.memory_space<vmem>> -> memref<512x64xf32, #tpu.memory_space<vmem>>
        %get3A_717 = arith.index_cast %scan3A_698 : i32 to index
        %get3A_718 = arith.constant 32 : index
        %get3A_719 = tpu.vector_load %get3A_716[%get3A_717, %get3A_718] {strides = array<i32>} : memref<512x64xf32, #tpu.memory_space<vmem>>, vector<16xf32>,
        %get3A_720 = arith.constant 0 : i32
        %get3A_721 = arith.constant 0 : i32
        %get3A_722 = tpu.memref_slice %arg6[%scan3A_382, %get3A_720, %get3A_721] : memref<2x512x64xf32, #tpu.memory_space<vmem>> -> memref<1x512x64xf32, #tpu.memory_space<vmem>>
        %get3A_723 = tpu.memref_squeeze %get3A_722 : memref<1x512x64xf32, #tpu.memory_space<vmem>> -> memref<512x64xf32, #tpu.memory_space<vmem>>
        %get3A_724 = arith.index_cast %scan3A_698 : i32 to index
        %get3A_725 = arith.constant 48 : index
        %get3A_726 = tpu.vector_load %get3A_723[%get3A_724, %get3A_725] {strides = array<i32>} : memref<512x64xf32, #tpu.memory_space<vmem>>, vector<16xf32>,
        tpu.vector_store_idx %arg7[%add3A_370, %scan3A_699], %get3A_705 : memref<64x513xf32, #tpu.memory_space<vmem>>[vector<16xi32>, vector<16xi32>], vector<16xf32>,
        tpu.vector_store_idx %arg7[%add3A_373, %scan3A_699], %get3A_712 : memref<64x513xf32, #tpu.memory_space<vmem>>[vector<16xi32>, vector<16xi32>], vector<16xf32>,
        tpu.vector_store_idx %arg7[%add3A_376, %scan3A_699], %get3A_719 : memref<64x513xf32, #tpu.memory_space<vmem>>[vector<16xi32>, vector<16xi32>], vector<16xf32>,
        tpu.vector_store_idx %arg7[%add3A_379, %scan3A_699], %get3A_726 : memref<64x513xf32, #tpu.memory_space<vmem>>[vector<16xi32>, vector<16xi32>], vector<16xf32>,
        %add3A_727 = arith.constant 1 : i32
        %add3A_728 = vector.broadcast %add3A_727 : i32 to vector<16xi32>
        %add3A_729 = arith.addi %scan3A_699, %add3A_728 : vector<16xi32>
        %scan3A_730 = arith.constant 1 : i32
        %scan3A_731 = arith.addi %scan3A_698, %scan3A_730 : i32
        %get3A_732 = arith.constant 0 : i32
        %get3A_733 = arith.constant 0 : i32
        %get3A_734 = tpu.memref_slice %arg6[%scan3A_382, %get3A_732, %get3A_733] : memref<2x512x64xf32, #tpu.memory_space<vmem>> -> memref<1x512x64xf32, #tpu.memory_space<vmem>>
        %get3A_735 = tpu.memref_squeeze %get3A_734 : memref<1x512x64xf32, #tpu.memory_space<vmem>> -> memref<512x64xf32, #tpu.memory_space<vmem>>
        %get3A_736 = arith.index_cast %scan3A_731 : i32 to index
        %get3A_737 = arith.constant 0 : index
        %get3A_738 = tpu.vector_load %get3A_735[%get3A_736, %get3A_737] {strides = array<i32>} : memref<512x64xf32, #tpu.memory_space<vmem>>, vector<16xf32>,
        %get3A_739 = arith.constant 0 : i32
        %get3A_740 = arith.constant 0 : i32
        %get3A_741 = tpu.memref_slice %arg6[%scan3A_382, %get3A_739, %get3A_740] : memref<2x512x64xf32, #tpu.memory_space<vmem>> -> memref<1x512x64xf32, #tpu.memory_space<vmem>>
        %get3A_742 = tpu.memref_squeeze %get3A_741 : memref<1x512x64xf32, #tpu.memory_space<vmem>> -> memref<512x64xf32, #tpu.memory_space<vmem>>
        %get3A_743 = arith.index_cast %scan3A_731 : i32 to index
        %get3A_744 = arith.constant 16 : index
        %get3A_745 = tpu.vector_load %get3A_742[%get3A_743, %get3A_744] {strides = array<i32>} : memref<512x64xf32, #tpu.memory_space<vmem>>, vector<16xf32>,
        %get3A_746 = arith.constant 0 : i32
        %get3A_747 = arith.constant 0 : i32
        %get3A_748 = tpu.memref_slice %arg6[%scan3A_382, %get3A_746, %get3A_747] : memref<2x512x64xf32, #tpu.memory_space<vmem>> -> memref<1x512x64xf32, #tpu.memory_space<vmem>>
        %get3A_749 = tpu.memref_squeeze %get3A_748 : memref<1x512x64xf32, #tpu.memory_space<vmem>> -> memref<512x64xf32, #tpu.memory_space<vmem>>
        %get3A_750 = arith.index_cast %scan3A_731 : i32 to index
        %get3A_751 = arith.constant 32 : index
        %get3A_752 = tpu.vector_load %get3A_749[%get3A_750, %get3A_751] {strides = array<i32>} : memref<512x64xf32, #tpu.memory_space<vmem>>, vector<16xf32>,
        %get3A_753 = arith.constant 0 : i32
        %get3A_754 = arith.constant 0 : i32
        %get3A_755 = tpu.memref_slice %arg6[%scan3A_382, %get3A_753, %get3A_754] : memref<2x512x64xf32, #tpu.memory_space<vmem>> -> memref<1x512x64xf32, #tpu.memory_space<vmem>>
        %get3A_756 = tpu.memref_squeeze %get3A_755 : memref<1x512x64xf32, #tpu.memory_space<vmem>> -> memref<512x64xf32, #tpu.memory_space<vmem>>
        %get3A_757 = arith.index_cast %scan3A_731 : i32 to index
        %get3A_758 = arith.constant 48 : index
        %get3A_759 = tpu.vector_load %get3A_756[%get3A_757, %get3A_758] {strides = array<i32>} : memref<512x64xf32, #tpu.memory_space<vmem>>, vector<16xf32>,
        tpu.vector_store_idx %arg7[%add3A_370, %add3A_729], %get3A_738 : memref<64x513xf32, #tpu.memory_space<vmem>>[vector<16xi32>, vector<16xi32>], vector<16xf32>,
        tpu.vector_store_idx %arg7[%add3A_373, %add3A_729], %get3A_745 : memref<64x513xf32, #tpu.memory_space<vmem>>[vector<16xi32>, vector<16xi32>], vector<16xf32>,
        tpu.vector_store_idx %arg7[%add3A_376, %add3A_729], %get3A_752 : memref<64x513xf32, #tpu.memory_space<vmem>>[vector<16xi32>, vector<16xi32>], vector<16xf32>,
        tpu.vector_store_idx %arg7[%add3A_379, %add3A_729], %get3A_759 : memref<64x513xf32, #tpu.memory_space<vmem>>[vector<16xi32>, vector<16xi32>], vector<16xf32>,
        %add3A_760 = arith.constant 1 : i32
        %add3A_761 = vector.broadcast %add3A_760 : i32 to vector<16xi32>
        %add3A_762 = arith.addi %add3A_729, %add3A_761 : vector<16xi32>
        %scan3A_763 = arith.constant 2 : i32
        %scan3A_764 = arith.addi %scan3A_698, %scan3A_763 : i32
        %get3A_765 = arith.constant 0 : i32
        %get3A_766 = arith.constant 0 : i32
        %get3A_767 = tpu.memref_slice %arg6[%scan3A_382, %get3A_765, %get3A_766] : memref<2x512x64xf32, #tpu.memory_space<vmem>> -> memref<1x512x64xf32, #tpu.memory_space<vmem>>
        %get3A_768 = tpu.memref_squeeze %get3A_767 : memref<1x512x64xf32, #tpu.memory_space<vmem>> -> memref<512x64xf32, #tpu.memory_space<vmem>>
        %get3A_769 = arith.index_cast %scan3A_764 : i32 to index
        %get3A_770 = arith.constant 0 : index
        %get3A_771 = tpu.vector_load %get3A_768[%get3A_769, %get3A_770] {strides = array<i32>} : memref<512x64xf32, #tpu.memory_space<vmem>>, vector<16xf32>,
        %get3A_772 = arith.constant 0 : i32
        %get3A_773 = arith.constant 0 : i32
        %get3A_774 = tpu.memref_slice %arg6[%scan3A_382, %get3A_772, %get3A_773] : memref<2x512x64xf32, #tpu.memory_space<vmem>> -> memref<1x512x64xf32, #tpu.memory_space<vmem>>
        %get3A_775 = tpu.memref_squeeze %get3A_774 : memref<1x512x64xf32, #tpu.memory_space<vmem>> -> memref<512x64xf32, #tpu.memory_space<vmem>>
        %get3A_776 = arith.index_cast %scan3A_764 : i32 to index
        %get3A_777 = arith.constant 16 : index
        %get3A_778 = tpu.vector_load %get3A_775[%get3A_776, %get3A_777] {strides = array<i32>} : memref<512x64xf32, #tpu.memory_space<vmem>>, vector<16xf32>,
        %get3A_779 = arith.constant 0 : i32
        %get3A_780 = arith.constant 0 : i32
        %get3A_781 = tpu.memref_slice %arg6[%scan3A_382, %get3A_779, %get3A_780] : memref<2x512x64xf32, #tpu.memory_space<vmem>> -> memref<1x512x64xf32, #tpu.memory_space<vmem>>
        %get3A_782 = tpu.memref_squeeze %get3A_781 : memref<1x512x64xf32, #tpu.memory_space<vmem>> -> memref<512x64xf32, #tpu.memory_space<vmem>>
        %get3A_783 = arith.index_cast %scan3A_764 : i32 to index
        %get3A_784 = arith.constant 32 : index
        %get3A_785 = tpu.vector_load %get3A_782[%get3A_783, %get3A_784] {strides = array<i32>} : memref<512x64xf32, #tpu.memory_space<vmem>>, vector<16xf32>,
        %get3A_786 = arith.constant 0 : i32
        %get3A_787 = arith.constant 0 : i32
        %get3A_788 = tpu.memref_slice %arg6[%scan3A_382, %get3A_786, %get3A_787] : memref<2x512x64xf32, #tpu.memory_space<vmem>> -> memref<1x512x64xf32, #tpu.memory_space<vmem>>
        %get3A_789 = tpu.memref_squeeze %get3A_788 : memref<1x512x64xf32, #tpu.memory_space<vmem>> -> memref<512x64xf32, #tpu.memory_space<vmem>>
        %get3A_790 = arith.index_cast %scan3A_764 : i32 to index
        %get3A_791 = arith.constant 48 : index
        %get3A_792 = tpu.vector_load %get3A_789[%get3A_790, %get3A_791] {strides = array<i32>} : memref<512x64xf32, #tpu.memory_space<vmem>>, vector<16xf32>,
        tpu.vector_store_idx %arg7[%add3A_370, %add3A_762], %get3A_771 : memref<64x513xf32, #tpu.memory_space<vmem>>[vector<16xi32>, vector<16xi32>], vector<16xf32>,
        tpu.vector_store_idx %arg7[%add3A_373, %add3A_762], %get3A_778 : memref<64x513xf32, #tpu.memory_space<vmem>>[vector<16xi32>, vector<16xi32>], vector<16xf32>,
        tpu.vector_store_idx %arg7[%add3A_376, %add3A_762], %get3A_785 : memref<64x513xf32, #tpu.memory_space<vmem>>[vector<16xi32>, vector<16xi32>], vector<16xf32>,
        tpu.vector_store_idx %arg7[%add3A_379, %add3A_762], %get3A_792 : memref<64x513xf32, #tpu.memory_space<vmem>>[vector<16xi32>, vector<16xi32>], vector<16xf32>,
        %add3A_793 = arith.constant 1 : i32
        %add3A_794 = vector.broadcast %add3A_793 : i32 to vector<16xi32>
        %add3A_795 = arith.addi %add3A_762, %add3A_794 : vector<16xi32>
        %scan3A_796 = arith.constant 3 : i32
        %scan3A_797 = arith.addi %scan3A_698, %scan3A_796 : i32
        %get3A_798 = arith.constant 0 : i32
        %get3A_799 = arith.constant 0 : i32
        %get3A_800 = tpu.memref_slice %arg6[%scan3A_382, %get3A_798, %get3A_799] : memref<2x512x64xf32, #tpu.memory_space<vmem>> -> memref<1x512x64xf32, #tpu.memory_space<vmem>>
        %get3A_801 = tpu.memref_squeeze %get3A_800 : memref<1x512x64xf32, #tpu.memory_space<vmem>> -> memref<512x64xf32, #tpu.memory_space<vmem>>
        %get3A_802 = arith.index_cast %scan3A_797 : i32 to index
        %get3A_803 = arith.constant 0 : index
        %get3A_804 = tpu.vector_load %get3A_801[%get3A_802, %get3A_803] {strides = array<i32>} : memref<512x64xf32, #tpu.memory_space<vmem>>, vector<16xf32>,
        %get3A_805 = arith.constant 0 : i32
        %get3A_806 = arith.constant 0 : i32
        %get3A_807 = tpu.memref_slice %arg6[%scan3A_382, %get3A_805, %get3A_806] : memref<2x512x64xf32, #tpu.memory_space<vmem>> -> memref<1x512x64xf32, #tpu.memory_space<vmem>>
        %get3A_808 = tpu.memref_squeeze %get3A_807 : memref<1x512x64xf32, #tpu.memory_space<vmem>> -> memref<512x64xf32, #tpu.memory_space<vmem>>
        %get3A_809 = arith.index_cast %scan3A_797 : i32 to index
        %get3A_810 = arith.constant 16 : index
        %get3A_811 = tpu.vector_load %get3A_808[%get3A_809, %get3A_810] {strides = array<i32>} : memref<512x64xf32, #tpu.memory_space<vmem>>, vector<16xf32>,
        %get3A_812 = arith.constant 0 : i32
        %get3A_813 = arith.constant 0 : i32
        %get3A_814 = tpu.memref_slice %arg6[%scan3A_382, %get3A_812, %get3A_813] : memref<2x512x64xf32, #tpu.memory_space<vmem>> -> memref<1x512x64xf32, #tpu.memory_space<vmem>>
        %get3A_815 = tpu.memref_squeeze %get3A_814 : memref<1x512x64xf32, #tpu.memory_space<vmem>> -> memref<512x64xf32, #tpu.memory_space<vmem>>
        %get3A_816 = arith.index_cast %scan3A_797 : i32 to index
        %get3A_817 = arith.constant 32 : index
        %get3A_818 = tpu.vector_load %get3A_815[%get3A_816, %get3A_817] {strides = array<i32>} : memref<512x64xf32, #tpu.memory_space<vmem>>, vector<16xf32>,
        %get3A_819 = arith.constant 0 : i32
        %get3A_820 = arith.constant 0 : i32
        %get3A_821 = tpu.memref_slice %arg6[%scan3A_382, %get3A_819, %get3A_820] : memref<2x512x64xf32, #tpu.memory_space<vmem>> -> memref<1x512x64xf32, #tpu.memory_space<vmem>>
        %get3A_822 = tpu.memref_squeeze %get3A_821 : memref<1x512x64xf32, #tpu.memory_space<vmem>> -> memref<512x64xf32, #tpu.memory_space<vmem>>
        %get3A_823 = arith.index_cast %scan3A_797 : i32 to index
        %get3A_824 = arith.constant 48 : index
        %get3A_825 = tpu.vector_load %get3A_822[%get3A_823, %get3A_824] {strides = array<i32>} : memref<512x64xf32, #tpu.memory_space<vmem>>, vector<16xf32>,
        tpu.vector_store_idx %arg7[%add3A_370, %add3A_795], %get3A_804 : memref<64x513xf32, #tpu.memory_space<vmem>>[vector<16xi32>, vector<16xi32>], vector<16xf32>,
        tpu.vector_store_idx %arg7[%add3A_373, %add3A_795], %get3A_811 : memref<64x513xf32, #tpu.memory_space<vmem>>[vector<16xi32>, vector<16xi32>], vector<16xf32>,
        tpu.vector_store_idx %arg7[%add3A_376, %add3A_795], %get3A_818 : memref<64x513xf32, #tpu.memory_space<vmem>>[vector<16xi32>, vector<16xi32>], vector<16xf32>,
        tpu.vector_store_idx %arg7[%add3A_379, %add3A_795], %get3A_825 : memref<64x513xf32, #tpu.memory_space<vmem>>[vector<16xi32>, vector<16xi32>], vector<16xf32>,
        %add3A_826 = arith.constant 1 : i32
        %add3A_827 = vector.broadcast %add3A_826 : i32 to vector<16xi32>
        %add3A_828 = arith.addi %add3A_795, %add3A_827 : vector<16xi32>
        %scan3A_829 = arith.constant 4 : i32
        %scan3A_830 = arith.addi %scan3A_698, %scan3A_829 : i32
        %get3A_831 = arith.constant 0 : i32
        %get3A_832 = arith.constant 0 : i32
        %get3A_833 = tpu.memref_slice %arg6[%scan3A_382, %get3A_831, %get3A_832] : memref<2x512x64xf32, #tpu.memory_space<vmem>> -> memref<1x512x64xf32, #tpu.memory_space<vmem>>
        %get3A_834 = tpu.memref_squeeze %get3A_833 : memref<1x512x64xf32, #tpu.memory_space<vmem>> -> memref<512x64xf32, #tpu.memory_space<vmem>>
        %get3A_835 = arith.index_cast %scan3A_830 : i32 to index
        %get3A_836 = arith.constant 0 : index
        %get3A_837 = tpu.vector_load %get3A_834[%get3A_835, %get3A_836] {strides = array<i32>} : memref<512x64xf32, #tpu.memory_space<vmem>>, vector<16xf32>,
        %get3A_838 = arith.constant 0 : i32
        %get3A_839 = arith.constant 0 : i32
        %get3A_840 = tpu.memref_slice %arg6[%scan3A_382, %get3A_838, %get3A_839] : memref<2x512x64xf32, #tpu.memory_space<vmem>> -> memref<1x512x64xf32, #tpu.memory_space<vmem>>
        %get3A_841 = tpu.memref_squeeze %get3A_840 : memref<1x512x64xf32, #tpu.memory_space<vmem>> -> memref<512x64xf32, #tpu.memory_space<vmem>>
        %get3A_842 = arith.index_cast %scan3A_830 : i32 to index
        %get3A_843 = arith.constant 16 : index
        %get3A_844 = tpu.vector_load %get3A_841[%get3A_842, %get3A_843] {strides = array<i32>} : memref<512x64xf32, #tpu.memory_space<vmem>>, vector<16xf32>,
        %get3A_845 = arith.constant 0 : i32
        %get3A_846 = arith.constant 0 : i32
        %get3A_847 = tpu.memref_slice %arg6[%scan3A_382, %get3A_845, %get3A_846] : memref<2x512x64xf32, #tpu.memory_space<vmem>> -> memref<1x512x64xf32, #tpu.memory_space<vmem>>
        %get3A_848 = tpu.memref_squeeze %get3A_847 : memref<1x512x64xf32, #tpu.memory_space<vmem>> -> memref<512x64xf32, #tpu.memory_space<vmem>>
        %get3A_849 = arith.index_cast %scan3A_830 : i32 to index
        %get3A_850 = arith.constant 32 : index
        %get3A_851 = tpu.vector_load %get3A_848[%get3A_849, %get3A_850] {strides = array<i32>} : memref<512x64xf32, #tpu.memory_space<vmem>>, vector<16xf32>,
        %get3A_852 = arith.constant 0 : i32
        %get3A_853 = arith.constant 0 : i32
        %get3A_854 = tpu.memref_slice %arg6[%scan3A_382, %get3A_852, %get3A_853] : memref<2x512x64xf32, #tpu.memory_space<vmem>> -> memref<1x512x64xf32, #tpu.memory_space<vmem>>
        %get3A_855 = tpu.memref_squeeze %get3A_854 : memref<1x512x64xf32, #tpu.memory_space<vmem>> -> memref<512x64xf32, #tpu.memory_space<vmem>>
        %get3A_856 = arith.index_cast %scan3A_830 : i32 to index
        %get3A_857 = arith.constant 48 : index
        %get3A_858 = tpu.vector_load %get3A_855[%get3A_856, %get3A_857] {strides = array<i32>} : memref<512x64xf32, #tpu.memory_space<vmem>>, vector<16xf32>,
        tpu.vector_store_idx %arg7[%add3A_370, %add3A_828], %get3A_837 : memref<64x513xf32, #tpu.memory_space<vmem>>[vector<16xi32>, vector<16xi32>], vector<16xf32>,
        tpu.vector_store_idx %arg7[%add3A_373, %add3A_828], %get3A_844 : memref<64x513xf32, #tpu.memory_space<vmem>>[vector<16xi32>, vector<16xi32>], vector<16xf32>,
        tpu.vector_store_idx %arg7[%add3A_376, %add3A_828], %get3A_851 : memref<64x513xf32, #tpu.memory_space<vmem>>[vector<16xi32>, vector<16xi32>], vector<16xf32>,
        tpu.vector_store_idx %arg7[%add3A_379, %add3A_828], %get3A_858 : memref<64x513xf32, #tpu.memory_space<vmem>>[vector<16xi32>, vector<16xi32>], vector<16xf32>,
        %add3A_859 = arith.constant 1 : i32
        %add3A_860 = vector.broadcast %add3A_859 : i32 to vector<16xi32>
        %add3A_861 = arith.addi %add3A_828, %add3A_860 : vector<16xi32>
        %scan3A_862 = arith.constant 5 : i32
        %scan3A_863 = arith.addi %scan3A_698, %scan3A_862 : i32
        %get3A_864 = arith.constant 0 : i32
        %get3A_865 = arith.constant 0 : i32
        %get3A_866 = tpu.memref_slice %arg6[%scan3A_382, %get3A_864, %get3A_865] : memref<2x512x64xf32, #tpu.memory_space<vmem>> -> memref<1x512x64xf32, #tpu.memory_space<vmem>>
        %get3A_867 = tpu.memref_squeeze %get3A_866 : memref<1x512x64xf32, #tpu.memory_space<vmem>> -> memref<512x64xf32, #tpu.memory_space<vmem>>
        %get3A_868 = arith.index_cast %scan3A_863 : i32 to index
        %get3A_869 = arith.constant 0 : index
        %get3A_870 = tpu.vector_load %get3A_867[%get3A_868, %get3A_869] {strides = array<i32>} : memref<512x64xf32, #tpu.memory_space<vmem>>, vector<16xf32>,
        %get3A_871 = arith.constant 0 : i32
        %get3A_872 = arith.constant 0 : i32
        %get3A_873 = tpu.memref_slice %arg6[%scan3A_382, %get3A_871, %get3A_872] : memref<2x512x64xf32, #tpu.memory_space<vmem>> -> memref<1x512x64xf32, #tpu.memory_space<vmem>>
        %get3A_874 = tpu.memref_squeeze %get3A_873 : memref<1x512x64xf32, #tpu.memory_space<vmem>> -> memref<512x64xf32, #tpu.memory_space<vmem>>
        %get3A_875 = arith.index_cast %scan3A_863 : i32 to index
        %get3A_876 = arith.constant 16 : index
        %get3A_877 = tpu.vector_load %get3A_874[%get3A_875, %get3A_876] {strides = array<i32>} : memref<512x64xf32, #tpu.memory_space<vmem>>, vector<16xf32>,
        %get3A_878 = arith.constant 0 : i32
        %get3A_879 = arith.constant 0 : i32
        %get3A_880 = tpu.memref_slice %arg6[%scan3A_382, %get3A_878, %get3A_879] : memref<2x512x64xf32, #tpu.memory_space<vmem>> -> memref<1x512x64xf32, #tpu.memory_space<vmem>>
        %get3A_881 = tpu.memref_squeeze %get3A_880 : memref<1x512x64xf32, #tpu.memory_space<vmem>> -> memref<512x64xf32, #tpu.memory_space<vmem>>
        %get3A_882 = arith.index_cast %scan3A_863 : i32 to index
        %get3A_883 = arith.constant 32 : index
        %get3A_884 = tpu.vector_load %get3A_881[%get3A_882, %get3A_883] {strides = array<i32>} : memref<512x64xf32, #tpu.memory_space<vmem>>, vector<16xf32>,
        %get3A_885 = arith.constant 0 : i32
        %get3A_886 = arith.constant 0 : i32
        %get3A_887 = tpu.memref_slice %arg6[%scan3A_382, %get3A_885, %get3A_886] : memref<2x512x64xf32, #tpu.memory_space<vmem>> -> memref<1x512x64xf32, #tpu.memory_space<vmem>>
        %get3A_888 = tpu.memref_squeeze %get3A_887 : memref<1x512x64xf32, #tpu.memory_space<vmem>> -> memref<512x64xf32, #tpu.memory_space<vmem>>
        %get3A_889 = arith.index_cast %scan3A_863 : i32 to index
        %get3A_890 = arith.constant 48 : index
        %get3A_891 = tpu.vector_load %get3A_888[%get3A_889, %get3A_890] {strides = array<i32>} : memref<512x64xf32, #tpu.memory_space<vmem>>, vector<16xf32>,
        tpu.vector_store_idx %arg7[%add3A_370, %add3A_861], %get3A_870 : memref<64x513xf32, #tpu.memory_space<vmem>>[vector<16xi32>, vector<16xi32>], vector<16xf32>,
        tpu.vector_store_idx %arg7[%add3A_373, %add3A_861], %get3A_877 : memref<64x513xf32, #tpu.memory_space<vmem>>[vector<16xi32>, vector<16xi32>], vector<16xf32>,
        tpu.vector_store_idx %arg7[%add3A_376, %add3A_861], %get3A_884 : memref<64x513xf32, #tpu.memory_space<vmem>>[vector<16xi32>, vector<16xi32>], vector<16xf32>,
        tpu.vector_store_idx %arg7[%add3A_379, %add3A_861], %get3A_891 : memref<64x513xf32, #tpu.memory_space<vmem>>[vector<16xi32>, vector<16xi32>], vector<16xf32>,
        %add3A_892 = arith.constant 1 : i32
        %add3A_893 = vector.broadcast %add3A_892 : i32 to vector<16xi32>
        %add3A_894 = arith.addi %add3A_861, %add3A_893 : vector<16xi32>
        %scan3A_895 = arith.constant 6 : i32
        %scan3A_896 = arith.addi %scan3A_698, %scan3A_895 : i32
        %get3A_897 = arith.constant 0 : i32
        %get3A_898 = arith.constant 0 : i32
        %get3A_899 = tpu.memref_slice %arg6[%scan3A_382, %get3A_897, %get3A_898] : memref<2x512x64xf32, #tpu.memory_space<vmem>> -> memref<1x512x64xf32, #tpu.memory_space<vmem>>
        %get3A_900 = tpu.memref_squeeze %get3A_899 : memref<1x512x64xf32, #tpu.memory_space<vmem>> -> memref<512x64xf32, #tpu.memory_space<vmem>>
        %get3A_901 = arith.index_cast %scan3A_896 : i32 to index
        %get3A_902 = arith.constant 0 : index
        %get3A_903 = tpu.vector_load %get3A_900[%get3A_901, %get3A_902] {strides = array<i32>} : memref<512x64xf32, #tpu.memory_space<vmem>>, vector<16xf32>,
        %get3A_904 = arith.constant 0 : i32
        %get3A_905 = arith.constant 0 : i32
        %get3A_906 = tpu.memref_slice %arg6[%scan3A_382, %get3A_904, %get3A_905] : memref<2x512x64xf32, #tpu.memory_space<vmem>> -> memref<1x512x64xf32, #tpu.memory_space<vmem>>
        %get3A_907 = tpu.memref_squeeze %get3A_906 : memref<1x512x64xf32, #tpu.memory_space<vmem>> -> memref<512x64xf32, #tpu.memory_space<vmem>>
        %get3A_908 = arith.index_cast %scan3A_896 : i32 to index
        %get3A_909 = arith.constant 16 : index
        %get3A_910 = tpu.vector_load %get3A_907[%get3A_908, %get3A_909] {strides = array<i32>} : memref<512x64xf32, #tpu.memory_space<vmem>>, vector<16xf32>,
        %get3A_911 = arith.constant 0 : i32
        %get3A_912 = arith.constant 0 : i32
        %get3A_913 = tpu.memref_slice %arg6[%scan3A_382, %get3A_911, %get3A_912] : memref<2x512x64xf32, #tpu.memory_space<vmem>> -> memref<1x512x64xf32, #tpu.memory_space<vmem>>
        %get3A_914 = tpu.memref_squeeze %get3A_913 : memref<1x512x64xf32, #tpu.memory_space<vmem>> -> memref<512x64xf32, #tpu.memory_space<vmem>>
        %get3A_915 = arith.index_cast %scan3A_896 : i32 to index
        %get3A_916 = arith.constant 32 : index
        %get3A_917 = tpu.vector_load %get3A_914[%get3A_915, %get3A_916] {strides = array<i32>} : memref<512x64xf32, #tpu.memory_space<vmem>>, vector<16xf32>,
        %get3A_918 = arith.constant 0 : i32
        %get3A_919 = arith.constant 0 : i32
        %get3A_920 = tpu.memref_slice %arg6[%scan3A_382, %get3A_918, %get3A_919] : memref<2x512x64xf32, #tpu.memory_space<vmem>> -> memref<1x512x64xf32, #tpu.memory_space<vmem>>
        %get3A_921 = tpu.memref_squeeze %get3A_920 : memref<1x512x64xf32, #tpu.memory_space<vmem>> -> memref<512x64xf32, #tpu.memory_space<vmem>>
        %get3A_922 = arith.index_cast %scan3A_896 : i32 to index
        %get3A_923 = arith.constant 48 : index
        %get3A_924 = tpu.vector_load %get3A_921[%get3A_922, %get3A_923] {strides = array<i32>} : memref<512x64xf32, #tpu.memory_space<vmem>>, vector<16xf32>,
        tpu.vector_store_idx %arg7[%add3A_370, %add3A_894], %get3A_903 : memref<64x513xf32, #tpu.memory_space<vmem>>[vector<16xi32>, vector<16xi32>], vector<16xf32>,
        tpu.vector_store_idx %arg7[%add3A_373, %add3A_894], %get3A_910 : memref<64x513xf32, #tpu.memory_space<vmem>>[vector<16xi32>, vector<16xi32>], vector<16xf32>,
        tpu.vector_store_idx %arg7[%add3A_376, %add3A_894], %get3A_917 : memref<64x513xf32, #tpu.memory_space<vmem>>[vector<16xi32>, vector<16xi32>], vector<16xf32>,
        tpu.vector_store_idx %arg7[%add3A_379, %add3A_894], %get3A_924 : memref<64x513xf32, #tpu.memory_space<vmem>>[vector<16xi32>, vector<16xi32>], vector<16xf32>,
        %add3A_925 = arith.constant 1 : i32
        %add3A_926 = vector.broadcast %add3A_925 : i32 to vector<16xi32>
        %add3A_927 = arith.addi %add3A_894, %add3A_926 : vector<16xi32>
        %scan3A_928 = arith.constant 7 : i32
        %scan3A_929 = arith.addi %scan3A_698, %scan3A_928 : i32
        %get3A_930 = arith.constant 0 : i32
        %get3A_931 = arith.constant 0 : i32
        %get3A_932 = tpu.memref_slice %arg6[%scan3A_382, %get3A_930, %get3A_931] : memref<2x512x64xf32, #tpu.memory_space<vmem>> -> memref<1x512x64xf32, #tpu.memory_space<vmem>>
        %get3A_933 = tpu.memref_squeeze %get3A_932 : memref<1x512x64xf32, #tpu.memory_space<vmem>> -> memref<512x64xf32, #tpu.memory_space<vmem>>
        %get3A_934 = arith.index_cast %scan3A_929 : i32 to index
        %get3A_935 = arith.constant 0 : index
        %get3A_936 = tpu.vector_load %get3A_933[%get3A_934, %get3A_935] {strides = array<i32>} : memref<512x64xf32, #tpu.memory_space<vmem>>, vector<16xf32>,
        %get3A_937 = arith.constant 0 : i32
        %get3A_938 = arith.constant 0 : i32
        %get3A_939 = tpu.memref_slice %arg6[%scan3A_382, %get3A_937, %get3A_938] : memref<2x512x64xf32, #tpu.memory_space<vmem>> -> memref<1x512x64xf32, #tpu.memory_space<vmem>>
        %get3A_940 = tpu.memref_squeeze %get3A_939 : memref<1x512x64xf32, #tpu.memory_space<vmem>> -> memref<512x64xf32, #tpu.memory_space<vmem>>
        %get3A_941 = arith.index_cast %scan3A_929 : i32 to index
        %get3A_942 = arith.constant 16 : index
        %get3A_943 = tpu.vector_load %get3A_940[%get3A_941, %get3A_942] {strides = array<i32>} : memref<512x64xf32, #tpu.memory_space<vmem>>, vector<16xf32>,
        %get3A_944 = arith.constant 0 : i32
        %get3A_945 = arith.constant 0 : i32
        %get3A_946 = tpu.memref_slice %arg6[%scan3A_382, %get3A_944, %get3A_945] : memref<2x512x64xf32, #tpu.memory_space<vmem>> -> memref<1x512x64xf32, #tpu.memory_space<vmem>>
        %get3A_947 = tpu.memref_squeeze %get3A_946 : memref<1x512x64xf32, #tpu.memory_space<vmem>> -> memref<512x64xf32, #tpu.memory_space<vmem>>
        %get3A_948 = arith.index_cast %scan3A_929 : i32 to index
        %get3A_949 = arith.constant 32 : index
        %get3A_950 = tpu.vector_load %get3A_947[%get3A_948, %get3A_949] {strides = array<i32>} : memref<512x64xf32, #tpu.memory_space<vmem>>, vector<16xf32>,
        %get3A_951 = arith.constant 0 : i32
        %get3A_952 = arith.constant 0 : i32
        %get3A_953 = tpu.memref_slice %arg6[%scan3A_382, %get3A_951, %get3A_952] : memref<2x512x64xf32, #tpu.memory_space<vmem>> -> memref<1x512x64xf32, #tpu.memory_space<vmem>>
        %get3A_954 = tpu.memref_squeeze %get3A_953 : memref<1x512x64xf32, #tpu.memory_space<vmem>> -> memref<512x64xf32, #tpu.memory_space<vmem>>
        %get3A_955 = arith.index_cast %scan3A_929 : i32 to index
        %get3A_956 = arith.constant 48 : index
        %get3A_957 = tpu.vector_load %get3A_954[%get3A_955, %get3A_956] {strides = array<i32>} : memref<512x64xf32, #tpu.memory_space<vmem>>, vector<16xf32>,
        tpu.vector_store_idx %arg7[%add3A_370, %add3A_927], %get3A_936 : memref<64x513xf32, #tpu.memory_space<vmem>>[vector<16xi32>, vector<16xi32>], vector<16xf32>,
        tpu.vector_store_idx %arg7[%add3A_373, %add3A_927], %get3A_943 : memref<64x513xf32, #tpu.memory_space<vmem>>[vector<16xi32>, vector<16xi32>], vector<16xf32>,
        tpu.vector_store_idx %arg7[%add3A_376, %add3A_927], %get3A_950 : memref<64x513xf32, #tpu.memory_space<vmem>>[vector<16xi32>, vector<16xi32>], vector<16xf32>,
        tpu.vector_store_idx %arg7[%add3A_379, %add3A_927], %get3A_957 : memref<64x513xf32, #tpu.memory_space<vmem>>[vector<16xi32>, vector<16xi32>], vector<16xf32>,
        %add3A_958 = arith.constant 1 : i32
        %add3A_959 = vector.broadcast %add3A_958 : i32 to vector<16xi32>
        %add3A_960 = arith.addi %add3A_927, %add3A_959 : vector<16xi32>
        scf.yield %add3A_960 : vector<16xi32>
      }
      %scan3A_388 = arith.constant 128 : i32
      %jit3A_389 = arith.constant 8 : i32
      %div3A_390 = arith.divsi %add3A_151, %jit3A_389 : i32
      %sign3A_391 = arith.constant 0 : i32
      %sign3A_392 = arith.cmpi sgt, %add3A_151, %sign3A_391 : i32
      %sign3A_393 = arith.extui %sign3A_392 : i1 to i32
      %sign3A_394 = arith.constant 0 : i32
      %sign3A_395 = arith.cmpi slt, %add3A_151, %sign3A_394 : i32
      %sign3A_396 = arith.extui %sign3A_395 : i1 to i32
      %sign3A_397 = arith.subi %sign3A_393, %sign3A_396 : i32
      %sign3A_398 = arith.constant 0 : i32
      %sign3A_399 = arith.cmpi sgt, %jit3A_389, %sign3A_398 : i32
      %sign3A_400 = arith.extui %sign3A_399 : i1 to i32
      %sign3A_401 = arith.constant 0 : i32
      %sign3A_402 = arith.cmpi slt, %jit3A_389, %sign3A_401 : i32
      %sign3A_403 = arith.extui %sign3A_402 : i1 to i32
      %sign3A_404 = arith.subi %sign3A_400, %sign3A_403 : i32
      %ne3A_405 = arith.cmpi ne, %sign3A_397, %sign3A_404 : i32
      %rem3A_406 = arith.remsi %add3A_151, %jit3A_389 : i32
      %ne3A_407 = arith.constant 0 : i32
      %ne3A_408 = arith.cmpi ne, %rem3A_406, %ne3A_407 : i32
      %and3A_409 = arith.andi %ne3A_405, %ne3A_408 : i1
      %sub3A_410 = arith.constant 1 : i32
      %sub3A_411 = arith.subi %div3A_390, %sub3A_410 : i32
      %select_n3A_412 = arith.select %and3A_409, %sub3A_411, %div3A_390 : i32
      %jit3A_413 = arith.constant 8 : i32
      %eq3A_414 = arith.constant 0 : i32
      %eq3A_415 = arith.cmpi eq, %jit3A_413, %eq3A_414 : i32
      %jit3A_416 = arith.constant 1 : i32
      %select_n3A_417 = arith.select %eq3A_415, %jit3A_416, %jit3A_413 : i32
      %rem3A_418 = arith.remsi %add3A_151, %select_n3A_417 : i32
      %ne3A_419 = arith.constant 0 : i32
      %ne3A_420 = arith.cmpi ne, %rem3A_418, %ne3A_419 : i32
      %lt3A_421 = arith.constant 0 : i32
      %lt3A_422 = arith.cmpi slt, %rem3A_418, %lt3A_421 : i32
      %lt3A_423 = arith.constant 0 : i32
      %lt3A_424 = arith.cmpi slt, %select_n3A_417, %lt3A_423 : i32
      %ne3A_425 = arith.xori %lt3A_422, %lt3A_424 : i1
      %and3A_426 = arith.andi %ne3A_425, %ne3A_420 : i1
      %add3A_427 = arith.addi %rem3A_418, %select_n3A_417 : i32
      %select_n3A_428 = arith.select %and3A_426, %add3A_427, %rem3A_418 : i32
      %mul3A_429 = arith.constant 512 : i32
      %mul3A_430 = arith.muli %mul3A_429, %select_n3A_428 : i32
      %dma_start3A_431 = arith.constant 0 : i32
      %dma_start3A_432 = arith.constant 0 : i32
      %dma_start3A_433 = tpu.memref_slice %arg7[%dma_start3A_431, %dma_start3A_432] : memref<64x513xf32, #tpu.memory_space<vmem>> -> memref<64x512xf32, #tpu.memory_space<vmem>>
      %dma_start3A_434 = arith.constant 0 : i32
      %dma_start3A_435 = tpu.memref_slice %arg4[%select_n3A_412, %dma_start3A_434, %mul3A_430] : memref<200x64x4096xf32, #tpu.memory_space<hbm>> -> memref<1x64x512xf32, #tpu.memory_space<hbm>>
      %dma_start3A_436 = tpu.memref_squeeze %dma_start3A_435 : memref<1x64x512xf32, #tpu.memory_space<hbm>> -> memref<64x512xf32, #tpu.memory_space<hbm>>
      %dma_start3A_437 = arith.constant 0 : i32
      %dma_start3A_438 = tpu.memref_slice %arg4[%select_n3A_412, %dma_start3A_437, %mul3A_430] : memref<200x64x4096xf32, #tpu.memory_space<hbm>> -> memref<1x64x512xf32, #tpu.memory_space<hbm>>
      %dma_start3A_439 = tpu.memref_squeeze %dma_start3A_438 : memref<1x64x512xf32, #tpu.memory_space<hbm>> -> memref<64x512xf32, #tpu.memory_space<hbm>>
      %dma_start3A_440 = arith.constant 0 : i32
      %dma_start3A_441 = arith.constant 0 : i32
      %dma_start3A_442 = tpu.memref_slice %arg7[%dma_start3A_440, %dma_start3A_441] : memref<64x513xf32, #tpu.memory_space<vmem>> -> memref<64x512xf32, #tpu.memory_space<vmem>>
      tpu.enqueue_dma source(%dma_start3A_442 : memref<64x512xf32, #tpu.memory_space<vmem>>) target(%dma_start3A_439 : memref<64x512xf32, #tpu.memory_space<hbm>>) target_semaphore(%arg10 : memref<!tpu.dma_semaphore, #tpu.memory_space<semaphore_mem>>)
      %add3A_443 = arith.constant 1 : i32
      %add3A_444 = arith.addi %scan3A_148, %add3A_443 : i32
      %lt3A_445 = arith.constant 25 : i32
      %lt3A_446 = arith.cmpi slt, %add3A_444, %lt3A_445 : i32
      %convert_element_type3A_447 = arith.extui %lt3A_446 : i1 to i32
      %cond3A_448 = arith.constant 0 : i32
      %cond3A_449 = arith.cmpi ne, %convert_element_type3A_447, %cond3A_448 : i32
      scf.if %cond3A_449 {
        %add3A_698 = arith.constant 2 : i32
        %add3A_699 = arith.addi %add3A_151, %add3A_698 : i32
        %jit3A_700 = arith.constant 8 : i32
        %div3A_701 = arith.divsi %add3A_699, %jit3A_700 : i32
        %sign3A_702 = arith.constant 0 : i32
        %sign3A_703 = arith.cmpi sgt, %add3A_699, %sign3A_702 : i32
        %sign3A_704 = arith.extui %sign3A_703 : i1 to i32
        %sign3A_705 = arith.constant 0 : i32
        %sign3A_706 = arith.cmpi slt, %add3A_699, %sign3A_705 : i32
        %sign3A_707 = arith.extui %sign3A_706 : i1 to i32
        %sign3A_708 = arith.subi %sign3A_704, %sign3A_707 : i32
        %sign3A_709 = arith.constant 0 : i32
        %sign3A_710 = arith.cmpi sgt, %jit3A_700, %sign3A_709 : i32
        %sign3A_711 = arith.extui %sign3A_710 : i1 to i32
        %sign3A_712 = arith.constant 0 : i32
        %sign3A_713 = arith.cmpi slt, %jit3A_700, %sign3A_712 : i32
        %sign3A_714 = arith.extui %sign3A_713 : i1 to i32
        %sign3A_715 = arith.subi %sign3A_711, %sign3A_714 : i32
        %ne3A_716 = arith.cmpi ne, %sign3A_708, %sign3A_715 : i32
        %rem3A_717 = arith.remsi %add3A_699, %jit3A_700 : i32
        %ne3A_718 = arith.constant 0 : i32
        %ne3A_719 = arith.cmpi ne, %rem3A_717, %ne3A_718 : i32
        %and3A_720 = arith.andi %ne3A_716, %ne3A_719 : i1
        %sub3A_721 = arith.constant 1 : i32
        %sub3A_722 = arith.subi %div3A_701, %sub3A_721 : i32
        %select_n3A_723 = arith.select %and3A_720, %sub3A_722, %div3A_701 : i32
        %jit3A_724 = arith.constant 8 : i32
        %eq3A_725 = arith.constant 0 : i32
        %eq3A_726 = arith.cmpi eq, %jit3A_724, %eq3A_725 : i32
        %jit3A_727 = arith.constant 1 : i32
        %select_n3A_728 = arith.select %eq3A_726, %jit3A_727, %jit3A_724 : i32
        %rem3A_729 = arith.remsi %add3A_699, %select_n3A_728 : i32
        %ne3A_730 = arith.constant 0 : i32
        %ne3A_731 = arith.cmpi ne, %rem3A_729, %ne3A_730 : i32
        %lt3A_732 = arith.constant 0 : i32
        %lt3A_733 = arith.cmpi slt, %rem3A_729, %lt3A_732 : i32
        %lt3A_734 = arith.constant 0 : i32
        %lt3A_735 = arith.cmpi slt, %select_n3A_728, %lt3A_734 : i32
        %ne3A_736 = arith.xori %lt3A_733, %lt3A_735 : i1
        %and3A_737 = arith.andi %ne3A_736, %ne3A_731 : i1
        %add3A_738 = arith.addi %rem3A_729, %select_n3A_728 : i32
        %select_n3A_739 = arith.select %and3A_737, %add3A_738, %rem3A_729 : i32
        %mul3A_740 = arith.constant 4 : i32
        %mul3A_741 = arith.muli %mul3A_740, %select_n3A_739 : i32
        %run_scoped3A_742 = arith.constant 0 : i32
        "tpu.region"() ({
          %run_scoped3A_795 = tpu.sem_alloc : memref<!tpu.dma_semaphore, #tpu.memory_space<semaphore_mem>>
          %dma_start3A_796 = arith.constant 0 : i32
          %dma_start3A_797 = arith.constant 0 : i32
          %dma_start3A_798 = tpu.memref_slice %arg5[%run_scoped3A_742, %dma_start3A_796, %dma_start3A_797] : memref<2x4x128xi32, #tpu.memory_space<vmem>> -> memref<1x4x128xi32, #tpu.memory_space<vmem>>
          %dma_start3A_799 = tpu.memref_squeeze %dma_start3A_798 : memref<1x4x128xi32, #tpu.memory_space<vmem>> -> memref<4x128xi32, #tpu.memory_space<vmem>>
          %dma_start3A_800 = arith.constant 0 : i32
          %dma_start3A_801 = tpu.memref_slice %arg2[%select_n3A_723, %mul3A_741, %dma_start3A_800] : memref<200x32x128xi32, #tpu.memory_space<hbm>> -> memref<1x4x128xi32, #tpu.memory_space<hbm>>
          %dma_start3A_802 = tpu.memref_squeeze %dma_start3A_801 : memref<1x4x128xi32, #tpu.memory_space<hbm>> -> memref<4x128xi32, #tpu.memory_space<hbm>>
          %dma_start3A_803 = arith.constant 0 : i32
          %dma_start3A_804 = arith.constant 0 : i32
          %dma_start3A_805 = tpu.memref_slice %arg5[%run_scoped3A_742, %dma_start3A_803, %dma_start3A_804] : memref<2x4x128xi32, #tpu.memory_space<vmem>> -> memref<1x4x128xi32, #tpu.memory_space<vmem>>
          %dma_start3A_806 = tpu.memref_squeeze %dma_start3A_805 : memref<1x4x128xi32, #tpu.memory_space<vmem>> -> memref<4x128xi32, #tpu.memory_space<vmem>>
          %dma_start3A_807 = arith.constant 0 : i32
          %dma_start3A_808 = tpu.memref_slice %arg2[%select_n3A_723, %mul3A_741, %dma_start3A_807] : memref<200x32x128xi32, #tpu.memory_space<hbm>> -> memref<1x4x128xi32, #tpu.memory_space<hbm>>
          %dma_start3A_809 = tpu.memref_squeeze %dma_start3A_808 : memref<1x4x128xi32, #tpu.memory_space<hbm>> -> memref<4x128xi32, #tpu.memory_space<hbm>>
          tpu.enqueue_dma source(%dma_start3A_809 : memref<4x128xi32, #tpu.memory_space<hbm>>) target(%dma_start3A_806 : memref<4x128xi32, #tpu.memory_space<vmem>>) target_semaphore(%run_scoped3A_795 : memref<!tpu.dma_semaphore, #tpu.memory_space<semaphore_mem>>)
          %dma_wait3A_810 = arith.constant 0 : i32
          %dma_wait3A_811 = arith.constant 0 : i32
          %dma_wait3A_812 = tpu.memref_slice %arg5[%run_scoped3A_742, %dma_wait3A_810, %dma_wait3A_811] : memref<2x4x128xi32, #tpu.memory_space<vmem>> -> memref<1x4x128xi32, #tpu.memory_space<vmem>>
          %dma_wait3A_813 = tpu.memref_squeeze %dma_wait3A_812 : memref<1x4x128xi32, #tpu.memory_space<vmem>> -> memref<4x128xi32, #tpu.memory_space<vmem>>
          %dma_wait3A_814 = arith.constant 0 : i32
          %dma_wait3A_815 = tpu.memref_slice %arg2[%select_n3A_723, %mul3A_741, %dma_wait3A_814] : memref<200x32x128xi32, #tpu.memory_space<hbm>> -> memref<1x4x128xi32, #tpu.memory_space<hbm>>
          %dma_wait3A_816 = tpu.memref_squeeze %dma_wait3A_815 : memref<1x4x128xi32, #tpu.memory_space<hbm>> -> memref<4x128xi32, #tpu.memory_space<hbm>>
          %dma_wait3A_817 = arith.constant 0 : i32
          %dma_wait3A_818 = arith.constant 0 : i32
          %dma_wait3A_819 = tpu.memref_slice %arg5[%run_scoped3A_742, %dma_wait3A_817, %dma_wait3A_818] : memref<2x4x128xi32, #tpu.memory_space<vmem>> -> memref<1x4x128xi32, #tpu.memory_space<vmem>>
          %dma_wait3A_820 = tpu.memref_squeeze %dma_wait3A_819 : memref<1x4x128xi32, #tpu.memory_space<vmem>> -> memref<4x128xi32, #tpu.memory_space<vmem>>
          %dma_wait3A_821 = arith.constant 0 : i32
          %dma_wait3A_822 = tpu.memref_slice %arg2[%select_n3A_723, %mul3A_741, %dma_wait3A_821] : memref<200x32x128xi32, #tpu.memory_space<hbm>> -> memref<1x4x128xi32, #tpu.memory_space<hbm>>
          %dma_wait3A_823 = tpu.memref_squeeze %dma_wait3A_822 : memref<1x4x128xi32, #tpu.memory_space<hbm>> -> memref<4x128xi32, #tpu.memory_space<hbm>>
          tpu.wait_dma2 semaphore(%run_scoped3A_795 : memref<!tpu.dma_semaphore, #tpu.memory_space<semaphore_mem>>) src(%dma_wait3A_823 : memref<4x128xi32, #tpu.memory_space<hbm>>) dst(%dma_wait3A_820 : memref<4x128xi32, #tpu.memory_space<vmem>>)
          tpu.yield
        }) : () -> ()
        %dma_start3A_743 = arith.constant 0 : i32
        %dma_start3A_744 = arith.constant 0 : i32
        %dma_start3A_745 = arith.constant 0 : i32
        %dma_start3A_746 = arith.constant 0 : i32
        %dma_start3A_747 = arith.constant 0 : i32
        %dma_start3A_748 = tpu.memref_slice %arg6[%dma_start3A_745, %dma_start3A_746, %dma_start3A_747] : memref<2x512x64xf32, #tpu.memory_space<vmem>> -> memref<1x128x64xf32, #tpu.memory_space<vmem>>
        %dma_start3A_749 = tpu.memref_squeeze %dma_start3A_748 : memref<1x128x64xf32, #tpu.memory_space<vmem>> -> memref<128x64xf32, #tpu.memory_space<vmem>>
        %dma_start3A_750 = arith.constant 0 : i32
        %dma_start3A_751 = tpu.memref_slice %arg5[%dma_start3A_743, %dma_start3A_744, %dma_start3A_750] : memref<2x4x128xi32, #tpu.memory_space<vmem>> -> memref<1x1x128xi32, #tpu.memory_space<vmem>>
        %dma_start3A_752 = tpu.memref_squeeze %dma_start3A_751 : memref<1x1x128xi32, #tpu.memory_space<vmem>> -> memref<128xi32, #tpu.memory_space<vmem>>
        %dma_start3A_753 = arith.constant 0 : i32
        %dma_start3A_754 = arith.constant 0 : i32
        %dma_start3A_755 = tpu.memref_slice %arg3[%dma_start3A_753, %dma_start3A_754] : memref<1000001x64xf32, #tpu.memory_space<hbm>> -> memref<1000001x64xf32, #tpu.memory_space<hbm>>
        tpu.enqueue_indirect_dma source(%dma_start3A_755 : memref<1000001x64xf32, #tpu.memory_space<hbm>>) target(%dma_start3A_749 : memref<128x64xf32, #tpu.memory_space<vmem>>) offsets(%dma_start3A_752 : memref<128xi32, #tpu.memory_space<vmem>>) semaphore(%arg8 : memref<!tpu.dma_semaphore, #tpu.memory_space<semaphore_mem>>)
        %dma_start3A_756 = arith.constant 0 : i32
        %dma_start3A_757 = arith.constant 1 : i32
        %dma_start3A_758 = arith.constant 0 : i32
        %dma_start3A_759 = arith.constant 128 : i32
        %dma_start3A_760 = arith.constant 0 : i32
        %dma_start3A_761 = tpu.memref_slice %arg6[%dma_start3A_758, %dma_start3A_759, %dma_start3A_760] : memref<2x512x64xf32, #tpu.memory_space<vmem>> -> memref<1x128x64xf32, #tpu.memory_space<vmem>>
        %dma_start3A_762 = tpu.memref_squeeze %dma_start3A_761 : memref<1x128x64xf32, #tpu.memory_space<vmem>> -> memref<128x64xf32, #tpu.memory_space<vmem>>
        %dma_start3A_763 = arith.constant 0 : i32
        %dma_start3A_764 = tpu.memref_slice %arg5[%dma_start3A_756, %dma_start3A_757, %dma_start3A_763] : memref<2x4x128xi32, #tpu.memory_space<vmem>> -> memref<1x1x128xi32, #tpu.memory_space<vmem>>
        %dma_start3A_765 = tpu.memref_squeeze %dma_start3A_764 : memref<1x1x128xi32, #tpu.memory_space<vmem>> -> memref<128xi32, #tpu.memory_space<vmem>>
        %dma_start3A_766 = arith.constant 0 : i32
        %dma_start3A_767 = arith.constant 0 : i32
        %dma_start3A_768 = tpu.memref_slice %arg3[%dma_start3A_766, %dma_start3A_767] : memref<1000001x64xf32, #tpu.memory_space<hbm>> -> memref<1000001x64xf32, #tpu.memory_space<hbm>>
        tpu.enqueue_indirect_dma source(%dma_start3A_768 : memref<1000001x64xf32, #tpu.memory_space<hbm>>) target(%dma_start3A_762 : memref<128x64xf32, #tpu.memory_space<vmem>>) offsets(%dma_start3A_765 : memref<128xi32, #tpu.memory_space<vmem>>) semaphore(%arg8 : memref<!tpu.dma_semaphore, #tpu.memory_space<semaphore_mem>>)
        %dma_start3A_769 = arith.constant 0 : i32
        %dma_start3A_770 = arith.constant 2 : i32
        %dma_start3A_771 = arith.constant 0 : i32
        %dma_start3A_772 = arith.constant 256 : i32
        %dma_start3A_773 = arith.constant 0 : i32
        %dma_start3A_774 = tpu.memref_slice %arg6[%dma_start3A_771, %dma_start3A_772, %dma_start3A_773] : memref<2x512x64xf32, #tpu.memory_space<vmem>> -> memref<1x128x64xf32, #tpu.memory_space<vmem>>
        %dma_start3A_775 = tpu.memref_squeeze %dma_start3A_774 : memref<1x128x64xf32, #tpu.memory_space<vmem>> -> memref<128x64xf32, #tpu.memory_space<vmem>>
        %dma_start3A_776 = arith.constant 0 : i32
        %dma_start3A_777 = tpu.memref_slice %arg5[%dma_start3A_769, %dma_start3A_770, %dma_start3A_776] : memref<2x4x128xi32, #tpu.memory_space<vmem>> -> memref<1x1x128xi32, #tpu.memory_space<vmem>>
        %dma_start3A_778 = tpu.memref_squeeze %dma_start3A_777 : memref<1x1x128xi32, #tpu.memory_space<vmem>> -> memref<128xi32, #tpu.memory_space<vmem>>
        %dma_start3A_779 = arith.constant 0 : i32
        %dma_start3A_780 = arith.constant 0 : i32
        %dma_start3A_781 = tpu.memref_slice %arg3[%dma_start3A_779, %dma_start3A_780] : memref<1000001x64xf32, #tpu.memory_space<hbm>> -> memref<1000001x64xf32, #tpu.memory_space<hbm>>
        tpu.enqueue_indirect_dma source(%dma_start3A_781 : memref<1000001x64xf32, #tpu.memory_space<hbm>>) target(%dma_start3A_775 : memref<128x64xf32, #tpu.memory_space<vmem>>) offsets(%dma_start3A_778 : memref<128xi32, #tpu.memory_space<vmem>>) semaphore(%arg8 : memref<!tpu.dma_semaphore, #tpu.memory_space<semaphore_mem>>)
        %dma_start3A_782 = arith.constant 0 : i32
        %dma_start3A_783 = arith.constant 3 : i32
        %dma_start3A_784 = arith.constant 0 : i32
        %dma_start3A_785 = arith.constant 384 : i32
        %dma_start3A_786 = arith.constant 0 : i32
        %dma_start3A_787 = tpu.memref_slice %arg6[%dma_start3A_784, %dma_start3A_785, %dma_start3A_786] : memref<2x512x64xf32, #tpu.memory_space<vmem>> -> memref<1x128x64xf32, #tpu.memory_space<vmem>>
        %dma_start3A_788 = tpu.memref_squeeze %dma_start3A_787 : memref<1x128x64xf32, #tpu.memory_space<vmem>> -> memref<128x64xf32, #tpu.memory_space<vmem>>
        %dma_start3A_789 = arith.constant 0 : i32
        %dma_start3A_790 = tpu.memref_slice %arg5[%dma_start3A_782, %dma_start3A_783, %dma_start3A_789] : memref<2x4x128xi32, #tpu.memory_space<vmem>> -> memref<1x1x128xi32, #tpu.memory_space<vmem>>
        %dma_start3A_791 = tpu.memref_squeeze %dma_start3A_790 : memref<1x1x128xi32, #tpu.memory_space<vmem>> -> memref<128xi32, #tpu.memory_space<vmem>>
        %dma_start3A_792 = arith.constant 0 : i32
        %dma_start3A_793 = arith.constant 0 : i32
        %dma_start3A_794 = tpu.memref_slice %arg3[%dma_start3A_792, %dma_start3A_793] : memref<1000001x64xf32, #tpu.memory_space<hbm>> -> memref<1000001x64xf32, #tpu.memory_space<hbm>>
        tpu.enqueue_indirect_dma source(%dma_start3A_794 : memref<1000001x64xf32, #tpu.memory_space<hbm>>) target(%dma_start3A_788 : memref<128x64xf32, #tpu.memory_space<vmem>>) offsets(%dma_start3A_791 : memref<128xi32, #tpu.memory_space<vmem>>) semaphore(%arg8 : memref<!tpu.dma_semaphore, #tpu.memory_space<semaphore_mem>>)
      } else {
      }
      %jit3A_450 = arith.constant 8 : i32
      %div3A_451 = arith.divsi %add3A_151, %jit3A_450 : i32
      %sign3A_452 = arith.constant 0 : i32
      %sign3A_453 = arith.cmpi sgt, %add3A_151, %sign3A_452 : i32
      %sign3A_454 = arith.extui %sign3A_453 : i1 to i32
      %sign3A_455 = arith.constant 0 : i32
      %sign3A_456 = arith.cmpi slt, %add3A_151, %sign3A_455 : i32
      %sign3A_457 = arith.extui %sign3A_456 : i1 to i32
      %sign3A_458 = arith.subi %sign3A_454, %sign3A_457 : i32
      %sign3A_459 = arith.constant 0 : i32
      %sign3A_460 = arith.cmpi sgt, %jit3A_450, %sign3A_459 : i32
      %sign3A_461 = arith.extui %sign3A_460 : i1 to i32
      %sign3A_462 = arith.constant 0 : i32
      %sign3A_463 = arith.cmpi slt, %jit3A_450, %sign3A_462 : i32
      %sign3A_464 = arith.extui %sign3A_463 : i1 to i32
      %sign3A_465 = arith.subi %sign3A_461, %sign3A_464 : i32
      %ne3A_466 = arith.cmpi ne, %sign3A_458, %sign3A_465 : i32
      %rem3A_467 = arith.remsi %add3A_151, %jit3A_450 : i32
      %ne3A_468 = arith.constant 0 : i32
      %ne3A_469 = arith.cmpi ne, %rem3A_467, %ne3A_468 : i32
      %and3A_470 = arith.andi %ne3A_466, %ne3A_469 : i1
      %sub3A_471 = arith.constant 1 : i32
      %sub3A_472 = arith.subi %div3A_451, %sub3A_471 : i32
      %select_n3A_473 = arith.select %and3A_470, %sub3A_472, %div3A_451 : i32
      %jit3A_474 = arith.constant 8 : i32
      %eq3A_475 = arith.constant 0 : i32
      %eq3A_476 = arith.cmpi eq, %jit3A_474, %eq3A_475 : i32
      %jit3A_477 = arith.constant 1 : i32
      %select_n3A_478 = arith.select %eq3A_476, %jit3A_477, %jit3A_474 : i32
      %rem3A_479 = arith.remsi %add3A_151, %select_n3A_478 : i32
      %ne3A_480 = arith.constant 0 : i32
      %ne3A_481 = arith.cmpi ne, %rem3A_479, %ne3A_480 : i32
      %lt3A_482 = arith.constant 0 : i32
      %lt3A_483 = arith.cmpi slt, %rem3A_479, %lt3A_482 : i32
      %lt3A_484 = arith.constant 0 : i32
      %lt3A_485 = arith.cmpi slt, %select_n3A_478, %lt3A_484 : i32
      %ne3A_486 = arith.xori %lt3A_483, %lt3A_485 : i1
      %and3A_487 = arith.andi %ne3A_486, %ne3A_481 : i1
      %add3A_488 = arith.addi %rem3A_479, %select_n3A_478 : i32
      %select_n3A_489 = arith.select %and3A_487, %add3A_488, %rem3A_479 : i32
      %mul3A_490 = arith.constant 512 : i32
      %mul3A_491 = arith.muli %mul3A_490, %select_n3A_489 : i32
      %dma_wait3A_492 = arith.constant 0 : i32
      %dma_wait3A_493 = arith.constant 0 : i32
      %dma_wait3A_494 = tpu.memref_slice %arg7[%dma_wait3A_492, %dma_wait3A_493] : memref<64x513xf32, #tpu.memory_space<vmem>> -> memref<64x512xf32, #tpu.memory_space<vmem>>
      %dma_wait3A_495 = arith.constant 0 : i32
      %dma_wait3A_496 = tpu.memref_slice %arg4[%select_n3A_473, %dma_wait3A_495, %mul3A_491] : memref<200x64x4096xf32, #tpu.memory_space<hbm>> -> memref<1x64x512xf32, #tpu.memory_space<hbm>>
      %dma_wait3A_497 = tpu.memref_squeeze %dma_wait3A_496 : memref<1x64x512xf32, #tpu.memory_space<hbm>> -> memref<64x512xf32, #tpu.memory_space<hbm>>
      %dma_wait3A_498 = arith.constant 0 : i32
      %dma_wait3A_499 = tpu.memref_slice %arg4[%select_n3A_473, %dma_wait3A_498, %mul3A_491] : memref<200x64x4096xf32, #tpu.memory_space<hbm>> -> memref<1x64x512xf32, #tpu.memory_space<hbm>>
      %dma_wait3A_500 = tpu.memref_squeeze %dma_wait3A_499 : memref<1x64x512xf32, #tpu.memory_space<hbm>> -> memref<64x512xf32, #tpu.memory_space<hbm>>
      %dma_wait3A_501 = arith.constant 0 : i32
      %dma_wait3A_502 = arith.constant 0 : i32
      %dma_wait3A_503 = tpu.memref_slice %arg7[%dma_wait3A_501, %dma_wait3A_502] : memref<64x513xf32, #tpu.memory_space<vmem>> -> memref<64x512xf32, #tpu.memory_space<vmem>>
      tpu.wait_dma2 semaphore(%arg10 : memref<!tpu.dma_semaphore, #tpu.memory_space<semaphore_mem>>) src(%dma_wait3A_503 : memref<64x512xf32, #tpu.memory_space<vmem>>) dst(%dma_wait3A_500 : memref<64x512xf32, #tpu.memory_space<hbm>>)
      %dma_wait3A_504 = arith.constant 1 : i32
      %dma_wait3A_505 = arith.constant 0 : i32
      %dma_wait3A_506 = arith.constant 1 : i32
      %dma_wait3A_507 = arith.constant 0 : i32
      %dma_wait3A_508 = arith.constant 0 : i32
      %dma_wait3A_509 = tpu.memref_slice %arg6[%dma_wait3A_506, %dma_wait3A_507, %dma_wait3A_508] : memref<2x512x64xf32, #tpu.memory_space<vmem>> -> memref<1x128x64xf32, #tpu.memory_space<vmem>>
      %dma_wait3A_510 = tpu.memref_squeeze %dma_wait3A_509 : memref<1x128x64xf32, #tpu.memory_space<vmem>> -> memref<128x64xf32, #tpu.memory_space<vmem>>
      %dma_wait3A_511 = arith.constant 0 : i32
      %dma_wait3A_512 = tpu.memref_slice %arg5[%dma_wait3A_504, %dma_wait3A_505, %dma_wait3A_511] : memref<2x4x128xi32, #tpu.memory_space<vmem>> -> memref<1x1x128xi32, #tpu.memory_space<vmem>>
      %dma_wait3A_513 = tpu.memref_squeeze %dma_wait3A_512 : memref<1x1x128xi32, #tpu.memory_space<vmem>> -> memref<128xi32, #tpu.memory_space<vmem>>
      %dma_wait3A_514 = arith.constant 0 : i32
      %dma_wait3A_515 = arith.constant 0 : i32
      %dma_wait3A_516 = tpu.memref_slice %arg3[%dma_wait3A_514, %dma_wait3A_515] : memref<1000001x64xf32, #tpu.memory_space<hbm>> -> memref<1000001x64xf32, #tpu.memory_space<hbm>>
      tpu.wait_indirect_dma semaphore(%arg9 : memref<!tpu.dma_semaphore, #tpu.memory_space<semaphore_mem>>) src(%dma_wait3A_516 : memref<1000001x64xf32, #tpu.memory_space<hbm>>) dst(%dma_wait3A_510 : memref<128x64xf32, #tpu.memory_space<vmem>>)
      %iota3A_517 = tpu.iota {dimensions = array<i32: 0>} : vector<16xi32>
      %add3A_518 = arith.constant 0 : i32
      %add3A_519 = vector.broadcast %add3A_518 : i32 to vector<16xi32>
      %add3A_520 = arith.addi %iota3A_517, %add3A_519 : vector<16xi32>
      %add3A_521 = arith.constant 16 : i32
      %add3A_522 = vector.broadcast %add3A_521 : i32 to vector<16xi32>
      %add3A_523 = arith.addi %iota3A_517, %add3A_522 : vector<16xi32>
      %add3A_524 = arith.constant 32 : i32
      %add3A_525 = vector.broadcast %add3A_524 : i32 to vector<16xi32>
      %add3A_526 = arith.addi %iota3A_517, %add3A_525 : vector<16xi32>
      %add3A_527 = arith.constant 48 : i32
      %add3A_528 = vector.broadcast %add3A_527 : i32 to vector<16xi32>
      %add3A_529 = arith.addi %iota3A_517, %add3A_528 : vector<16xi32>
      %broadcast_in_dim3A_530 = arith.constant 0 : i32
      %broadcast_in_dim3A_531 = vector.broadcast %broadcast_in_dim3A_530 : i32 to vector<16xi32>
      %scan3A_532 = arith.constant 1 : i32
      %scan3A_533 = arith.constant 0 : i32
      %scan3A_534 = arith.constant 128 : i32
      %scan3A_535 = arith.addi %scan3A_533, %scan3A_534 : i32
      %scan3A_536 = arith.constant 8 : i32
      %scan3A_537 = scf.for %scan3A_698 = %scan3A_533 to %scan3A_535 step %scan3A_536 iter_args(%scan3A_699 = %broadcast_in_dim3A_531) -> (vector<16xi32>)  : i32 {
        %get3A = arith.constant 0 : i32
        %get3A_700 = arith.constant 0 : i32
        %get3A_701 = tpu.memref_slice %arg6[%scan3A_532, %get3A, %get3A_700] : memref<2x512x64xf32, #tpu.memory_space<vmem>> -> memref<1x512x64xf32, #tpu.memory_space<vmem>>
        %get3A_702 = tpu.memref_squeeze %get3A_701 : memref<1x512x64xf32, #tpu.memory_space<vmem>> -> memref<512x64xf32, #tpu.memory_space<vmem>>
        %get3A_703 = arith.index_cast %scan3A_698 : i32 to index
        %get3A_704 = arith.constant 0 : index
        %get3A_705 = tpu.vector_load %get3A_702[%get3A_703, %get3A_704] {strides = array<i32>} : memref<512x64xf32, #tpu.memory_space<vmem>>, vector<16xf32>,
        %get3A_706 = arith.constant 0 : i32
        %get3A_707 = arith.constant 0 : i32
        %get3A_708 = tpu.memref_slice %arg6[%scan3A_532, %get3A_706, %get3A_707] : memref<2x512x64xf32, #tpu.memory_space<vmem>> -> memref<1x512x64xf32, #tpu.memory_space<vmem>>
        %get3A_709 = tpu.memref_squeeze %get3A_708 : memref<1x512x64xf32, #tpu.memory_space<vmem>> -> memref<512x64xf32, #tpu.memory_space<vmem>>
        %get3A_710 = arith.index_cast %scan3A_698 : i32 to index
        %get3A_711 = arith.constant 16 : index
        %get3A_712 = tpu.vector_load %get3A_709[%get3A_710, %get3A_711] {strides = array<i32>} : memref<512x64xf32, #tpu.memory_space<vmem>>, vector<16xf32>,
        %get3A_713 = arith.constant 0 : i32
        %get3A_714 = arith.constant 0 : i32
        %get3A_715 = tpu.memref_slice %arg6[%scan3A_532, %get3A_713, %get3A_714] : memref<2x512x64xf32, #tpu.memory_space<vmem>> -> memref<1x512x64xf32, #tpu.memory_space<vmem>>
        %get3A_716 = tpu.memref_squeeze %get3A_715 : memref<1x512x64xf32, #tpu.memory_space<vmem>> -> memref<512x64xf32, #tpu.memory_space<vmem>>
        %get3A_717 = arith.index_cast %scan3A_698 : i32 to index
        %get3A_718 = arith.constant 32 : index
        %get3A_719 = tpu.vector_load %get3A_716[%get3A_717, %get3A_718] {strides = array<i32>} : memref<512x64xf32, #tpu.memory_space<vmem>>, vector<16xf32>,
        %get3A_720 = arith.constant 0 : i32
        %get3A_721 = arith.constant 0 : i32
        %get3A_722 = tpu.memref_slice %arg6[%scan3A_532, %get3A_720, %get3A_721] : memref<2x512x64xf32, #tpu.memory_space<vmem>> -> memref<1x512x64xf32, #tpu.memory_space<vmem>>
        %get3A_723 = tpu.memref_squeeze %get3A_722 : memref<1x512x64xf32, #tpu.memory_space<vmem>> -> memref<512x64xf32, #tpu.memory_space<vmem>>
        %get3A_724 = arith.index_cast %scan3A_698 : i32 to index
        %get3A_725 = arith.constant 48 : index
        %get3A_726 = tpu.vector_load %get3A_723[%get3A_724, %get3A_725] {strides = array<i32>} : memref<512x64xf32, #tpu.memory_space<vmem>>, vector<16xf32>,
        tpu.vector_store_idx %arg7[%add3A_520, %scan3A_699], %get3A_705 : memref<64x513xf32, #tpu.memory_space<vmem>>[vector<16xi32>, vector<16xi32>], vector<16xf32>,
        tpu.vector_store_idx %arg7[%add3A_523, %scan3A_699], %get3A_712 : memref<64x513xf32, #tpu.memory_space<vmem>>[vector<16xi32>, vector<16xi32>], vector<16xf32>,
        tpu.vector_store_idx %arg7[%add3A_526, %scan3A_699], %get3A_719 : memref<64x513xf32, #tpu.memory_space<vmem>>[vector<16xi32>, vector<16xi32>], vector<16xf32>,
        tpu.vector_store_idx %arg7[%add3A_529, %scan3A_699], %get3A_726 : memref<64x513xf32, #tpu.memory_space<vmem>>[vector<16xi32>, vector<16xi32>], vector<16xf32>,
        %add3A_727 = arith.constant 1 : i32
        %add3A_728 = vector.broadcast %add3A_727 : i32 to vector<16xi32>
        %add3A_729 = arith.addi %scan3A_699, %add3A_728 : vector<16xi32>
        %scan3A_730 = arith.constant 1 : i32
        %scan3A_731 = arith.addi %scan3A_698, %scan3A_730 : i32
        %get3A_732 = arith.constant 0 : i32
        %get3A_733 = arith.constant 0 : i32
        %get3A_734 = tpu.memref_slice %arg6[%scan3A_532, %get3A_732, %get3A_733] : memref<2x512x64xf32, #tpu.memory_space<vmem>> -> memref<1x512x64xf32, #tpu.memory_space<vmem>>
        %get3A_735 = tpu.memref_squeeze %get3A_734 : memref<1x512x64xf32, #tpu.memory_space<vmem>> -> memref<512x64xf32, #tpu.memory_space<vmem>>
        %get3A_736 = arith.index_cast %scan3A_731 : i32 to index
        %get3A_737 = arith.constant 0 : index
        %get3A_738 = tpu.vector_load %get3A_735[%get3A_736, %get3A_737] {strides = array<i32>} : memref<512x64xf32, #tpu.memory_space<vmem>>, vector<16xf32>,
        %get3A_739 = arith.constant 0 : i32
        %get3A_740 = arith.constant 0 : i32
        %get3A_741 = tpu.memref_slice %arg6[%scan3A_532, %get3A_739, %get3A_740] : memref<2x512x64xf32, #tpu.memory_space<vmem>> -> memref<1x512x64xf32, #tpu.memory_space<vmem>>
        %get3A_742 = tpu.memref_squeeze %get3A_741 : memref<1x512x64xf32, #tpu.memory_space<vmem>> -> memref<512x64xf32, #tpu.memory_space<vmem>>
        %get3A_743 = arith.index_cast %scan3A_731 : i32 to index
        %get3A_744 = arith.constant 16 : index
        %get3A_745 = tpu.vector_load %get3A_742[%get3A_743, %get3A_744] {strides = array<i32>} : memref<512x64xf32, #tpu.memory_space<vmem>>, vector<16xf32>,
        %get3A_746 = arith.constant 0 : i32
        %get3A_747 = arith.constant 0 : i32
        %get3A_748 = tpu.memref_slice %arg6[%scan3A_532, %get3A_746, %get3A_747] : memref<2x512x64xf32, #tpu.memory_space<vmem>> -> memref<1x512x64xf32, #tpu.memory_space<vmem>>
        %get3A_749 = tpu.memref_squeeze %get3A_748 : memref<1x512x64xf32, #tpu.memory_space<vmem>> -> memref<512x64xf32, #tpu.memory_space<vmem>>
        %get3A_750 = arith.index_cast %scan3A_731 : i32 to index
        %get3A_751 = arith.constant 32 : index
        %get3A_752 = tpu.vector_load %get3A_749[%get3A_750, %get3A_751] {strides = array<i32>} : memref<512x64xf32, #tpu.memory_space<vmem>>, vector<16xf32>,
        %get3A_753 = arith.constant 0 : i32
        %get3A_754 = arith.constant 0 : i32
        %get3A_755 = tpu.memref_slice %arg6[%scan3A_532, %get3A_753, %get3A_754] : memref<2x512x64xf32, #tpu.memory_space<vmem>> -> memref<1x512x64xf32, #tpu.memory_space<vmem>>
        %get3A_756 = tpu.memref_squeeze %get3A_755 : memref<1x512x64xf32, #tpu.memory_space<vmem>> -> memref<512x64xf32, #tpu.memory_space<vmem>>
        %get3A_757 = arith.index_cast %scan3A_731 : i32 to index
        %get3A_758 = arith.constant 48 : index
        %get3A_759 = tpu.vector_load %get3A_756[%get3A_757, %get3A_758] {strides = array<i32>} : memref<512x64xf32, #tpu.memory_space<vmem>>, vector<16xf32>,
        tpu.vector_store_idx %arg7[%add3A_520, %add3A_729], %get3A_738 : memref<64x513xf32, #tpu.memory_space<vmem>>[vector<16xi32>, vector<16xi32>], vector<16xf32>,
        tpu.vector_store_idx %arg7[%add3A_523, %add3A_729], %get3A_745 : memref<64x513xf32, #tpu.memory_space<vmem>>[vector<16xi32>, vector<16xi32>], vector<16xf32>,
        tpu.vector_store_idx %arg7[%add3A_526, %add3A_729], %get3A_752 : memref<64x513xf32, #tpu.memory_space<vmem>>[vector<16xi32>, vector<16xi32>], vector<16xf32>,
        tpu.vector_store_idx %arg7[%add3A_529, %add3A_729], %get3A_759 : memref<64x513xf32, #tpu.memory_space<vmem>>[vector<16xi32>, vector<16xi32>], vector<16xf32>,
        %add3A_760 = arith.constant 1 : i32
        %add3A_761 = vector.broadcast %add3A_760 : i32 to vector<16xi32>
        %add3A_762 = arith.addi %add3A_729, %add3A_761 : vector<16xi32>
        %scan3A_763 = arith.constant 2 : i32
        %scan3A_764 = arith.addi %scan3A_698, %scan3A_763 : i32
        %get3A_765 = arith.constant 0 : i32
        %get3A_766 = arith.constant 0 : i32
        %get3A_767 = tpu.memref_slice %arg6[%scan3A_532, %get3A_765, %get3A_766] : memref<2x512x64xf32, #tpu.memory_space<vmem>> -> memref<1x512x64xf32, #tpu.memory_space<vmem>>
        %get3A_768 = tpu.memref_squeeze %get3A_767 : memref<1x512x64xf32, #tpu.memory_space<vmem>> -> memref<512x64xf32, #tpu.memory_space<vmem>>
        %get3A_769 = arith.index_cast %scan3A_764 : i32 to index
        %get3A_770 = arith.constant 0 : index
        %get3A_771 = tpu.vector_load %get3A_768[%get3A_769, %get3A_770] {strides = array<i32>} : memref<512x64xf32, #tpu.memory_space<vmem>>, vector<16xf32>,
        %get3A_772 = arith.constant 0 : i32
        %get3A_773 = arith.constant 0 : i32
        %get3A_774 = tpu.memref_slice %arg6[%scan3A_532, %get3A_772, %get3A_773] : memref<2x512x64xf32, #tpu.memory_space<vmem>> -> memref<1x512x64xf32, #tpu.memory_space<vmem>>
        %get3A_775 = tpu.memref_squeeze %get3A_774 : memref<1x512x64xf32, #tpu.memory_space<vmem>> -> memref<512x64xf32, #tpu.memory_space<vmem>>
        %get3A_776 = arith.index_cast %scan3A_764 : i32 to index
        %get3A_777 = arith.constant 16 : index
        %get3A_778 = tpu.vector_load %get3A_775[%get3A_776, %get3A_777] {strides = array<i32>} : memref<512x64xf32, #tpu.memory_space<vmem>>, vector<16xf32>,
        %get3A_779 = arith.constant 0 : i32
        %get3A_780 = arith.constant 0 : i32
        %get3A_781 = tpu.memref_slice %arg6[%scan3A_532, %get3A_779, %get3A_780] : memref<2x512x64xf32, #tpu.memory_space<vmem>> -> memref<1x512x64xf32, #tpu.memory_space<vmem>>
        %get3A_782 = tpu.memref_squeeze %get3A_781 : memref<1x512x64xf32, #tpu.memory_space<vmem>> -> memref<512x64xf32, #tpu.memory_space<vmem>>
        %get3A_783 = arith.index_cast %scan3A_764 : i32 to index
        %get3A_784 = arith.constant 32 : index
        %get3A_785 = tpu.vector_load %get3A_782[%get3A_783, %get3A_784] {strides = array<i32>} : memref<512x64xf32, #tpu.memory_space<vmem>>, vector<16xf32>,
        %get3A_786 = arith.constant 0 : i32
        %get3A_787 = arith.constant 0 : i32
        %get3A_788 = tpu.memref_slice %arg6[%scan3A_532, %get3A_786, %get3A_787] : memref<2x512x64xf32, #tpu.memory_space<vmem>> -> memref<1x512x64xf32, #tpu.memory_space<vmem>>
        %get3A_789 = tpu.memref_squeeze %get3A_788 : memref<1x512x64xf32, #tpu.memory_space<vmem>> -> memref<512x64xf32, #tpu.memory_space<vmem>>
        %get3A_790 = arith.index_cast %scan3A_764 : i32 to index
        %get3A_791 = arith.constant 48 : index
        %get3A_792 = tpu.vector_load %get3A_789[%get3A_790, %get3A_791] {strides = array<i32>} : memref<512x64xf32, #tpu.memory_space<vmem>>, vector<16xf32>,
        tpu.vector_store_idx %arg7[%add3A_520, %add3A_762], %get3A_771 : memref<64x513xf32, #tpu.memory_space<vmem>>[vector<16xi32>, vector<16xi32>], vector<16xf32>,
        tpu.vector_store_idx %arg7[%add3A_523, %add3A_762], %get3A_778 : memref<64x513xf32, #tpu.memory_space<vmem>>[vector<16xi32>, vector<16xi32>], vector<16xf32>,
        tpu.vector_store_idx %arg7[%add3A_526, %add3A_762], %get3A_785 : memref<64x513xf32, #tpu.memory_space<vmem>>[vector<16xi32>, vector<16xi32>], vector<16xf32>,
        tpu.vector_store_idx %arg7[%add3A_529, %add3A_762], %get3A_792 : memref<64x513xf32, #tpu.memory_space<vmem>>[vector<16xi32>, vector<16xi32>], vector<16xf32>,
        %add3A_793 = arith.constant 1 : i32
        %add3A_794 = vector.broadcast %add3A_793 : i32 to vector<16xi32>
        %add3A_795 = arith.addi %add3A_762, %add3A_794 : vector<16xi32>
        %scan3A_796 = arith.constant 3 : i32
        %scan3A_797 = arith.addi %scan3A_698, %scan3A_796 : i32
        %get3A_798 = arith.constant 0 : i32
        %get3A_799 = arith.constant 0 : i32
        %get3A_800 = tpu.memref_slice %arg6[%scan3A_532, %get3A_798, %get3A_799] : memref<2x512x64xf32, #tpu.memory_space<vmem>> -> memref<1x512x64xf32, #tpu.memory_space<vmem>>
        %get3A_801 = tpu.memref_squeeze %get3A_800 : memref<1x512x64xf32, #tpu.memory_space<vmem>> -> memref<512x64xf32, #tpu.memory_space<vmem>>
        %get3A_802 = arith.index_cast %scan3A_797 : i32 to index
        %get3A_803 = arith.constant 0 : index
        %get3A_804 = tpu.vector_load %get3A_801[%get3A_802, %get3A_803] {strides = array<i32>} : memref<512x64xf32, #tpu.memory_space<vmem>>, vector<16xf32>,
        %get3A_805 = arith.constant 0 : i32
        %get3A_806 = arith.constant 0 : i32
        %get3A_807 = tpu.memref_slice %arg6[%scan3A_532, %get3A_805, %get3A_806] : memref<2x512x64xf32, #tpu.memory_space<vmem>> -> memref<1x512x64xf32, #tpu.memory_space<vmem>>
        %get3A_808 = tpu.memref_squeeze %get3A_807 : memref<1x512x64xf32, #tpu.memory_space<vmem>> -> memref<512x64xf32, #tpu.memory_space<vmem>>
        %get3A_809 = arith.index_cast %scan3A_797 : i32 to index
        %get3A_810 = arith.constant 16 : index
        %get3A_811 = tpu.vector_load %get3A_808[%get3A_809, %get3A_810] {strides = array<i32>} : memref<512x64xf32, #tpu.memory_space<vmem>>, vector<16xf32>,
        %get3A_812 = arith.constant 0 : i32
        %get3A_813 = arith.constant 0 : i32
        %get3A_814 = tpu.memref_slice %arg6[%scan3A_532, %get3A_812, %get3A_813] : memref<2x512x64xf32, #tpu.memory_space<vmem>> -> memref<1x512x64xf32, #tpu.memory_space<vmem>>
        %get3A_815 = tpu.memref_squeeze %get3A_814 : memref<1x512x64xf32, #tpu.memory_space<vmem>> -> memref<512x64xf32, #tpu.memory_space<vmem>>
        %get3A_816 = arith.index_cast %scan3A_797 : i32 to index
        %get3A_817 = arith.constant 32 : index
        %get3A_818 = tpu.vector_load %get3A_815[%get3A_816, %get3A_817] {strides = array<i32>} : memref<512x64xf32, #tpu.memory_space<vmem>>, vector<16xf32>,
        %get3A_819 = arith.constant 0 : i32
        %get3A_820 = arith.constant 0 : i32
        %get3A_821 = tpu.memref_slice %arg6[%scan3A_532, %get3A_819, %get3A_820] : memref<2x512x64xf32, #tpu.memory_space<vmem>> -> memref<1x512x64xf32, #tpu.memory_space<vmem>>
        %get3A_822 = tpu.memref_squeeze %get3A_821 : memref<1x512x64xf32, #tpu.memory_space<vmem>> -> memref<512x64xf32, #tpu.memory_space<vmem>>
        %get3A_823 = arith.index_cast %scan3A_797 : i32 to index
        %get3A_824 = arith.constant 48 : index
        %get3A_825 = tpu.vector_load %get3A_822[%get3A_823, %get3A_824] {strides = array<i32>} : memref<512x64xf32, #tpu.memory_space<vmem>>, vector<16xf32>,
        tpu.vector_store_idx %arg7[%add3A_520, %add3A_795], %get3A_804 : memref<64x513xf32, #tpu.memory_space<vmem>>[vector<16xi32>, vector<16xi32>], vector<16xf32>,
        tpu.vector_store_idx %arg7[%add3A_523, %add3A_795], %get3A_811 : memref<64x513xf32, #tpu.memory_space<vmem>>[vector<16xi32>, vector<16xi32>], vector<16xf32>,
        tpu.vector_store_idx %arg7[%add3A_526, %add3A_795], %get3A_818 : memref<64x513xf32, #tpu.memory_space<vmem>>[vector<16xi32>, vector<16xi32>], vector<16xf32>,
        tpu.vector_store_idx %arg7[%add3A_529, %add3A_795], %get3A_825 : memref<64x513xf32, #tpu.memory_space<vmem>>[vector<16xi32>, vector<16xi32>], vector<16xf32>,
        %add3A_826 = arith.constant 1 : i32
        %add3A_827 = vector.broadcast %add3A_826 : i32 to vector<16xi32>
        %add3A_828 = arith.addi %add3A_795, %add3A_827 : vector<16xi32>
        %scan3A_829 = arith.constant 4 : i32
        %scan3A_830 = arith.addi %scan3A_698, %scan3A_829 : i32
        %get3A_831 = arith.constant 0 : i32
        %get3A_832 = arith.constant 0 : i32
        %get3A_833 = tpu.memref_slice %arg6[%scan3A_532, %get3A_831, %get3A_832] : memref<2x512x64xf32, #tpu.memory_space<vmem>> -> memref<1x512x64xf32, #tpu.memory_space<vmem>>
        %get3A_834 = tpu.memref_squeeze %get3A_833 : memref<1x512x64xf32, #tpu.memory_space<vmem>> -> memref<512x64xf32, #tpu.memory_space<vmem>>
        %get3A_835 = arith.index_cast %scan3A_830 : i32 to index
        %get3A_836 = arith.constant 0 : index
        %get3A_837 = tpu.vector_load %get3A_834[%get3A_835, %get3A_836] {strides = array<i32>} : memref<512x64xf32, #tpu.memory_space<vmem>>, vector<16xf32>,
        %get3A_838 = arith.constant 0 : i32
        %get3A_839 = arith.constant 0 : i32
        %get3A_840 = tpu.memref_slice %arg6[%scan3A_532, %get3A_838, %get3A_839] : memref<2x512x64xf32, #tpu.memory_space<vmem>> -> memref<1x512x64xf32, #tpu.memory_space<vmem>>
        %get3A_841 = tpu.memref_squeeze %get3A_840 : memref<1x512x64xf32, #tpu.memory_space<vmem>> -> memref<512x64xf32, #tpu.memory_space<vmem>>
        %get3A_842 = arith.index_cast %scan3A_830 : i32 to index
        %get3A_843 = arith.constant 16 : index
        %get3A_844 = tpu.vector_load %get3A_841[%get3A_842, %get3A_843] {strides = array<i32>} : memref<512x64xf32, #tpu.memory_space<vmem>>, vector<16xf32>,
        %get3A_845 = arith.constant 0 : i32
        %get3A_846 = arith.constant 0 : i32
        %get3A_847 = tpu.memref_slice %arg6[%scan3A_532, %get3A_845, %get3A_846] : memref<2x512x64xf32, #tpu.memory_space<vmem>> -> memref<1x512x64xf32, #tpu.memory_space<vmem>>
        %get3A_848 = tpu.memref_squeeze %get3A_847 : memref<1x512x64xf32, #tpu.memory_space<vmem>> -> memref<512x64xf32, #tpu.memory_space<vmem>>
        %get3A_849 = arith.index_cast %scan3A_830 : i32 to index
        %get3A_850 = arith.constant 32 : index
        %get3A_851 = tpu.vector_load %get3A_848[%get3A_849, %get3A_850] {strides = array<i32>} : memref<512x64xf32, #tpu.memory_space<vmem>>, vector<16xf32>,
        %get3A_852 = arith.constant 0 : i32
        %get3A_853 = arith.constant 0 : i32
        %get3A_854 = tpu.memref_slice %arg6[%scan3A_532, %get3A_852, %get3A_853] : memref<2x512x64xf32, #tpu.memory_space<vmem>> -> memref<1x512x64xf32, #tpu.memory_space<vmem>>
        %get3A_855 = tpu.memref_squeeze %get3A_854 : memref<1x512x64xf32, #tpu.memory_space<vmem>> -> memref<512x64xf32, #tpu.memory_space<vmem>>
        %get3A_856 = arith.index_cast %scan3A_830 : i32 to index
        %get3A_857 = arith.constant 48 : index
        %get3A_858 = tpu.vector_load %get3A_855[%get3A_856, %get3A_857] {strides = array<i32>} : memref<512x64xf32, #tpu.memory_space<vmem>>, vector<16xf32>,
        tpu.vector_store_idx %arg7[%add3A_520, %add3A_828], %get3A_837 : memref<64x513xf32, #tpu.memory_space<vmem>>[vector<16xi32>, vector<16xi32>], vector<16xf32>,
        tpu.vector_store_idx %arg7[%add3A_523, %add3A_828], %get3A_844 : memref<64x513xf32, #tpu.memory_space<vmem>>[vector<16xi32>, vector<16xi32>], vector<16xf32>,
        tpu.vector_store_idx %arg7[%add3A_526, %add3A_828], %get3A_851 : memref<64x513xf32, #tpu.memory_space<vmem>>[vector<16xi32>, vector<16xi32>], vector<16xf32>,
        tpu.vector_store_idx %arg7[%add3A_529, %add3A_828], %get3A_858 : memref<64x513xf32, #tpu.memory_space<vmem>>[vector<16xi32>, vector<16xi32>], vector<16xf32>,
        %add3A_859 = arith.constant 1 : i32
        %add3A_860 = vector.broadcast %add3A_859 : i32 to vector<16xi32>
        %add3A_861 = arith.addi %add3A_828, %add3A_860 : vector<16xi32>
        %scan3A_862 = arith.constant 5 : i32
        %scan3A_863 = arith.addi %scan3A_698, %scan3A_862 : i32
        %get3A_864 = arith.constant 0 : i32
        %get3A_865 = arith.constant 0 : i32
        %get3A_866 = tpu.memref_slice %arg6[%scan3A_532, %get3A_864, %get3A_865] : memref<2x512x64xf32, #tpu.memory_space<vmem>> -> memref<1x512x64xf32, #tpu.memory_space<vmem>>
        %get3A_867 = tpu.memref_squeeze %get3A_866 : memref<1x512x64xf32, #tpu.memory_space<vmem>> -> memref<512x64xf32, #tpu.memory_space<vmem>>
        %get3A_868 = arith.index_cast %scan3A_863 : i32 to index
        %get3A_869 = arith.constant 0 : index
        %get3A_870 = tpu.vector_load %get3A_867[%get3A_868, %get3A_869] {strides = array<i32>} : memref<512x64xf32, #tpu.memory_space<vmem>>, vector<16xf32>,
        %get3A_871 = arith.constant 0 : i32
        %get3A_872 = arith.constant 0 : i32
        %get3A_873 = tpu.memref_slice %arg6[%scan3A_532, %get3A_871, %get3A_872] : memref<2x512x64xf32, #tpu.memory_space<vmem>> -> memref<1x512x64xf32, #tpu.memory_space<vmem>>
        %get3A_874 = tpu.memref_squeeze %get3A_873 : memref<1x512x64xf32, #tpu.memory_space<vmem>> -> memref<512x64xf32, #tpu.memory_space<vmem>>
        %get3A_875 = arith.index_cast %scan3A_863 : i32 to index
        %get3A_876 = arith.constant 16 : index
        %get3A_877 = tpu.vector_load %get3A_874[%get3A_875, %get3A_876] {strides = array<i32>} : memref<512x64xf32, #tpu.memory_space<vmem>>, vector<16xf32>,
        %get3A_878 = arith.constant 0 : i32
        %get3A_879 = arith.constant 0 : i32
        %get3A_880 = tpu.memref_slice %arg6[%scan3A_532, %get3A_878, %get3A_879] : memref<2x512x64xf32, #tpu.memory_space<vmem>> -> memref<1x512x64xf32, #tpu.memory_space<vmem>>
        %get3A_881 = tpu.memref_squeeze %get3A_880 : memref<1x512x64xf32, #tpu.memory_space<vmem>> -> memref<512x64xf32, #tpu.memory_space<vmem>>
        %get3A_882 = arith.index_cast %scan3A_863 : i32 to index
        %get3A_883 = arith.constant 32 : index
        %get3A_884 = tpu.vector_load %get3A_881[%get3A_882, %get3A_883] {strides = array<i32>} : memref<512x64xf32, #tpu.memory_space<vmem>>, vector<16xf32>,
        %get3A_885 = arith.constant 0 : i32
        %get3A_886 = arith.constant 0 : i32
        %get3A_887 = tpu.memref_slice %arg6[%scan3A_532, %get3A_885, %get3A_886] : memref<2x512x64xf32, #tpu.memory_space<vmem>> -> memref<1x512x64xf32, #tpu.memory_space<vmem>>
        %get3A_888 = tpu.memref_squeeze %get3A_887 : memref<1x512x64xf32, #tpu.memory_space<vmem>> -> memref<512x64xf32, #tpu.memory_space<vmem>>
        %get3A_889 = arith.index_cast %scan3A_863 : i32 to index
        %get3A_890 = arith.constant 48 : index
        %get3A_891 = tpu.vector_load %get3A_888[%get3A_889, %get3A_890] {strides = array<i32>} : memref<512x64xf32, #tpu.memory_space<vmem>>, vector<16xf32>,
        tpu.vector_store_idx %arg7[%add3A_520, %add3A_861], %get3A_870 : memref<64x513xf32, #tpu.memory_space<vmem>>[vector<16xi32>, vector<16xi32>], vector<16xf32>,
        tpu.vector_store_idx %arg7[%add3A_523, %add3A_861], %get3A_877 : memref<64x513xf32, #tpu.memory_space<vmem>>[vector<16xi32>, vector<16xi32>], vector<16xf32>,
        tpu.vector_store_idx %arg7[%add3A_526, %add3A_861], %get3A_884 : memref<64x513xf32, #tpu.memory_space<vmem>>[vector<16xi32>, vector<16xi32>], vector<16xf32>,
        tpu.vector_store_idx %arg7[%add3A_529, %add3A_861], %get3A_891 : memref<64x513xf32, #tpu.memory_space<vmem>>[vector<16xi32>, vector<16xi32>], vector<16xf32>,
        %add3A_892 = arith.constant 1 : i32
        %add3A_893 = vector.broadcast %add3A_892 : i32 to vector<16xi32>
        %add3A_894 = arith.addi %add3A_861, %add3A_893 : vector<16xi32>
        %scan3A_895 = arith.constant 6 : i32
        %scan3A_896 = arith.addi %scan3A_698, %scan3A_895 : i32
        %get3A_897 = arith.constant 0 : i32
        %get3A_898 = arith.constant 0 : i32
        %get3A_899 = tpu.memref_slice %arg6[%scan3A_532, %get3A_897, %get3A_898] : memref<2x512x64xf32, #tpu.memory_space<vmem>> -> memref<1x512x64xf32, #tpu.memory_space<vmem>>
        %get3A_900 = tpu.memref_squeeze %get3A_899 : memref<1x512x64xf32, #tpu.memory_space<vmem>> -> memref<512x64xf32, #tpu.memory_space<vmem>>
        %get3A_901 = arith.index_cast %scan3A_896 : i32 to index
        %get3A_902 = arith.constant 0 : index
        %get3A_903 = tpu.vector_load %get3A_900[%get3A_901, %get3A_902] {strides = array<i32>} : memref<512x64xf32, #tpu.memory_space<vmem>>, vector<16xf32>,
        %get3A_904 = arith.constant 0 : i32
        %get3A_905 = arith.constant 0 : i32
        %get3A_906 = tpu.memref_slice %arg6[%scan3A_532, %get3A_904, %get3A_905] : memref<2x512x64xf32, #tpu.memory_space<vmem>> -> memref<1x512x64xf32, #tpu.memory_space<vmem>>
        %get3A_907 = tpu.memref_squeeze %get3A_906 : memref<1x512x64xf32, #tpu.memory_space<vmem>> -> memref<512x64xf32, #tpu.memory_space<vmem>>
        %get3A_908 = arith.index_cast %scan3A_896 : i32 to index
        %get3A_909 = arith.constant 16 : index
        %get3A_910 = tpu.vector_load %get3A_907[%get3A_908, %get3A_909] {strides = array<i32>} : memref<512x64xf32, #tpu.memory_space<vmem>>, vector<16xf32>,
        %get3A_911 = arith.constant 0 : i32
        %get3A_912 = arith.constant 0 : i32
        %get3A_913 = tpu.memref_slice %arg6[%scan3A_532, %get3A_911, %get3A_912] : memref<2x512x64xf32, #tpu.memory_space<vmem>> -> memref<1x512x64xf32, #tpu.memory_space<vmem>>
        %get3A_914 = tpu.memref_squeeze %get3A_913 : memref<1x512x64xf32, #tpu.memory_space<vmem>> -> memref<512x64xf32, #tpu.memory_space<vmem>>
        %get3A_915 = arith.index_cast %scan3A_896 : i32 to index
        %get3A_916 = arith.constant 32 : index
        %get3A_917 = tpu.vector_load %get3A_914[%get3A_915, %get3A_916] {strides = array<i32>} : memref<512x64xf32, #tpu.memory_space<vmem>>, vector<16xf32>,
        %get3A_918 = arith.constant 0 : i32
        %get3A_919 = arith.constant 0 : i32
        %get3A_920 = tpu.memref_slice %arg6[%scan3A_532, %get3A_918, %get3A_919] : memref<2x512x64xf32, #tpu.memory_space<vmem>> -> memref<1x512x64xf32, #tpu.memory_space<vmem>>
        %get3A_921 = tpu.memref_squeeze %get3A_920 : memref<1x512x64xf32, #tpu.memory_space<vmem>> -> memref<512x64xf32, #tpu.memory_space<vmem>>
        %get3A_922 = arith.index_cast %scan3A_896 : i32 to index
        %get3A_923 = arith.constant 48 : index
        %get3A_924 = tpu.vector_load %get3A_921[%get3A_922, %get3A_923] {strides = array<i32>} : memref<512x64xf32, #tpu.memory_space<vmem>>, vector<16xf32>,
        tpu.vector_store_idx %arg7[%add3A_520, %add3A_894], %get3A_903 : memref<64x513xf32, #tpu.memory_space<vmem>>[vector<16xi32>, vector<16xi32>], vector<16xf32>,
        tpu.vector_store_idx %arg7[%add3A_523, %add3A_894], %get3A_910 : memref<64x513xf32, #tpu.memory_space<vmem>>[vector<16xi32>, vector<16xi32>], vector<16xf32>,
        tpu.vector_store_idx %arg7[%add3A_526, %add3A_894], %get3A_917 : memref<64x513xf32, #tpu.memory_space<vmem>>[vector<16xi32>, vector<16xi32>], vector<16xf32>,
        tpu.vector_store_idx %arg7[%add3A_529, %add3A_894], %get3A_924 : memref<64x513xf32, #tpu.memory_space<vmem>>[vector<16xi32>, vector<16xi32>], vector<16xf32>,
        %add3A_925 = arith.constant 1 : i32
        %add3A_926 = vector.broadcast %add3A_925 : i32 to vector<16xi32>
        %add3A_927 = arith.addi %add3A_894, %add3A_926 : vector<16xi32>
        %scan3A_928 = arith.constant 7 : i32
        %scan3A_929 = arith.addi %scan3A_698, %scan3A_928 : i32
        %get3A_930 = arith.constant 0 : i32
        %get3A_931 = arith.constant 0 : i32
        %get3A_932 = tpu.memref_slice %arg6[%scan3A_532, %get3A_930, %get3A_931] : memref<2x512x64xf32, #tpu.memory_space<vmem>> -> memref<1x512x64xf32, #tpu.memory_space<vmem>>
        %get3A_933 = tpu.memref_squeeze %get3A_932 : memref<1x512x64xf32, #tpu.memory_space<vmem>> -> memref<512x64xf32, #tpu.memory_space<vmem>>
        %get3A_934 = arith.index_cast %scan3A_929 : i32 to index
        %get3A_935 = arith.constant 0 : index
        %get3A_936 = tpu.vector_load %get3A_933[%get3A_934, %get3A_935] {strides = array<i32>} : memref<512x64xf32, #tpu.memory_space<vmem>>, vector<16xf32>,
        %get3A_937 = arith.constant 0 : i32
        %get3A_938 = arith.constant 0 : i32
        %get3A_939 = tpu.memref_slice %arg6[%scan3A_532, %get3A_937, %get3A_938] : memref<2x512x64xf32, #tpu.memory_space<vmem>> -> memref<1x512x64xf32, #tpu.memory_space<vmem>>
        %get3A_940 = tpu.memref_squeeze %get3A_939 : memref<1x512x64xf32, #tpu.memory_space<vmem>> -> memref<512x64xf32, #tpu.memory_space<vmem>>
        %get3A_941 = arith.index_cast %scan3A_929 : i32 to index
        %get3A_942 = arith.constant 16 : index
        %get3A_943 = tpu.vector_load %get3A_940[%get3A_941, %get3A_942] {strides = array<i32>} : memref<512x64xf32, #tpu.memory_space<vmem>>, vector<16xf32>,
        %get3A_944 = arith.constant 0 : i32
        %get3A_945 = arith.constant 0 : i32
        %get3A_946 = tpu.memref_slice %arg6[%scan3A_532, %get3A_944, %get3A_945] : memref<2x512x64xf32, #tpu.memory_space<vmem>> -> memref<1x512x64xf32, #tpu.memory_space<vmem>>
        %get3A_947 = tpu.memref_squeeze %get3A_946 : memref<1x512x64xf32, #tpu.memory_space<vmem>> -> memref<512x64xf32, #tpu.memory_space<vmem>>
        %get3A_948 = arith.index_cast %scan3A_929 : i32 to index
        %get3A_949 = arith.constant 32 : index
        %get3A_950 = tpu.vector_load %get3A_947[%get3A_948, %get3A_949] {strides = array<i32>} : memref<512x64xf32, #tpu.memory_space<vmem>>, vector<16xf32>,
        %get3A_951 = arith.constant 0 : i32
        %get3A_952 = arith.constant 0 : i32
        %get3A_953 = tpu.memref_slice %arg6[%scan3A_532, %get3A_951, %get3A_952] : memref<2x512x64xf32, #tpu.memory_space<vmem>> -> memref<1x512x64xf32, #tpu.memory_space<vmem>>
        %get3A_954 = tpu.memref_squeeze %get3A_953 : memref<1x512x64xf32, #tpu.memory_space<vmem>> -> memref<512x64xf32, #tpu.memory_space<vmem>>
        %get3A_955 = arith.index_cast %scan3A_929 : i32 to index
        %get3A_956 = arith.constant 48 : index
        %get3A_957 = tpu.vector_load %get3A_954[%get3A_955, %get3A_956] {strides = array<i32>} : memref<512x64xf32, #tpu.memory_space<vmem>>, vector<16xf32>,
        tpu.vector_store_idx %arg7[%add3A_520, %add3A_927], %get3A_936 : memref<64x513xf32, #tpu.memory_space<vmem>>[vector<16xi32>, vector<16xi32>], vector<16xf32>,
        tpu.vector_store_idx %arg7[%add3A_523, %add3A_927], %get3A_943 : memref<64x513xf32, #tpu.memory_space<vmem>>[vector<16xi32>, vector<16xi32>], vector<16xf32>,
        tpu.vector_store_idx %arg7[%add3A_526, %add3A_927], %get3A_950 : memref<64x513xf32, #tpu.memory_space<vmem>>[vector<16xi32>, vector<16xi32>], vector<16xf32>,
        tpu.vector_store_idx %arg7[%add3A_529, %add3A_927], %get3A_957 : memref<64x513xf32, #tpu.memory_space<vmem>>[vector<16xi32>, vector<16xi32>], vector<16xf32>,
        %add3A_958 = arith.constant 1 : i32
        %add3A_959 = vector.broadcast %add3A_958 : i32 to vector<16xi32>
        %add3A_960 = arith.addi %add3A_927, %add3A_959 : vector<16xi32>
        scf.yield %add3A_960 : vector<16xi32>
      }
      %scan3A_538 = arith.constant 128 : i32
      %dma_wait3A_539 = arith.constant 1 : i32
      %dma_wait3A_540 = arith.constant 1 : i32
      %dma_wait3A_541 = arith.constant 1 : i32
      %dma_wait3A_542 = arith.constant 128 : i32
      %dma_wait3A_543 = arith.constant 0 : i32
      %dma_wait3A_544 = tpu.memref_slice %arg6[%dma_wait3A_541, %dma_wait3A_542, %dma_wait3A_543] : memref<2x512x64xf32, #tpu.memory_space<vmem>> -> memref<1x128x64xf32, #tpu.memory_space<vmem>>
      %dma_wait3A_545 = tpu.memref_squeeze %dma_wait3A_544 : memref<1x128x64xf32, #tpu.memory_space<vmem>> -> memref<128x64xf32, #tpu.memory_space<vmem>>
      %dma_wait3A_546 = arith.constant 0 : i32
      %dma_wait3A_547 = tpu.memref_slice %arg5[%dma_wait3A_539, %dma_wait3A_540, %dma_wait3A_546] : memref<2x4x128xi32, #tpu.memory_space<vmem>> -> memref<1x1x128xi32, #tpu.memory_space<vmem>>
      %dma_wait3A_548 = tpu.memref_squeeze %dma_wait3A_547 : memref<1x1x128xi32, #tpu.memory_space<vmem>> -> memref<128xi32, #tpu.memory_space<vmem>>
      %dma_wait3A_549 = arith.constant 0 : i32
      %dma_wait3A_550 = arith.constant 0 : i32
      %dma_wait3A_551 = tpu.memref_slice %arg3[%dma_wait3A_549, %dma_wait3A_550] : memref<1000001x64xf32, #tpu.memory_space<hbm>> -> memref<1000001x64xf32, #tpu.memory_space<hbm>>
      tpu.wait_indirect_dma semaphore(%arg9 : memref<!tpu.dma_semaphore, #tpu.memory_space<semaphore_mem>>) src(%dma_wait3A_551 : memref<1000001x64xf32, #tpu.memory_space<hbm>>) dst(%dma_wait3A_545 : memref<128x64xf32, #tpu.memory_space<vmem>>)
      %iota3A_552 = tpu.iota {dimensions = array<i32: 0>} : vector<16xi32>
      %add3A_553 = arith.constant 0 : i32
      %add3A_554 = vector.broadcast %add3A_553 : i32 to vector<16xi32>
      %add3A_555 = arith.addi %iota3A_552, %add3A_554 : vector<16xi32>
      %add3A_556 = arith.constant 16 : i32
      %add3A_557 = vector.broadcast %add3A_556 : i32 to vector<16xi32>
      %add3A_558 = arith.addi %iota3A_552, %add3A_557 : vector<16xi32>
      %add3A_559 = arith.constant 32 : i32
      %add3A_560 = vector.broadcast %add3A_559 : i32 to vector<16xi32>
      %add3A_561 = arith.addi %iota3A_552, %add3A_560 : vector<16xi32>
      %add3A_562 = arith.constant 48 : i32
      %add3A_563 = vector.broadcast %add3A_562 : i32 to vector<16xi32>
      %add3A_564 = arith.addi %iota3A_552, %add3A_563 : vector<16xi32>
      %broadcast_in_dim3A_565 = arith.constant 128 : i32
      %broadcast_in_dim3A_566 = vector.broadcast %broadcast_in_dim3A_565 : i32 to vector<16xi32>
      %scan3A_567 = arith.constant 1 : i32
      %scan3A_568 = arith.constant 128 : i32
      %scan3A_569 = arith.constant 128 : i32
      %scan3A_570 = arith.addi %scan3A_568, %scan3A_569 : i32
      %scan3A_571 = arith.constant 8 : i32
      %scan3A_572 = scf.for %scan3A_698 = %scan3A_568 to %scan3A_570 step %scan3A_571 iter_args(%scan3A_699 = %broadcast_in_dim3A_566) -> (vector<16xi32>)  : i32 {
        %get3A = arith.constant 0 : i32
        %get3A_700 = arith.constant 0 : i32
        %get3A_701 = tpu.memref_slice %arg6[%scan3A_567, %get3A, %get3A_700] : memref<2x512x64xf32, #tpu.memory_space<vmem>> -> memref<1x512x64xf32, #tpu.memory_space<vmem>>
        %get3A_702 = tpu.memref_squeeze %get3A_701 : memref<1x512x64xf32, #tpu.memory_space<vmem>> -> memref<512x64xf32, #tpu.memory_space<vmem>>
        %get3A_703 = arith.index_cast %scan3A_698 : i32 to index
        %get3A_704 = arith.constant 0 : index
        %get3A_705 = tpu.vector_load %get3A_702[%get3A_703, %get3A_704] {strides = array<i32>} : memref<512x64xf32, #tpu.memory_space<vmem>>, vector<16xf32>,
        %get3A_706 = arith.constant 0 : i32
        %get3A_707 = arith.constant 0 : i32
        %get3A_708 = tpu.memref_slice %arg6[%scan3A_567, %get3A_706, %get3A_707] : memref<2x512x64xf32, #tpu.memory_space<vmem>> -> memref<1x512x64xf32, #tpu.memory_space<vmem>>
        %get3A_709 = tpu.memref_squeeze %get3A_708 : memref<1x512x64xf32, #tpu.memory_space<vmem>> -> memref<512x64xf32, #tpu.memory_space<vmem>>
        %get3A_710 = arith.index_cast %scan3A_698 : i32 to index
        %get3A_711 = arith.constant 16 : index
        %get3A_712 = tpu.vector_load %get3A_709[%get3A_710, %get3A_711] {strides = array<i32>} : memref<512x64xf32, #tpu.memory_space<vmem>>, vector<16xf32>,
        %get3A_713 = arith.constant 0 : i32
        %get3A_714 = arith.constant 0 : i32
        %get3A_715 = tpu.memref_slice %arg6[%scan3A_567, %get3A_713, %get3A_714] : memref<2x512x64xf32, #tpu.memory_space<vmem>> -> memref<1x512x64xf32, #tpu.memory_space<vmem>>
        %get3A_716 = tpu.memref_squeeze %get3A_715 : memref<1x512x64xf32, #tpu.memory_space<vmem>> -> memref<512x64xf32, #tpu.memory_space<vmem>>
        %get3A_717 = arith.index_cast %scan3A_698 : i32 to index
        %get3A_718 = arith.constant 32 : index
        %get3A_719 = tpu.vector_load %get3A_716[%get3A_717, %get3A_718] {strides = array<i32>} : memref<512x64xf32, #tpu.memory_space<vmem>>, vector<16xf32>,
        %get3A_720 = arith.constant 0 : i32
        %get3A_721 = arith.constant 0 : i32
        %get3A_722 = tpu.memref_slice %arg6[%scan3A_567, %get3A_720, %get3A_721] : memref<2x512x64xf32, #tpu.memory_space<vmem>> -> memref<1x512x64xf32, #tpu.memory_space<vmem>>
        %get3A_723 = tpu.memref_squeeze %get3A_722 : memref<1x512x64xf32, #tpu.memory_space<vmem>> -> memref<512x64xf32, #tpu.memory_space<vmem>>
        %get3A_724 = arith.index_cast %scan3A_698 : i32 to index
        %get3A_725 = arith.constant 48 : index
        %get3A_726 = tpu.vector_load %get3A_723[%get3A_724, %get3A_725] {strides = array<i32>} : memref<512x64xf32, #tpu.memory_space<vmem>>, vector<16xf32>,
        tpu.vector_store_idx %arg7[%add3A_555, %scan3A_699], %get3A_705 : memref<64x513xf32, #tpu.memory_space<vmem>>[vector<16xi32>, vector<16xi32>], vector<16xf32>,
        tpu.vector_store_idx %arg7[%add3A_558, %scan3A_699], %get3A_712 : memref<64x513xf32, #tpu.memory_space<vmem>>[vector<16xi32>, vector<16xi32>], vector<16xf32>,
        tpu.vector_store_idx %arg7[%add3A_561, %scan3A_699], %get3A_719 : memref<64x513xf32, #tpu.memory_space<vmem>>[vector<16xi32>, vector<16xi32>], vector<16xf32>,
        tpu.vector_store_idx %arg7[%add3A_564, %scan3A_699], %get3A_726 : memref<64x513xf32, #tpu.memory_space<vmem>>[vector<16xi32>, vector<16xi32>], vector<16xf32>,
        %add3A_727 = arith.constant 1 : i32
        %add3A_728 = vector.broadcast %add3A_727 : i32 to vector<16xi32>
        %add3A_729 = arith.addi %scan3A_699, %add3A_728 : vector<16xi32>
        %scan3A_730 = arith.constant 1 : i32
        %scan3A_731 = arith.addi %scan3A_698, %scan3A_730 : i32
        %get3A_732 = arith.constant 0 : i32
        %get3A_733 = arith.constant 0 : i32
        %get3A_734 = tpu.memref_slice %arg6[%scan3A_567, %get3A_732, %get3A_733] : memref<2x512x64xf32, #tpu.memory_space<vmem>> -> memref<1x512x64xf32, #tpu.memory_space<vmem>>
        %get3A_735 = tpu.memref_squeeze %get3A_734 : memref<1x512x64xf32, #tpu.memory_space<vmem>> -> memref<512x64xf32, #tpu.memory_space<vmem>>
        %get3A_736 = arith.index_cast %scan3A_731 : i32 to index
        %get3A_737 = arith.constant 0 : index
        %get3A_738 = tpu.vector_load %get3A_735[%get3A_736, %get3A_737] {strides = array<i32>} : memref<512x64xf32, #tpu.memory_space<vmem>>, vector<16xf32>,
        %get3A_739 = arith.constant 0 : i32
        %get3A_740 = arith.constant 0 : i32
        %get3A_741 = tpu.memref_slice %arg6[%scan3A_567, %get3A_739, %get3A_740] : memref<2x512x64xf32, #tpu.memory_space<vmem>> -> memref<1x512x64xf32, #tpu.memory_space<vmem>>
        %get3A_742 = tpu.memref_squeeze %get3A_741 : memref<1x512x64xf32, #tpu.memory_space<vmem>> -> memref<512x64xf32, #tpu.memory_space<vmem>>
        %get3A_743 = arith.index_cast %scan3A_731 : i32 to index
        %get3A_744 = arith.constant 16 : index
        %get3A_745 = tpu.vector_load %get3A_742[%get3A_743, %get3A_744] {strides = array<i32>} : memref<512x64xf32, #tpu.memory_space<vmem>>, vector<16xf32>,
        %get3A_746 = arith.constant 0 : i32
        %get3A_747 = arith.constant 0 : i32
        %get3A_748 = tpu.memref_slice %arg6[%scan3A_567, %get3A_746, %get3A_747] : memref<2x512x64xf32, #tpu.memory_space<vmem>> -> memref<1x512x64xf32, #tpu.memory_space<vmem>>
        %get3A_749 = tpu.memref_squeeze %get3A_748 : memref<1x512x64xf32, #tpu.memory_space<vmem>> -> memref<512x64xf32, #tpu.memory_space<vmem>>
        %get3A_750 = arith.index_cast %scan3A_731 : i32 to index
        %get3A_751 = arith.constant 32 : index
        %get3A_752 = tpu.vector_load %get3A_749[%get3A_750, %get3A_751] {strides = array<i32>} : memref<512x64xf32, #tpu.memory_space<vmem>>, vector<16xf32>,
        %get3A_753 = arith.constant 0 : i32
        %get3A_754 = arith.constant 0 : i32
        %get3A_755 = tpu.memref_slice %arg6[%scan3A_567, %get3A_753, %get3A_754] : memref<2x512x64xf32, #tpu.memory_space<vmem>> -> memref<1x512x64xf32, #tpu.memory_space<vmem>>
        %get3A_756 = tpu.memref_squeeze %get3A_755 : memref<1x512x64xf32, #tpu.memory_space<vmem>> -> memref<512x64xf32, #tpu.memory_space<vmem>>
        %get3A_757 = arith.index_cast %scan3A_731 : i32 to index
        %get3A_758 = arith.constant 48 : index
        %get3A_759 = tpu.vector_load %get3A_756[%get3A_757, %get3A_758] {strides = array<i32>} : memref<512x64xf32, #tpu.memory_space<vmem>>, vector<16xf32>,
        tpu.vector_store_idx %arg7[%add3A_555, %add3A_729], %get3A_738 : memref<64x513xf32, #tpu.memory_space<vmem>>[vector<16xi32>, vector<16xi32>], vector<16xf32>,
        tpu.vector_store_idx %arg7[%add3A_558, %add3A_729], %get3A_745 : memref<64x513xf32, #tpu.memory_space<vmem>>[vector<16xi32>, vector<16xi32>], vector<16xf32>,
        tpu.vector_store_idx %arg7[%add3A_561, %add3A_729], %get3A_752 : memref<64x513xf32, #tpu.memory_space<vmem>>[vector<16xi32>, vector<16xi32>], vector<16xf32>,
        tpu.vector_store_idx %arg7[%add3A_564, %add3A_729], %get3A_759 : memref<64x513xf32, #tpu.memory_space<vmem>>[vector<16xi32>, vector<16xi32>], vector<16xf32>,
        %add3A_760 = arith.constant 1 : i32
        %add3A_761 = vector.broadcast %add3A_760 : i32 to vector<16xi32>
        %add3A_762 = arith.addi %add3A_729, %add3A_761 : vector<16xi32>
        %scan3A_763 = arith.constant 2 : i32
        %scan3A_764 = arith.addi %scan3A_698, %scan3A_763 : i32
        %get3A_765 = arith.constant 0 : i32
        %get3A_766 = arith.constant 0 : i32
        %get3A_767 = tpu.memref_slice %arg6[%scan3A_567, %get3A_765, %get3A_766] : memref<2x512x64xf32, #tpu.memory_space<vmem>> -> memref<1x512x64xf32, #tpu.memory_space<vmem>>
        %get3A_768 = tpu.memref_squeeze %get3A_767 : memref<1x512x64xf32, #tpu.memory_space<vmem>> -> memref<512x64xf32, #tpu.memory_space<vmem>>
        %get3A_769 = arith.index_cast %scan3A_764 : i32 to index
        %get3A_770 = arith.constant 0 : index
        %get3A_771 = tpu.vector_load %get3A_768[%get3A_769, %get3A_770] {strides = array<i32>} : memref<512x64xf32, #tpu.memory_space<vmem>>, vector<16xf32>,
        %get3A_772 = arith.constant 0 : i32
        %get3A_773 = arith.constant 0 : i32
        %get3A_774 = tpu.memref_slice %arg6[%scan3A_567, %get3A_772, %get3A_773] : memref<2x512x64xf32, #tpu.memory_space<vmem>> -> memref<1x512x64xf32, #tpu.memory_space<vmem>>
        %get3A_775 = tpu.memref_squeeze %get3A_774 : memref<1x512x64xf32, #tpu.memory_space<vmem>> -> memref<512x64xf32, #tpu.memory_space<vmem>>
        %get3A_776 = arith.index_cast %scan3A_764 : i32 to index
        %get3A_777 = arith.constant 16 : index
        %get3A_778 = tpu.vector_load %get3A_775[%get3A_776, %get3A_777] {strides = array<i32>} : memref<512x64xf32, #tpu.memory_space<vmem>>, vector<16xf32>,
        %get3A_779 = arith.constant 0 : i32
        %get3A_780 = arith.constant 0 : i32
        %get3A_781 = tpu.memref_slice %arg6[%scan3A_567, %get3A_779, %get3A_780] : memref<2x512x64xf32, #tpu.memory_space<vmem>> -> memref<1x512x64xf32, #tpu.memory_space<vmem>>
        %get3A_782 = tpu.memref_squeeze %get3A_781 : memref<1x512x64xf32, #tpu.memory_space<vmem>> -> memref<512x64xf32, #tpu.memory_space<vmem>>
        %get3A_783 = arith.index_cast %scan3A_764 : i32 to index
        %get3A_784 = arith.constant 32 : index
        %get3A_785 = tpu.vector_load %get3A_782[%get3A_783, %get3A_784] {strides = array<i32>} : memref<512x64xf32, #tpu.memory_space<vmem>>, vector<16xf32>,
        %get3A_786 = arith.constant 0 : i32
        %get3A_787 = arith.constant 0 : i32
        %get3A_788 = tpu.memref_slice %arg6[%scan3A_567, %get3A_786, %get3A_787] : memref<2x512x64xf32, #tpu.memory_space<vmem>> -> memref<1x512x64xf32, #tpu.memory_space<vmem>>
        %get3A_789 = tpu.memref_squeeze %get3A_788 : memref<1x512x64xf32, #tpu.memory_space<vmem>> -> memref<512x64xf32, #tpu.memory_space<vmem>>
        %get3A_790 = arith.index_cast %scan3A_764 : i32 to index
        %get3A_791 = arith.constant 48 : index
        %get3A_792 = tpu.vector_load %get3A_789[%get3A_790, %get3A_791] {strides = array<i32>} : memref<512x64xf32, #tpu.memory_space<vmem>>, vector<16xf32>,
        tpu.vector_store_idx %arg7[%add3A_555, %add3A_762], %get3A_771 : memref<64x513xf32, #tpu.memory_space<vmem>>[vector<16xi32>, vector<16xi32>], vector<16xf32>,
        tpu.vector_store_idx %arg7[%add3A_558, %add3A_762], %get3A_778 : memref<64x513xf32, #tpu.memory_space<vmem>>[vector<16xi32>, vector<16xi32>], vector<16xf32>,
        tpu.vector_store_idx %arg7[%add3A_561, %add3A_762], %get3A_785 : memref<64x513xf32, #tpu.memory_space<vmem>>[vector<16xi32>, vector<16xi32>], vector<16xf32>,
        tpu.vector_store_idx %arg7[%add3A_564, %add3A_762], %get3A_792 : memref<64x513xf32, #tpu.memory_space<vmem>>[vector<16xi32>, vector<16xi32>], vector<16xf32>,
        %add3A_793 = arith.constant 1 : i32
        %add3A_794 = vector.broadcast %add3A_793 : i32 to vector<16xi32>
        %add3A_795 = arith.addi %add3A_762, %add3A_794 : vector<16xi32>
        %scan3A_796 = arith.constant 3 : i32
        %scan3A_797 = arith.addi %scan3A_698, %scan3A_796 : i32
        %get3A_798 = arith.constant 0 : i32
        %get3A_799 = arith.constant 0 : i32
        %get3A_800 = tpu.memref_slice %arg6[%scan3A_567, %get3A_798, %get3A_799] : memref<2x512x64xf32, #tpu.memory_space<vmem>> -> memref<1x512x64xf32, #tpu.memory_space<vmem>>
        %get3A_801 = tpu.memref_squeeze %get3A_800 : memref<1x512x64xf32, #tpu.memory_space<vmem>> -> memref<512x64xf32, #tpu.memory_space<vmem>>
        %get3A_802 = arith.index_cast %scan3A_797 : i32 to index
        %get3A_803 = arith.constant 0 : index
        %get3A_804 = tpu.vector_load %get3A_801[%get3A_802, %get3A_803] {strides = array<i32>} : memref<512x64xf32, #tpu.memory_space<vmem>>, vector<16xf32>,
        %get3A_805 = arith.constant 0 : i32
        %get3A_806 = arith.constant 0 : i32
        %get3A_807 = tpu.memref_slice %arg6[%scan3A_567, %get3A_805, %get3A_806] : memref<2x512x64xf32, #tpu.memory_space<vmem>> -> memref<1x512x64xf32, #tpu.memory_space<vmem>>
        %get3A_808 = tpu.memref_squeeze %get3A_807 : memref<1x512x64xf32, #tpu.memory_space<vmem>> -> memref<512x64xf32, #tpu.memory_space<vmem>>
        %get3A_809 = arith.index_cast %scan3A_797 : i32 to index
        %get3A_810 = arith.constant 16 : index
        %get3A_811 = tpu.vector_load %get3A_808[%get3A_809, %get3A_810] {strides = array<i32>} : memref<512x64xf32, #tpu.memory_space<vmem>>, vector<16xf32>,
        %get3A_812 = arith.constant 0 : i32
        %get3A_813 = arith.constant 0 : i32
        %get3A_814 = tpu.memref_slice %arg6[%scan3A_567, %get3A_812, %get3A_813] : memref<2x512x64xf32, #tpu.memory_space<vmem>> -> memref<1x512x64xf32, #tpu.memory_space<vmem>>
        %get3A_815 = tpu.memref_squeeze %get3A_814 : memref<1x512x64xf32, #tpu.memory_space<vmem>> -> memref<512x64xf32, #tpu.memory_space<vmem>>
        %get3A_816 = arith.index_cast %scan3A_797 : i32 to index
        %get3A_817 = arith.constant 32 : index
        %get3A_818 = tpu.vector_load %get3A_815[%get3A_816, %get3A_817] {strides = array<i32>} : memref<512x64xf32, #tpu.memory_space<vmem>>, vector<16xf32>,
        %get3A_819 = arith.constant 0 : i32
        %get3A_820 = arith.constant 0 : i32
        %get3A_821 = tpu.memref_slice %arg6[%scan3A_567, %get3A_819, %get3A_820] : memref<2x512x64xf32, #tpu.memory_space<vmem>> -> memref<1x512x64xf32, #tpu.memory_space<vmem>>
        %get3A_822 = tpu.memref_squeeze %get3A_821 : memref<1x512x64xf32, #tpu.memory_space<vmem>> -> memref<512x64xf32, #tpu.memory_space<vmem>>
        %get3A_823 = arith.index_cast %scan3A_797 : i32 to index
        %get3A_824 = arith.constant 48 : index
        %get3A_825 = tpu.vector_load %get3A_822[%get3A_823, %get3A_824] {strides = array<i32>} : memref<512x64xf32, #tpu.memory_space<vmem>>, vector<16xf32>,
        tpu.vector_store_idx %arg7[%add3A_555, %add3A_795], %get3A_804 : memref<64x513xf32, #tpu.memory_space<vmem>>[vector<16xi32>, vector<16xi32>], vector<16xf32>,
        tpu.vector_store_idx %arg7[%add3A_558, %add3A_795], %get3A_811 : memref<64x513xf32, #tpu.memory_space<vmem>>[vector<16xi32>, vector<16xi32>], vector<16xf32>,
        tpu.vector_store_idx %arg7[%add3A_561, %add3A_795], %get3A_818 : memref<64x513xf32, #tpu.memory_space<vmem>>[vector<16xi32>, vector<16xi32>], vector<16xf32>,
        tpu.vector_store_idx %arg7[%add3A_564, %add3A_795], %get3A_825 : memref<64x513xf32, #tpu.memory_space<vmem>>[vector<16xi32>, vector<16xi32>], vector<16xf32>,
        %add3A_826 = arith.constant 1 : i32
        %add3A_827 = vector.broadcast %add3A_826 : i32 to vector<16xi32>
        %add3A_828 = arith.addi %add3A_795, %add3A_827 : vector<16xi32>
        %scan3A_829 = arith.constant 4 : i32
        %scan3A_830 = arith.addi %scan3A_698, %scan3A_829 : i32
        %get3A_831 = arith.constant 0 : i32
        %get3A_832 = arith.constant 0 : i32
        %get3A_833 = tpu.memref_slice %arg6[%scan3A_567, %get3A_831, %get3A_832] : memref<2x512x64xf32, #tpu.memory_space<vmem>> -> memref<1x512x64xf32, #tpu.memory_space<vmem>>
        %get3A_834 = tpu.memref_squeeze %get3A_833 : memref<1x512x64xf32, #tpu.memory_space<vmem>> -> memref<512x64xf32, #tpu.memory_space<vmem>>
        %get3A_835 = arith.index_cast %scan3A_830 : i32 to index
        %get3A_836 = arith.constant 0 : index
        %get3A_837 = tpu.vector_load %get3A_834[%get3A_835, %get3A_836] {strides = array<i32>} : memref<512x64xf32, #tpu.memory_space<vmem>>, vector<16xf32>,
        %get3A_838 = arith.constant 0 : i32
        %get3A_839 = arith.constant 0 : i32
        %get3A_840 = tpu.memref_slice %arg6[%scan3A_567, %get3A_838, %get3A_839] : memref<2x512x64xf32, #tpu.memory_space<vmem>> -> memref<1x512x64xf32, #tpu.memory_space<vmem>>
        %get3A_841 = tpu.memref_squeeze %get3A_840 : memref<1x512x64xf32, #tpu.memory_space<vmem>> -> memref<512x64xf32, #tpu.memory_space<vmem>>
        %get3A_842 = arith.index_cast %scan3A_830 : i32 to index
        %get3A_843 = arith.constant 16 : index
        %get3A_844 = tpu.vector_load %get3A_841[%get3A_842, %get3A_843] {strides = array<i32>} : memref<512x64xf32, #tpu.memory_space<vmem>>, vector<16xf32>,
        %get3A_845 = arith.constant 0 : i32
        %get3A_846 = arith.constant 0 : i32
        %get3A_847 = tpu.memref_slice %arg6[%scan3A_567, %get3A_845, %get3A_846] : memref<2x512x64xf32, #tpu.memory_space<vmem>> -> memref<1x512x64xf32, #tpu.memory_space<vmem>>
        %get3A_848 = tpu.memref_squeeze %get3A_847 : memref<1x512x64xf32, #tpu.memory_space<vmem>> -> memref<512x64xf32, #tpu.memory_space<vmem>>
        %get3A_849 = arith.index_cast %scan3A_830 : i32 to index
        %get3A_850 = arith.constant 32 : index
        %get3A_851 = tpu.vector_load %get3A_848[%get3A_849, %get3A_850] {strides = array<i32>} : memref<512x64xf32, #tpu.memory_space<vmem>>, vector<16xf32>,
        %get3A_852 = arith.constant 0 : i32
        %get3A_853 = arith.constant 0 : i32
        %get3A_854 = tpu.memref_slice %arg6[%scan3A_567, %get3A_852, %get3A_853] : memref<2x512x64xf32, #tpu.memory_space<vmem>> -> memref<1x512x64xf32, #tpu.memory_space<vmem>>
        %get3A_855 = tpu.memref_squeeze %get3A_854 : memref<1x512x64xf32, #tpu.memory_space<vmem>> -> memref<512x64xf32, #tpu.memory_space<vmem>>
        %get3A_856 = arith.index_cast %scan3A_830 : i32 to index
        %get3A_857 = arith.constant 48 : index
        %get3A_858 = tpu.vector_load %get3A_855[%get3A_856, %get3A_857] {strides = array<i32>} : memref<512x64xf32, #tpu.memory_space<vmem>>, vector<16xf32>,
        tpu.vector_store_idx %arg7[%add3A_555, %add3A_828], %get3A_837 : memref<64x513xf32, #tpu.memory_space<vmem>>[vector<16xi32>, vector<16xi32>], vector<16xf32>,
        tpu.vector_store_idx %arg7[%add3A_558, %add3A_828], %get3A_844 : memref<64x513xf32, #tpu.memory_space<vmem>>[vector<16xi32>, vector<16xi32>], vector<16xf32>,
        tpu.vector_store_idx %arg7[%add3A_561, %add3A_828], %get3A_851 : memref<64x513xf32, #tpu.memory_space<vmem>>[vector<16xi32>, vector<16xi32>], vector<16xf32>,
        tpu.vector_store_idx %arg7[%add3A_564, %add3A_828], %get3A_858 : memref<64x513xf32, #tpu.memory_space<vmem>>[vector<16xi32>, vector<16xi32>], vector<16xf32>,
        %add3A_859 = arith.constant 1 : i32
        %add3A_860 = vector.broadcast %add3A_859 : i32 to vector<16xi32>
        %add3A_861 = arith.addi %add3A_828, %add3A_860 : vector<16xi32>
        %scan3A_862 = arith.constant 5 : i32
        %scan3A_863 = arith.addi %scan3A_698, %scan3A_862 : i32
        %get3A_864 = arith.constant 0 : i32
        %get3A_865 = arith.constant 0 : i32
        %get3A_866 = tpu.memref_slice %arg6[%scan3A_567, %get3A_864, %get3A_865] : memref<2x512x64xf32, #tpu.memory_space<vmem>> -> memref<1x512x64xf32, #tpu.memory_space<vmem>>
        %get3A_867 = tpu.memref_squeeze %get3A_866 : memref<1x512x64xf32, #tpu.memory_space<vmem>> -> memref<512x64xf32, #tpu.memory_space<vmem>>
        %get3A_868 = arith.index_cast %scan3A_863 : i32 to index
        %get3A_869 = arith.constant 0 : index
        %get3A_870 = tpu.vector_load %get3A_867[%get3A_868, %get3A_869] {strides = array<i32>} : memref<512x64xf32, #tpu.memory_space<vmem>>, vector<16xf32>,
        %get3A_871 = arith.constant 0 : i32
        %get3A_872 = arith.constant 0 : i32
        %get3A_873 = tpu.memref_slice %arg6[%scan3A_567, %get3A_871, %get3A_872] : memref<2x512x64xf32, #tpu.memory_space<vmem>> -> memref<1x512x64xf32, #tpu.memory_space<vmem>>
        %get3A_874 = tpu.memref_squeeze %get3A_873 : memref<1x512x64xf32, #tpu.memory_space<vmem>> -> memref<512x64xf32, #tpu.memory_space<vmem>>
        %get3A_875 = arith.index_cast %scan3A_863 : i32 to index
        %get3A_876 = arith.constant 16 : index
        %get3A_877 = tpu.vector_load %get3A_874[%get3A_875, %get3A_876] {strides = array<i32>} : memref<512x64xf32, #tpu.memory_space<vmem>>, vector<16xf32>,
        %get3A_878 = arith.constant 0 : i32
        %get3A_879 = arith.constant 0 : i32
        %get3A_880 = tpu.memref_slice %arg6[%scan3A_567, %get3A_878, %get3A_879] : memref<2x512x64xf32, #tpu.memory_space<vmem>> -> memref<1x512x64xf32, #tpu.memory_space<vmem>>
        %get3A_881 = tpu.memref_squeeze %get3A_880 : memref<1x512x64xf32, #tpu.memory_space<vmem>> -> memref<512x64xf32, #tpu.memory_space<vmem>>
        %get3A_882 = arith.index_cast %scan3A_863 : i32 to index
        %get3A_883 = arith.constant 32 : index
        %get3A_884 = tpu.vector_load %get3A_881[%get3A_882, %get3A_883] {strides = array<i32>} : memref<512x64xf32, #tpu.memory_space<vmem>>, vector<16xf32>,
        %get3A_885 = arith.constant 0 : i32
        %get3A_886 = arith.constant 0 : i32
        %get3A_887 = tpu.memref_slice %arg6[%scan3A_567, %get3A_885, %get3A_886] : memref<2x512x64xf32, #tpu.memory_space<vmem>> -> memref<1x512x64xf32, #tpu.memory_space<vmem>>
        %get3A_888 = tpu.memref_squeeze %get3A_887 : memref<1x512x64xf32, #tpu.memory_space<vmem>> -> memref<512x64xf32, #tpu.memory_space<vmem>>
        %get3A_889 = arith.index_cast %scan3A_863 : i32 to index
        %get3A_890 = arith.constant 48 : index
        %get3A_891 = tpu.vector_load %get3A_888[%get3A_889, %get3A_890] {strides = array<i32>} : memref<512x64xf32, #tpu.memory_space<vmem>>, vector<16xf32>,
        tpu.vector_store_idx %arg7[%add3A_555, %add3A_861], %get3A_870 : memref<64x513xf32, #tpu.memory_space<vmem>>[vector<16xi32>, vector<16xi32>], vector<16xf32>,
        tpu.vector_store_idx %arg7[%add3A_558, %add3A_861], %get3A_877 : memref<64x513xf32, #tpu.memory_space<vmem>>[vector<16xi32>, vector<16xi32>], vector<16xf32>,
        tpu.vector_store_idx %arg7[%add3A_561, %add3A_861], %get3A_884 : memref<64x513xf32, #tpu.memory_space<vmem>>[vector<16xi32>, vector<16xi32>], vector<16xf32>,
        tpu.vector_store_idx %arg7[%add3A_564, %add3A_861], %get3A_891 : memref<64x513xf32, #tpu.memory_space<vmem>>[vector<16xi32>, vector<16xi32>], vector<16xf32>,
        %add3A_892 = arith.constant 1 : i32
        %add3A_893 = vector.broadcast %add3A_892 : i32 to vector<16xi32>
        %add3A_894 = arith.addi %add3A_861, %add3A_893 : vector<16xi32>
        %scan3A_895 = arith.constant 6 : i32
        %scan3A_896 = arith.addi %scan3A_698, %scan3A_895 : i32
        %get3A_897 = arith.constant 0 : i32
        %get3A_898 = arith.constant 0 : i32
        %get3A_899 = tpu.memref_slice %arg6[%scan3A_567, %get3A_897, %get3A_898] : memref<2x512x64xf32, #tpu.memory_space<vmem>> -> memref<1x512x64xf32, #tpu.memory_space<vmem>>
        %get3A_900 = tpu.memref_squeeze %get3A_899 : memref<1x512x64xf32, #tpu.memory_space<vmem>> -> memref<512x64xf32, #tpu.memory_space<vmem>>
        %get3A_901 = arith.index_cast %scan3A_896 : i32 to index
        %get3A_902 = arith.constant 0 : index
        %get3A_903 = tpu.vector_load %get3A_900[%get3A_901, %get3A_902] {strides = array<i32>} : memref<512x64xf32, #tpu.memory_space<vmem>>, vector<16xf32>,
        %get3A_904 = arith.constant 0 : i32
        %get3A_905 = arith.constant 0 : i32
        %get3A_906 = tpu.memref_slice %arg6[%scan3A_567, %get3A_904, %get3A_905] : memref<2x512x64xf32, #tpu.memory_space<vmem>> -> memref<1x512x64xf32, #tpu.memory_space<vmem>>
        %get3A_907 = tpu.memref_squeeze %get3A_906 : memref<1x512x64xf32, #tpu.memory_space<vmem>> -> memref<512x64xf32, #tpu.memory_space<vmem>>
        %get3A_908 = arith.index_cast %scan3A_896 : i32 to index
        %get3A_909 = arith.constant 16 : index
        %get3A_910 = tpu.vector_load %get3A_907[%get3A_908, %get3A_909] {strides = array<i32>} : memref<512x64xf32, #tpu.memory_space<vmem>>, vector<16xf32>,
        %get3A_911 = arith.constant 0 : i32
        %get3A_912 = arith.constant 0 : i32
        %get3A_913 = tpu.memref_slice %arg6[%scan3A_567, %get3A_911, %get3A_912] : memref<2x512x64xf32, #tpu.memory_space<vmem>> -> memref<1x512x64xf32, #tpu.memory_space<vmem>>
        %get3A_914 = tpu.memref_squeeze %get3A_913 : memref<1x512x64xf32, #tpu.memory_space<vmem>> -> memref<512x64xf32, #tpu.memory_space<vmem>>
        %get3A_915 = arith.index_cast %scan3A_896 : i32 to index
        %get3A_916 = arith.constant 32 : index
        %get3A_917 = tpu.vector_load %get3A_914[%get3A_915, %get3A_916] {strides = array<i32>} : memref<512x64xf32, #tpu.memory_space<vmem>>, vector<16xf32>,
        %get3A_918 = arith.constant 0 : i32
        %get3A_919 = arith.constant 0 : i32
        %get3A_920 = tpu.memref_slice %arg6[%scan3A_567, %get3A_918, %get3A_919] : memref<2x512x64xf32, #tpu.memory_space<vmem>> -> memref<1x512x64xf32, #tpu.memory_space<vmem>>
        %get3A_921 = tpu.memref_squeeze %get3A_920 : memref<1x512x64xf32, #tpu.memory_space<vmem>> -> memref<512x64xf32, #tpu.memory_space<vmem>>
        %get3A_922 = arith.index_cast %scan3A_896 : i32 to index
        %get3A_923 = arith.constant 48 : index
        %get3A_924 = tpu.vector_load %get3A_921[%get3A_922, %get3A_923] {strides = array<i32>} : memref<512x64xf32, #tpu.memory_space<vmem>>, vector<16xf32>,
        tpu.vector_store_idx %arg7[%add3A_555, %add3A_894], %get3A_903 : memref<64x513xf32, #tpu.memory_space<vmem>>[vector<16xi32>, vector<16xi32>], vector<16xf32>,
        tpu.vector_store_idx %arg7[%add3A_558, %add3A_894], %get3A_910 : memref<64x513xf32, #tpu.memory_space<vmem>>[vector<16xi32>, vector<16xi32>], vector<16xf32>,
        tpu.vector_store_idx %arg7[%add3A_561, %add3A_894], %get3A_917 : memref<64x513xf32, #tpu.memory_space<vmem>>[vector<16xi32>, vector<16xi32>], vector<16xf32>,
        tpu.vector_store_idx %arg7[%add3A_564, %add3A_894], %get3A_924 : memref<64x513xf32, #tpu.memory_space<vmem>>[vector<16xi32>, vector<16xi32>], vector<16xf32>,
        %add3A_925 = arith.constant 1 : i32
        %add3A_926 = vector.broadcast %add3A_925 : i32 to vector<16xi32>
        %add3A_927 = arith.addi %add3A_894, %add3A_926 : vector<16xi32>
        %scan3A_928 = arith.constant 7 : i32
        %scan3A_929 = arith.addi %scan3A_698, %scan3A_928 : i32
        %get3A_930 = arith.constant 0 : i32
        %get3A_931 = arith.constant 0 : i32
        %get3A_932 = tpu.memref_slice %arg6[%scan3A_567, %get3A_930, %get3A_931] : memref<2x512x64xf32, #tpu.memory_space<vmem>> -> memref<1x512x64xf32, #tpu.memory_space<vmem>>
        %get3A_933 = tpu.memref_squeeze %get3A_932 : memref<1x512x64xf32, #tpu.memory_space<vmem>> -> memref<512x64xf32, #tpu.memory_space<vmem>>
        %get3A_934 = arith.index_cast %scan3A_929 : i32 to index
        %get3A_935 = arith.constant 0 : index
        %get3A_936 = tpu.vector_load %get3A_933[%get3A_934, %get3A_935] {strides = array<i32>} : memref<512x64xf32, #tpu.memory_space<vmem>>, vector<16xf32>,
        %get3A_937 = arith.constant 0 : i32
        %get3A_938 = arith.constant 0 : i32
        %get3A_939 = tpu.memref_slice %arg6[%scan3A_567, %get3A_937, %get3A_938] : memref<2x512x64xf32, #tpu.memory_space<vmem>> -> memref<1x512x64xf32, #tpu.memory_space<vmem>>
        %get3A_940 = tpu.memref_squeeze %get3A_939 : memref<1x512x64xf32, #tpu.memory_space<vmem>> -> memref<512x64xf32, #tpu.memory_space<vmem>>
        %get3A_941 = arith.index_cast %scan3A_929 : i32 to index
        %get3A_942 = arith.constant 16 : index
        %get3A_943 = tpu.vector_load %get3A_940[%get3A_941, %get3A_942] {strides = array<i32>} : memref<512x64xf32, #tpu.memory_space<vmem>>, vector<16xf32>,
        %get3A_944 = arith.constant 0 : i32
        %get3A_945 = arith.constant 0 : i32
        %get3A_946 = tpu.memref_slice %arg6[%scan3A_567, %get3A_944, %get3A_945] : memref<2x512x64xf32, #tpu.memory_space<vmem>> -> memref<1x512x64xf32, #tpu.memory_space<vmem>>
        %get3A_947 = tpu.memref_squeeze %get3A_946 : memref<1x512x64xf32, #tpu.memory_space<vmem>> -> memref<512x64xf32, #tpu.memory_space<vmem>>
        %get3A_948 = arith.index_cast %scan3A_929 : i32 to index
        %get3A_949 = arith.constant 32 : index
        %get3A_950 = tpu.vector_load %get3A_947[%get3A_948, %get3A_949] {strides = array<i32>} : memref<512x64xf32, #tpu.memory_space<vmem>>, vector<16xf32>,
        %get3A_951 = arith.constant 0 : i32
        %get3A_952 = arith.constant 0 : i32
        %get3A_953 = tpu.memref_slice %arg6[%scan3A_567, %get3A_951, %get3A_952] : memref<2x512x64xf32, #tpu.memory_space<vmem>> -> memref<1x512x64xf32, #tpu.memory_space<vmem>>
        %get3A_954 = tpu.memref_squeeze %get3A_953 : memref<1x512x64xf32, #tpu.memory_space<vmem>> -> memref<512x64xf32, #tpu.memory_space<vmem>>
        %get3A_955 = arith.index_cast %scan3A_929 : i32 to index
        %get3A_956 = arith.constant 48 : index
        %get3A_957 = tpu.vector_load %get3A_954[%get3A_955, %get3A_956] {strides = array<i32>} : memref<512x64xf32, #tpu.memory_space<vmem>>, vector<16xf32>,
        tpu.vector_store_idx %arg7[%add3A_555, %add3A_927], %get3A_936 : memref<64x513xf32, #tpu.memory_space<vmem>>[vector<16xi32>, vector<16xi32>], vector<16xf32>,
        tpu.vector_store_idx %arg7[%add3A_558, %add3A_927], %get3A_943 : memref<64x513xf32, #tpu.memory_space<vmem>>[vector<16xi32>, vector<16xi32>], vector<16xf32>,
        tpu.vector_store_idx %arg7[%add3A_561, %add3A_927], %get3A_950 : memref<64x513xf32, #tpu.memory_space<vmem>>[vector<16xi32>, vector<16xi32>], vector<16xf32>,
        tpu.vector_store_idx %arg7[%add3A_564, %add3A_927], %get3A_957 : memref<64x513xf32, #tpu.memory_space<vmem>>[vector<16xi32>, vector<16xi32>], vector<16xf32>,
        %add3A_958 = arith.constant 1 : i32
        %add3A_959 = vector.broadcast %add3A_958 : i32 to vector<16xi32>
        %add3A_960 = arith.addi %add3A_927, %add3A_959 : vector<16xi32>
        scf.yield %add3A_960 : vector<16xi32>
      }
      %scan3A_573 = arith.constant 128 : i32
      %dma_wait3A_574 = arith.constant 1 : i32
      %dma_wait3A_575 = arith.constant 2 : i32
      %dma_wait3A_576 = arith.constant 1 : i32
      %dma_wait3A_577 = arith.constant 256 : i32
      %dma_wait3A_578 = arith.constant 0 : i32
      %dma_wait3A_579 = tpu.memref_slice %arg6[%dma_wait3A_576, %dma_wait3A_577, %dma_wait3A_578] : memref<2x512x64xf32, #tpu.memory_space<vmem>> -> memref<1x128x64xf32, #tpu.memory_space<vmem>>
      %dma_wait3A_580 = tpu.memref_squeeze %dma_wait3A_579 : memref<1x128x64xf32, #tpu.memory_space<vmem>> -> memref<128x64xf32, #tpu.memory_space<vmem>>
      %dma_wait3A_581 = arith.constant 0 : i32
      %dma_wait3A_582 = tpu.memref_slice %arg5[%dma_wait3A_574, %dma_wait3A_575, %dma_wait3A_581] : memref<2x4x128xi32, #tpu.memory_space<vmem>> -> memref<1x1x128xi32, #tpu.memory_space<vmem>>
      %dma_wait3A_583 = tpu.memref_squeeze %dma_wait3A_582 : memref<1x1x128xi32, #tpu.memory_space<vmem>> -> memref<128xi32, #tpu.memory_space<vmem>>
      %dma_wait3A_584 = arith.constant 0 : i32
      %dma_wait3A_585 = arith.constant 0 : i32
      %dma_wait3A_586 = tpu.memref_slice %arg3[%dma_wait3A_584, %dma_wait3A_585] : memref<1000001x64xf32, #tpu.memory_space<hbm>> -> memref<1000001x64xf32, #tpu.memory_space<hbm>>
      tpu.wait_indirect_dma semaphore(%arg9 : memref<!tpu.dma_semaphore, #tpu.memory_space<semaphore_mem>>) src(%dma_wait3A_586 : memref<1000001x64xf32, #tpu.memory_space<hbm>>) dst(%dma_wait3A_580 : memref<128x64xf32, #tpu.memory_space<vmem>>)
      %iota3A_587 = tpu.iota {dimensions = array<i32: 0>} : vector<16xi32>
      %add3A_588 = arith.constant 0 : i32
      %add3A_589 = vector.broadcast %add3A_588 : i32 to vector<16xi32>
      %add3A_590 = arith.addi %iota3A_587, %add3A_589 : vector<16xi32>
      %add3A_591 = arith.constant 16 : i32
      %add3A_592 = vector.broadcast %add3A_591 : i32 to vector<16xi32>
      %add3A_593 = arith.addi %iota3A_587, %add3A_592 : vector<16xi32>
      %add3A_594 = arith.constant 32 : i32
      %add3A_595 = vector.broadcast %add3A_594 : i32 to vector<16xi32>
      %add3A_596 = arith.addi %iota3A_587, %add3A_595 : vector<16xi32>
      %add3A_597 = arith.constant 48 : i32
      %add3A_598 = vector.broadcast %add3A_597 : i32 to vector<16xi32>
      %add3A_599 = arith.addi %iota3A_587, %add3A_598 : vector<16xi32>
      %broadcast_in_dim3A_600 = arith.constant 256 : i32
      %broadcast_in_dim3A_601 = vector.broadcast %broadcast_in_dim3A_600 : i32 to vector<16xi32>
      %scan3A_602 = arith.constant 1 : i32
      %scan3A_603 = arith.constant 256 : i32
      %scan3A_604 = arith.constant 128 : i32
      %scan3A_605 = arith.addi %scan3A_603, %scan3A_604 : i32
      %scan3A_606 = arith.constant 8 : i32
      %scan3A_607 = scf.for %scan3A_698 = %scan3A_603 to %scan3A_605 step %scan3A_606 iter_args(%scan3A_699 = %broadcast_in_dim3A_601) -> (vector<16xi32>)  : i32 {
        %get3A = arith.constant 0 : i32
        %get3A_700 = arith.constant 0 : i32
        %get3A_701 = tpu.memref_slice %arg6[%scan3A_602, %get3A, %get3A_700] : memref<2x512x64xf32, #tpu.memory_space<vmem>> -> memref<1x512x64xf32, #tpu.memory_space<vmem>>
        %get3A_702 = tpu.memref_squeeze %get3A_701 : memref<1x512x64xf32, #tpu.memory_space<vmem>> -> memref<512x64xf32, #tpu.memory_space<vmem>>
        %get3A_703 = arith.index_cast %scan3A_698 : i32 to index
        %get3A_704 = arith.constant 0 : index
        %get3A_705 = tpu.vector_load %get3A_702[%get3A_703, %get3A_704] {strides = array<i32>} : memref<512x64xf32, #tpu.memory_space<vmem>>, vector<16xf32>,
        %get3A_706 = arith.constant 0 : i32
        %get3A_707 = arith.constant 0 : i32
        %get3A_708 = tpu.memref_slice %arg6[%scan3A_602, %get3A_706, %get3A_707] : memref<2x512x64xf32, #tpu.memory_space<vmem>> -> memref<1x512x64xf32, #tpu.memory_space<vmem>>
        %get3A_709 = tpu.memref_squeeze %get3A_708 : memref<1x512x64xf32, #tpu.memory_space<vmem>> -> memref<512x64xf32, #tpu.memory_space<vmem>>
        %get3A_710 = arith.index_cast %scan3A_698 : i32 to index
        %get3A_711 = arith.constant 16 : index
        %get3A_712 = tpu.vector_load %get3A_709[%get3A_710, %get3A_711] {strides = array<i32>} : memref<512x64xf32, #tpu.memory_space<vmem>>, vector<16xf32>,
        %get3A_713 = arith.constant 0 : i32
        %get3A_714 = arith.constant 0 : i32
        %get3A_715 = tpu.memref_slice %arg6[%scan3A_602, %get3A_713, %get3A_714] : memref<2x512x64xf32, #tpu.memory_space<vmem>> -> memref<1x512x64xf32, #tpu.memory_space<vmem>>
        %get3A_716 = tpu.memref_squeeze %get3A_715 : memref<1x512x64xf32, #tpu.memory_space<vmem>> -> memref<512x64xf32, #tpu.memory_space<vmem>>
        %get3A_717 = arith.index_cast %scan3A_698 : i32 to index
        %get3A_718 = arith.constant 32 : index
        %get3A_719 = tpu.vector_load %get3A_716[%get3A_717, %get3A_718] {strides = array<i32>} : memref<512x64xf32, #tpu.memory_space<vmem>>, vector<16xf32>,
        %get3A_720 = arith.constant 0 : i32
        %get3A_721 = arith.constant 0 : i32
        %get3A_722 = tpu.memref_slice %arg6[%scan3A_602, %get3A_720, %get3A_721] : memref<2x512x64xf32, #tpu.memory_space<vmem>> -> memref<1x512x64xf32, #tpu.memory_space<vmem>>
        %get3A_723 = tpu.memref_squeeze %get3A_722 : memref<1x512x64xf32, #tpu.memory_space<vmem>> -> memref<512x64xf32, #tpu.memory_space<vmem>>
        %get3A_724 = arith.index_cast %scan3A_698 : i32 to index
        %get3A_725 = arith.constant 48 : index
        %get3A_726 = tpu.vector_load %get3A_723[%get3A_724, %get3A_725] {strides = array<i32>} : memref<512x64xf32, #tpu.memory_space<vmem>>, vector<16xf32>,
        tpu.vector_store_idx %arg7[%add3A_590, %scan3A_699], %get3A_705 : memref<64x513xf32, #tpu.memory_space<vmem>>[vector<16xi32>, vector<16xi32>], vector<16xf32>,
        tpu.vector_store_idx %arg7[%add3A_593, %scan3A_699], %get3A_712 : memref<64x513xf32, #tpu.memory_space<vmem>>[vector<16xi32>, vector<16xi32>], vector<16xf32>,
        tpu.vector_store_idx %arg7[%add3A_596, %scan3A_699], %get3A_719 : memref<64x513xf32, #tpu.memory_space<vmem>>[vector<16xi32>, vector<16xi32>], vector<16xf32>,
        tpu.vector_store_idx %arg7[%add3A_599, %scan3A_699], %get3A_726 : memref<64x513xf32, #tpu.memory_space<vmem>>[vector<16xi32>, vector<16xi32>], vector<16xf32>,
        %add3A_727 = arith.constant 1 : i32
        %add3A_728 = vector.broadcast %add3A_727 : i32 to vector<16xi32>
        %add3A_729 = arith.addi %scan3A_699, %add3A_728 : vector<16xi32>
        %scan3A_730 = arith.constant 1 : i32
        %scan3A_731 = arith.addi %scan3A_698, %scan3A_730 : i32
        %get3A_732 = arith.constant 0 : i32
        %get3A_733 = arith.constant 0 : i32
        %get3A_734 = tpu.memref_slice %arg6[%scan3A_602, %get3A_732, %get3A_733] : memref<2x512x64xf32, #tpu.memory_space<vmem>> -> memref<1x512x64xf32, #tpu.memory_space<vmem>>
        %get3A_735 = tpu.memref_squeeze %get3A_734 : memref<1x512x64xf32, #tpu.memory_space<vmem>> -> memref<512x64xf32, #tpu.memory_space<vmem>>
        %get3A_736 = arith.index_cast %scan3A_731 : i32 to index
        %get3A_737 = arith.constant 0 : index
        %get3A_738 = tpu.vector_load %get3A_735[%get3A_736, %get3A_737] {strides = array<i32>} : memref<512x64xf32, #tpu.memory_space<vmem>>, vector<16xf32>,
        %get3A_739 = arith.constant 0 : i32
        %get3A_740 = arith.constant 0 : i32
        %get3A_741 = tpu.memref_slice %arg6[%scan3A_602, %get3A_739, %get3A_740] : memref<2x512x64xf32, #tpu.memory_space<vmem>> -> memref<1x512x64xf32, #tpu.memory_space<vmem>>
        %get3A_742 = tpu.memref_squeeze %get3A_741 : memref<1x512x64xf32, #tpu.memory_space<vmem>> -> memref<512x64xf32, #tpu.memory_space<vmem>>
        %get3A_743 = arith.index_cast %scan3A_731 : i32 to index
        %get3A_744 = arith.constant 16 : index
        %get3A_745 = tpu.vector_load %get3A_742[%get3A_743, %get3A_744] {strides = array<i32>} : memref<512x64xf32, #tpu.memory_space<vmem>>, vector<16xf32>,
        %get3A_746 = arith.constant 0 : i32
        %get3A_747 = arith.constant 0 : i32
        %get3A_748 = tpu.memref_slice %arg6[%scan3A_602, %get3A_746, %get3A_747] : memref<2x512x64xf32, #tpu.memory_space<vmem>> -> memref<1x512x64xf32, #tpu.memory_space<vmem>>
        %get3A_749 = tpu.memref_squeeze %get3A_748 : memref<1x512x64xf32, #tpu.memory_space<vmem>> -> memref<512x64xf32, #tpu.memory_space<vmem>>
        %get3A_750 = arith.index_cast %scan3A_731 : i32 to index
        %get3A_751 = arith.constant 32 : index
        %get3A_752 = tpu.vector_load %get3A_749[%get3A_750, %get3A_751] {strides = array<i32>} : memref<512x64xf32, #tpu.memory_space<vmem>>, vector<16xf32>,
        %get3A_753 = arith.constant 0 : i32
        %get3A_754 = arith.constant 0 : i32
        %get3A_755 = tpu.memref_slice %arg6[%scan3A_602, %get3A_753, %get3A_754] : memref<2x512x64xf32, #tpu.memory_space<vmem>> -> memref<1x512x64xf32, #tpu.memory_space<vmem>>
        %get3A_756 = tpu.memref_squeeze %get3A_755 : memref<1x512x64xf32, #tpu.memory_space<vmem>> -> memref<512x64xf32, #tpu.memory_space<vmem>>
        %get3A_757 = arith.index_cast %scan3A_731 : i32 to index
        %get3A_758 = arith.constant 48 : index
        %get3A_759 = tpu.vector_load %get3A_756[%get3A_757, %get3A_758] {strides = array<i32>} : memref<512x64xf32, #tpu.memory_space<vmem>>, vector<16xf32>,
        tpu.vector_store_idx %arg7[%add3A_590, %add3A_729], %get3A_738 : memref<64x513xf32, #tpu.memory_space<vmem>>[vector<16xi32>, vector<16xi32>], vector<16xf32>,
        tpu.vector_store_idx %arg7[%add3A_593, %add3A_729], %get3A_745 : memref<64x513xf32, #tpu.memory_space<vmem>>[vector<16xi32>, vector<16xi32>], vector<16xf32>,
        tpu.vector_store_idx %arg7[%add3A_596, %add3A_729], %get3A_752 : memref<64x513xf32, #tpu.memory_space<vmem>>[vector<16xi32>, vector<16xi32>], vector<16xf32>,
        tpu.vector_store_idx %arg7[%add3A_599, %add3A_729], %get3A_759 : memref<64x513xf32, #tpu.memory_space<vmem>>[vector<16xi32>, vector<16xi32>], vector<16xf32>,
        %add3A_760 = arith.constant 1 : i32
        %add3A_761 = vector.broadcast %add3A_760 : i32 to vector<16xi32>
        %add3A_762 = arith.addi %add3A_729, %add3A_761 : vector<16xi32>
        %scan3A_763 = arith.constant 2 : i32
        %scan3A_764 = arith.addi %scan3A_698, %scan3A_763 : i32
        %get3A_765 = arith.constant 0 : i32
        %get3A_766 = arith.constant 0 : i32
        %get3A_767 = tpu.memref_slice %arg6[%scan3A_602, %get3A_765, %get3A_766] : memref<2x512x64xf32, #tpu.memory_space<vmem>> -> memref<1x512x64xf32, #tpu.memory_space<vmem>>
        %get3A_768 = tpu.memref_squeeze %get3A_767 : memref<1x512x64xf32, #tpu.memory_space<vmem>> -> memref<512x64xf32, #tpu.memory_space<vmem>>
        %get3A_769 = arith.index_cast %scan3A_764 : i32 to index
        %get3A_770 = arith.constant 0 : index
        %get3A_771 = tpu.vector_load %get3A_768[%get3A_769, %get3A_770] {strides = array<i32>} : memref<512x64xf32, #tpu.memory_space<vmem>>, vector<16xf32>,
        %get3A_772 = arith.constant 0 : i32
        %get3A_773 = arith.constant 0 : i32
        %get3A_774 = tpu.memref_slice %arg6[%scan3A_602, %get3A_772, %get3A_773] : memref<2x512x64xf32, #tpu.memory_space<vmem>> -> memref<1x512x64xf32, #tpu.memory_space<vmem>>
        %get3A_775 = tpu.memref_squeeze %get3A_774 : memref<1x512x64xf32, #tpu.memory_space<vmem>> -> memref<512x64xf32, #tpu.memory_space<vmem>>
        %get3A_776 = arith.index_cast %scan3A_764 : i32 to index
        %get3A_777 = arith.constant 16 : index
        %get3A_778 = tpu.vector_load %get3A_775[%get3A_776, %get3A_777] {strides = array<i32>} : memref<512x64xf32, #tpu.memory_space<vmem>>, vector<16xf32>,
        %get3A_779 = arith.constant 0 : i32
        %get3A_780 = arith.constant 0 : i32
        %get3A_781 = tpu.memref_slice %arg6[%scan3A_602, %get3A_779, %get3A_780] : memref<2x512x64xf32, #tpu.memory_space<vmem>> -> memref<1x512x64xf32, #tpu.memory_space<vmem>>
        %get3A_782 = tpu.memref_squeeze %get3A_781 : memref<1x512x64xf32, #tpu.memory_space<vmem>> -> memref<512x64xf32, #tpu.memory_space<vmem>>
        %get3A_783 = arith.index_cast %scan3A_764 : i32 to index
        %get3A_784 = arith.constant 32 : index
        %get3A_785 = tpu.vector_load %get3A_782[%get3A_783, %get3A_784] {strides = array<i32>} : memref<512x64xf32, #tpu.memory_space<vmem>>, vector<16xf32>,
        %get3A_786 = arith.constant 0 : i32
        %get3A_787 = arith.constant 0 : i32
        %get3A_788 = tpu.memref_slice %arg6[%scan3A_602, %get3A_786, %get3A_787] : memref<2x512x64xf32, #tpu.memory_space<vmem>> -> memref<1x512x64xf32, #tpu.memory_space<vmem>>
        %get3A_789 = tpu.memref_squeeze %get3A_788 : memref<1x512x64xf32, #tpu.memory_space<vmem>> -> memref<512x64xf32, #tpu.memory_space<vmem>>
        %get3A_790 = arith.index_cast %scan3A_764 : i32 to index
        %get3A_791 = arith.constant 48 : index
        %get3A_792 = tpu.vector_load %get3A_789[%get3A_790, %get3A_791] {strides = array<i32>} : memref<512x64xf32, #tpu.memory_space<vmem>>, vector<16xf32>,
        tpu.vector_store_idx %arg7[%add3A_590, %add3A_762], %get3A_771 : memref<64x513xf32, #tpu.memory_space<vmem>>[vector<16xi32>, vector<16xi32>], vector<16xf32>,
        tpu.vector_store_idx %arg7[%add3A_593, %add3A_762], %get3A_778 : memref<64x513xf32, #tpu.memory_space<vmem>>[vector<16xi32>, vector<16xi32>], vector<16xf32>,
        tpu.vector_store_idx %arg7[%add3A_596, %add3A_762], %get3A_785 : memref<64x513xf32, #tpu.memory_space<vmem>>[vector<16xi32>, vector<16xi32>], vector<16xf32>,
        tpu.vector_store_idx %arg7[%add3A_599, %add3A_762], %get3A_792 : memref<64x513xf32, #tpu.memory_space<vmem>>[vector<16xi32>, vector<16xi32>], vector<16xf32>,
        %add3A_793 = arith.constant 1 : i32
        %add3A_794 = vector.broadcast %add3A_793 : i32 to vector<16xi32>
        %add3A_795 = arith.addi %add3A_762, %add3A_794 : vector<16xi32>
        %scan3A_796 = arith.constant 3 : i32
        %scan3A_797 = arith.addi %scan3A_698, %scan3A_796 : i32
        %get3A_798 = arith.constant 0 : i32
        %get3A_799 = arith.constant 0 : i32
        %get3A_800 = tpu.memref_slice %arg6[%scan3A_602, %get3A_798, %get3A_799] : memref<2x512x64xf32, #tpu.memory_space<vmem>> -> memref<1x512x64xf32, #tpu.memory_space<vmem>>
        %get3A_801 = tpu.memref_squeeze %get3A_800 : memref<1x512x64xf32, #tpu.memory_space<vmem>> -> memref<512x64xf32, #tpu.memory_space<vmem>>
        %get3A_802 = arith.index_cast %scan3A_797 : i32 to index
        %get3A_803 = arith.constant 0 : index
        %get3A_804 = tpu.vector_load %get3A_801[%get3A_802, %get3A_803] {strides = array<i32>} : memref<512x64xf32, #tpu.memory_space<vmem>>, vector<16xf32>,
        %get3A_805 = arith.constant 0 : i32
        %get3A_806 = arith.constant 0 : i32
        %get3A_807 = tpu.memref_slice %arg6[%scan3A_602, %get3A_805, %get3A_806] : memref<2x512x64xf32, #tpu.memory_space<vmem>> -> memref<1x512x64xf32, #tpu.memory_space<vmem>>
        %get3A_808 = tpu.memref_squeeze %get3A_807 : memref<1x512x64xf32, #tpu.memory_space<vmem>> -> memref<512x64xf32, #tpu.memory_space<vmem>>
        %get3A_809 = arith.index_cast %scan3A_797 : i32 to index
        %get3A_810 = arith.constant 16 : index
        %get3A_811 = tpu.vector_load %get3A_808[%get3A_809, %get3A_810] {strides = array<i32>} : memref<512x64xf32, #tpu.memory_space<vmem>>, vector<16xf32>,
        %get3A_812 = arith.constant 0 : i32
        %get3A_813 = arith.constant 0 : i32
        %get3A_814 = tpu.memref_slice %arg6[%scan3A_602, %get3A_812, %get3A_813] : memref<2x512x64xf32, #tpu.memory_space<vmem>> -> memref<1x512x64xf32, #tpu.memory_space<vmem>>
        %get3A_815 = tpu.memref_squeeze %get3A_814 : memref<1x512x64xf32, #tpu.memory_space<vmem>> -> memref<512x64xf32, #tpu.memory_space<vmem>>
        %get3A_816 = arith.index_cast %scan3A_797 : i32 to index
        %get3A_817 = arith.constant 32 : index
        %get3A_818 = tpu.vector_load %get3A_815[%get3A_816, %get3A_817] {strides = array<i32>} : memref<512x64xf32, #tpu.memory_space<vmem>>, vector<16xf32>,
        %get3A_819 = arith.constant 0 : i32
        %get3A_820 = arith.constant 0 : i32
        %get3A_821 = tpu.memref_slice %arg6[%scan3A_602, %get3A_819, %get3A_820] : memref<2x512x64xf32, #tpu.memory_space<vmem>> -> memref<1x512x64xf32, #tpu.memory_space<vmem>>
        %get3A_822 = tpu.memref_squeeze %get3A_821 : memref<1x512x64xf32, #tpu.memory_space<vmem>> -> memref<512x64xf32, #tpu.memory_space<vmem>>
        %get3A_823 = arith.index_cast %scan3A_797 : i32 to index
        %get3A_824 = arith.constant 48 : index
        %get3A_825 = tpu.vector_load %get3A_822[%get3A_823, %get3A_824] {strides = array<i32>} : memref<512x64xf32, #tpu.memory_space<vmem>>, vector<16xf32>,
        tpu.vector_store_idx %arg7[%add3A_590, %add3A_795], %get3A_804 : memref<64x513xf32, #tpu.memory_space<vmem>>[vector<16xi32>, vector<16xi32>], vector<16xf32>,
        tpu.vector_store_idx %arg7[%add3A_593, %add3A_795], %get3A_811 : memref<64x513xf32, #tpu.memory_space<vmem>>[vector<16xi32>, vector<16xi32>], vector<16xf32>,
        tpu.vector_store_idx %arg7[%add3A_596, %add3A_795], %get3A_818 : memref<64x513xf32, #tpu.memory_space<vmem>>[vector<16xi32>, vector<16xi32>], vector<16xf32>,
        tpu.vector_store_idx %arg7[%add3A_599, %add3A_795], %get3A_825 : memref<64x513xf32, #tpu.memory_space<vmem>>[vector<16xi32>, vector<16xi32>], vector<16xf32>,
        %add3A_826 = arith.constant 1 : i32
        %add3A_827 = vector.broadcast %add3A_826 : i32 to vector<16xi32>
        %add3A_828 = arith.addi %add3A_795, %add3A_827 : vector<16xi32>
        %scan3A_829 = arith.constant 4 : i32
        %scan3A_830 = arith.addi %scan3A_698, %scan3A_829 : i32
        %get3A_831 = arith.constant 0 : i32
        %get3A_832 = arith.constant 0 : i32
        %get3A_833 = tpu.memref_slice %arg6[%scan3A_602, %get3A_831, %get3A_832] : memref<2x512x64xf32, #tpu.memory_space<vmem>> -> memref<1x512x64xf32, #tpu.memory_space<vmem>>
        %get3A_834 = tpu.memref_squeeze %get3A_833 : memref<1x512x64xf32, #tpu.memory_space<vmem>> -> memref<512x64xf32, #tpu.memory_space<vmem>>
        %get3A_835 = arith.index_cast %scan3A_830 : i32 to index
        %get3A_836 = arith.constant 0 : index
        %get3A_837 = tpu.vector_load %get3A_834[%get3A_835, %get3A_836] {strides = array<i32>} : memref<512x64xf32, #tpu.memory_space<vmem>>, vector<16xf32>,
        %get3A_838 = arith.constant 0 : i32
        %get3A_839 = arith.constant 0 : i32
        %get3A_840 = tpu.memref_slice %arg6[%scan3A_602, %get3A_838, %get3A_839] : memref<2x512x64xf32, #tpu.memory_space<vmem>> -> memref<1x512x64xf32, #tpu.memory_space<vmem>>
        %get3A_841 = tpu.memref_squeeze %get3A_840 : memref<1x512x64xf32, #tpu.memory_space<vmem>> -> memref<512x64xf32, #tpu.memory_space<vmem>>
        %get3A_842 = arith.index_cast %scan3A_830 : i32 to index
        %get3A_843 = arith.constant 16 : index
        %get3A_844 = tpu.vector_load %get3A_841[%get3A_842, %get3A_843] {strides = array<i32>} : memref<512x64xf32, #tpu.memory_space<vmem>>, vector<16xf32>,
        %get3A_845 = arith.constant 0 : i32
        %get3A_846 = arith.constant 0 : i32
        %get3A_847 = tpu.memref_slice %arg6[%scan3A_602, %get3A_845, %get3A_846] : memref<2x512x64xf32, #tpu.memory_space<vmem>> -> memref<1x512x64xf32, #tpu.memory_space<vmem>>
        %get3A_848 = tpu.memref_squeeze %get3A_847 : memref<1x512x64xf32, #tpu.memory_space<vmem>> -> memref<512x64xf32, #tpu.memory_space<vmem>>
        %get3A_849 = arith.index_cast %scan3A_830 : i32 to index
        %get3A_850 = arith.constant 32 : index
        %get3A_851 = tpu.vector_load %get3A_848[%get3A_849, %get3A_850] {strides = array<i32>} : memref<512x64xf32, #tpu.memory_space<vmem>>, vector<16xf32>,
        %get3A_852 = arith.constant 0 : i32
        %get3A_853 = arith.constant 0 : i32
        %get3A_854 = tpu.memref_slice %arg6[%scan3A_602, %get3A_852, %get3A_853] : memref<2x512x64xf32, #tpu.memory_space<vmem>> -> memref<1x512x64xf32, #tpu.memory_space<vmem>>
        %get3A_855 = tpu.memref_squeeze %get3A_854 : memref<1x512x64xf32, #tpu.memory_space<vmem>> -> memref<512x64xf32, #tpu.memory_space<vmem>>
        %get3A_856 = arith.index_cast %scan3A_830 : i32 to index
        %get3A_857 = arith.constant 48 : index
        %get3A_858 = tpu.vector_load %get3A_855[%get3A_856, %get3A_857] {strides = array<i32>} : memref<512x64xf32, #tpu.memory_space<vmem>>, vector<16xf32>,
        tpu.vector_store_idx %arg7[%add3A_590, %add3A_828], %get3A_837 : memref<64x513xf32, #tpu.memory_space<vmem>>[vector<16xi32>, vector<16xi32>], vector<16xf32>,
        tpu.vector_store_idx %arg7[%add3A_593, %add3A_828], %get3A_844 : memref<64x513xf32, #tpu.memory_space<vmem>>[vector<16xi32>, vector<16xi32>], vector<16xf32>,
        tpu.vector_store_idx %arg7[%add3A_596, %add3A_828], %get3A_851 : memref<64x513xf32, #tpu.memory_space<vmem>>[vector<16xi32>, vector<16xi32>], vector<16xf32>,
        tpu.vector_store_idx %arg7[%add3A_599, %add3A_828], %get3A_858 : memref<64x513xf32, #tpu.memory_space<vmem>>[vector<16xi32>, vector<16xi32>], vector<16xf32>,
        %add3A_859 = arith.constant 1 : i32
        %add3A_860 = vector.broadcast %add3A_859 : i32 to vector<16xi32>
        %add3A_861 = arith.addi %add3A_828, %add3A_860 : vector<16xi32>
        %scan3A_862 = arith.constant 5 : i32
        %scan3A_863 = arith.addi %scan3A_698, %scan3A_862 : i32
        %get3A_864 = arith.constant 0 : i32
        %get3A_865 = arith.constant 0 : i32
        %get3A_866 = tpu.memref_slice %arg6[%scan3A_602, %get3A_864, %get3A_865] : memref<2x512x64xf32, #tpu.memory_space<vmem>> -> memref<1x512x64xf32, #tpu.memory_space<vmem>>
        %get3A_867 = tpu.memref_squeeze %get3A_866 : memref<1x512x64xf32, #tpu.memory_space<vmem>> -> memref<512x64xf32, #tpu.memory_space<vmem>>
        %get3A_868 = arith.index_cast %scan3A_863 : i32 to index
        %get3A_869 = arith.constant 0 : index
        %get3A_870 = tpu.vector_load %get3A_867[%get3A_868, %get3A_869] {strides = array<i32>} : memref<512x64xf32, #tpu.memory_space<vmem>>, vector<16xf32>,
        %get3A_871 = arith.constant 0 : i32
        %get3A_872 = arith.constant 0 : i32
        %get3A_873 = tpu.memref_slice %arg6[%scan3A_602, %get3A_871, %get3A_872] : memref<2x512x64xf32, #tpu.memory_space<vmem>> -> memref<1x512x64xf32, #tpu.memory_space<vmem>>
        %get3A_874 = tpu.memref_squeeze %get3A_873 : memref<1x512x64xf32, #tpu.memory_space<vmem>> -> memref<512x64xf32, #tpu.memory_space<vmem>>
        %get3A_875 = arith.index_cast %scan3A_863 : i32 to index
        %get3A_876 = arith.constant 16 : index
        %get3A_877 = tpu.vector_load %get3A_874[%get3A_875, %get3A_876] {strides = array<i32>} : memref<512x64xf32, #tpu.memory_space<vmem>>, vector<16xf32>,
        %get3A_878 = arith.constant 0 : i32
        %get3A_879 = arith.constant 0 : i32
        %get3A_880 = tpu.memref_slice %arg6[%scan3A_602, %get3A_878, %get3A_879] : memref<2x512x64xf32, #tpu.memory_space<vmem>> -> memref<1x512x64xf32, #tpu.memory_space<vmem>>
        %get3A_881 = tpu.memref_squeeze %get3A_880 : memref<1x512x64xf32, #tpu.memory_space<vmem>> -> memref<512x64xf32, #tpu.memory_space<vmem>>
        %get3A_882 = arith.index_cast %scan3A_863 : i32 to index
        %get3A_883 = arith.constant 32 : index
        %get3A_884 = tpu.vector_load %get3A_881[%get3A_882, %get3A_883] {strides = array<i32>} : memref<512x64xf32, #tpu.memory_space<vmem>>, vector<16xf32>,
        %get3A_885 = arith.constant 0 : i32
        %get3A_886 = arith.constant 0 : i32
        %get3A_887 = tpu.memref_slice %arg6[%scan3A_602, %get3A_885, %get3A_886] : memref<2x512x64xf32, #tpu.memory_space<vmem>> -> memref<1x512x64xf32, #tpu.memory_space<vmem>>
        %get3A_888 = tpu.memref_squeeze %get3A_887 : memref<1x512x64xf32, #tpu.memory_space<vmem>> -> memref<512x64xf32, #tpu.memory_space<vmem>>
        %get3A_889 = arith.index_cast %scan3A_863 : i32 to index
        %get3A_890 = arith.constant 48 : index
        %get3A_891 = tpu.vector_load %get3A_888[%get3A_889, %get3A_890] {strides = array<i32>} : memref<512x64xf32, #tpu.memory_space<vmem>>, vector<16xf32>,
        tpu.vector_store_idx %arg7[%add3A_590, %add3A_861], %get3A_870 : memref<64x513xf32, #tpu.memory_space<vmem>>[vector<16xi32>, vector<16xi32>], vector<16xf32>,
        tpu.vector_store_idx %arg7[%add3A_593, %add3A_861], %get3A_877 : memref<64x513xf32, #tpu.memory_space<vmem>>[vector<16xi32>, vector<16xi32>], vector<16xf32>,
        tpu.vector_store_idx %arg7[%add3A_596, %add3A_861], %get3A_884 : memref<64x513xf32, #tpu.memory_space<vmem>>[vector<16xi32>, vector<16xi32>], vector<16xf32>,
        tpu.vector_store_idx %arg7[%add3A_599, %add3A_861], %get3A_891 : memref<64x513xf32, #tpu.memory_space<vmem>>[vector<16xi32>, vector<16xi32>], vector<16xf32>,
        %add3A_892 = arith.constant 1 : i32
        %add3A_893 = vector.broadcast %add3A_892 : i32 to vector<16xi32>
        %add3A_894 = arith.addi %add3A_861, %add3A_893 : vector<16xi32>
        %scan3A_895 = arith.constant 6 : i32
        %scan3A_896 = arith.addi %scan3A_698, %scan3A_895 : i32
        %get3A_897 = arith.constant 0 : i32
        %get3A_898 = arith.constant 0 : i32
        %get3A_899 = tpu.memref_slice %arg6[%scan3A_602, %get3A_897, %get3A_898] : memref<2x512x64xf32, #tpu.memory_space<vmem>> -> memref<1x512x64xf32, #tpu.memory_space<vmem>>
        %get3A_900 = tpu.memref_squeeze %get3A_899 : memref<1x512x64xf32, #tpu.memory_space<vmem>> -> memref<512x64xf32, #tpu.memory_space<vmem>>
        %get3A_901 = arith.index_cast %scan3A_896 : i32 to index
        %get3A_902 = arith.constant 0 : index
        %get3A_903 = tpu.vector_load %get3A_900[%get3A_901, %get3A_902] {strides = array<i32>} : memref<512x64xf32, #tpu.memory_space<vmem>>, vector<16xf32>,
        %get3A_904 = arith.constant 0 : i32
        %get3A_905 = arith.constant 0 : i32
        %get3A_906 = tpu.memref_slice %arg6[%scan3A_602, %get3A_904, %get3A_905] : memref<2x512x64xf32, #tpu.memory_space<vmem>> -> memref<1x512x64xf32, #tpu.memory_space<vmem>>
        %get3A_907 = tpu.memref_squeeze %get3A_906 : memref<1x512x64xf32, #tpu.memory_space<vmem>> -> memref<512x64xf32, #tpu.memory_space<vmem>>
        %get3A_908 = arith.index_cast %scan3A_896 : i32 to index
        %get3A_909 = arith.constant 16 : index
        %get3A_910 = tpu.vector_load %get3A_907[%get3A_908, %get3A_909] {strides = array<i32>} : memref<512x64xf32, #tpu.memory_space<vmem>>, vector<16xf32>,
        %get3A_911 = arith.constant 0 : i32
        %get3A_912 = arith.constant 0 : i32
        %get3A_913 = tpu.memref_slice %arg6[%scan3A_602, %get3A_911, %get3A_912] : memref<2x512x64xf32, #tpu.memory_space<vmem>> -> memref<1x512x64xf32, #tpu.memory_space<vmem>>
        %get3A_914 = tpu.memref_squeeze %get3A_913 : memref<1x512x64xf32, #tpu.memory_space<vmem>> -> memref<512x64xf32, #tpu.memory_space<vmem>>
        %get3A_915 = arith.index_cast %scan3A_896 : i32 to index
        %get3A_916 = arith.constant 32 : index
        %get3A_917 = tpu.vector_load %get3A_914[%get3A_915, %get3A_916] {strides = array<i32>} : memref<512x64xf32, #tpu.memory_space<vmem>>, vector<16xf32>,
        %get3A_918 = arith.constant 0 : i32
        %get3A_919 = arith.constant 0 : i32
        %get3A_920 = tpu.memref_slice %arg6[%scan3A_602, %get3A_918, %get3A_919] : memref<2x512x64xf32, #tpu.memory_space<vmem>> -> memref<1x512x64xf32, #tpu.memory_space<vmem>>
        %get3A_921 = tpu.memref_squeeze %get3A_920 : memref<1x512x64xf32, #tpu.memory_space<vmem>> -> memref<512x64xf32, #tpu.memory_space<vmem>>
        %get3A_922 = arith.index_cast %scan3A_896 : i32 to index
        %get3A_923 = arith.constant 48 : index
        %get3A_924 = tpu.vector_load %get3A_921[%get3A_922, %get3A_923] {strides = array<i32>} : memref<512x64xf32, #tpu.memory_space<vmem>>, vector<16xf32>,
        tpu.vector_store_idx %arg7[%add3A_590, %add3A_894], %get3A_903 : memref<64x513xf32, #tpu.memory_space<vmem>>[vector<16xi32>, vector<16xi32>], vector<16xf32>,
        tpu.vector_store_idx %arg7[%add3A_593, %add3A_894], %get3A_910 : memref<64x513xf32, #tpu.memory_space<vmem>>[vector<16xi32>, vector<16xi32>], vector<16xf32>,
        tpu.vector_store_idx %arg7[%add3A_596, %add3A_894], %get3A_917 : memref<64x513xf32, #tpu.memory_space<vmem>>[vector<16xi32>, vector<16xi32>], vector<16xf32>,
        tpu.vector_store_idx %arg7[%add3A_599, %add3A_894], %get3A_924 : memref<64x513xf32, #tpu.memory_space<vmem>>[vector<16xi32>, vector<16xi32>], vector<16xf32>,
        %add3A_925 = arith.constant 1 : i32
        %add3A_926 = vector.broadcast %add3A_925 : i32 to vector<16xi32>
        %add3A_927 = arith.addi %add3A_894, %add3A_926 : vector<16xi32>
        %scan3A_928 = arith.constant 7 : i32
        %scan3A_929 = arith.addi %scan3A_698, %scan3A_928 : i32
        %get3A_930 = arith.constant 0 : i32
        %get3A_931 = arith.constant 0 : i32
        %get3A_932 = tpu.memref_slice %arg6[%scan3A_602, %get3A_930, %get3A_931] : memref<2x512x64xf32, #tpu.memory_space<vmem>> -> memref<1x512x64xf32, #tpu.memory_space<vmem>>
        %get3A_933 = tpu.memref_squeeze %get3A_932 : memref<1x512x64xf32, #tpu.memory_space<vmem>> -> memref<512x64xf32, #tpu.memory_space<vmem>>
        %get3A_934 = arith.index_cast %scan3A_929 : i32 to index
        %get3A_935 = arith.constant 0 : index
        %get3A_936 = tpu.vector_load %get3A_933[%get3A_934, %get3A_935] {strides = array<i32>} : memref<512x64xf32, #tpu.memory_space<vmem>>, vector<16xf32>,
        %get3A_937 = arith.constant 0 : i32
        %get3A_938 = arith.constant 0 : i32
        %get3A_939 = tpu.memref_slice %arg6[%scan3A_602, %get3A_937, %get3A_938] : memref<2x512x64xf32, #tpu.memory_space<vmem>> -> memref<1x512x64xf32, #tpu.memory_space<vmem>>
        %get3A_940 = tpu.memref_squeeze %get3A_939 : memref<1x512x64xf32, #tpu.memory_space<vmem>> -> memref<512x64xf32, #tpu.memory_space<vmem>>
        %get3A_941 = arith.index_cast %scan3A_929 : i32 to index
        %get3A_942 = arith.constant 16 : index
        %get3A_943 = tpu.vector_load %get3A_940[%get3A_941, %get3A_942] {strides = array<i32>} : memref<512x64xf32, #tpu.memory_space<vmem>>, vector<16xf32>,
        %get3A_944 = arith.constant 0 : i32
        %get3A_945 = arith.constant 0 : i32
        %get3A_946 = tpu.memref_slice %arg6[%scan3A_602, %get3A_944, %get3A_945] : memref<2x512x64xf32, #tpu.memory_space<vmem>> -> memref<1x512x64xf32, #tpu.memory_space<vmem>>
        %get3A_947 = tpu.memref_squeeze %get3A_946 : memref<1x512x64xf32, #tpu.memory_space<vmem>> -> memref<512x64xf32, #tpu.memory_space<vmem>>
        %get3A_948 = arith.index_cast %scan3A_929 : i32 to index
        %get3A_949 = arith.constant 32 : index
        %get3A_950 = tpu.vector_load %get3A_947[%get3A_948, %get3A_949] {strides = array<i32>} : memref<512x64xf32, #tpu.memory_space<vmem>>, vector<16xf32>,
        %get3A_951 = arith.constant 0 : i32
        %get3A_952 = arith.constant 0 : i32
        %get3A_953 = tpu.memref_slice %arg6[%scan3A_602, %get3A_951, %get3A_952] : memref<2x512x64xf32, #tpu.memory_space<vmem>> -> memref<1x512x64xf32, #tpu.memory_space<vmem>>
        %get3A_954 = tpu.memref_squeeze %get3A_953 : memref<1x512x64xf32, #tpu.memory_space<vmem>> -> memref<512x64xf32, #tpu.memory_space<vmem>>
        %get3A_955 = arith.index_cast %scan3A_929 : i32 to index
        %get3A_956 = arith.constant 48 : index
        %get3A_957 = tpu.vector_load %get3A_954[%get3A_955, %get3A_956] {strides = array<i32>} : memref<512x64xf32, #tpu.memory_space<vmem>>, vector<16xf32>,
        tpu.vector_store_idx %arg7[%add3A_590, %add3A_927], %get3A_936 : memref<64x513xf32, #tpu.memory_space<vmem>>[vector<16xi32>, vector<16xi32>], vector<16xf32>,
        tpu.vector_store_idx %arg7[%add3A_593, %add3A_927], %get3A_943 : memref<64x513xf32, #tpu.memory_space<vmem>>[vector<16xi32>, vector<16xi32>], vector<16xf32>,
        tpu.vector_store_idx %arg7[%add3A_596, %add3A_927], %get3A_950 : memref<64x513xf32, #tpu.memory_space<vmem>>[vector<16xi32>, vector<16xi32>], vector<16xf32>,
        tpu.vector_store_idx %arg7[%add3A_599, %add3A_927], %get3A_957 : memref<64x513xf32, #tpu.memory_space<vmem>>[vector<16xi32>, vector<16xi32>], vector<16xf32>,
        %add3A_958 = arith.constant 1 : i32
        %add3A_959 = vector.broadcast %add3A_958 : i32 to vector<16xi32>
        %add3A_960 = arith.addi %add3A_927, %add3A_959 : vector<16xi32>
        scf.yield %add3A_960 : vector<16xi32>
      }
      %scan3A_608 = arith.constant 128 : i32
      %dma_wait3A_609 = arith.constant 1 : i32
      %dma_wait3A_610 = arith.constant 3 : i32
      %dma_wait3A_611 = arith.constant 1 : i32
      %dma_wait3A_612 = arith.constant 384 : i32
      %dma_wait3A_613 = arith.constant 0 : i32
      %dma_wait3A_614 = tpu.memref_slice %arg6[%dma_wait3A_611, %dma_wait3A_612, %dma_wait3A_613] : memref<2x512x64xf32, #tpu.memory_space<vmem>> -> memref<1x128x64xf32, #tpu.memory_space<vmem>>
      %dma_wait3A_615 = tpu.memref_squeeze %dma_wait3A_614 : memref<1x128x64xf32, #tpu.memory_space<vmem>> -> memref<128x64xf32, #tpu.memory_space<vmem>>
      %dma_wait3A_616 = arith.constant 0 : i32
      %dma_wait3A_617 = tpu.memref_slice %arg5[%dma_wait3A_609, %dma_wait3A_610, %dma_wait3A_616] : memref<2x4x128xi32, #tpu.memory_space<vmem>> -> memref<1x1x128xi32, #tpu.memory_space<vmem>>
      %dma_wait3A_618 = tpu.memref_squeeze %dma_wait3A_617 : memref<1x1x128xi32, #tpu.memory_space<vmem>> -> memref<128xi32, #tpu.memory_space<vmem>>
      %dma_wait3A_619 = arith.constant 0 : i32
      %dma_wait3A_620 = arith.constant 0 : i32
      %dma_wait3A_621 = tpu.memref_slice %arg3[%dma_wait3A_619, %dma_wait3A_620] : memref<1000001x64xf32, #tpu.memory_space<hbm>> -> memref<1000001x64xf32, #tpu.memory_space<hbm>>
      tpu.wait_indirect_dma semaphore(%arg9 : memref<!tpu.dma_semaphore, #tpu.memory_space<semaphore_mem>>) src(%dma_wait3A_621 : memref<1000001x64xf32, #tpu.memory_space<hbm>>) dst(%dma_wait3A_615 : memref<128x64xf32, #tpu.memory_space<vmem>>)
      %iota3A_622 = tpu.iota {dimensions = array<i32: 0>} : vector<16xi32>
      %add3A_623 = arith.constant 0 : i32
      %add3A_624 = vector.broadcast %add3A_623 : i32 to vector<16xi32>
      %add3A_625 = arith.addi %iota3A_622, %add3A_624 : vector<16xi32>
      %add3A_626 = arith.constant 16 : i32
      %add3A_627 = vector.broadcast %add3A_626 : i32 to vector<16xi32>
      %add3A_628 = arith.addi %iota3A_622, %add3A_627 : vector<16xi32>
      %add3A_629 = arith.constant 32 : i32
      %add3A_630 = vector.broadcast %add3A_629 : i32 to vector<16xi32>
      %add3A_631 = arith.addi %iota3A_622, %add3A_630 : vector<16xi32>
      %add3A_632 = arith.constant 48 : i32
      %add3A_633 = vector.broadcast %add3A_632 : i32 to vector<16xi32>
      %add3A_634 = arith.addi %iota3A_622, %add3A_633 : vector<16xi32>
      %broadcast_in_dim3A_635 = arith.constant 384 : i32
      %broadcast_in_dim3A_636 = vector.broadcast %broadcast_in_dim3A_635 : i32 to vector<16xi32>
      %scan3A_637 = arith.constant 1 : i32
      %scan3A_638 = arith.constant 384 : i32
      %scan3A_639 = arith.constant 128 : i32
      %scan3A_640 = arith.addi %scan3A_638, %scan3A_639 : i32
      %scan3A_641 = arith.constant 8 : i32
      %scan3A_642 = scf.for %scan3A_698 = %scan3A_638 to %scan3A_640 step %scan3A_641 iter_args(%scan3A_699 = %broadcast_in_dim3A_636) -> (vector<16xi32>)  : i32 {
        %get3A = arith.constant 0 : i32
        %get3A_700 = arith.constant 0 : i32
        %get3A_701 = tpu.memref_slice %arg6[%scan3A_637, %get3A, %get3A_700] : memref<2x512x64xf32, #tpu.memory_space<vmem>> -> memref<1x512x64xf32, #tpu.memory_space<vmem>>
        %get3A_702 = tpu.memref_squeeze %get3A_701 : memref<1x512x64xf32, #tpu.memory_space<vmem>> -> memref<512x64xf32, #tpu.memory_space<vmem>>
        %get3A_703 = arith.index_cast %scan3A_698 : i32 to index
        %get3A_704 = arith.constant 0 : index
        %get3A_705 = tpu.vector_load %get3A_702[%get3A_703, %get3A_704] {strides = array<i32>} : memref<512x64xf32, #tpu.memory_space<vmem>>, vector<16xf32>,
        %get3A_706 = arith.constant 0 : i32
        %get3A_707 = arith.constant 0 : i32
        %get3A_708 = tpu.memref_slice %arg6[%scan3A_637, %get3A_706, %get3A_707] : memref<2x512x64xf32, #tpu.memory_space<vmem>> -> memref<1x512x64xf32, #tpu.memory_space<vmem>>
        %get3A_709 = tpu.memref_squeeze %get3A_708 : memref<1x512x64xf32, #tpu.memory_space<vmem>> -> memref<512x64xf32, #tpu.memory_space<vmem>>
        %get3A_710 = arith.index_cast %scan3A_698 : i32 to index
        %get3A_711 = arith.constant 16 : index
        %get3A_712 = tpu.vector_load %get3A_709[%get3A_710, %get3A_711] {strides = array<i32>} : memref<512x64xf32, #tpu.memory_space<vmem>>, vector<16xf32>,
        %get3A_713 = arith.constant 0 : i32
        %get3A_714 = arith.constant 0 : i32
        %get3A_715 = tpu.memref_slice %arg6[%scan3A_637, %get3A_713, %get3A_714] : memref<2x512x64xf32, #tpu.memory_space<vmem>> -> memref<1x512x64xf32, #tpu.memory_space<vmem>>
        %get3A_716 = tpu.memref_squeeze %get3A_715 : memref<1x512x64xf32, #tpu.memory_space<vmem>> -> memref<512x64xf32, #tpu.memory_space<vmem>>
        %get3A_717 = arith.index_cast %scan3A_698 : i32 to index
        %get3A_718 = arith.constant 32 : index
        %get3A_719 = tpu.vector_load %get3A_716[%get3A_717, %get3A_718] {strides = array<i32>} : memref<512x64xf32, #tpu.memory_space<vmem>>, vector<16xf32>,
        %get3A_720 = arith.constant 0 : i32
        %get3A_721 = arith.constant 0 : i32
        %get3A_722 = tpu.memref_slice %arg6[%scan3A_637, %get3A_720, %get3A_721] : memref<2x512x64xf32, #tpu.memory_space<vmem>> -> memref<1x512x64xf32, #tpu.memory_space<vmem>>
        %get3A_723 = tpu.memref_squeeze %get3A_722 : memref<1x512x64xf32, #tpu.memory_space<vmem>> -> memref<512x64xf32, #tpu.memory_space<vmem>>
        %get3A_724 = arith.index_cast %scan3A_698 : i32 to index
        %get3A_725 = arith.constant 48 : index
        %get3A_726 = tpu.vector_load %get3A_723[%get3A_724, %get3A_725] {strides = array<i32>} : memref<512x64xf32, #tpu.memory_space<vmem>>, vector<16xf32>,
        tpu.vector_store_idx %arg7[%add3A_625, %scan3A_699], %get3A_705 : memref<64x513xf32, #tpu.memory_space<vmem>>[vector<16xi32>, vector<16xi32>], vector<16xf32>,
        tpu.vector_store_idx %arg7[%add3A_628, %scan3A_699], %get3A_712 : memref<64x513xf32, #tpu.memory_space<vmem>>[vector<16xi32>, vector<16xi32>], vector<16xf32>,
        tpu.vector_store_idx %arg7[%add3A_631, %scan3A_699], %get3A_719 : memref<64x513xf32, #tpu.memory_space<vmem>>[vector<16xi32>, vector<16xi32>], vector<16xf32>,
        tpu.vector_store_idx %arg7[%add3A_634, %scan3A_699], %get3A_726 : memref<64x513xf32, #tpu.memory_space<vmem>>[vector<16xi32>, vector<16xi32>], vector<16xf32>,
        %add3A_727 = arith.constant 1 : i32
        %add3A_728 = vector.broadcast %add3A_727 : i32 to vector<16xi32>
        %add3A_729 = arith.addi %scan3A_699, %add3A_728 : vector<16xi32>
        %scan3A_730 = arith.constant 1 : i32
        %scan3A_731 = arith.addi %scan3A_698, %scan3A_730 : i32
        %get3A_732 = arith.constant 0 : i32
        %get3A_733 = arith.constant 0 : i32
        %get3A_734 = tpu.memref_slice %arg6[%scan3A_637, %get3A_732, %get3A_733] : memref<2x512x64xf32, #tpu.memory_space<vmem>> -> memref<1x512x64xf32, #tpu.memory_space<vmem>>
        %get3A_735 = tpu.memref_squeeze %get3A_734 : memref<1x512x64xf32, #tpu.memory_space<vmem>> -> memref<512x64xf32, #tpu.memory_space<vmem>>
        %get3A_736 = arith.index_cast %scan3A_731 : i32 to index
        %get3A_737 = arith.constant 0 : index
        %get3A_738 = tpu.vector_load %get3A_735[%get3A_736, %get3A_737] {strides = array<i32>} : memref<512x64xf32, #tpu.memory_space<vmem>>, vector<16xf32>,
        %get3A_739 = arith.constant 0 : i32
        %get3A_740 = arith.constant 0 : i32
        %get3A_741 = tpu.memref_slice %arg6[%scan3A_637, %get3A_739, %get3A_740] : memref<2x512x64xf32, #tpu.memory_space<vmem>> -> memref<1x512x64xf32, #tpu.memory_space<vmem>>
        %get3A_742 = tpu.memref_squeeze %get3A_741 : memref<1x512x64xf32, #tpu.memory_space<vmem>> -> memref<512x64xf32, #tpu.memory_space<vmem>>
        %get3A_743 = arith.index_cast %scan3A_731 : i32 to index
        %get3A_744 = arith.constant 16 : index
        %get3A_745 = tpu.vector_load %get3A_742[%get3A_743, %get3A_744] {strides = array<i32>} : memref<512x64xf32, #tpu.memory_space<vmem>>, vector<16xf32>,
        %get3A_746 = arith.constant 0 : i32
        %get3A_747 = arith.constant 0 : i32
        %get3A_748 = tpu.memref_slice %arg6[%scan3A_637, %get3A_746, %get3A_747] : memref<2x512x64xf32, #tpu.memory_space<vmem>> -> memref<1x512x64xf32, #tpu.memory_space<vmem>>
        %get3A_749 = tpu.memref_squeeze %get3A_748 : memref<1x512x64xf32, #tpu.memory_space<vmem>> -> memref<512x64xf32, #tpu.memory_space<vmem>>
        %get3A_750 = arith.index_cast %scan3A_731 : i32 to index
        %get3A_751 = arith.constant 32 : index
        %get3A_752 = tpu.vector_load %get3A_749[%get3A_750, %get3A_751] {strides = array<i32>} : memref<512x64xf32, #tpu.memory_space<vmem>>, vector<16xf32>,
        %get3A_753 = arith.constant 0 : i32
        %get3A_754 = arith.constant 0 : i32
        %get3A_755 = tpu.memref_slice %arg6[%scan3A_637, %get3A_753, %get3A_754] : memref<2x512x64xf32, #tpu.memory_space<vmem>> -> memref<1x512x64xf32, #tpu.memory_space<vmem>>
        %get3A_756 = tpu.memref_squeeze %get3A_755 : memref<1x512x64xf32, #tpu.memory_space<vmem>> -> memref<512x64xf32, #tpu.memory_space<vmem>>
        %get3A_757 = arith.index_cast %scan3A_731 : i32 to index
        %get3A_758 = arith.constant 48 : index
        %get3A_759 = tpu.vector_load %get3A_756[%get3A_757, %get3A_758] {strides = array<i32>} : memref<512x64xf32, #tpu.memory_space<vmem>>, vector<16xf32>,
        tpu.vector_store_idx %arg7[%add3A_625, %add3A_729], %get3A_738 : memref<64x513xf32, #tpu.memory_space<vmem>>[vector<16xi32>, vector<16xi32>], vector<16xf32>,
        tpu.vector_store_idx %arg7[%add3A_628, %add3A_729], %get3A_745 : memref<64x513xf32, #tpu.memory_space<vmem>>[vector<16xi32>, vector<16xi32>], vector<16xf32>,
        tpu.vector_store_idx %arg7[%add3A_631, %add3A_729], %get3A_752 : memref<64x513xf32, #tpu.memory_space<vmem>>[vector<16xi32>, vector<16xi32>], vector<16xf32>,
        tpu.vector_store_idx %arg7[%add3A_634, %add3A_729], %get3A_759 : memref<64x513xf32, #tpu.memory_space<vmem>>[vector<16xi32>, vector<16xi32>], vector<16xf32>,
        %add3A_760 = arith.constant 1 : i32
        %add3A_761 = vector.broadcast %add3A_760 : i32 to vector<16xi32>
        %add3A_762 = arith.addi %add3A_729, %add3A_761 : vector<16xi32>
        %scan3A_763 = arith.constant 2 : i32
        %scan3A_764 = arith.addi %scan3A_698, %scan3A_763 : i32
        %get3A_765 = arith.constant 0 : i32
        %get3A_766 = arith.constant 0 : i32
        %get3A_767 = tpu.memref_slice %arg6[%scan3A_637, %get3A_765, %get3A_766] : memref<2x512x64xf32, #tpu.memory_space<vmem>> -> memref<1x512x64xf32, #tpu.memory_space<vmem>>
        %get3A_768 = tpu.memref_squeeze %get3A_767 : memref<1x512x64xf32, #tpu.memory_space<vmem>> -> memref<512x64xf32, #tpu.memory_space<vmem>>
        %get3A_769 = arith.index_cast %scan3A_764 : i32 to index
        %get3A_770 = arith.constant 0 : index
        %get3A_771 = tpu.vector_load %get3A_768[%get3A_769, %get3A_770] {strides = array<i32>} : memref<512x64xf32, #tpu.memory_space<vmem>>, vector<16xf32>,
        %get3A_772 = arith.constant 0 : i32
        %get3A_773 = arith.constant 0 : i32
        %get3A_774 = tpu.memref_slice %arg6[%scan3A_637, %get3A_772, %get3A_773] : memref<2x512x64xf32, #tpu.memory_space<vmem>> -> memref<1x512x64xf32, #tpu.memory_space<vmem>>
        %get3A_775 = tpu.memref_squeeze %get3A_774 : memref<1x512x64xf32, #tpu.memory_space<vmem>> -> memref<512x64xf32, #tpu.memory_space<vmem>>
        %get3A_776 = arith.index_cast %scan3A_764 : i32 to index
        %get3A_777 = arith.constant 16 : index
        %get3A_778 = tpu.vector_load %get3A_775[%get3A_776, %get3A_777] {strides = array<i32>} : memref<512x64xf32, #tpu.memory_space<vmem>>, vector<16xf32>,
        %get3A_779 = arith.constant 0 : i32
        %get3A_780 = arith.constant 0 : i32
        %get3A_781 = tpu.memref_slice %arg6[%scan3A_637, %get3A_779, %get3A_780] : memref<2x512x64xf32, #tpu.memory_space<vmem>> -> memref<1x512x64xf32, #tpu.memory_space<vmem>>
        %get3A_782 = tpu.memref_squeeze %get3A_781 : memref<1x512x64xf32, #tpu.memory_space<vmem>> -> memref<512x64xf32, #tpu.memory_space<vmem>>
        %get3A_783 = arith.index_cast %scan3A_764 : i32 to index
        %get3A_784 = arith.constant 32 : index
        %get3A_785 = tpu.vector_load %get3A_782[%get3A_783, %get3A_784] {strides = array<i32>} : memref<512x64xf32, #tpu.memory_space<vmem>>, vector<16xf32>,
        %get3A_786 = arith.constant 0 : i32
        %get3A_787 = arith.constant 0 : i32
        %get3A_788 = tpu.memref_slice %arg6[%scan3A_637, %get3A_786, %get3A_787] : memref<2x512x64xf32, #tpu.memory_space<vmem>> -> memref<1x512x64xf32, #tpu.memory_space<vmem>>
        %get3A_789 = tpu.memref_squeeze %get3A_788 : memref<1x512x64xf32, #tpu.memory_space<vmem>> -> memref<512x64xf32, #tpu.memory_space<vmem>>
        %get3A_790 = arith.index_cast %scan3A_764 : i32 to index
        %get3A_791 = arith.constant 48 : index
        %get3A_792 = tpu.vector_load %get3A_789[%get3A_790, %get3A_791] {strides = array<i32>} : memref<512x64xf32, #tpu.memory_space<vmem>>, vector<16xf32>,
        tpu.vector_store_idx %arg7[%add3A_625, %add3A_762], %get3A_771 : memref<64x513xf32, #tpu.memory_space<vmem>>[vector<16xi32>, vector<16xi32>], vector<16xf32>,
        tpu.vector_store_idx %arg7[%add3A_628, %add3A_762], %get3A_778 : memref<64x513xf32, #tpu.memory_space<vmem>>[vector<16xi32>, vector<16xi32>], vector<16xf32>,
        tpu.vector_store_idx %arg7[%add3A_631, %add3A_762], %get3A_785 : memref<64x513xf32, #tpu.memory_space<vmem>>[vector<16xi32>, vector<16xi32>], vector<16xf32>,
        tpu.vector_store_idx %arg7[%add3A_634, %add3A_762], %get3A_792 : memref<64x513xf32, #tpu.memory_space<vmem>>[vector<16xi32>, vector<16xi32>], vector<16xf32>,
        %add3A_793 = arith.constant 1 : i32
        %add3A_794 = vector.broadcast %add3A_793 : i32 to vector<16xi32>
        %add3A_795 = arith.addi %add3A_762, %add3A_794 : vector<16xi32>
        %scan3A_796 = arith.constant 3 : i32
        %scan3A_797 = arith.addi %scan3A_698, %scan3A_796 : i32
        %get3A_798 = arith.constant 0 : i32
        %get3A_799 = arith.constant 0 : i32
        %get3A_800 = tpu.memref_slice %arg6[%scan3A_637, %get3A_798, %get3A_799] : memref<2x512x64xf32, #tpu.memory_space<vmem>> -> memref<1x512x64xf32, #tpu.memory_space<vmem>>
        %get3A_801 = tpu.memref_squeeze %get3A_800 : memref<1x512x64xf32, #tpu.memory_space<vmem>> -> memref<512x64xf32, #tpu.memory_space<vmem>>
        %get3A_802 = arith.index_cast %scan3A_797 : i32 to index
        %get3A_803 = arith.constant 0 : index
        %get3A_804 = tpu.vector_load %get3A_801[%get3A_802, %get3A_803] {strides = array<i32>} : memref<512x64xf32, #tpu.memory_space<vmem>>, vector<16xf32>,
        %get3A_805 = arith.constant 0 : i32
        %get3A_806 = arith.constant 0 : i32
        %get3A_807 = tpu.memref_slice %arg6[%scan3A_637, %get3A_805, %get3A_806] : memref<2x512x64xf32, #tpu.memory_space<vmem>> -> memref<1x512x64xf32, #tpu.memory_space<vmem>>
        %get3A_808 = tpu.memref_squeeze %get3A_807 : memref<1x512x64xf32, #tpu.memory_space<vmem>> -> memref<512x64xf32, #tpu.memory_space<vmem>>
        %get3A_809 = arith.index_cast %scan3A_797 : i32 to index
        %get3A_810 = arith.constant 16 : index
        %get3A_811 = tpu.vector_load %get3A_808[%get3A_809, %get3A_810] {strides = array<i32>} : memref<512x64xf32, #tpu.memory_space<vmem>>, vector<16xf32>,
        %get3A_812 = arith.constant 0 : i32
        %get3A_813 = arith.constant 0 : i32
        %get3A_814 = tpu.memref_slice %arg6[%scan3A_637, %get3A_812, %get3A_813] : memref<2x512x64xf32, #tpu.memory_space<vmem>> -> memref<1x512x64xf32, #tpu.memory_space<vmem>>
        %get3A_815 = tpu.memref_squeeze %get3A_814 : memref<1x512x64xf32, #tpu.memory_space<vmem>> -> memref<512x64xf32, #tpu.memory_space<vmem>>
        %get3A_816 = arith.index_cast %scan3A_797 : i32 to index
        %get3A_817 = arith.constant 32 : index
        %get3A_818 = tpu.vector_load %get3A_815[%get3A_816, %get3A_817] {strides = array<i32>} : memref<512x64xf32, #tpu.memory_space<vmem>>, vector<16xf32>,
        %get3A_819 = arith.constant 0 : i32
        %get3A_820 = arith.constant 0 : i32
        %get3A_821 = tpu.memref_slice %arg6[%scan3A_637, %get3A_819, %get3A_820] : memref<2x512x64xf32, #tpu.memory_space<vmem>> -> memref<1x512x64xf32, #tpu.memory_space<vmem>>
        %get3A_822 = tpu.memref_squeeze %get3A_821 : memref<1x512x64xf32, #tpu.memory_space<vmem>> -> memref<512x64xf32, #tpu.memory_space<vmem>>
        %get3A_823 = arith.index_cast %scan3A_797 : i32 to index
        %get3A_824 = arith.constant 48 : index
        %get3A_825 = tpu.vector_load %get3A_822[%get3A_823, %get3A_824] {strides = array<i32>} : memref<512x64xf32, #tpu.memory_space<vmem>>, vector<16xf32>,
        tpu.vector_store_idx %arg7[%add3A_625, %add3A_795], %get3A_804 : memref<64x513xf32, #tpu.memory_space<vmem>>[vector<16xi32>, vector<16xi32>], vector<16xf32>,
        tpu.vector_store_idx %arg7[%add3A_628, %add3A_795], %get3A_811 : memref<64x513xf32, #tpu.memory_space<vmem>>[vector<16xi32>, vector<16xi32>], vector<16xf32>,
        tpu.vector_store_idx %arg7[%add3A_631, %add3A_795], %get3A_818 : memref<64x513xf32, #tpu.memory_space<vmem>>[vector<16xi32>, vector<16xi32>], vector<16xf32>,
        tpu.vector_store_idx %arg7[%add3A_634, %add3A_795], %get3A_825 : memref<64x513xf32, #tpu.memory_space<vmem>>[vector<16xi32>, vector<16xi32>], vector<16xf32>,
        %add3A_826 = arith.constant 1 : i32
        %add3A_827 = vector.broadcast %add3A_826 : i32 to vector<16xi32>
        %add3A_828 = arith.addi %add3A_795, %add3A_827 : vector<16xi32>
        %scan3A_829 = arith.constant 4 : i32
        %scan3A_830 = arith.addi %scan3A_698, %scan3A_829 : i32
        %get3A_831 = arith.constant 0 : i32
        %get3A_832 = arith.constant 0 : i32
        %get3A_833 = tpu.memref_slice %arg6[%scan3A_637, %get3A_831, %get3A_832] : memref<2x512x64xf32, #tpu.memory_space<vmem>> -> memref<1x512x64xf32, #tpu.memory_space<vmem>>
        %get3A_834 = tpu.memref_squeeze %get3A_833 : memref<1x512x64xf32, #tpu.memory_space<vmem>> -> memref<512x64xf32, #tpu.memory_space<vmem>>
        %get3A_835 = arith.index_cast %scan3A_830 : i32 to index
        %get3A_836 = arith.constant 0 : index
        %get3A_837 = tpu.vector_load %get3A_834[%get3A_835, %get3A_836] {strides = array<i32>} : memref<512x64xf32, #tpu.memory_space<vmem>>, vector<16xf32>,
        %get3A_838 = arith.constant 0 : i32
        %get3A_839 = arith.constant 0 : i32
        %get3A_840 = tpu.memref_slice %arg6[%scan3A_637, %get3A_838, %get3A_839] : memref<2x512x64xf32, #tpu.memory_space<vmem>> -> memref<1x512x64xf32, #tpu.memory_space<vmem>>
        %get3A_841 = tpu.memref_squeeze %get3A_840 : memref<1x512x64xf32, #tpu.memory_space<vmem>> -> memref<512x64xf32, #tpu.memory_space<vmem>>
        %get3A_842 = arith.index_cast %scan3A_830 : i32 to index
        %get3A_843 = arith.constant 16 : index
        %get3A_844 = tpu.vector_load %get3A_841[%get3A_842, %get3A_843] {strides = array<i32>} : memref<512x64xf32, #tpu.memory_space<vmem>>, vector<16xf32>,
        %get3A_845 = arith.constant 0 : i32
        %get3A_846 = arith.constant 0 : i32
        %get3A_847 = tpu.memref_slice %arg6[%scan3A_637, %get3A_845, %get3A_846] : memref<2x512x64xf32, #tpu.memory_space<vmem>> -> memref<1x512x64xf32, #tpu.memory_space<vmem>>
        %get3A_848 = tpu.memref_squeeze %get3A_847 : memref<1x512x64xf32, #tpu.memory_space<vmem>> -> memref<512x64xf32, #tpu.memory_space<vmem>>
        %get3A_849 = arith.index_cast %scan3A_830 : i32 to index
        %get3A_850 = arith.constant 32 : index
        %get3A_851 = tpu.vector_load %get3A_848[%get3A_849, %get3A_850] {strides = array<i32>} : memref<512x64xf32, #tpu.memory_space<vmem>>, vector<16xf32>,
        %get3A_852 = arith.constant 0 : i32
        %get3A_853 = arith.constant 0 : i32
        %get3A_854 = tpu.memref_slice %arg6[%scan3A_637, %get3A_852, %get3A_853] : memref<2x512x64xf32, #tpu.memory_space<vmem>> -> memref<1x512x64xf32, #tpu.memory_space<vmem>>
        %get3A_855 = tpu.memref_squeeze %get3A_854 : memref<1x512x64xf32, #tpu.memory_space<vmem>> -> memref<512x64xf32, #tpu.memory_space<vmem>>
        %get3A_856 = arith.index_cast %scan3A_830 : i32 to index
        %get3A_857 = arith.constant 48 : index
        %get3A_858 = tpu.vector_load %get3A_855[%get3A_856, %get3A_857] {strides = array<i32>} : memref<512x64xf32, #tpu.memory_space<vmem>>, vector<16xf32>,
        tpu.vector_store_idx %arg7[%add3A_625, %add3A_828], %get3A_837 : memref<64x513xf32, #tpu.memory_space<vmem>>[vector<16xi32>, vector<16xi32>], vector<16xf32>,
        tpu.vector_store_idx %arg7[%add3A_628, %add3A_828], %get3A_844 : memref<64x513xf32, #tpu.memory_space<vmem>>[vector<16xi32>, vector<16xi32>], vector<16xf32>,
        tpu.vector_store_idx %arg7[%add3A_631, %add3A_828], %get3A_851 : memref<64x513xf32, #tpu.memory_space<vmem>>[vector<16xi32>, vector<16xi32>], vector<16xf32>,
        tpu.vector_store_idx %arg7[%add3A_634, %add3A_828], %get3A_858 : memref<64x513xf32, #tpu.memory_space<vmem>>[vector<16xi32>, vector<16xi32>], vector<16xf32>,
        %add3A_859 = arith.constant 1 : i32
        %add3A_860 = vector.broadcast %add3A_859 : i32 to vector<16xi32>
        %add3A_861 = arith.addi %add3A_828, %add3A_860 : vector<16xi32>
        %scan3A_862 = arith.constant 5 : i32
        %scan3A_863 = arith.addi %scan3A_698, %scan3A_862 : i32
        %get3A_864 = arith.constant 0 : i32
        %get3A_865 = arith.constant 0 : i32
        %get3A_866 = tpu.memref_slice %arg6[%scan3A_637, %get3A_864, %get3A_865] : memref<2x512x64xf32, #tpu.memory_space<vmem>> -> memref<1x512x64xf32, #tpu.memory_space<vmem>>
        %get3A_867 = tpu.memref_squeeze %get3A_866 : memref<1x512x64xf32, #tpu.memory_space<vmem>> -> memref<512x64xf32, #tpu.memory_space<vmem>>
        %get3A_868 = arith.index_cast %scan3A_863 : i32 to index
        %get3A_869 = arith.constant 0 : index
        %get3A_870 = tpu.vector_load %get3A_867[%get3A_868, %get3A_869] {strides = array<i32>} : memref<512x64xf32, #tpu.memory_space<vmem>>, vector<16xf32>,
        %get3A_871 = arith.constant 0 : i32
        %get3A_872 = arith.constant 0 : i32
        %get3A_873 = tpu.memref_slice %arg6[%scan3A_637, %get3A_871, %get3A_872] : memref<2x512x64xf32, #tpu.memory_space<vmem>> -> memref<1x512x64xf32, #tpu.memory_space<vmem>>
        %get3A_874 = tpu.memref_squeeze %get3A_873 : memref<1x512x64xf32, #tpu.memory_space<vmem>> -> memref<512x64xf32, #tpu.memory_space<vmem>>
        %get3A_875 = arith.index_cast %scan3A_863 : i32 to index
        %get3A_876 = arith.constant 16 : index
        %get3A_877 = tpu.vector_load %get3A_874[%get3A_875, %get3A_876] {strides = array<i32>} : memref<512x64xf32, #tpu.memory_space<vmem>>, vector<16xf32>,
        %get3A_878 = arith.constant 0 : i32
        %get3A_879 = arith.constant 0 : i32
        %get3A_880 = tpu.memref_slice %arg6[%scan3A_637, %get3A_878, %get3A_879] : memref<2x512x64xf32, #tpu.memory_space<vmem>> -> memref<1x512x64xf32, #tpu.memory_space<vmem>>
        %get3A_881 = tpu.memref_squeeze %get3A_880 : memref<1x512x64xf32, #tpu.memory_space<vmem>> -> memref<512x64xf32, #tpu.memory_space<vmem>>
        %get3A_882 = arith.index_cast %scan3A_863 : i32 to index
        %get3A_883 = arith.constant 32 : index
        %get3A_884 = tpu.vector_load %get3A_881[%get3A_882, %get3A_883] {strides = array<i32>} : memref<512x64xf32, #tpu.memory_space<vmem>>, vector<16xf32>,
        %get3A_885 = arith.constant 0 : i32
        %get3A_886 = arith.constant 0 : i32
        %get3A_887 = tpu.memref_slice %arg6[%scan3A_637, %get3A_885, %get3A_886] : memref<2x512x64xf32, #tpu.memory_space<vmem>> -> memref<1x512x64xf32, #tpu.memory_space<vmem>>
        %get3A_888 = tpu.memref_squeeze %get3A_887 : memref<1x512x64xf32, #tpu.memory_space<vmem>> -> memref<512x64xf32, #tpu.memory_space<vmem>>
        %get3A_889 = arith.index_cast %scan3A_863 : i32 to index
        %get3A_890 = arith.constant 48 : index
        %get3A_891 = tpu.vector_load %get3A_888[%get3A_889, %get3A_890] {strides = array<i32>} : memref<512x64xf32, #tpu.memory_space<vmem>>, vector<16xf32>,
        tpu.vector_store_idx %arg7[%add3A_625, %add3A_861], %get3A_870 : memref<64x513xf32, #tpu.memory_space<vmem>>[vector<16xi32>, vector<16xi32>], vector<16xf32>,
        tpu.vector_store_idx %arg7[%add3A_628, %add3A_861], %get3A_877 : memref<64x513xf32, #tpu.memory_space<vmem>>[vector<16xi32>, vector<16xi32>], vector<16xf32>,
        tpu.vector_store_idx %arg7[%add3A_631, %add3A_861], %get3A_884 : memref<64x513xf32, #tpu.memory_space<vmem>>[vector<16xi32>, vector<16xi32>], vector<16xf32>,
        tpu.vector_store_idx %arg7[%add3A_634, %add3A_861], %get3A_891 : memref<64x513xf32, #tpu.memory_space<vmem>>[vector<16xi32>, vector<16xi32>], vector<16xf32>,
        %add3A_892 = arith.constant 1 : i32
        %add3A_893 = vector.broadcast %add3A_892 : i32 to vector<16xi32>
        %add3A_894 = arith.addi %add3A_861, %add3A_893 : vector<16xi32>
        %scan3A_895 = arith.constant 6 : i32
        %scan3A_896 = arith.addi %scan3A_698, %scan3A_895 : i32
        %get3A_897 = arith.constant 0 : i32
        %get3A_898 = arith.constant 0 : i32
        %get3A_899 = tpu.memref_slice %arg6[%scan3A_637, %get3A_897, %get3A_898] : memref<2x512x64xf32, #tpu.memory_space<vmem>> -> memref<1x512x64xf32, #tpu.memory_space<vmem>>
        %get3A_900 = tpu.memref_squeeze %get3A_899 : memref<1x512x64xf32, #tpu.memory_space<vmem>> -> memref<512x64xf32, #tpu.memory_space<vmem>>
        %get3A_901 = arith.index_cast %scan3A_896 : i32 to index
        %get3A_902 = arith.constant 0 : index
        %get3A_903 = tpu.vector_load %get3A_900[%get3A_901, %get3A_902] {strides = array<i32>} : memref<512x64xf32, #tpu.memory_space<vmem>>, vector<16xf32>,
        %get3A_904 = arith.constant 0 : i32
        %get3A_905 = arith.constant 0 : i32
        %get3A_906 = tpu.memref_slice %arg6[%scan3A_637, %get3A_904, %get3A_905] : memref<2x512x64xf32, #tpu.memory_space<vmem>> -> memref<1x512x64xf32, #tpu.memory_space<vmem>>
        %get3A_907 = tpu.memref_squeeze %get3A_906 : memref<1x512x64xf32, #tpu.memory_space<vmem>> -> memref<512x64xf32, #tpu.memory_space<vmem>>
        %get3A_908 = arith.index_cast %scan3A_896 : i32 to index
        %get3A_909 = arith.constant 16 : index
        %get3A_910 = tpu.vector_load %get3A_907[%get3A_908, %get3A_909] {strides = array<i32>} : memref<512x64xf32, #tpu.memory_space<vmem>>, vector<16xf32>,
        %get3A_911 = arith.constant 0 : i32
        %get3A_912 = arith.constant 0 : i32
        %get3A_913 = tpu.memref_slice %arg6[%scan3A_637, %get3A_911, %get3A_912] : memref<2x512x64xf32, #tpu.memory_space<vmem>> -> memref<1x512x64xf32, #tpu.memory_space<vmem>>
        %get3A_914 = tpu.memref_squeeze %get3A_913 : memref<1x512x64xf32, #tpu.memory_space<vmem>> -> memref<512x64xf32, #tpu.memory_space<vmem>>
        %get3A_915 = arith.index_cast %scan3A_896 : i32 to index
        %get3A_916 = arith.constant 32 : index
        %get3A_917 = tpu.vector_load %get3A_914[%get3A_915, %get3A_916] {strides = array<i32>} : memref<512x64xf32, #tpu.memory_space<vmem>>, vector<16xf32>,
        %get3A_918 = arith.constant 0 : i32
        %get3A_919 = arith.constant 0 : i32
        %get3A_920 = tpu.memref_slice %arg6[%scan3A_637, %get3A_918, %get3A_919] : memref<2x512x64xf32, #tpu.memory_space<vmem>> -> memref<1x512x64xf32, #tpu.memory_space<vmem>>
        %get3A_921 = tpu.memref_squeeze %get3A_920 : memref<1x512x64xf32, #tpu.memory_space<vmem>> -> memref<512x64xf32, #tpu.memory_space<vmem>>
        %get3A_922 = arith.index_cast %scan3A_896 : i32 to index
        %get3A_923 = arith.constant 48 : index
        %get3A_924 = tpu.vector_load %get3A_921[%get3A_922, %get3A_923] {strides = array<i32>} : memref<512x64xf32, #tpu.memory_space<vmem>>, vector<16xf32>,
        tpu.vector_store_idx %arg7[%add3A_625, %add3A_894], %get3A_903 : memref<64x513xf32, #tpu.memory_space<vmem>>[vector<16xi32>, vector<16xi32>], vector<16xf32>,
        tpu.vector_store_idx %arg7[%add3A_628, %add3A_894], %get3A_910 : memref<64x513xf32, #tpu.memory_space<vmem>>[vector<16xi32>, vector<16xi32>], vector<16xf32>,
        tpu.vector_store_idx %arg7[%add3A_631, %add3A_894], %get3A_917 : memref<64x513xf32, #tpu.memory_space<vmem>>[vector<16xi32>, vector<16xi32>], vector<16xf32>,
        tpu.vector_store_idx %arg7[%add3A_634, %add3A_894], %get3A_924 : memref<64x513xf32, #tpu.memory_space<vmem>>[vector<16xi32>, vector<16xi32>], vector<16xf32>,
        %add3A_925 = arith.constant 1 : i32
        %add3A_926 = vector.broadcast %add3A_925 : i32 to vector<16xi32>
        %add3A_927 = arith.addi %add3A_894, %add3A_926 : vector<16xi32>
        %scan3A_928 = arith.constant 7 : i32
        %scan3A_929 = arith.addi %scan3A_698, %scan3A_928 : i32
        %get3A_930 = arith.constant 0 : i32
        %get3A_931 = arith.constant 0 : i32
        %get3A_932 = tpu.memref_slice %arg6[%scan3A_637, %get3A_930, %get3A_931] : memref<2x512x64xf32, #tpu.memory_space<vmem>> -> memref<1x512x64xf32, #tpu.memory_space<vmem>>
        %get3A_933 = tpu.memref_squeeze %get3A_932 : memref<1x512x64xf32, #tpu.memory_space<vmem>> -> memref<512x64xf32, #tpu.memory_space<vmem>>
        %get3A_934 = arith.index_cast %scan3A_929 : i32 to index
        %get3A_935 = arith.constant 0 : index
        %get3A_936 = tpu.vector_load %get3A_933[%get3A_934, %get3A_935] {strides = array<i32>} : memref<512x64xf32, #tpu.memory_space<vmem>>, vector<16xf32>,
        %get3A_937 = arith.constant 0 : i32
        %get3A_938 = arith.constant 0 : i32
        %get3A_939 = tpu.memref_slice %arg6[%scan3A_637, %get3A_937, %get3A_938] : memref<2x512x64xf32, #tpu.memory_space<vmem>> -> memref<1x512x64xf32, #tpu.memory_space<vmem>>
        %get3A_940 = tpu.memref_squeeze %get3A_939 : memref<1x512x64xf32, #tpu.memory_space<vmem>> -> memref<512x64xf32, #tpu.memory_space<vmem>>
        %get3A_941 = arith.index_cast %scan3A_929 : i32 to index
        %get3A_942 = arith.constant 16 : index
        %get3A_943 = tpu.vector_load %get3A_940[%get3A_941, %get3A_942] {strides = array<i32>} : memref<512x64xf32, #tpu.memory_space<vmem>>, vector<16xf32>,
        %get3A_944 = arith.constant 0 : i32
        %get3A_945 = arith.constant 0 : i32
        %get3A_946 = tpu.memref_slice %arg6[%scan3A_637, %get3A_944, %get3A_945] : memref<2x512x64xf32, #tpu.memory_space<vmem>> -> memref<1x512x64xf32, #tpu.memory_space<vmem>>
        %get3A_947 = tpu.memref_squeeze %get3A_946 : memref<1x512x64xf32, #tpu.memory_space<vmem>> -> memref<512x64xf32, #tpu.memory_space<vmem>>
        %get3A_948 = arith.index_cast %scan3A_929 : i32 to index
        %get3A_949 = arith.constant 32 : index
        %get3A_950 = tpu.vector_load %get3A_947[%get3A_948, %get3A_949] {strides = array<i32>} : memref<512x64xf32, #tpu.memory_space<vmem>>, vector<16xf32>,
        %get3A_951 = arith.constant 0 : i32
        %get3A_952 = arith.constant 0 : i32
        %get3A_953 = tpu.memref_slice %arg6[%scan3A_637, %get3A_951, %get3A_952] : memref<2x512x64xf32, #tpu.memory_space<vmem>> -> memref<1x512x64xf32, #tpu.memory_space<vmem>>
        %get3A_954 = tpu.memref_squeeze %get3A_953 : memref<1x512x64xf32, #tpu.memory_space<vmem>> -> memref<512x64xf32, #tpu.memory_space<vmem>>
        %get3A_955 = arith.index_cast %scan3A_929 : i32 to index
        %get3A_956 = arith.constant 48 : index
        %get3A_957 = tpu.vector_load %get3A_954[%get3A_955, %get3A_956] {strides = array<i32>} : memref<512x64xf32, #tpu.memory_space<vmem>>, vector<16xf32>,
        tpu.vector_store_idx %arg7[%add3A_625, %add3A_927], %get3A_936 : memref<64x513xf32, #tpu.memory_space<vmem>>[vector<16xi32>, vector<16xi32>], vector<16xf32>,
        tpu.vector_store_idx %arg7[%add3A_628, %add3A_927], %get3A_943 : memref<64x513xf32, #tpu.memory_space<vmem>>[vector<16xi32>, vector<16xi32>], vector<16xf32>,
        tpu.vector_store_idx %arg7[%add3A_631, %add3A_927], %get3A_950 : memref<64x513xf32, #tpu.memory_space<vmem>>[vector<16xi32>, vector<16xi32>], vector<16xf32>,
        tpu.vector_store_idx %arg7[%add3A_634, %add3A_927], %get3A_957 : memref<64x513xf32, #tpu.memory_space<vmem>>[vector<16xi32>, vector<16xi32>], vector<16xf32>,
        %add3A_958 = arith.constant 1 : i32
        %add3A_959 = vector.broadcast %add3A_958 : i32 to vector<16xi32>
        %add3A_960 = arith.addi %add3A_927, %add3A_959 : vector<16xi32>
        scf.yield %add3A_960 : vector<16xi32>
      }
      %scan3A_643 = arith.constant 128 : i32
      %jit3A_644 = arith.constant 8 : i32
      %div3A_645 = arith.divsi %add3A_153, %jit3A_644 : i32
      %sign3A_646 = arith.constant 0 : i32
      %sign3A_647 = arith.cmpi sgt, %add3A_153, %sign3A_646 : i32
      %sign3A_648 = arith.extui %sign3A_647 : i1 to i32
      %sign3A_649 = arith.constant 0 : i32
      %sign3A_650 = arith.cmpi slt, %add3A_153, %sign3A_649 : i32
      %sign3A_651 = arith.extui %sign3A_650 : i1 to i32
      %sign3A_652 = arith.subi %sign3A_648, %sign3A_651 : i32
      %sign3A_653 = arith.constant 0 : i32
      %sign3A_654 = arith.cmpi sgt, %jit3A_644, %sign3A_653 : i32
      %sign3A_655 = arith.extui %sign3A_654 : i1 to i32
      %sign3A_656 = arith.constant 0 : i32
      %sign3A_657 = arith.cmpi slt, %jit3A_644, %sign3A_656 : i32
      %sign3A_658 = arith.extui %sign3A_657 : i1 to i32
      %sign3A_659 = arith.subi %sign3A_655, %sign3A_658 : i32
      %ne3A_660 = arith.cmpi ne, %sign3A_652, %sign3A_659 : i32
      %rem3A_661 = arith.remsi %add3A_153, %jit3A_644 : i32
      %ne3A_662 = arith.constant 0 : i32
      %ne3A_663 = arith.cmpi ne, %rem3A_661, %ne3A_662 : i32
      %and3A_664 = arith.andi %ne3A_660, %ne3A_663 : i1
      %sub3A_665 = arith.constant 1 : i32
      %sub3A_666 = arith.subi %div3A_645, %sub3A_665 : i32
      %select_n3A_667 = arith.select %and3A_664, %sub3A_666, %div3A_645 : i32
      %jit3A_668 = arith.constant 8 : i32
      %eq3A_669 = arith.constant 0 : i32
      %eq3A_670 = arith.cmpi eq, %jit3A_668, %eq3A_669 : i32
      %jit3A_671 = arith.constant 1 : i32
      %select_n3A_672 = arith.select %eq3A_670, %jit3A_671, %jit3A_668 : i32
      %rem3A_673 = arith.remsi %add3A_153, %select_n3A_672 : i32
      %ne3A_674 = arith.constant 0 : i32
      %ne3A_675 = arith.cmpi ne, %rem3A_673, %ne3A_674 : i32
      %lt3A_676 = arith.constant 0 : i32
      %lt3A_677 = arith.cmpi slt, %rem3A_673, %lt3A_676 : i32
      %lt3A_678 = arith.constant 0 : i32
      %lt3A_679 = arith.cmpi slt, %select_n3A_672, %lt3A_678 : i32
      %ne3A_680 = arith.xori %lt3A_677, %lt3A_679 : i1
      %and3A_681 = arith.andi %ne3A_680, %ne3A_675 : i1
      %add3A_682 = arith.addi %rem3A_673, %select_n3A_672 : i32
      %select_n3A_683 = arith.select %and3A_681, %add3A_682, %rem3A_673 : i32
      %mul3A_684 = arith.constant 512 : i32
      %mul3A_685 = arith.muli %mul3A_684, %select_n3A_683 : i32
      %dma_start3A_686 = arith.constant 0 : i32
      %dma_start3A_687 = arith.constant 0 : i32
      %dma_start3A_688 = tpu.memref_slice %arg7[%dma_start3A_686, %dma_start3A_687] : memref<64x513xf32, #tpu.memory_space<vmem>> -> memref<64x512xf32, #tpu.memory_space<vmem>>
      %dma_start3A_689 = arith.constant 0 : i32
      %dma_start3A_690 = tpu.memref_slice %arg4[%select_n3A_667, %dma_start3A_689, %mul3A_685] : memref<200x64x4096xf32, #tpu.memory_space<hbm>> -> memref<1x64x512xf32, #tpu.memory_space<hbm>>
      %dma_start3A_691 = tpu.memref_squeeze %dma_start3A_690 : memref<1x64x512xf32, #tpu.memory_space<hbm>> -> memref<64x512xf32, #tpu.memory_space<hbm>>
      %dma_start3A_692 = arith.constant 0 : i32
      %dma_start3A_693 = tpu.memref_slice %arg4[%select_n3A_667, %dma_start3A_692, %mul3A_685] : memref<200x64x4096xf32, #tpu.memory_space<hbm>> -> memref<1x64x512xf32, #tpu.memory_space<hbm>>
      %dma_start3A_694 = tpu.memref_squeeze %dma_start3A_693 : memref<1x64x512xf32, #tpu.memory_space<hbm>> -> memref<64x512xf32, #tpu.memory_space<hbm>>
      %dma_start3A_695 = arith.constant 0 : i32
      %dma_start3A_696 = arith.constant 0 : i32
      %dma_start3A_697 = tpu.memref_slice %arg7[%dma_start3A_695, %dma_start3A_696] : memref<64x513xf32, #tpu.memory_space<vmem>> -> memref<64x512xf32, #tpu.memory_space<vmem>>
      tpu.enqueue_dma source(%dma_start3A_697 : memref<64x512xf32, #tpu.memory_space<vmem>>) target(%dma_start3A_694 : memref<64x512xf32, #tpu.memory_space<hbm>>) target_semaphore(%arg10 : memref<!tpu.dma_semaphore, #tpu.memory_space<semaphore_mem>>)
    }
    %scan3A_90 = arith.constant 25 : i32
    %add3A_91 = arith.constant 50 : i32
    %add3A_92 = arith.addi %mul3A_2, %add3A_91 : i32
    %sub3A_93 = arith.constant 1 : i32
    %sub3A_94 = arith.subi %add3A_92, %sub3A_93 : i32
    %jit3A_95 = arith.constant 8 : i32
    %div3A_96 = arith.divsi %sub3A_94, %jit3A_95 : i32
    %sign3A_97 = arith.constant 0 : i32
    %sign3A_98 = arith.cmpi sgt, %sub3A_94, %sign3A_97 : i32
    %sign3A_99 = arith.extui %sign3A_98 : i1 to i32
    %sign3A_100 = arith.constant 0 : i32
    %sign3A_101 = arith.cmpi slt, %sub3A_94, %sign3A_100 : i32
    %sign3A_102 = arith.extui %sign3A_101 : i1 to i32
    %sign3A_103 = arith.subi %sign3A_99, %sign3A_102 : i32
    %sign3A_104 = arith.constant 0 : i32
    %sign3A_105 = arith.cmpi sgt, %jit3A_95, %sign3A_104 : i32
    %sign3A_106 = arith.extui %sign3A_105 : i1 to i32
    %sign3A_107 = arith.constant 0 : i32
    %sign3A_108 = arith.cmpi slt, %jit3A_95, %sign3A_107 : i32
    %sign3A_109 = arith.extui %sign3A_108 : i1 to i32
    %sign3A_110 = arith.subi %sign3A_106, %sign3A_109 : i32
    %ne3A_111 = arith.cmpi ne, %sign3A_103, %sign3A_110 : i32
    %rem3A_112 = arith.remsi %sub3A_94, %jit3A_95 : i32
    %ne3A_113 = arith.constant 0 : i32
    %ne3A_114 = arith.cmpi ne, %rem3A_112, %ne3A_113 : i32
    %and3A_115 = arith.andi %ne3A_111, %ne3A_114 : i1
    %sub3A_116 = arith.constant 1 : i32
    %sub3A_117 = arith.subi %div3A_96, %sub3A_116 : i32
    %select_n3A_118 = arith.select %and3A_115, %sub3A_117, %div3A_96 : i32
    %jit3A_119 = arith.constant 8 : i32
    %eq3A_120 = arith.constant 0 : i32
    %eq3A_121 = arith.cmpi eq, %jit3A_119, %eq3A_120 : i32
    %jit3A_122 = arith.constant 1 : i32
    %select_n3A_123 = arith.select %eq3A_121, %jit3A_122, %jit3A_119 : i32
    %rem3A_124 = arith.remsi %sub3A_94, %select_n3A_123 : i32
    %ne3A_125 = arith.constant 0 : i32
    %ne3A_126 = arith.cmpi ne, %rem3A_124, %ne3A_125 : i32
    %lt3A_127 = arith.constant 0 : i32
    %lt3A_128 = arith.cmpi slt, %rem3A_124, %lt3A_127 : i32
    %lt3A_129 = arith.constant 0 : i32
    %lt3A_130 = arith.cmpi slt, %select_n3A_123, %lt3A_129 : i32
    %ne3A_131 = arith.xori %lt3A_128, %lt3A_130 : i1
    %and3A_132 = arith.andi %ne3A_131, %ne3A_126 : i1
    %add3A_133 = arith.addi %rem3A_124, %select_n3A_123 : i32
    %select_n3A_134 = arith.select %and3A_132, %add3A_133, %rem3A_124 : i32
    %mul3A_135 = arith.constant 512 : i32
    %mul3A_136 = arith.muli %mul3A_135, %select_n3A_134 : i32
    %dma_wait3A = arith.constant 0 : i32
    %dma_wait3A_137 = arith.constant 0 : i32
    %dma_wait3A_138 = tpu.memref_slice %arg7[%dma_wait3A, %dma_wait3A_137] : memref<64x513xf32, #tpu.memory_space<vmem>> -> memref<64x512xf32, #tpu.memory_space<vmem>>
    %dma_wait3A_139 = arith.constant 0 : i32
    %dma_wait3A_140 = tpu.memref_slice %arg4[%select_n3A_118, %dma_wait3A_139, %mul3A_136] : memref<200x64x4096xf32, #tpu.memory_space<hbm>> -> memref<1x64x512xf32, #tpu.memory_space<hbm>>
    %dma_wait3A_141 = tpu.memref_squeeze %dma_wait3A_140 : memref<1x64x512xf32, #tpu.memory_space<hbm>> -> memref<64x512xf32, #tpu.memory_space<hbm>>
    %dma_wait3A_142 = arith.constant 0 : i32
    %dma_wait3A_143 = tpu.memref_slice %arg4[%select_n3A_118, %dma_wait3A_142, %mul3A_136] : memref<200x64x4096xf32, #tpu.memory_space<hbm>> -> memref<1x64x512xf32, #tpu.memory_space<hbm>>
    %dma_wait3A_144 = tpu.memref_squeeze %dma_wait3A_143 : memref<1x64x512xf32, #tpu.memory_space<hbm>> -> memref<64x512xf32, #tpu.memory_space<hbm>>
    %dma_wait3A_145 = arith.constant 0 : i32
    %dma_wait3A_146 = arith.constant 0 : i32
    %dma_wait3A_147 = tpu.memref_slice %arg7[%dma_wait3A_145, %dma_wait3A_146] : memref<64x513xf32, #tpu.memory_space<vmem>> -> memref<64x512xf32, #tpu.memory_space<vmem>>
    tpu.wait_dma2 semaphore(%arg10 : memref<!tpu.dma_semaphore, #tpu.memory_space<semaphore_mem>>) src(%dma_wait3A_147 : memref<64x512xf32, #tpu.memory_space<vmem>>) dst(%dma_wait3A_144 : memref<64x512xf32, #tpu.memory_space<hbm>>)
    return
  }
}

</mosaic_0001>

<sc_bundles>
// kernel: _emb_call.3.cloned.1.call-start
scs
__scs_entry_jumppad:
0x0: {  	(pc) =	sbr.rel $0x88, $3  }
0x1: {  	(tag) =	ssettag $0x0;
	lr =	simm.s32 $0x1  }
0x2: {  	[smem:$0x3F9F] =	sst lr;
	_ =	strace $0xD0000000  }
0x3: {  	_ = 	snop  }
0x4: {  	_ = 	snop  }
0x5: {  	_ = 	snop  }
0x6: {  	_ = 	snop  }
0x7: {  	_ = 	snop  }
__scs_overlays_trampoline_lowered:
0x8: {  	[smem:$0x3FAE] =	sst s0  }
0x9: {  	[smem:$0x3FAF] =	sst s1  }
0xa: {  	[smem:$0x3FB0] =	sst s2  }
0xb: {  	[smem:$0x3FB1] =	sst s3  }
0xc: {  	[smem:$0x3FB2] =	sst s4  }
0xd: {  	[smem:$0x3FB3] =	sst s5  }
0xe: {  	[smem:$0x3FB4] =	sst s6  }
0xf: {  	[smem:$0x3FB5] =	sst s7  }
0x10: {  	[smem:$0x3FB6] =	sst s8  }
0x11: {  	[smem:$0x3FB7] =	sst s9;
	s0 =	simm.s32 @!p0 $0x0  }
0x12: {  	s1 =	sld [smem:$0x3F9D];
	s0 =	simm.s32 @p0 $0x1  }
0x13: {  	[smem:$0x3FB8] =	sst s0;
	s0 =	simm.s32 @!p1 $0x0  }
0x14: {  	s2 =	sld [smem:$0x3F9C];
	s0 =	simm.s32 @p1 $0x1  }
0x15: {  	[smem:$0x3FB9] =	sst s0;
	s0 =	simm.s32 @!p2 $0x0  }
0x16: {  	s3 =	sld [smem:$0x3FDB];
	s0 =	simm.s32 @p2 $0x1  }
0x17: {  	s4 =	simm.s32 $0x1BF5;
	[smem:$0x3FBB] =	sst s0  }
0x18: {  	s0 =	sld [smem:$0x3F9E];
	_ =	swait.ge [sflag:s4], $0x0  }
0x19: {  	s7 =	sld [smem:$0x3F9F]  }
0x1a: {  	s8 =	sadd.s32 $0xFFFFE003, lr  }
0x1b: {  	s9 =	sadd.s32 $0xFFFFFEF7, lr;
	s5 =	simm.s32 $0xFFFFFFFF;
	p2 =	slt.u32 s8, $0xFFFFF086  }
0x1c: {  	p1 =	slt.u32 s9, $0xF7A;
	s5 =	simm.s32 @!p2 $0x0  }
0x1d: {  	s5 =	simm.s32 @p1 $0x1;
	p0 =	seq.s32 s7, s2  }
0x1e: {  	s7 =	smul.u32 @!p0 $0xF7A, s2;
	p2 =	seq.s32 @!p0 s5, $0x0  }
0x1f: {  	s9 =	smul.u32 $0xF7A, s1;
	s8 =	simm.s32 @!p0 $0x1BF5;
	p2 =	por !p2, p0  }
0x20: {  	[sflag:s8] =	ssyncset.s32 @!p0 $0xFFFFF086;
	s6 =	sadd.s32 @!p0 s3, s7;
	s7 =	simm.s32 @!p0 $0x108  }
0x21: {  	s3 =	sadd.s32 s3, s9;
	s6 =	sadd.s32 @!p0 $0x88, s6;
	s7 =	simm.s32 @p2 $0x1082  }
0x22: {  	[simem:s7], [sflag:s8] =	dma.local @!p0 [hbm:s6], $0xF7A  }
0x23: {  	s9 =	sor.u32 $0xD0000000, s2;
	s6 =	simm.s32 $0x108;
	_ =	swait.ge @!p0 [sflag:s8], $0x0  }
0x24: {  	s3 =	sadd.s32 $0x88, s3;
	s6 =	simm.s32 @!p1 $0x1082;
	[sflag:s4] =	ssyncset.s32 $0xFFFFF086  }
0x25: {  	[simem:s6], [sflag:s4] =	dma.local [hbm:s3], $0xF7A  }
0x26: {  	[smem:$0x3F9F] =	sst s1;
	(tag) =	ssettag s2;
	_ =	strace s9  }
0x27: {  	s1 =	sld [smem:$0x3FAF]  }
0x28: {  	s2 =	sld [smem:$0x3FB0]  }
0x29: {  	s4 =	sld [smem:$0x3FB2]  }
0x2a: {  	p0 =	seq.s32 s5, $0x0;
	s5 =	sld [smem:$0x3FB3]  }
0x2b: {  	s6 =	sld [smem:$0x3FB4]  }
0x2c: {  	s7 =	sld [smem:$0x3FB5]  }
0x2d: {  	s3 =	simm.s32 $0x108;
	s8 =	sld [smem:$0x3FB6]  }
0x2e: {  	s3 =	simm.s32 @!p0 $0x1082;
	s9 =	sld [smem:$0x3FB7]  }
0x2f: {  	lr =	sadd.s32 s0, s3;
	s0 =	sld [smem:$0x3FAE]  }
0x30: {  	s3 =	sld [smem:$0x3FB1]  }
0x31: {  	[smem:$0x3FBA] =	sst s10  }
0x32: {  	s10 =	sld [smem:$0x3FB8];
	_ =	sdelay $0x3  }
0x33: {  	p0 =	seq.s32 s10, $0x1;
	s10 =	sld [smem:$0x3FBA];
	_ =	sdelay $0x3  }
0x34: {  	[smem:$0x3FBA] =	sst s10  }
0x35: {  	s10 =	sld [smem:$0x3FB9];
	_ =	sdelay $0x3  }
0x36: {  	p1 =	seq.s32 s10, $0x1;
	s10 =	sld [smem:$0x3FBA];
	_ =	sdelay $0x3  }
0x37: {  	[smem:$0x3FBA] =	sst s10  }
0x38: {  	s10 =	sld [smem:$0x3FBB]  }
0x39: {  	_ = 	snop;
	(pc) =	sbr.ind lr, $3  }
0x3a: {  	_ = 	snop  }
0x3b: {  	_ = 	snop  }
0x3c: {  	p2 =	seq.s32 s10, $0x1;
	s10 =	sld [smem:$0x3FBA]  }
0x3d: {  	_ =	shalt  }
0x3e: {  	_ =	shalt  }
0x3f: {  	_ =	shalt  }
0x40: {  	_ =	shalt  }
0x41: {  	_ =	shalt  }
0x42: {  	_ =	shalt  }
0x43: {  	_ =	shalt  }
0x44: {  	_ =	shalt  }
0x45: {  	_ =	shalt  }
0x46: {  	_ =	shalt  }
0x47: {  	_ =	shalt  }
0x48: {  	_ =	shalt  }
0x49: {  	_ =	shalt  }
0x4a: {  	_ =	shalt  }
0x4b: {  	_ =	shalt  }
0x4c: {  	_ =	shalt  }
0x4d: {  	_ =	shalt  }
0x4e: {  	_ =	shalt  }
0x4f: {  	_ =	shalt  }
0x50: {  	_ =	shalt  }
0x51: {  	_ =	shalt  }
0x52: {  	_ =	shalt  }
0x53: {  	_ =	shalt  }
0x54: {  	_ =	shalt  }
0x55: {  	_ =	shalt  }
0x56: {  	_ =	shalt  }
0x57: {  	_ =	shalt  }
0x58: {  	_ =	shalt  }
0x59: {  	_ =	shalt  }
0x5a: {  	_ =	shalt  }
0x5b: {  	_ =	shalt  }
0x5c: {  	_ =	shalt  }
0x5d: {  	_ =	shalt  }
0x5e: {  	_ =	shalt  }
0x5f: {  	_ =	shalt  }
0x60: {  	_ =	shalt  }
0x61: {  	_ =	shalt  }
0x62: {  	_ =	shalt  }
0x63: {  	_ =	shalt  }
0x64: {  	_ =	shalt  }
0x65: {  	_ =	shalt  }
0x66: {  	_ =	shalt  }
0x67: {  	_ =	shalt  }
0x68: {  	_ =	shalt  }
0x69: {  	_ =	shalt  }
0x6a: {  	_ =	shalt  }
0x6b: {  	_ =	shalt  }
0x6c: {  	_ =	shalt  }
0x6d: {  	_ =	shalt  }
0x6e: {  	_ =	shalt  }
0x6f: {  	_ =	shalt  }
0x70: {  	_ =	shalt  }
0x71: {  	_ =	shalt  }
0x72: {  	_ =	shalt  }
0x73: {  	_ =	shalt  }
0x74: {  	_ =	shalt  }
0x75: {  	_ =	shalt  }
0x76: {  	_ =	shalt  }
0x77: {  	_ =	shalt  }
0x78: {  	_ =	shalt  }
0x79: {  	_ =	shalt  }
0x7a: {  	_ =	shalt  }
0x7b: {  	_ =	shalt  }
0x7c: {  	_ =	shalt  }
0x7d: {  	_ =	shalt  }
0x7e: {  	_ =	shalt  }
0x7f: {  	_ =	shalt  }
0x80: {  	_ =	shalt  }
0x81: {  	_ =	shalt  }
0x82: {  	_ =	shalt  }
0x83: {  	_ =	shalt  }
0x84: {  	_ =	shalt  }
0x85: {  	_ =	shalt  }
0x86: {  	_ =	shalt  }
0x87: {  	_ =	shalt  }
.Lfunc_end0:
.L_simem_size_0:
called_computation_lowered:
.L_overlay_start_0:
0x88: {  	s2 =	sld [smem:$0x3FD9]  }
0x89: {  	s3 =	sld [smem:$0x3FFE];
	_ =	sdelay $0x1  }
0x8a: {  	s1 =	srdreg.scid  }
0x8b: {  	s0 =	sand.u32 $0x1, s1  }
0x8c: {  	s17 =	sshll.u32 s0, $0xA;
	s2 =	sadd.s32 s3, s2  }
0x8d: {  	s2 =	sadd.s32 s2, s17  }
0x8e: {  	[smem:$0x3FC6] =	sst s2  }
0x8f: {  	_ = 	snop  }
0x90: {  	s2 =	sld [smem:$0x3FC9];
	(tm) =	ssettm $0x1  }
0x91: {  	s18 =	sld [smem:$0x3FFB];
	_ =	sdelay $0x3  }
0x92: {  	_ =	strace s18  }
0x93: {  	s3 =	sld [smem:$0x3FFC];
	_ =	sdelay $0x3  }
0x94: {  	_ =	strace s3  }
0x95: {  	s3 =	sld [smem:$0x3FFD];
	_ =	sdelay $0x3  }
0x96: {  	_ =	strace s3  }
0x97: {  	_ =	strace $0x8FFFFFFF  }
0x98: {  	s19 =	sld [smem:$0x3FDB];
	_ =	sdelay $0x1  }
0x99: {  	s4 =	simm.s32 $_scs_section_size  }
0x9a: {  	s5 =	simm.s32 $_size__tile_overlayer_lowered;
	s6 =	simm.s32 $_tile_overlayer_lowered  }
0x9b: {  	s22 =	simm.s32 $0x1BFF;
	s21 =	sshll.u32 s6, $0x1;
	s3 =	sadd.s32 s4, s19  }
0x9c: {  	s7 =	simm.s32 $0x0;
	s20 =	sshll.u32 s5, $0x1;
	s5 =	sadd.s32 s21, s3  }
0x9d: {  	[timem:s7], [sflag:s22] =	dma.local [hbm:s5], s20  }
0x9e: {  	_ =	swait.ge [sflag:s22], s20  }
0x9f: {  	s4 =	ssub.s32 $0x0, s20;
	[sflag:s22] =	ssyncset.done $0x0  }
0xa0: {  	[sflag:s22] =	ssyncadd.s32 s4;
	_ =	sdelay $0x1  }
0xa1: {  	s23 =	simm.s32 $0x1B8B  }
0xa2: {  	_ =	swait.ge [sflag:s23], $0x1  }
0xa3: {  	[sflag:s23] =	ssyncset.done $0x0  }
0xa4: {  	s25 =	simm.s32 $0x1B8E;
	s24 =	sld [smem:$0x3FFE];
	[sflag:s23] =	ssyncadd.s32 $0xFFFFFFFF  }
0xa5: {  	s26 =	simm.s32 $execute0_lowered;
	[smem:$0x3FD2] =	sst s25  }
0xa6: {  	s5 =	sshll.u32 s26, $0x1;
	_ =	strace $0x80000046;
	[dreg:$0x1] =	wrdreg $0xFFFFFFFF  }
0xa7: {  	s28 =	simm.s32 $_size_execute0_lowered;
	s3 =	sadd.s32 s3, s5;
	[dreg:$0x0] =	wrdreg $0x0  }
0xa8: {  	s5 =	sshll.u32 s28, $0x1;
	[dreg:$0x2] =	wrdreg s3  }
0xa9: {  	[dreg:$0x3] =	wrdreg s5  }
0xaa: {  	[dreg:$0x4] =	wrdreg $0xC0  }
0xab: {  	_ =	task [dreg:s7], $0x5FFFF  }
0xac: {  	[dreg:$0x1] =	wrdreg $0xFFFFFFFF  }
0xad: {  	[dreg:$0x0] =	wrdreg $0x60  }
0xae: {  	[dreg:$0x2] =	wrdreg s2  }
0xaf: {  	[dreg:$0x3] =	wrdreg s24  }
0xb0: {  	[dreg:$0x4] =	wrdreg $0x9  }
0xb1: {  	_ =	task.clear_ibuf [dreg:s7], $0x5FFFF;
	_ =	strace $0x90000046  }
0xb2: {  	s29 =	simm.s32 $0x9;
	_ =	strace $0x80000048  }
0xb3: {  	_ =	swait.ge [sflag:s29], $0x1  }
0xb4: {  	[sflag:s29] =	ssyncadd.s32 $0xFFFFFFFF  }
0xb5: {  	_ =	strace $0x90000048  }
0xb6: {  	_ =	sfence  }
0xb7: {  	s30 =	sld [smem:$0x0];
	_ =	sdelay $0x2  }
0xb8: {  	s31 =	sshll.u32 s1, $0xD;
	s1 =	sshrl.u32 s1, $0x2  }
0xb9: {  	s3 =	sand.u32 $0x4000, s31;
	s1 =	sadd.s32 s1, s30  }
0xba: {  	s0 =	sor.u32 s3, s0;
	s1 =	sshll.u32 s1, $0x11  }
0xbb: {  	s0 =	sor.u32 s1, s0  }
0xbc: {  	s0 =	sadd.s32 $0x8F2B, s0  }
0xbd: {  	[sflag:s0] =	ssyncadd.remote.s32 $0x1  }
0xbe: {  	_ =	sfence.sel $0xFFFF  }
0xbf: {  	[dreg:$0x0] =	wrdreg $0xFFFFFFFF;
	(pc) =	sbr.abs _section_cstart, $3  }
0xc0: {  	[dreg:$0x1] =	wrdreg $0xFFFFFFFF  }
0xc1: {  	_ =	task.clear_ibuf [dreg:s7], $0x2FFFF;
	_ =	strace $0x9FFFFFFF  }
0xc2: {  	(tm) =	ssettm $0x7FFFFFFF  }
0xc3: {  	_ =	shalt  }
tec
execute0_lowered:
.L_overlay_start_1:
0x0: {  	(tag) =	ssettag $0x1  }
0x1: {  	s2 =	rddreg [dreg:$0x0]  }
0x2: {  	s0 =	rddreg [dreg:$0x1];
	v0 =	vlaneseq.u32  }
0x3: {  	s1 =	srdreg.scid;
	s4 =	stileid.u32;
	s3 =	simm.s32 $0x0;
	v0 =	vmul.u32 $0x208, v0  }
0x4: {  	s10 =	simm.s32 $0x4;
	s11 =	simm.s32 $0x80;
	s18 =	simm.s32 $0x200  }
0x5: {  	s19 =	simm.s32 $0x8400;
	s20 =	simm.s32 $0x280;
	s21 =	simm.s32 $0xA400;
	v1 =	vadd.s32 $0x2080, v0  }
0x6: {  	s22 =	simm.s32 $0x300;
	s23 =	simm.s32 $0xC400;
	s24 =	simm.s32 $0x380;
	v2 =	vadd.s32 $0x4100, v0;
	v3 =	vadd.s32 $0x6180, v0;
	v4 =	vor.u32 $0x1, v0  }
0x7: {  	s28 =	simm.s32 $0x10400;
	s1 =	sand.u32 $0x1, s1;
	s4 =	sshll.u32 s4, $0x1;
	v5 =	vadd.s32 $0x2081, v0;
	v6 =	vadd.s32 $0x4101, v0;
	v7 =	vadd.s32 $0x6181, v0  }
0x8: {  	s29 =	simm.s32 $0x3;
	s30 =	simm.s32 $0x2;
	s6 =	sor.u32 s1, s4;
	v8 =	vor.u32 $0x2, v0;
	v9 =	vadd.s32 $0x2082, v0;
	v10 =	vadd.s32 $0x4102, v0  }
0x9: {  	s31 =	simm.s32 $0x0;
	[smem:$0x7FF] =	sst s3;
	s5 =	smul.u32 $0x6400, s6;
	v11 =	vadd.s32 $0x6182, v0;
	v12 =	vor.u32 $0x3, v0;
	v13 =	vadd.s32 $0x2083, v0  }
0xa: {  	s9 =	sadd.s32 $0x80, s2;
	_ =	strace $0x80000047;
	s7 =	sshll.u32 s6, $0xA;
	v14 =	vadd.s32 $0x4103, v0;
	v15 =	vadd.s32 $0x6183, v0;
	v16 =	vor.u32 $0x4, v0  }
0xb: {  	s1 =	ssub.s32 $0x2, s1;
	v17 =	vadd.s32 $0x2084, v0;
	v18 =	vadd.s32 $0x4104, v0;
	v19 =	vadd.s32 $0x6184, v0;
	s7 =	sand.u32 $0xC00, s7;
	s8 =	sand.u32 $0xFF000, s5  }
0xc: {  	s4 =	sadd.s32 $0xF42A00, s0;
	s25 =	sshrl.u32 s1, $0x1;
	v20 =	vor.u32 $0x5, v0;
	v21 =	vadd.s32 $0x2085, v0;
	v22 =	vadd.s32 $0x4105, v0;
	s7 =	sor.u32 s7, s8  }
0xd: {  	s6 =	smul.u32 $0x32, s6;
	v23 =	vadd.s32 $0x6185, v0;
	v24 =	vor.u32 $0x6, v0;
	v25 =	vadd.s32 $0x2086, v0;
	s5 =	sadd.s32 $0x400, s0;
	s26 =	sshrl.u32 s7, $0x3  }
0xe: {  	v26 =	vadd.s32 $0x4106, v0;
	v27 =	vadd.s32 $0x6186, v0;
	v28 =	vor.u32 $0x7, v0;
	s0 =	ssub.s32 s1, s25;
	s25 =	simm.s32 $0xE400;
	s1 =	sadd.s32 s2, s26  }
0xf: {  	v29 =	vadd.s32 $0x2087, v0;
	v30 =	vadd.s32 $0x4107, v0;
	v31 =	vadd.s32 $0x6187, v0;
	s8 =	smax.u32 s0, $0x1;
	s26 =	simm.s32 $0x1;
	[dreg:$0x3] =	wrdreg s1  }
.LBB2_1:
0x10: {  	s0 =	rddreg [dreg:$0x3]  }
0x11: {  	[tilespmem:s3], [sflag:$0x4] =	stream.linear.gather [hbm4b:s0+s3], $0x200, $0x38;
	[tilespmem:$0x18600] =	vst v63  }
0x12: {  	_ =	swait.ge [sflag:s10], $0x200  }
0x13: {  	[sflag:s10] =	ssyncset.done $0x0  }
0x14: {  	s13 =	simm.s32 $0x400;
	[sflag:s10] =	ssyncadd.s32 $0xFFFFFE00  }
0x15: {  	[tilespmem:s13], [sflag:$0x1] =	stream.indirect.gather [hbm4b:s4+s11], $0x40, s3, s11, $0xb8;
	[tilespmem:$0x18600] =	vst v63  }
0x16: {  	s14 =	simm.s32 $0x2400  }
0x17: {  	[tilespmem:s14], [sflag:$0x1] =	stream.indirect.gather [hbm4b:s4+s11], $0x40, s11, s11, $0xb8;
	[tilespmem:$0x18600] =	vst v63  }
0x18: {  	s15 =	simm.s32 $0x100;
	s1 =	simm.s32 $0x4400  }
0x19: {  	[tilespmem:s1], [sflag:$0x1] =	stream.indirect.gather [hbm4b:s4+s11], $0x40, s15, s11, $0xb8;
	[tilespmem:$0x18600] =	vst v63  }
0x1a: {  	s16 =	simm.s32 $0x180;
	s17 =	simm.s32 $0x6400;
	s12 =	simm.s32 $0x0  }
0x1b: {  	[tilespmem:s17], [sflag:$0x1] =	stream.indirect.gather [hbm4b:s4+s11], $0x40, s16, s11, $0xb8;
	[tilespmem:$0x18600] =	vst v63  }
.LBB2_3:
0x1c: {  	s0 =	sshll.u32 s12, $0x1  }
0x1d: {  	s14 =	sadd.s32 s6, s0  }
0x1e: {  	s0 =	sshrl.u32 s14, $0x3;
	s13 =	sshll.u32 s14, $0x6  }
0x1f: {  	s7 =	sshll.u32 s0, $0x9;
	s15 =	sand.u32 $0x180, s13  }
0x20: {  	s1 =	sor.u32 $0x40, s15;
	s7 =	sadd.s32 s2, s7  }
0x21: {  	s7 =	sadd.s32 s1, s7  }
0x22: {  	[tilespmem:s18], [sflag:$0x4] =	stream.linear.gather [hbm4b:s7+s3], $0x200, $0x38;
	[tilespmem:$0x18600] =	vst v63  }
0x23: {  	_ =	swait.ge [sflag:s10], $0x200  }
0x24: {  	[sflag:s10] =	ssyncset.done $0x0  }
0x25: {  	[sflag:s10] =	ssyncadd.s32 $0xFFFFFE00  }
0x26: {  	[tilespmem:s19], [sflag:$0x2] =	stream.indirect.gather [hbm4b:s4+s11], $0x40, s18, s11, $0xb8;
	[tilespmem:$0x18600] =	vst v63  }
0x27: {  	_ = 	snop  }
0x28: {  	[tilespmem:s21], [sflag:$0x2] =	stream.indirect.gather [hbm4b:s4+s11], $0x40, s20, s11, $0xb8;
	[tilespmem:$0x18600] =	vst v63  }
0x29: {  	p0 =	seq.s32 s12, $0x0  }
0x2a: {  	[tilespmem:s23], [sflag:$0x2] =	stream.indirect.gather [hbm4b:s4+s11], $0x40, s22, s11, $0xb8;
	[tilespmem:$0x18600] =	vst v63  }
0x2b: {  	s7 =	simm.s32 @!p0 $0x3  }
0x2c: {  	[tilespmem:s25], [sflag:$0x2] =	stream.indirect.gather [hbm4b:s4+s11], $0x40, s24, s11, $0xb8;
	[tilespmem:$0x18600] =	vst v63  }
0x2d: {  	_ =	swait.ge @!p0 [sflag:s7], $0x8000  }
0x2e: {  	[sflag:s7] =	ssyncset.done @!p0 $0x0  }
0x2f: {  	[sflag:s7] =	ssyncadd.s32 @!p0 $0xFFFF8000  }
0x30: {  	_ =	swait.ge [sflag:s26], $0x2000  }
0x31: {  	[sflag:s26] =	ssyncset.done $0x0  }
0x32: {  	v32 =	vimm.s32 $0x0;
	s16 =	simm.s32 $0x500;
	[sflag:s26] =	ssyncadd.s32 $0xFFFFE000  }
0x33: {  	v34 =	vadd.s32 v0, v32;
	v33 =	vld [tilespmem:s16+$0xFFFFFF00]  }
0x34: {  	v36 =	vadd.s32 v1, v32;
	v35 =	vld [tilespmem:s16+$0xFFFFFF10]  }
0x35: {  	v38 =	vadd.s32 v2, v32;
	v37 =	vld [tilespmem:s16+$0xFFFFFF20]  }
0x36: {  	v40 =	vadd.s32 v3, v32;
	v39 =	vld [tilespmem:s16+$0xFFFFFF30];
	_ =	sdelay $0x1  }
0x37: {  	[tilespmem:v34+s28+$0x0] =	vst.idx.msk $0xffff, v33  }
0x38: {  	[tilespmem:v36+s28+$0x0] =	vst.idx.msk $0xffff, v35  }
0x39: {  	[tilespmem:v38+s28+$0x0] =	vst.idx.msk $0xffff, v37  }
0x3a: {  	[tilespmem:v40+s28+$0x0] =	vst.idx.msk $0xffff, v39  }
0x3b: {  	v57 =	vadd.s32 v4, v32;
	v33 =	vld [tilespmem:s16+$0xFFFFFF40]  }
0x3c: {  	v58 =	vadd.s32 v5, v32;
	v35 =	vld [tilespmem:s16+$0xFFFFFF50]  }
0x3d: {  	v59 =	vadd.s32 v6, v32;
	v37 =	vld [tilespmem:s16+$0xFFFFFF60]  }
0x3e: {  	v60 =	vadd.s32 v7, v32;
	v39 =	vld [tilespmem:s16+$0xFFFFFF70];
	_ =	sdelay $0x1  }
0x3f: {  	[tilespmem:v57+s28+$0x0] =	vst.idx.msk $0xffff, v33  }
0x40: {  	[tilespmem:v58+s28+$0x0] =	vst.idx.msk $0xffff, v35  }
0x41: {  	[tilespmem:v59+s28+$0x0] =	vst.idx.msk $0xffff, v37  }
0x42: {  	[tilespmem:v60+s28+$0x0] =	vst.idx.msk $0xffff, v39  }
0x43: {  	v61 =	vadd.s32 v8, v32;
	v33 =	vld [tilespmem:s16+$0xFFFFFF80]  }
0x44: {  	v62 =	vadd.s32 v9, v32;
	v35 =	vld [tilespmem:s16+$0xFFFFFF90]  }
0x45: {  	v63 =	vadd.s32 v10, v32;
	v37 =	vld [tilespmem:s16+$0xFFFFFFA0]  }
0x46: {  	v44 =	vadd.s32 v11, v32;
	v39 =	vld [tilespmem:s16+$0xFFFFFFB0];
	_ =	sdelay $0x1  }
0x47: {  	[tilespmem:v61+s28+$0x0] =	vst.idx.msk $0xffff, v33  }
0x48: {  	[tilespmem:v62+s28+$0x0] =	vst.idx.msk $0xffff, v35  }
0x49: {  	[tilespmem:v63+s28+$0x0] =	vst.idx.msk $0xffff, v37  }
0x4a: {  	[tilespmem:v44+s28+$0x0] =	vst.idx.msk $0xffff, v39  }
0x4b: {  	v45 =	vadd.s32 v12, v32;
	v33 =	vld [tilespmem:s16+$0xFFFFFFC0]  }
0x4c: {  	v46 =	vadd.s32 v13, v32;
	v35 =	vld [tilespmem:s16+$0xFFFFFFD0]  }
0x4d: {  	v47 =	vadd.s32 v14, v32;
	v37 =	vld [tilespmem:s16+$0xFFFFFFE0]  }
0x4e: {  	v48 =	vadd.s32 v15, v32;
	v39 =	vld [tilespmem:s16+$0xFFFFFFF0];
	_ =	sdelay $0x1  }
0x4f: {  	[tilespmem:v45+s28+$0x0] =	vst.idx.msk $0xffff, v33  }
0x50: {  	[tilespmem:v46+s28+$0x0] =	vst.idx.msk $0xffff, v35  }
0x51: {  	[tilespmem:v47+s28+$0x0] =	vst.idx.msk $0xffff, v37  }
0x52: {  	[tilespmem:v48+s28+$0x0] =	vst.idx.msk $0xffff, v39  }
0x53: {  	v49 =	vadd.s32 v16, v32;
	v33 =	vld [tilespmem:s16+$0x0]  }
0x54: {  	v50 =	vadd.s32 v17, v32;
	v35 =	vld [tilespmem:s16+$0x10]  }
0x55: {  	v51 =	vadd.s32 v18, v32;
	v37 =	vld [tilespmem:s16+$0x20]  }
0x56: {  	v52 =	vadd.s32 v19, v32;
	v39 =	vld [tilespmem:s16+$0x30];
	_ =	sdelay $0x1  }
0x57: {  	[tilespmem:v49+s28+$0x0] =	vst.idx.msk $0xffff, v33  }
0x58: {  	[tilespmem:v50+s28+$0x0] =	vst.idx.msk $0xffff, v35  }
0x59: {  	[tilespmem:v51+s28+$0x0] =	vst.idx.msk $0xffff, v37  }
0x5a: {  	[tilespmem:v52+s28+$0x0] =	vst.idx.msk $0xffff, v39  }
0x5b: {  	v53 =	vadd.s32 v20, v32;
	v33 =	vld [tilespmem:s16+$0x40]  }
0x5c: {  	v54 =	vadd.s32 v21, v32;
	v35 =	vld [tilespmem:s16+$0x50]  }
0x5d: {  	v55 =	vadd.s32 v22, v32;
	v37 =	vld [tilespmem:s16+$0x60]  }
0x5e: {  	v56 =	vadd.s32 v23, v32;
	v39 =	vld [tilespmem:s16+$0x70];
	_ =	sdelay $0x1  }
0x5f: {  	[tilespmem:v53+s28+$0x0] =	vst.idx.msk $0xffff, v33  }
0x60: {  	[tilespmem:v54+s28+$0x0] =	vst.idx.msk $0xffff, v35  }
0x61: {  	[tilespmem:v55+s28+$0x0] =	vst.idx.msk $0xffff, v37  }
0x62: {  	[tilespmem:v56+s28+$0x0] =	vst.idx.msk $0xffff, v39  }
0x63: {  	v57 =	vadd.s32 v24, v32;
	v33 =	vld [tilespmem:s16+$0x80]  }
0x64: {  	v58 =	vadd.s32 v25, v32;
	v35 =	vld [tilespmem:s16+$0x90]  }
0x65: {  	v59 =	vadd.s32 v26, v32;
	v37 =	vld [tilespmem:s16+$0xA0]  }
0x66: {  	v60 =	vadd.s32 v27, v32;
	v39 =	vld [tilespmem:s16+$0xB0];
	_ =	sdelay $0x1  }
0x67: {  	[tilespmem:v57+s28+$0x0] =	vst.idx.msk $0xffff, v33  }
0x68: {  	[tilespmem:v58+s28+$0x0] =	vst.idx.msk $0xffff, v35  }
0x69: {  	[tilespmem:v59+s28+$0x0] =	vst.idx.msk $0xffff, v37  }
0x6a: {  	[tilespmem:v60+s28+$0x0] =	vst.idx.msk $0xffff, v39  }
0x6b: {  	v61 =	vadd.s32 v28, v32;
	v34 =	vld [tilespmem:s16+$0xC0];
	_ =	sdelay $0x2  }
0x6c: {  	v62 =	vadd.s32 v29, v32;
	v36 =	vld [tilespmem:s16+$0xD0]  }
0x6d: {  	v63 =	vadd.s32 v30, v32;
	v38 =	vld [tilespmem:s16+$0xE0]  }
0x6e: {  	v33 =	vld [tilespmem:s16+$0xF0];
	[tilespmem:v61+s28+$0x0] =	vst.idx.msk $0xffff, v34;
	v34 =	vadd.s32 v31, v32;
	_ =	sdelay $0x2  }
0x6f: {  	[tilespmem:v62+s28+$0x0] =	vst.idx.msk $0xffff, v36  }
0x70: {  	s17 =	simm.s32 $0x0;
	[tilespmem:v63+s28+$0x0] =	vst.idx.msk $0xffff, v38  }
.LBB2_4:
0x71: {  	s17 =	sadd.s32 $0x8, s17;
	[tilespmem:v34+s28+$0x0] =	vst.idx.msk $0xffff, v33;
	v32 =	vadd.s32 $0x8, v32;
	s16 =	sadd.s32 $0x200, s16  }
0x72: {  	v33 =	vld [tilespmem:s16+$0xFFFFFF00];
	v34 =	vadd.s32 v0, v32;
	p0 =	slt.u32 s17, $0x78  }
0x73: {  	v36 =	vadd.s32 v1, v32;
	v35 =	vld [tilespmem:s16+$0xFFFFFF10]  }
0x74: {  	v38 =	vadd.s32 v2, v32;
	v37 =	vld [tilespmem:s16+$0xFFFFFF20]  }
0x75: {  	v40 =	vadd.s32 v3, v32;
	v39 =	vld [tilespmem:s16+$0xFFFFFF30];
	_ =	sdelay $0x1  }
0x76: {  	[tilespmem:v34+s28+$0x0] =	vst.idx.msk $0xffff, v33  }
0x77: {  	[tilespmem:v36+s28+$0x0] =	vst.idx.msk $0xffff, v35  }
0x78: {  	[tilespmem:v38+s28+$0x0] =	vst.idx.msk $0xffff, v37  }
0x79: {  	[tilespmem:v40+s28+$0x0] =	vst.idx.msk $0xffff, v39  }
0x7a: {  	v34 =	vadd.s32 v4, v32;
	v33 =	vld [tilespmem:s16+$0xFFFFFF40]  }
0x7b: {  	v36 =	vadd.s32 v5, v32;
	v35 =	vld [tilespmem:s16+$0xFFFFFF50]  }
0x7c: {  	v38 =	vadd.s32 v6, v32;
	v37 =	vld [tilespmem:s16+$0xFFFFFF60]  }
0x7d: {  	v40 =	vadd.s32 v7, v32;
	v39 =	vld [tilespmem:s16+$0xFFFFFF70];
	_ =	sdelay $0x1  }
0x7e: {  	[tilespmem:v34+s28+$0x0] =	vst.idx.msk $0xffff, v33  }
0x7f: {  	[tilespmem:v36+s28+$0x0] =	vst.idx.msk $0xffff, v35  }
0x80: {  	[tilespmem:v38+s28+$0x0] =	vst.idx.msk $0xffff, v37  }
0x81: {  	[tilespmem:v40+s28+$0x0] =	vst.idx.msk $0xffff, v39  }
0x82: {  	v34 =	vadd.s32 v8, v32;
	v33 =	vld [tilespmem:s16+$0xFFFFFF80]  }
0x83: {  	v36 =	vadd.s32 v9, v32;
	v35 =	vld [tilespmem:s16+$0xFFFFFF90]  }
0x84: {  	v38 =	vadd.s32 v10, v32;
	v37 =	vld [tilespmem:s16+$0xFFFFFFA0]  }
0x85: {  	v40 =	vadd.s32 v11, v32;
	v39 =	vld [tilespmem:s16+$0xFFFFFFB0];
	_ =	sdelay $0x1  }
0x86: {  	[tilespmem:v34+s28+$0x0] =	vst.idx.msk $0xffff, v33  }
0x87: {  	[tilespmem:v36+s28+$0x0] =	vst.idx.msk $0xffff, v35  }
0x88: {  	[tilespmem:v38+s28+$0x0] =	vst.idx.msk $0xffff, v37  }
0x89: {  	[tilespmem:v40+s28+$0x0] =	vst.idx.msk $0xffff, v39  }
0x8a: {  	v34 =	vadd.s32 v12, v32;
	v33 =	vld [tilespmem:s16+$0xFFFFFFC0]  }
0x8b: {  	v36 =	vadd.s32 v13, v32;
	v35 =	vld [tilespmem:s16+$0xFFFFFFD0]  }
0x8c: {  	v38 =	vadd.s32 v14, v32;
	v37 =	vld [tilespmem:s16+$0xFFFFFFE0]  }
0x8d: {  	v40 =	vadd.s32 v15, v32;
	v39 =	vld [tilespmem:s16+$0xFFFFFFF0];
	_ =	sdelay $0x1  }
0x8e: {  	[tilespmem:v34+s28+$0x0] =	vst.idx.msk $0xffff, v33  }
0x8f: {  	[tilespmem:v36+s28+$0x0] =	vst.idx.msk $0xffff, v35  }
0x90: {  	[tilespmem:v38+s28+$0x0] =	vst.idx.msk $0xffff, v37  }
0x91: {  	[tilespmem:v40+s28+$0x0] =	vst.idx.msk $0xffff, v39  }
0x92: {  	v34 =	vadd.s32 v16, v32;
	v33 =	vld [tilespmem:s16+$0x0]  }
0x93: {  	v36 =	vadd.s32 v17, v32;
	v35 =	vld [tilespmem:s16+$0x10]  }
0x94: {  	v38 =	vadd.s32 v18, v32;
	v37 =	vld [tilespmem:s16+$0x20]  }
0x95: {  	v40 =	vadd.s32 v19, v32;
	v39 =	vld [tilespmem:s16+$0x30];
	_ =	sdelay $0x1  }
0x96: {  	[tilespmem:v34+s28+$0x0] =	vst.idx.msk $0xffff, v33  }
0x97: {  	[tilespmem:v36+s28+$0x0] =	vst.idx.msk $0xffff, v35  }
0x98: {  	[tilespmem:v38+s28+$0x0] =	vst.idx.msk $0xffff, v37  }
0x99: {  	[tilespmem:v40+s28+$0x0] =	vst.idx.msk $0xffff, v39  }
0x9a: {  	v34 =	vadd.s32 v20, v32;
	v33 =	vld [tilespmem:s16+$0x40]  }
0x9b: {  	v36 =	vadd.s32 v21, v32;
	v35 =	vld [tilespmem:s16+$0x50]  }
0x9c: {  	v38 =	vadd.s32 v22, v32;
	v37 =	vld [tilespmem:s16+$0x60]  }
0x9d: {  	v40 =	vadd.s32 v23, v32;
	v39 =	vld [tilespmem:s16+$0x70];
	_ =	sdelay $0x1  }
0x9e: {  	[tilespmem:v34+s28+$0x0] =	vst.idx.msk $0xffff, v33  }
0x9f: {  	[tilespmem:v36+s28+$0x0] =	vst.idx.msk $0xffff, v35  }
0xa0: {  	[tilespmem:v38+s28+$0x0] =	vst.idx.msk $0xffff, v37  }
0xa1: {  	[tilespmem:v40+s28+$0x0] =	vst.idx.msk $0xffff, v39  }
0xa2: {  	v34 =	vadd.s32 v24, v32;
	v33 =	vld [tilespmem:s16+$0x80]  }
0xa3: {  	v36 =	vadd.s32 v25, v32;
	v35 =	vld [tilespmem:s16+$0x90]  }
0xa4: {  	v38 =	vadd.s32 v26, v32;
	v37 =	vld [tilespmem:s16+$0xA0]  }
0xa5: {  	v40 =	vadd.s32 v27, v32;
	v39 =	vld [tilespmem:s16+$0xB0];
	_ =	sdelay $0x1  }
0xa6: {  	[tilespmem:v34+s28+$0x0] =	vst.idx.msk $0xffff, v33  }
0xa7: {  	[tilespmem:v36+s28+$0x0] =	vst.idx.msk $0xffff, v35  }
0xa8: {  	[tilespmem:v38+s28+$0x0] =	vst.idx.msk $0xffff, v37  }
0xa9: {  	[tilespmem:v40+s28+$0x0] =	vst.idx.msk $0xffff, v39  }
0xaa: {  	v36 =	vadd.s32 v28, v32;
	v35 =	vld [tilespmem:s16+$0xC0]  }
0xab: {  	v38 =	vadd.s32 v29, v32;
	v37 =	vld [tilespmem:s16+$0xD0]  }
0xac: {  	v40 =	vadd.s32 v30, v32;
	v39 =	vld [tilespmem:s16+$0xE0]  }
.Ltmp0:
0xad: {  	v34 =	vadd.s32 v31, v32;
	v33 =	vld [tilespmem:s16+$0xF0];
	(pc) =	sbr.rel @p0 .LBB2_4-.Ltmp0, $4  }
0xae: {  	_ = 	snop  }
0xaf: {  	[tilespmem:v36+s28+$0x0] =	vst.idx.msk $0xffff, v35  }
0xb0: {  	[tilespmem:v38+s28+$0x0] =	vst.idx.msk $0xffff, v37  }
0xb1: {  	[tilespmem:v40+s28+$0x0] =	vst.idx.msk $0xffff, v39  }
0xb2: {  	_ =	sdelay $0x3  }
0xb3: {  	[tilespmem:v34+s28+$0x0] =	vst.idx.msk $0xffff, v33  }
0xb4: {  	_ =	swait.ge [sflag:s26], $0x2000  }
0xb5: {  	[sflag:s26] =	ssyncset.done $0x0  }
0xb6: {  	v32 =	vimm.s32 $0x80;
	s16 =	simm.s32 $0x25F0;
	[sflag:s26] =	ssyncadd.s32 $0xFFFFE000  }
0xb7: {  	v56 =	vadd.s32 v0, v32;
	v55 =	vld [tilespmem:s16+$0xFFFFFE10]  }
0xb8: {  	v36 =	vadd.s32 v1, v32;
	v35 =	vld [tilespmem:s16+$0xFFFFFE20]  }
0xb9: {  	v38 =	vadd.s32 v2, v32;
	v37 =	vld [tilespmem:s16+$0xFFFFFE30]  }
0xba: {  	v40 =	vadd.s32 v3, v32;
	v39 =	vld [tilespmem:s16+$0xFFFFFE40];
	_ =	sdelay $0x1  }
0xbb: {  	[tilespmem:v56+s28+$0x0] =	vst.idx.msk $0xffff, v55  }
0xbc: {  	[tilespmem:v36+s28+$0x0] =	vst.idx.msk $0xffff, v35  }
0xbd: {  	[tilespmem:v38+s28+$0x0] =	vst.idx.msk $0xffff, v37  }
0xbe: {  	[tilespmem:v40+s28+$0x0] =	vst.idx.msk $0xffff, v39  }
0xbf: {  	v57 =	vadd.s32 v4, v32;
	v33 =	vld [tilespmem:s16+$0xFFFFFE50]  }
0xc0: {  	v58 =	vadd.s32 v5, v32;
	v35 =	vld [tilespmem:s16+$0xFFFFFE60]  }
0xc1: {  	v59 =	vadd.s32 v6, v32;
	v37 =	vld [tilespmem:s16+$0xFFFFFE70]  }
0xc2: {  	v60 =	vadd.s32 v7, v32;
	v39 =	vld [tilespmem:s16+$0xFFFFFE80];
	_ =	sdelay $0x1  }
0xc3: {  	[tilespmem:v57+s28+$0x0] =	vst.idx.msk $0xffff, v33  }
0xc4: {  	[tilespmem:v58+s28+$0x0] =	vst.idx.msk $0xffff, v35  }
0xc5: {  	[tilespmem:v59+s28+$0x0] =	vst.idx.msk $0xffff, v37  }
0xc6: {  	[tilespmem:v60+s28+$0x0] =	vst.idx.msk $0xffff, v39  }
0xc7: {  	v61 =	vadd.s32 v8, v32;
	v33 =	vld [tilespmem:s16+$0xFFFFFE90]  }
0xc8: {  	v62 =	vadd.s32 v9, v32;
	v35 =	vld [tilespmem:s16+$0xFFFFFEA0]  }
0xc9: {  	v63 =	vadd.s32 v10, v32;
	v37 =	vld [tilespmem:s16+$0xFFFFFEB0]  }
0xca: {  	v44 =	vadd.s32 v11, v32;
	v39 =	vld [tilespmem:s16+$0xFFFFFEC0];
	_ =	sdelay $0x1  }
0xcb: {  	[tilespmem:v61+s28+$0x0] =	vst.idx.msk $0xffff, v33  }
0xcc: {  	[tilespmem:v62+s28+$0x0] =	vst.idx.msk $0xffff, v35  }
0xcd: {  	[tilespmem:v63+s28+$0x0] =	vst.idx.msk $0xffff, v37  }
0xce: {  	[tilespmem:v44+s28+$0x0] =	vst.idx.msk $0xffff, v39  }
0xcf: {  	v45 =	vadd.s32 v12, v32;
	v33 =	vld [tilespmem:s16+$0xFFFFFED0]  }
0xd0: {  	v46 =	vadd.s32 v13, v32;
	v35 =	vld [tilespmem:s16+$0xFFFFFEE0]  }
0xd1: {  	v47 =	vadd.s32 v14, v32;
	v37 =	vld [tilespmem:s16+$0xFFFFFEF0]  }
0xd2: {  	v48 =	vadd.s32 v15, v32;
	v39 =	vld [tilespmem:s16+$0xFFFFFF00];
	_ =	sdelay $0x1  }
0xd3: {  	[tilespmem:v45+s28+$0x0] =	vst.idx.msk $0xffff, v33  }
0xd4: {  	[tilespmem:v46+s28+$0x0] =	vst.idx.msk $0xffff, v35  }
0xd5: {  	[tilespmem:v47+s28+$0x0] =	vst.idx.msk $0xffff, v37  }
0xd6: {  	[tilespmem:v48+s28+$0x0] =	vst.idx.msk $0xffff, v39  }
0xd7: {  	v49 =	vadd.s32 v16, v32;
	v33 =	vld [tilespmem:s16+$0xFFFFFF10]  }
0xd8: {  	v50 =	vadd.s32 v17, v32;
	v35 =	vld [tilespmem:s16+$0xFFFFFF20]  }
0xd9: {  	v51 =	vadd.s32 v18, v32;
	v37 =	vld [tilespmem:s16+$0xFFFFFF30]  }
0xda: {  	v52 =	vadd.s32 v19, v32;
	v39 =	vld [tilespmem:s16+$0xFFFFFF40];
	_ =	sdelay $0x1  }
0xdb: {  	[tilespmem:v49+s28+$0x0] =	vst.idx.msk $0xffff, v33  }
0xdc: {  	[tilespmem:v50+s28+$0x0] =	vst.idx.msk $0xffff, v35  }
0xdd: {  	[tilespmem:v51+s28+$0x0] =	vst.idx.msk $0xffff, v37  }
0xde: {  	[tilespmem:v52+s28+$0x0] =	vst.idx.msk $0xffff, v39  }
0xdf: {  	v53 =	vadd.s32 v20, v32;
	v33 =	vld [tilespmem:s16+$0xFFFFFF50]  }
0xe0: {  	v54 =	vadd.s32 v21, v32;
	v35 =	vld [tilespmem:s16+$0xFFFFFF60]  }
0xe1: {  	v55 =	vadd.s32 v22, v32;
	v37 =	vld [tilespmem:s16+$0xFFFFFF70]  }
0xe2: {  	v56 =	vadd.s32 v23, v32;
	v39 =	vld [tilespmem:s16+$0xFFFFFF80];
	_ =	sdelay $0x1  }
0xe3: {  	[tilespmem:v53+s28+$0x0] =	vst.idx.msk $0xffff, v33  }
0xe4: {  	[tilespmem:v54+s28+$0x0] =	vst.idx.msk $0xffff, v35  }
0xe5: {  	[tilespmem:v55+s28+$0x0] =	vst.idx.msk $0xffff, v37  }
0xe6: {  	[tilespmem:v56+s28+$0x0] =	vst.idx.msk $0xffff, v39  }
0xe7: {  	v57 =	vadd.s32 v24, v32;
	v33 =	vld [tilespmem:s16+$0xFFFFFF90]  }
0xe8: {  	v58 =	vadd.s32 v25, v32;
	v35 =	vld [tilespmem:s16+$0xFFFFFFA0]  }
0xe9: {  	v59 =	vadd.s32 v26, v32;
	v37 =	vld [tilespmem:s16+$0xFFFFFFB0]  }
0xea: {  	v60 =	vadd.s32 v27, v32;
	v39 =	vld [tilespmem:s16+$0xFFFFFFC0];
	_ =	sdelay $0x1  }
0xeb: {  	[tilespmem:v57+s28+$0x0] =	vst.idx.msk $0xffff, v33  }
0xec: {  	[tilespmem:v58+s28+$0x0] =	vst.idx.msk $0xffff, v35  }
0xed: {  	[tilespmem:v59+s28+$0x0] =	vst.idx.msk $0xffff, v37  }
0xee: {  	[tilespmem:v60+s28+$0x0] =	vst.idx.msk $0xffff, v39  }
0xef: {  	v61 =	vadd.s32 v28, v32;
	v34 =	vld [tilespmem:s16+$0xFFFFFFD0];
	_ =	sdelay $0x2  }
0xf0: {  	v62 =	vadd.s32 v29, v32;
	v36 =	vld [tilespmem:s16+$0xFFFFFFE0]  }
0xf1: {  	v63 =	vadd.s32 v30, v32;
	v38 =	vld [tilespmem:s16+$0xFFFFFFF0]  }
0xf2: {  	v33 =	vld [tilespmem:s16+$0x0];
	[tilespmem:v61+s28+$0x0] =	vst.idx.msk $0xffff, v34;
	v34 =	vadd.s32 v31, v32;
	_ =	sdelay $0x2  }
0xf3: {  	[tilespmem:v62+s28+$0x0] =	vst.idx.msk $0xffff, v36  }
0xf4: {  	s17 =	simm.s32 $0x80;
	[tilespmem:v63+s28+$0x0] =	vst.idx.msk $0xffff, v38  }
.LBB2_6:
0xf5: {  	s17 =	sadd.s32 $0x8, s17;
	[tilespmem:v34+s28+$0x0] =	vst.idx.msk $0xffff, v33;
	v32 =	vadd.s32 $0x8, v32;
	s16 =	sadd.s32 $0x200, s16  }
0xf6: {  	v33 =	vld [tilespmem:s16+$0xFFFFFE10];
	v34 =	vadd.s32 v0, v32;
	p0 =	slt.u32 s17, $0xF8  }
0xf7: {  	v36 =	vadd.s32 v1, v32;
	v35 =	vld [tilespmem:s16+$0xFFFFFE20]  }
0xf8: {  	v38 =	vadd.s32 v2, v32;
	v37 =	vld [tilespmem:s16+$0xFFFFFE30]  }
0xf9: {  	v40 =	vadd.s32 v3, v32;
	v39 =	vld [tilespmem:s16+$0xFFFFFE40];
	_ =	sdelay $0x1  }
0xfa: {  	[tilespmem:v34+s28+$0x0] =	vst.idx.msk $0xffff, v33  }
0xfb: {  	[tilespmem:v36+s28+$0x0] =	vst.idx.msk $0xffff, v35  }
0xfc: {  	[tilespmem:v38+s28+$0x0] =	vst.idx.msk $0xffff, v37  }
0xfd: {  	[tilespmem:v40+s28+$0x0] =	vst.idx.msk $0xffff, v39  }
0xfe: {  	v34 =	vadd.s32 v4, v32;
	v33 =	vld [tilespmem:s16+$0xFFFFFE50]  }
0xff: {  	v36 =	vadd.s32 v5, v32;
	v35 =	vld [tilespmem:s16+$0xFFFFFE60]  }
0x100: {  	v38 =	vadd.s32 v6, v32;
	v37 =	vld [tilespmem:s16+$0xFFFFFE70]  }
0x101: {  	v40 =	vadd.s32 v7, v32;
	v39 =	vld [tilespmem:s16+$0xFFFFFE80];
	_ =	sdelay $0x1  }
0x102: {  	[tilespmem:v34+s28+$0x0] =	vst.idx.msk $0xffff, v33  }
0x103: {  	[tilespmem:v36+s28+$0x0] =	vst.idx.msk $0xffff, v35  }
0x104: {  	[tilespmem:v38+s28+$0x0] =	vst.idx.msk $0xffff, v37  }
0x105: {  	[tilespmem:v40+s28+$0x0] =	vst.idx.msk $0xffff, v39  }
0x106: {  	v34 =	vadd.s32 v8, v32;
	v33 =	vld [tilespmem:s16+$0xFFFFFE90]  }
0x107: {  	v36 =	vadd.s32 v9, v32;
	v35 =	vld [tilespmem:s16+$0xFFFFFEA0]  }
0x108: {  	v38 =	vadd.s32 v10, v32;
	v37 =	vld [tilespmem:s16+$0xFFFFFEB0]  }
0x109: {  	v40 =	vadd.s32 v11, v32;
	v39 =	vld [tilespmem:s16+$0xFFFFFEC0];
	_ =	sdelay $0x1  }
0x10a: {  	[tilespmem:v34+s28+$0x0] =	vst.idx.msk $0xffff, v33  }
0x10b: {  	[tilespmem:v36+s28+$0x0] =	vst.idx.msk $0xffff, v35  }
0x10c: {  	[tilespmem:v38+s28+$0x0] =	vst.idx.msk $0xffff, v37  }
0x10d: {  	[tilespmem:v40+s28+$0x0] =	vst.idx.msk $0xffff, v39  }
0x10e: {  	v34 =	vadd.s32 v12, v32;
	v33 =	vld [tilespmem:s16+$0xFFFFFED0]  }
0x10f: {  	v36 =	vadd.s32 v13, v32;
	v35 =	vld [tilespmem:s16+$0xFFFFFEE0]  }
0x110: {  	v38 =	vadd.s32 v14, v32;
	v37 =	vld [tilespmem:s16+$0xFFFFFEF0]  }
0x111: {  	v40 =	vadd.s32 v15, v32;
	v39 =	vld [tilespmem:s16+$0xFFFFFF00];
	_ =	sdelay $0x1  }
0x112: {  	[tilespmem:v34+s28+$0x0] =	vst.idx.msk $0xffff, v33  }
0x113: {  	[tilespmem:v36+s28+$0x0] =	vst.idx.msk $0xffff, v35  }
0x114: {  	[tilespmem:v38+s28+$0x0] =	vst.idx.msk $0xffff, v37  }
0x115: {  	[tilespmem:v40+s28+$0x0] =	vst.idx.msk $0xffff, v39  }
0x116: {  	v34 =	vadd.s32 v16, v32;
	v33 =	vld [tilespmem:s16+$0xFFFFFF10]  }
0x117: {  	v36 =	vadd.s32 v17, v32;
	v35 =	vld [tilespmem:s16+$0xFFFFFF20]  }
0x118: {  	v38 =	vadd.s32 v18, v32;
	v37 =	vld [tilespmem:s16+$0xFFFFFF30]  }
0x119: {  	v40 =	vadd.s32 v19, v32;
	v39 =	vld [tilespmem:s16+$0xFFFFFF40];
	_ =	sdelay $0x1  }
0x11a: {  	[tilespmem:v34+s28+$0x0] =	vst.idx.msk $0xffff, v33  }
0x11b: {  	[tilespmem:v36+s28+$0x0] =	vst.idx.msk $0xffff, v35  }
0x11c: {  	[tilespmem:v38+s28+$0x0] =	vst.idx.msk $0xffff, v37  }
0x11d: {  	[tilespmem:v40+s28+$0x0] =	vst.idx.msk $0xffff, v39  }
0x11e: {  	v34 =	vadd.s32 v20, v32;
	v33 =	vld [tilespmem:s16+$0xFFFFFF50]  }
0x11f: {  	v36 =	vadd.s32 v21, v32;
	v35 =	vld [tilespmem:s16+$0xFFFFFF60]  }
0x120: {  	v38 =	vadd.s32 v22, v32;
	v37 =	vld [tilespmem:s16+$0xFFFFFF70]  }
0x121: {  	v40 =	vadd.s32 v23, v32;
	v39 =	vld [tilespmem:s16+$0xFFFFFF80];
	_ =	sdelay $0x1  }
0x122: {  	[tilespmem:v34+s28+$0x0] =	vst.idx.msk $0xffff, v33  }
0x123: {  	[tilespmem:v36+s28+$0x0] =	vst.idx.msk $0xffff, v35  }
0x124: {  	[tilespmem:v38+s28+$0x0] =	vst.idx.msk $0xffff, v37  }
0x125: {  	[tilespmem:v40+s28+$0x0] =	vst.idx.msk $0xffff, v39  }
0x126: {  	v34 =	vadd.s32 v24, v32;
	v33 =	vld [tilespmem:s16+$0xFFFFFF90]  }
0x127: {  	v36 =	vadd.s32 v25, v32;
	v35 =	vld [tilespmem:s16+$0xFFFFFFA0]  }
0x128: {  	v38 =	vadd.s32 v26, v32;
	v37 =	vld [tilespmem:s16+$0xFFFFFFB0]  }
0x129: {  	v40 =	vadd.s32 v27, v32;
	v39 =	vld [tilespmem:s16+$0xFFFFFFC0];
	_ =	sdelay $0x1  }
0x12a: {  	[tilespmem:v34+s28+$0x0] =	vst.idx.msk $0xffff, v33  }
0x12b: {  	[tilespmem:v36+s28+$0x0] =	vst.idx.msk $0xffff, v35  }
0x12c: {  	[tilespmem:v38+s28+$0x0] =	vst.idx.msk $0xffff, v37  }
0x12d: {  	[tilespmem:v40+s28+$0x0] =	vst.idx.msk $0xffff, v39  }
0x12e: {  	v36 =	vadd.s32 v28, v32;
	v35 =	vld [tilespmem:s16+$0xFFFFFFD0]  }
0x12f: {  	v38 =	vadd.s32 v29, v32;
	v37 =	vld [tilespmem:s16+$0xFFFFFFE0]  }
0x130: {  	v40 =	vadd.s32 v30, v32;
	v39 =	vld [tilespmem:s16+$0xFFFFFFF0]  }
.Ltmp1:
0x131: {  	v34 =	vadd.s32 v31, v32;
	v33 =	vld [tilespmem:s16+$0x0];
	(pc) =	sbr.rel @p0 .LBB2_6-.Ltmp1, $4  }
0x132: {  	_ = 	snop  }
0x133: {  	[tilespmem:v36+s28+$0x0] =	vst.idx.msk $0xffff, v35  }
0x134: {  	[tilespmem:v38+s28+$0x0] =	vst.idx.msk $0xffff, v37  }
0x135: {  	[tilespmem:v40+s28+$0x0] =	vst.idx.msk $0xffff, v39  }
0x136: {  	_ =	sdelay $0x3  }
0x137: {  	[tilespmem:v34+s28+$0x0] =	vst.idx.msk $0xffff, v33  }
0x138: {  	_ =	swait.ge [sflag:s26], $0x2000  }
0x139: {  	[sflag:s26] =	ssyncset.done $0x0  }
0x13a: {  	v32 =	vimm.s32 $0x100;
	s16 =	simm.s32 $0x4400;
	[sflag:s26] =	ssyncadd.s32 $0xFFFFE000  }
0x13b: {  	v56 =	vadd.s32 v0, v32;
	v55 =	vld [tilespmem:s16+$0x0]  }
0x13c: {  	v36 =	vadd.s32 v1, v32;
	v35 =	vld [tilespmem:s16+$0x10]  }
0x13d: {  	v38 =	vadd.s32 v2, v32;
	v37 =	vld [tilespmem:s16+$0x20]  }
0x13e: {  	v40 =	vadd.s32 v3, v32;
	v39 =	vld [tilespmem:s16+$0x30];
	_ =	sdelay $0x1  }
0x13f: {  	[tilespmem:v56+s28+$0x0] =	vst.idx.msk $0xffff, v55  }
0x140: {  	[tilespmem:v36+s28+$0x0] =	vst.idx.msk $0xffff, v35  }
0x141: {  	[tilespmem:v38+s28+$0x0] =	vst.idx.msk $0xffff, v37  }
0x142: {  	[tilespmem:v40+s28+$0x0] =	vst.idx.msk $0xffff, v39  }
0x143: {  	v57 =	vadd.s32 v4, v32;
	v33 =	vld [tilespmem:s16+$0x40]  }
0x144: {  	v58 =	vadd.s32 v5, v32;
	v35 =	vld [tilespmem:s16+$0x50]  }
0x145: {  	v59 =	vadd.s32 v6, v32;
	v37 =	vld [tilespmem:s16+$0x60]  }
0x146: {  	v60 =	vadd.s32 v7, v32;
	v39 =	vld [tilespmem:s16+$0x70];
	_ =	sdelay $0x1  }
0x147: {  	[tilespmem:v57+s28+$0x0] =	vst.idx.msk $0xffff, v33  }
0x148: {  	[tilespmem:v58+s28+$0x0] =	vst.idx.msk $0xffff, v35  }
0x149: {  	[tilespmem:v59+s28+$0x0] =	vst.idx.msk $0xffff, v37  }
0x14a: {  	[tilespmem:v60+s28+$0x0] =	vst.idx.msk $0xffff, v39  }
0x14b: {  	v61 =	vadd.s32 v8, v32;
	v33 =	vld [tilespmem:s16+$0x80]  }
0x14c: {  	v62 =	vadd.s32 v9, v32;
	v35 =	vld [tilespmem:s16+$0x90]  }
0x14d: {  	v63 =	vadd.s32 v10, v32;
	v37 =	vld [tilespmem:s16+$0xA0]  }
0x14e: {  	v44 =	vadd.s32 v11, v32;
	v39 =	vld [tilespmem:s16+$0xB0];
	_ =	sdelay $0x1  }
0x14f: {  	[tilespmem:v61+s28+$0x0] =	vst.idx.msk $0xffff, v33  }
0x150: {  	[tilespmem:v62+s28+$0x0] =	vst.idx.msk $0xffff, v35  }
0x151: {  	[tilespmem:v63+s28+$0x0] =	vst.idx.msk $0xffff, v37  }
0x152: {  	[tilespmem:v44+s28+$0x0] =	vst.idx.msk $0xffff, v39  }
0x153: {  	v45 =	vadd.s32 v12, v32;
	v33 =	vld [tilespmem:s16+$0xC0]  }
0x154: {  	v46 =	vadd.s32 v13, v32;
	v35 =	vld [tilespmem:s16+$0xD0]  }
0x155: {  	v47 =	vadd.s32 v14, v32;
	v37 =	vld [tilespmem:s16+$0xE0]  }
0x156: {  	v48 =	vadd.s32 v15, v32;
	v39 =	vld [tilespmem:s16+$0xF0];
	_ =	sdelay $0x1  }
0x157: {  	[tilespmem:v45+s28+$0x0] =	vst.idx.msk $0xffff, v33  }
0x158: {  	[tilespmem:v46+s28+$0x0] =	vst.idx.msk $0xffff, v35  }
0x159: {  	[tilespmem:v47+s28+$0x0] =	vst.idx.msk $0xffff, v37  }
0x15a: {  	[tilespmem:v48+s28+$0x0] =	vst.idx.msk $0xffff, v39  }
0x15b: {  	v49 =	vadd.s32 v16, v32;
	v33 =	vld [tilespmem:s16+$0x100]  }
0x15c: {  	v50 =	vadd.s32 v17, v32;
	v35 =	vld [tilespmem:s16+$0x110]  }
0x15d: {  	v51 =	vadd.s32 v18, v32;
	v37 =	vld [tilespmem:s16+$0x120]  }
0x15e: {  	v52 =	vadd.s32 v19, v32;
	v39 =	vld [tilespmem:s16+$0x130];
	_ =	sdelay $0x1  }
0x15f: {  	[tilespmem:v49+s28+$0x0] =	vst.idx.msk $0xffff, v33  }
0x160: {  	[tilespmem:v50+s28+$0x0] =	vst.idx.msk $0xffff, v35  }
0x161: {  	[tilespmem:v51+s28+$0x0] =	vst.idx.msk $0xffff, v37  }
0x162: {  	[tilespmem:v52+s28+$0x0] =	vst.idx.msk $0xffff, v39  }
0x163: {  	v53 =	vadd.s32 v20, v32;
	v33 =	vld [tilespmem:s16+$0x140]  }
0x164: {  	v54 =	vadd.s32 v21, v32;
	v35 =	vld [tilespmem:s16+$0x150]  }
0x165: {  	v55 =	vadd.s32 v22, v32;
	v37 =	vld [tilespmem:s16+$0x160]  }
0x166: {  	v56 =	vadd.s32 v23, v32;
	v39 =	vld [tilespmem:s16+$0x170];
	_ =	sdelay $0x1  }
0x167: {  	[tilespmem:v53+s28+$0x0] =	vst.idx.msk $0xffff, v33  }
0x168: {  	[tilespmem:v54+s28+$0x0] =	vst.idx.msk $0xffff, v35  }
0x169: {  	[tilespmem:v55+s28+$0x0] =	vst.idx.msk $0xffff, v37  }
0x16a: {  	[tilespmem:v56+s28+$0x0] =	vst.idx.msk $0xffff, v39  }
0x16b: {  	v57 =	vadd.s32 v24, v32;
	v33 =	vld [tilespmem:s16+$0x180]  }
0x16c: {  	v58 =	vadd.s32 v25, v32;
	v35 =	vld [tilespmem:s16+$0x190]  }
0x16d: {  	v59 =	vadd.s32 v26, v32;
	v37 =	vld [tilespmem:s16+$0x1A0]  }
0x16e: {  	v60 =	vadd.s32 v27, v32;
	v39 =	vld [tilespmem:s16+$0x1B0];
	_ =	sdelay $0x1  }
0x16f: {  	[tilespmem:v57+s28+$0x0] =	vst.idx.msk $0xffff, v33  }
0x170: {  	[tilespmem:v58+s28+$0x0] =	vst.idx.msk $0xffff, v35  }
0x171: {  	[tilespmem:v59+s28+$0x0] =	vst.idx.msk $0xffff, v37  }
0x172: {  	[tilespmem:v60+s28+$0x0] =	vst.idx.msk $0xffff, v39  }
0x173: {  	v61 =	vadd.s32 v28, v32;
	v34 =	vld [tilespmem:s16+$0x1C0];
	_ =	sdelay $0x2  }
0x174: {  	v62 =	vadd.s32 v29, v32;
	v36 =	vld [tilespmem:s16+$0x1D0]  }
0x175: {  	v63 =	vadd.s32 v30, v32;
	v38 =	vld [tilespmem:s16+$0x1E0]  }
0x176: {  	v33 =	vld [tilespmem:s16+$0x1F0];
	[tilespmem:v61+s28+$0x0] =	vst.idx.msk $0xffff, v34;
	v34 =	vadd.s32 v31, v32;
	_ =	sdelay $0x2  }
0x177: {  	[tilespmem:v62+s28+$0x0] =	vst.idx.msk $0xffff, v36  }
0x178: {  	s17 =	simm.s32 $0x100;
	[tilespmem:v63+s28+$0x0] =	vst.idx.msk $0xffff, v38  }
.LBB2_8:
0x179: {  	s17 =	sadd.s32 $0x8, s17;
	[tilespmem:v34+s28+$0x0] =	vst.idx.msk $0xffff, v33;
	v32 =	vadd.s32 $0x8, v32;
	s16 =	sadd.s32 $0x200, s16  }
0x17a: {  	v33 =	vld [tilespmem:s16+$0x0];
	v34 =	vadd.s32 v0, v32;
	p0 =	slt.u32 s17, $0x178  }
0x17b: {  	v36 =	vadd.s32 v1, v32;
	v35 =	vld [tilespmem:s16+$0x10]  }
0x17c: {  	v38 =	vadd.s32 v2, v32;
	v37 =	vld [tilespmem:s16+$0x20]  }
0x17d: {  	v40 =	vadd.s32 v3, v32;
	v39 =	vld [tilespmem:s16+$0x30];
	_ =	sdelay $0x1  }
0x17e: {  	[tilespmem:v34+s28+$0x0] =	vst.idx.msk $0xffff, v33  }
0x17f: {  	[tilespmem:v36+s28+$0x0] =	vst.idx.msk $0xffff, v35  }
0x180: {  	[tilespmem:v38+s28+$0x0] =	vst.idx.msk $0xffff, v37  }
0x181: {  	[tilespmem:v40+s28+$0x0] =	vst.idx.msk $0xffff, v39  }
0x182: {  	v34 =	vadd.s32 v4, v32;
	v33 =	vld [tilespmem:s16+$0x40]  }
0x183: {  	v36 =	vadd.s32 v5, v32;
	v35 =	vld [tilespmem:s16+$0x50]  }
0x184: {  	v38 =	vadd.s32 v6, v32;
	v37 =	vld [tilespmem:s16+$0x60]  }
0x185: {  	v40 =	vadd.s32 v7, v32;
	v39 =	vld [tilespmem:s16+$0x70];
	_ =	sdelay $0x1  }
0x186: {  	[tilespmem:v34+s28+$0x0] =	vst.idx.msk $0xffff, v33  }
0x187: {  	[tilespmem:v36+s28+$0x0] =	vst.idx.msk $0xffff, v35  }
0x188: {  	[tilespmem:v38+s28+$0x0] =	vst.idx.msk $0xffff, v37  }
0x189: {  	[tilespmem:v40+s28+$0x0] =	vst.idx.msk $0xffff, v39  }
0x18a: {  	v34 =	vadd.s32 v8, v32;
	v33 =	vld [tilespmem:s16+$0x80]  }
0x18b: {  	v36 =	vadd.s32 v9, v32;
	v35 =	vld [tilespmem:s16+$0x90]  }
0x18c: {  	v38 =	vadd.s32 v10, v32;
	v37 =	vld [tilespmem:s16+$0xA0]  }
0x18d: {  	v40 =	vadd.s32 v11, v32;
	v39 =	vld [tilespmem:s16+$0xB0];
	_ =	sdelay $0x1  }
0x18e: {  	[tilespmem:v34+s28+$0x0] =	vst.idx.msk $0xffff, v33  }
0x18f: {  	[tilespmem:v36+s28+$0x0] =	vst.idx.msk $0xffff, v35  }
0x190: {  	[tilespmem:v38+s28+$0x0] =	vst.idx.msk $0xffff, v37  }
0x191: {  	[tilespmem:v40+s28+$0x0] =	vst.idx.msk $0xffff, v39  }
0x192: {  	v34 =	vadd.s32 v12, v32;
	v33 =	vld [tilespmem:s16+$0xC0]  }
0x193: {  	v36 =	vadd.s32 v13, v32;
	v35 =	vld [tilespmem:s16+$0xD0]  }
0x194: {  	v38 =	vadd.s32 v14, v32;
	v37 =	vld [tilespmem:s16+$0xE0]  }
0x195: {  	v40 =	vadd.s32 v15, v32;
	v39 =	vld [tilespmem:s16+$0xF0];
	_ =	sdelay $0x1  }
0x196: {  	[tilespmem:v34+s28+$0x0] =	vst.idx.msk $0xffff, v33  }
0x197: {  	[tilespmem:v36+s28+$0x0] =	vst.idx.msk $0xffff, v35  }
0x198: {  	[tilespmem:v38+s28+$0x0] =	vst.idx.msk $0xffff, v37  }
0x199: {  	[tilespmem:v40+s28+$0x0] =	vst.idx.msk $0xffff, v39  }
0x19a: {  	v34 =	vadd.s32 v16, v32;
	v33 =	vld [tilespmem:s16+$0x100]  }
0x19b: {  	v36 =	vadd.s32 v17, v32;
	v35 =	vld [tilespmem:s16+$0x110]  }
0x19c: {  	v38 =	vadd.s32 v18, v32;
	v37 =	vld [tilespmem:s16+$0x120]  }
0x19d: {  	v40 =	vadd.s32 v19, v32;
	v39 =	vld [tilespmem:s16+$0x130];
	_ =	sdelay $0x1  }
0x19e: {  	[tilespmem:v34+s28+$0x0] =	vst.idx.msk $0xffff, v33  }
0x19f: {  	[tilespmem:v36+s28+$0x0] =	vst.idx.msk $0xffff, v35  }
0x1a0: {  	[tilespmem:v38+s28+$0x0] =	vst.idx.msk $0xffff, v37  }
0x1a1: {  	[tilespmem:v40+s28+$0x0] =	vst.idx.msk $0xffff, v39  }
0x1a2: {  	v34 =	vadd.s32 v20, v32;
	v33 =	vld [tilespmem:s16+$0x140]  }
0x1a3: {  	v36 =	vadd.s32 v21, v32;
	v35 =	vld [tilespmem:s16+$0x150]  }
0x1a4: {  	v38 =	vadd.s32 v22, v32;
	v37 =	vld [tilespmem:s16+$0x160]  }
0x1a5: {  	v40 =	vadd.s32 v23, v32;
	v39 =	vld [tilespmem:s16+$0x170];
	_ =	sdelay $0x1  }
0x1a6: {  	[tilespmem:v34+s28+$0x0] =	vst.idx.msk $0xffff, v33  }
0x1a7: {  	[tilespmem:v36+s28+$0x0] =	vst.idx.msk $0xffff, v35  }
0x1a8: {  	[tilespmem:v38+s28+$0x0] =	vst.idx.msk $0xffff, v37  }
0x1a9: {  	[tilespmem:v40+s28+$0x0] =	vst.idx.msk $0xffff, v39  }
0x1aa: {  	v34 =	vadd.s32 v24, v32;
	v33 =	vld [tilespmem:s16+$0x180]  }
0x1ab: {  	v36 =	vadd.s32 v25, v32;
	v35 =	vld [tilespmem:s16+$0x190]  }
0x1ac: {  	v38 =	vadd.s32 v26, v32;
	v37 =	vld [tilespmem:s16+$0x1A0]  }
0x1ad: {  	v40 =	vadd.s32 v27, v32;
	v39 =	vld [tilespmem:s16+$0x1B0];
	_ =	sdelay $0x1  }
0x1ae: {  	[tilespmem:v34+s28+$0x0] =	vst.idx.msk $0xffff, v33  }
0x1af: {  	[tilespmem:v36+s28+$0x0] =	vst.idx.msk $0xffff, v35  }
0x1b0: {  	[tilespmem:v38+s28+$0x0] =	vst.idx.msk $0xffff, v37  }
0x1b1: {  	[tilespmem:v40+s28+$0x0] =	vst.idx.msk $0xffff, v39  }
0x1b2: {  	v36 =	vadd.s32 v28, v32;
	v35 =	vld [tilespmem:s16+$0x1C0]  }
0x1b3: {  	v38 =	vadd.s32 v29, v32;
	v37 =	vld [tilespmem:s16+$0x1D0]  }
0x1b4: {  	v40 =	vadd.s32 v30, v32;
	v39 =	vld [tilespmem:s16+$0x1E0]  }
.Ltmp2:
0x1b5: {  	v34 =	vadd.s32 v31, v32;
	v33 =	vld [tilespmem:s16+$0x1F0];
	(pc) =	sbr.rel @p0 .LBB2_8-.Ltmp2, $4  }
0x1b6: {  	_ = 	snop  }
0x1b7: {  	[tilespmem:v36+s28+$0x0] =	vst.idx.msk $0xffff, v35  }
0x1b8: {  	[tilespmem:v38+s28+$0x0] =	vst.idx.msk $0xffff, v37  }
0x1b9: {  	[tilespmem:v40+s28+$0x0] =	vst.idx.msk $0xffff, v39  }
0x1ba: {  	_ =	sdelay $0x3  }
0x1bb: {  	[tilespmem:v34+s28+$0x0] =	vst.idx.msk $0xffff, v33  }
0x1bc: {  	_ =	swait.ge [sflag:s26], $0x2000  }
0x1bd: {  	[sflag:s26] =	ssyncset.done $0x0  }
0x1be: {  	v32 =	vimm.s32 $0x180;
	s16 =	simm.s32 $0x6400;
	[sflag:s26] =	ssyncadd.s32 $0xFFFFE000  }
0x1bf: {  	v56 =	vadd.s32 v0, v32;
	v55 =	vld [tilespmem:s16+$0x0]  }
0x1c0: {  	v36 =	vadd.s32 v1, v32;
	v35 =	vld [tilespmem:s16+$0x10]  }
0x1c1: {  	v38 =	vadd.s32 v2, v32;
	v37 =	vld [tilespmem:s16+$0x20]  }
0x1c2: {  	v40 =	vadd.s32 v3, v32;
	v39 =	vld [tilespmem:s16+$0x30];
	_ =	sdelay $0x1  }
0x1c3: {  	[tilespmem:v56+s28+$0x0] =	vst.idx.msk $0xffff, v55  }
0x1c4: {  	[tilespmem:v36+s28+$0x0] =	vst.idx.msk $0xffff, v35  }
0x1c5: {  	[tilespmem:v38+s28+$0x0] =	vst.idx.msk $0xffff, v37  }
0x1c6: {  	[tilespmem:v40+s28+$0x0] =	vst.idx.msk $0xffff, v39  }
0x1c7: {  	v57 =	vadd.s32 v4, v32;
	v33 =	vld [tilespmem:s16+$0x40]  }
0x1c8: {  	v58 =	vadd.s32 v5, v32;
	v35 =	vld [tilespmem:s16+$0x50]  }
0x1c9: {  	v59 =	vadd.s32 v6, v32;
	v37 =	vld [tilespmem:s16+$0x60]  }
0x1ca: {  	v60 =	vadd.s32 v7, v32;
	v39 =	vld [tilespmem:s16+$0x70];
	_ =	sdelay $0x1  }
0x1cb: {  	[tilespmem:v57+s28+$0x0] =	vst.idx.msk $0xffff, v33  }
0x1cc: {  	[tilespmem:v58+s28+$0x0] =	vst.idx.msk $0xffff, v35  }
0x1cd: {  	[tilespmem:v59+s28+$0x0] =	vst.idx.msk $0xffff, v37  }
0x1ce: {  	[tilespmem:v60+s28+$0x0] =	vst.idx.msk $0xffff, v39  }
0x1cf: {  	v61 =	vadd.s32 v8, v32;
	v33 =	vld [tilespmem:s16+$0x80]  }
0x1d0: {  	v62 =	vadd.s32 v9, v32;
	v35 =	vld [tilespmem:s16+$0x90]  }
0x1d1: {  	v63 =	vadd.s32 v10, v32;
	v37 =	vld [tilespmem:s16+$0xA0]  }
0x1d2: {  	v44 =	vadd.s32 v11, v32;
	v39 =	vld [tilespmem:s16+$0xB0];
	_ =	sdelay $0x1  }
0x1d3: {  	[tilespmem:v61+s28+$0x0] =	vst.idx.msk $0xffff, v33  }
0x1d4: {  	[tilespmem:v62+s28+$0x0] =	vst.idx.msk $0xffff, v35  }
0x1d5: {  	[tilespmem:v63+s28+$0x0] =	vst.idx.msk $0xffff, v37  }
0x1d6: {  	[tilespmem:v44+s28+$0x0] =	vst.idx.msk $0xffff, v39  }
0x1d7: {  	v45 =	vadd.s32 v12, v32;
	v33 =	vld [tilespmem:s16+$0xC0]  }
0x1d8: {  	v46 =	vadd.s32 v13, v32;
	v35 =	vld [tilespmem:s16+$0xD0]  }
0x1d9: {  	v47 =	vadd.s32 v14, v32;
	v37 =	vld [tilespmem:s16+$0xE0]  }
0x1da: {  	v48 =	vadd.s32 v15, v32;
	v39 =	vld [tilespmem:s16+$0xF0];
	_ =	sdelay $0x1  }
0x1db: {  	[tilespmem:v45+s28+$0x0] =	vst.idx.msk $0xffff, v33  }
0x1dc: {  	[tilespmem:v46+s28+$0x0] =	vst.idx.msk $0xffff, v35  }
0x1dd: {  	[tilespmem:v47+s28+$0x0] =	vst.idx.msk $0xffff, v37  }
0x1de: {  	[tilespmem:v48+s28+$0x0] =	vst.idx.msk $0xffff, v39  }
0x1df: {  	v49 =	vadd.s32 v16, v32;
	v33 =	vld [tilespmem:s16+$0x100]  }
0x1e0: {  	v50 =	vadd.s32 v17, v32;
	v35 =	vld [tilespmem:s16+$0x110]  }
0x1e1: {  	v51 =	vadd.s32 v18, v32;
	v37 =	vld [tilespmem:s16+$0x120]  }
0x1e2: {  	v52 =	vadd.s32 v19, v32;
	v39 =	vld [tilespmem:s16+$0x130];
	_ =	sdelay $0x1  }
0x1e3: {  	[tilespmem:v49+s28+$0x0] =	vst.idx.msk $0xffff, v33  }
0x1e4: {  	[tilespmem:v50+s28+$0x0] =	vst.idx.msk $0xffff, v35  }
0x1e5: {  	[tilespmem:v51+s28+$0x0] =	vst.idx.msk $0xffff, v37  }
0x1e6: {  	[tilespmem:v52+s28+$0x0] =	vst.idx.msk $0xffff, v39  }
0x1e7: {  	v53 =	vadd.s32 v20, v32;
	v33 =	vld [tilespmem:s16+$0x140]  }
0x1e8: {  	v54 =	vadd.s32 v21, v32;
	v35 =	vld [tilespmem:s16+$0x150]  }
0x1e9: {  	v55 =	vadd.s32 v22, v32;
	v37 =	vld [tilespmem:s16+$0x160]  }
0x1ea: {  	v56 =	vadd.s32 v23, v32;
	v39 =	vld [tilespmem:s16+$0x170];
	_ =	sdelay $0x1  }
0x1eb: {  	[tilespmem:v53+s28+$0x0] =	vst.idx.msk $0xffff, v33  }
0x1ec: {  	[tilespmem:v54+s28+$0x0] =	vst.idx.msk $0xffff, v35  }
0x1ed: {  	[tilespmem:v55+s28+$0x0] =	vst.idx.msk $0xffff, v37  }
0x1ee: {  	[tilespmem:v56+s28+$0x0] =	vst.idx.msk $0xffff, v39  }
0x1ef: {  	v57 =	vadd.s32 v24, v32;
	v33 =	vld [tilespmem:s16+$0x180]  }
0x1f0: {  	v58 =	vadd.s32 v25, v32;
	v35 =	vld [tilespmem:s16+$0x190]  }
0x1f1: {  	v59 =	vadd.s32 v26, v32;
	v37 =	vld [tilespmem:s16+$0x1A0]  }
0x1f2: {  	v60 =	vadd.s32 v27, v32;
	v39 =	vld [tilespmem:s16+$0x1B0];
	_ =	sdelay $0x1  }
0x1f3: {  	[tilespmem:v57+s28+$0x0] =	vst.idx.msk $0xffff, v33  }
0x1f4: {  	[tilespmem:v58+s28+$0x0] =	vst.idx.msk $0xffff, v35  }
0x1f5: {  	[tilespmem:v59+s28+$0x0] =	vst.idx.msk $0xffff, v37  }
0x1f6: {  	[tilespmem:v60+s28+$0x0] =	vst.idx.msk $0xffff, v39  }
0x1f7: {  	v61 =	vadd.s32 v28, v32;
	v34 =	vld [tilespmem:s16+$0x1C0];
	_ =	sdelay $0x2  }
0x1f8: {  	v62 =	vadd.s32 v29, v32;
	v36 =	vld [tilespmem:s16+$0x1D0]  }
0x1f9: {  	v63 =	vadd.s32 v30, v32;
	v38 =	vld [tilespmem:s16+$0x1E0]  }
0x1fa: {  	v33 =	vld [tilespmem:s16+$0x1F0];
	[tilespmem:v61+s28+$0x0] =	vst.idx.msk $0xffff, v34;
	v34 =	vadd.s32 v31, v32;
	_ =	sdelay $0x2  }
0x1fb: {  	[tilespmem:v62+s28+$0x0] =	vst.idx.msk $0xffff, v36  }
0x1fc: {  	s17 =	simm.s32 $0x180;
	[tilespmem:v63+s28+$0x0] =	vst.idx.msk $0xffff, v38  }
.LBB2_10:
0x1fd: {  	s17 =	sadd.s32 $0x8, s17;
	[tilespmem:v34+s28+$0x0] =	vst.idx.msk $0xffff, v33;
	v32 =	vadd.s32 $0x8, v32;
	s16 =	sadd.s32 $0x200, s16  }
0x1fe: {  	v33 =	vld [tilespmem:s16+$0x0];
	v34 =	vadd.s32 v0, v32;
	p0 =	slt.u32 s17, $0x1F8  }
0x1ff: {  	v36 =	vadd.s32 v1, v32;
	v35 =	vld [tilespmem:s16+$0x10]  }
0x200: {  	v38 =	vadd.s32 v2, v32;
	v37 =	vld [tilespmem:s16+$0x20]  }
0x201: {  	v40 =	vadd.s32 v3, v32;
	v39 =	vld [tilespmem:s16+$0x30];
	_ =	sdelay $0x1  }
0x202: {  	[tilespmem:v34+s28+$0x0] =	vst.idx.msk $0xffff, v33  }
0x203: {  	[tilespmem:v36+s28+$0x0] =	vst.idx.msk $0xffff, v35  }
0x204: {  	[tilespmem:v38+s28+$0x0] =	vst.idx.msk $0xffff, v37  }
0x205: {  	[tilespmem:v40+s28+$0x0] =	vst.idx.msk $0xffff, v39  }
0x206: {  	v34 =	vadd.s32 v4, v32;
	v33 =	vld [tilespmem:s16+$0x40]  }
0x207: {  	v36 =	vadd.s32 v5, v32;
	v35 =	vld [tilespmem:s16+$0x50]  }
0x208: {  	v38 =	vadd.s32 v6, v32;
	v37 =	vld [tilespmem:s16+$0x60]  }
0x209: {  	v40 =	vadd.s32 v7, v32;
	v39 =	vld [tilespmem:s16+$0x70];
	_ =	sdelay $0x1  }
0x20a: {  	[tilespmem:v34+s28+$0x0] =	vst.idx.msk $0xffff, v33  }
0x20b: {  	[tilespmem:v36+s28+$0x0] =	vst.idx.msk $0xffff, v35  }
0x20c: {  	[tilespmem:v38+s28+$0x0] =	vst.idx.msk $0xffff, v37  }
0x20d: {  	[tilespmem:v40+s28+$0x0] =	vst.idx.msk $0xffff, v39  }
0x20e: {  	v34 =	vadd.s32 v8, v32;
	v33 =	vld [tilespmem:s16+$0x80]  }
0x20f: {  	v36 =	vadd.s32 v9, v32;
	v35 =	vld [tilespmem:s16+$0x90]  }
0x210: {  	v38 =	vadd.s32 v10, v32;
	v37 =	vld [tilespmem:s16+$0xA0]  }
0x211: {  	v40 =	vadd.s32 v11, v32;
	v39 =	vld [tilespmem:s16+$0xB0];
	_ =	sdelay $0x1  }
0x212: {  	[tilespmem:v34+s28+$0x0] =	vst.idx.msk $0xffff, v33  }
0x213: {  	[tilespmem:v36+s28+$0x0] =	vst.idx.msk $0xffff, v35  }
0x214: {  	[tilespmem:v38+s28+$0x0] =	vst.idx.msk $0xffff, v37  }
0x215: {  	[tilespmem:v40+s28+$0x0] =	vst.idx.msk $0xffff, v39  }
0x216: {  	v34 =	vadd.s32 v12, v32;
	v33 =	vld [tilespmem:s16+$0xC0]  }
0x217: {  	v36 =	vadd.s32 v13, v32;
	v35 =	vld [tilespmem:s16+$0xD0]  }
0x218: {  	v38 =	vadd.s32 v14, v32;
	v37 =	vld [tilespmem:s16+$0xE0]  }
0x219: {  	v40 =	vadd.s32 v15, v32;
	v39 =	vld [tilespmem:s16+$0xF0];
	_ =	sdelay $0x1  }
0x21a: {  	[tilespmem:v34+s28+$0x0] =	vst.idx.msk $0xffff, v33  }
0x21b: {  	[tilespmem:v36+s28+$0x0] =	vst.idx.msk $0xffff, v35  }
0x21c: {  	[tilespmem:v38+s28+$0x0] =	vst.idx.msk $0xffff, v37  }
0x21d: {  	[tilespmem:v40+s28+$0x0] =	vst.idx.msk $0xffff, v39  }
0x21e: {  	v34 =	vadd.s32 v16, v32;
	v33 =	vld [tilespmem:s16+$0x100]  }
0x21f: {  	v36 =	vadd.s32 v17, v32;
	v35 =	vld [tilespmem:s16+$0x110]  }
0x220: {  	v38 =	vadd.s32 v18, v32;
	v37 =	vld [tilespmem:s16+$0x120]  }
0x221: {  	v40 =	vadd.s32 v19, v32;
	v39 =	vld [tilespmem:s16+$0x130];
	_ =	sdelay $0x1  }
0x222: {  	[tilespmem:v34+s28+$0x0] =	vst.idx.msk $0xffff, v33  }
0x223: {  	[tilespmem:v36+s28+$0x0] =	vst.idx.msk $0xffff, v35  }
0x224: {  	[tilespmem:v38+s28+$0x0] =	vst.idx.msk $0xffff, v37  }
0x225: {  	[tilespmem:v40+s28+$0x0] =	vst.idx.msk $0xffff, v39  }
0x226: {  	v34 =	vadd.s32 v20, v32;
	v33 =	vld [tilespmem:s16+$0x140]  }
0x227: {  	v36 =	vadd.s32 v21, v32;
	v35 =	vld [tilespmem:s16+$0x150]  }
0x228: {  	v38 =	vadd.s32 v22, v32;
	v37 =	vld [tilespmem:s16+$0x160]  }
0x229: {  	v40 =	vadd.s32 v23, v32;
	v39 =	vld [tilespmem:s16+$0x170];
	_ =	sdelay $0x1  }
0x22a: {  	[tilespmem:v34+s28+$0x0] =	vst.idx.msk $0xffff, v33  }
0x22b: {  	[tilespmem:v36+s28+$0x0] =	vst.idx.msk $0xffff, v35  }
0x22c: {  	[tilespmem:v38+s28+$0x0] =	vst.idx.msk $0xffff, v37  }
0x22d: {  	[tilespmem:v40+s28+$0x0] =	vst.idx.msk $0xffff, v39  }
0x22e: {  	v34 =	vadd.s32 v24, v32;
	v33 =	vld [tilespmem:s16+$0x180]  }
0x22f: {  	v36 =	vadd.s32 v25, v32;
	v35 =	vld [tilespmem:s16+$0x190]  }
0x230: {  	v38 =	vadd.s32 v26, v32;
	v37 =	vld [tilespmem:s16+$0x1A0]  }
0x231: {  	v40 =	vadd.s32 v27, v32;
	v39 =	vld [tilespmem:s16+$0x1B0];
	_ =	sdelay $0x1  }
0x232: {  	[tilespmem:v34+s28+$0x0] =	vst.idx.msk $0xffff, v33  }
0x233: {  	[tilespmem:v36+s28+$0x0] =	vst.idx.msk $0xffff, v35  }
0x234: {  	[tilespmem:v38+s28+$0x0] =	vst.idx.msk $0xffff, v37  }
0x235: {  	[tilespmem:v40+s28+$0x0] =	vst.idx.msk $0xffff, v39  }
0x236: {  	v36 =	vadd.s32 v28, v32;
	v35 =	vld [tilespmem:s16+$0x1C0]  }
0x237: {  	v38 =	vadd.s32 v29, v32;
	v37 =	vld [tilespmem:s16+$0x1D0]  }
0x238: {  	v40 =	vadd.s32 v30, v32;
	v39 =	vld [tilespmem:s16+$0x1E0]  }
.Ltmp3:
0x239: {  	v34 =	vadd.s32 v31, v32;
	v33 =	vld [tilespmem:s16+$0x1F0];
	(pc) =	sbr.rel @p0 .LBB2_10-.Ltmp3, $4  }
0x23a: {  	_ = 	snop  }
0x23b: {  	[tilespmem:v36+s28+$0x0] =	vst.idx.msk $0xffff, v35  }
0x23c: {  	[tilespmem:v38+s28+$0x0] =	vst.idx.msk $0xffff, v37  }
0x23d: {  	[tilespmem:v40+s28+$0x0] =	vst.idx.msk $0xffff, v39  }
0x23e: {  	_ = 	snop  }
0x23f: {  	s7 =	sshll.u32 s14, $0xC  }
0x240: {  	s17 =	sadd.s32 s5, s15;
	s7 =	sand.u32 $0xFFF8000, s7  }
0x241: {  	s15 =	simm.s32 $0x10400;
	s14 =	sadd.s32 s7, s17  }
0x242: {  	[tilespmem:v34+s28+$0x0] =	vst.idx.msk $0xffff, v33;
	s16 =	simm.s32 $0x200;
	s17 =	simm.s32 $0x10608;
	s7 =	sadd.s32 $0x0, s14  }
.LBB2_12:
0x243: {  	[hbm4b:s7+s3] =	stream.linear.scatter [tilespmem:s15], [sflag:$0x3], $0x200, $0x38;
	[tilespmem:$0x18600] =	vst v63  }
0x244: {  	s7 =	smov.u32 s16;
	s15 =	smov.u32 s17;
	p0 =	sne.s32 s16, $0x7E00  }
.Ltmp4:
0x245: {  	s16 =	sadd.s32 $0x200, s16;
	(pc) =	sbr.rel @p0 .LBB2_12-.Ltmp4, $2  }
0x246: {  	_ =	sdelay $0x2  }
0x247: {  	s17 =	sadd.s32 $0x208, s17;
	s7 =	sadd.s32 s7, s14  }
0x248: {  	[hbm4b:s7+s3] =	stream.linear.scatter [tilespmem:s15], [sflag:$0x3], $0x200, $0x38;
	[tilespmem:$0x18600] =	vst v63  }
0x249: {  	p0 =	seq.s32 s12, $0x18  }
0x24a: {  	s7 =	sadd.s32 @!p0 s9, s13;
	s13 =	simm.s32 @!p0 $0x0  }
0x24b: {  	[tilespmem:s13], [sflag:$0x4] =	stream.linear.gather @!p0 [hbm4b:s7+s13], $0x200, $0x38;
	[tilespmem:$0x18600] =	vst v63  }
0x24c: {  	s7 =	simm.s32 @!p0 $0x4  }
0x24d: {  	_ =	swait.ge @!p0 [sflag:s7], $0x200  }
0x24e: {  	[sflag:s7] =	ssyncset.done @!p0 $0x0  }
0x24f: {  	s14 =	simm.s32 @!p0 $0x400;
	[sflag:s7] =	ssyncadd.s32 @!p0 $0xFFFFFE00;
	s7 =	simm.s32 @!p0 $0x80  }
0x250: {  	[tilespmem:s14], [sflag:$0x1] =	stream.indirect.gather @!p0 [hbm4b:s4+s7], $0x40, s13, s7, $0xb8;
	[tilespmem:$0x18600] =	vst v63  }
0x251: {  	s13 =	simm.s32 @!p0 $0x2400  }
0x252: {  	[tilespmem:s13], [sflag:$0x1] =	stream.indirect.gather @!p0 [hbm4b:s4+s7], $0x40, s7, s7, $0xb8;
	[tilespmem:$0x18600] =	vst v63  }
0x253: {  	s14 =	simm.s32 @!p0 $0x4400;
	s13 =	simm.s32 @!p0 $0x100  }
0x254: {  	[tilespmem:s14], [sflag:$0x1] =	stream.indirect.gather @!p0 [hbm4b:s4+s7], $0x40, s13, s7, $0xb8;
	[tilespmem:$0x18600] =	vst v63  }
0x255: {  	s13 =	simm.s32 @!p0 $0x180;
	s14 =	simm.s32 @!p0 $0x6400  }
0x256: {  	[tilespmem:s14], [sflag:$0x1] =	stream.indirect.gather @!p0 [hbm4b:s4+s7], $0x40, s13, s7, $0xb8;
	[tilespmem:$0x18600] =	vst v63  }
0x257: {  	_ =	swait.ge [sflag:s29], $0x8000  }
0x258: {  	[sflag:s29] =	ssyncset.done $0x0  }
0x259: {  	[sflag:s29] =	ssyncadd.s32 $0xFFFF8000  }
0x25a: {  	_ =	swait.ge [sflag:s30], $0x2000  }
0x25b: {  	[sflag:s30] =	ssyncset.done $0x0  }
0x25c: {  	v32 =	vimm.s32 $0x0;
	s13 =	simm.s32 $0x8400;
	[sflag:s30] =	ssyncadd.s32 $0xFFFFE000  }
0x25d: {  	v34 =	vadd.s32 v0, v32;
	v33 =	vld [tilespmem:s13+$0x0]  }
0x25e: {  	v36 =	vadd.s32 v1, v32;
	v35 =	vld [tilespmem:s13+$0x10]  }
0x25f: {  	v38 =	vadd.s32 v2, v32;
	v37 =	vld [tilespmem:s13+$0x20]  }
0x260: {  	v40 =	vadd.s32 v3, v32;
	v39 =	vld [tilespmem:s13+$0x30];
	_ =	sdelay $0x1  }
0x261: {  	[tilespmem:v34+s28+$0x0] =	vst.idx.msk $0xffff, v33  }
0x262: {  	[tilespmem:v36+s28+$0x0] =	vst.idx.msk $0xffff, v35  }
0x263: {  	[tilespmem:v38+s28+$0x0] =	vst.idx.msk $0xffff, v37  }
0x264: {  	[tilespmem:v40+s28+$0x0] =	vst.idx.msk $0xffff, v39  }
0x265: {  	v57 =	vadd.s32 v4, v32;
	v33 =	vld [tilespmem:s13+$0x40]  }
0x266: {  	v58 =	vadd.s32 v5, v32;
	v35 =	vld [tilespmem:s13+$0x50]  }
0x267: {  	v59 =	vadd.s32 v6, v32;
	v37 =	vld [tilespmem:s13+$0x60]  }
0x268: {  	v60 =	vadd.s32 v7, v32;
	v39 =	vld [tilespmem:s13+$0x70];
	_ =	sdelay $0x1  }
0x269: {  	[tilespmem:v57+s28+$0x0] =	vst.idx.msk $0xffff, v33  }
0x26a: {  	[tilespmem:v58+s28+$0x0] =	vst.idx.msk $0xffff, v35  }
0x26b: {  	[tilespmem:v59+s28+$0x0] =	vst.idx.msk $0xffff, v37  }
0x26c: {  	[tilespmem:v60+s28+$0x0] =	vst.idx.msk $0xffff, v39  }
0x26d: {  	v61 =	vadd.s32 v8, v32;
	v33 =	vld [tilespmem:s13+$0x80]  }
0x26e: {  	v62 =	vadd.s32 v9, v32;
	v35 =	vld [tilespmem:s13+$0x90]  }
0x26f: {  	v63 =	vadd.s32 v10, v32;
	v37 =	vld [tilespmem:s13+$0xA0]  }
0x270: {  	v44 =	vadd.s32 v11, v32;
	v39 =	vld [tilespmem:s13+$0xB0];
	_ =	sdelay $0x1  }
0x271: {  	[tilespmem:v61+s28+$0x0] =	vst.idx.msk $0xffff, v33  }
0x272: {  	[tilespmem:v62+s28+$0x0] =	vst.idx.msk $0xffff, v35  }
0x273: {  	[tilespmem:v63+s28+$0x0] =	vst.idx.msk $0xffff, v37  }
0x274: {  	[tilespmem:v44+s28+$0x0] =	vst.idx.msk $0xffff, v39  }
0x275: {  	v45 =	vadd.s32 v12, v32;
	v33 =	vld [tilespmem:s13+$0xC0]  }
0x276: {  	v46 =	vadd.s32 v13, v32;
	v35 =	vld [tilespmem:s13+$0xD0]  }
0x277: {  	v47 =	vadd.s32 v14, v32;
	v37 =	vld [tilespmem:s13+$0xE0]  }
0x278: {  	v48 =	vadd.s32 v15, v32;
	v39 =	vld [tilespmem:s13+$0xF0];
	_ =	sdelay $0x1  }
0x279: {  	[tilespmem:v45+s28+$0x0] =	vst.idx.msk $0xffff, v33  }
0x27a: {  	[tilespmem:v46+s28+$0x0] =	vst.idx.msk $0xffff, v35  }
0x27b: {  	[tilespmem:v47+s28+$0x0] =	vst.idx.msk $0xffff, v37  }
0x27c: {  	[tilespmem:v48+s28+$0x0] =	vst.idx.msk $0xffff, v39  }
0x27d: {  	v49 =	vadd.s32 v16, v32;
	v33 =	vld [tilespmem:s13+$0x100]  }
0x27e: {  	v50 =	vadd.s32 v17, v32;
	v35 =	vld [tilespmem:s13+$0x110]  }
0x27f: {  	v51 =	vadd.s32 v18, v32;
	v37 =	vld [tilespmem:s13+$0x120]  }
0x280: {  	v52 =	vadd.s32 v19, v32;
	v39 =	vld [tilespmem:s13+$0x130];
	_ =	sdelay $0x1  }
0x281: {  	[tilespmem:v49+s28+$0x0] =	vst.idx.msk $0xffff, v33  }
0x282: {  	[tilespmem:v50+s28+$0x0] =	vst.idx.msk $0xffff, v35  }
0x283: {  	[tilespmem:v51+s28+$0x0] =	vst.idx.msk $0xffff, v37  }
0x284: {  	[tilespmem:v52+s28+$0x0] =	vst.idx.msk $0xffff, v39  }
0x285: {  	v53 =	vadd.s32 v20, v32;
	v33 =	vld [tilespmem:s13+$0x140]  }
0x286: {  	v54 =	vadd.s32 v21, v32;
	v35 =	vld [tilespmem:s13+$0x150]  }
0x287: {  	v55 =	vadd.s32 v22, v32;
	v37 =	vld [tilespmem:s13+$0x160]  }
0x288: {  	v56 =	vadd.s32 v23, v32;
	v39 =	vld [tilespmem:s13+$0x170];
	_ =	sdelay $0x1  }
0x289: {  	[tilespmem:v53+s28+$0x0] =	vst.idx.msk $0xffff, v33  }
0x28a: {  	[tilespmem:v54+s28+$0x0] =	vst.idx.msk $0xffff, v35  }
0x28b: {  	[tilespmem:v55+s28+$0x0] =	vst.idx.msk $0xffff, v37  }
0x28c: {  	[tilespmem:v56+s28+$0x0] =	vst.idx.msk $0xffff, v39  }
0x28d: {  	v57 =	vadd.s32 v24, v32;
	v33 =	vld [tilespmem:s13+$0x180]  }
0x28e: {  	v58 =	vadd.s32 v25, v32;
	v35 =	vld [tilespmem:s13+$0x190]  }
0x28f: {  	v59 =	vadd.s32 v26, v32;
	v37 =	vld [tilespmem:s13+$0x1A0]  }
0x290: {  	v60 =	vadd.s32 v27, v32;
	v39 =	vld [tilespmem:s13+$0x1B0];
	_ =	sdelay $0x1  }
0x291: {  	[tilespmem:v57+s28+$0x0] =	vst.idx.msk $0xffff, v33  }
0x292: {  	[tilespmem:v58+s28+$0x0] =	vst.idx.msk $0xffff, v35  }
0x293: {  	[tilespmem:v59+s28+$0x0] =	vst.idx.msk $0xffff, v37  }
0x294: {  	[tilespmem:v60+s28+$0x0] =	vst.idx.msk $0xffff, v39  }
0x295: {  	v61 =	vadd.s32 v28, v32;
	v34 =	vld [tilespmem:s13+$0x1C0];
	_ =	sdelay $0x2  }
0x296: {  	v62 =	vadd.s32 v29, v32;
	v36 =	vld [tilespmem:s13+$0x1D0]  }
0x297: {  	v63 =	vadd.s32 v30, v32;
	v38 =	vld [tilespmem:s13+$0x1E0]  }
0x298: {  	v33 =	vld [tilespmem:s13+$0x1F0];
	[tilespmem:v61+s28+$0x0] =	vst.idx.msk $0xffff, v34;
	v34 =	vadd.s32 v31, v32;
	_ =	sdelay $0x2  }
0x299: {  	[tilespmem:v62+s28+$0x0] =	vst.idx.msk $0xffff, v36  }
0x29a: {  	s12 =	sadd.s32 $0x1, s12;
	s14 =	simm.s32 $0x0;
	[tilespmem:v63+s28+$0x0] =	vst.idx.msk $0xffff, v38  }
.LBB2_14:
0x29b: {  	s14 =	sadd.s32 $0x8, s14;
	[tilespmem:v34+s28+$0x0] =	vst.idx.msk $0xffff, v33;
	v32 =	vadd.s32 $0x8, v32;
	s13 =	sadd.s32 $0x200, s13  }
0x29c: {  	v33 =	vld [tilespmem:s13+$0x0];
	v34 =	vadd.s32 v0, v32;
	p0 =	slt.u32 s14, $0x78  }
0x29d: {  	v36 =	vadd.s32 v1, v32;
	v35 =	vld [tilespmem:s13+$0x10]  }
0x29e: {  	v38 =	vadd.s32 v2, v32;
	v37 =	vld [tilespmem:s13+$0x20]  }
0x29f: {  	v40 =	vadd.s32 v3, v32;
	v39 =	vld [tilespmem:s13+$0x30];
	_ =	sdelay $0x1  }
0x2a0: {  	[tilespmem:v34+s28+$0x0] =	vst.idx.msk $0xffff, v33  }
0x2a1: {  	[tilespmem:v36+s28+$0x0] =	vst.idx.msk $0xffff, v35  }
0x2a2: {  	[tilespmem:v38+s28+$0x0] =	vst.idx.msk $0xffff, v37  }
0x2a3: {  	[tilespmem:v40+s28+$0x0] =	vst.idx.msk $0xffff, v39  }
0x2a4: {  	v34 =	vadd.s32 v4, v32;
	v33 =	vld [tilespmem:s13+$0x40]  }
0x2a5: {  	v36 =	vadd.s32 v5, v32;
	v35 =	vld [tilespmem:s13+$0x50]  }
0x2a6: {  	v38 =	vadd.s32 v6, v32;
	v37 =	vld [tilespmem:s13+$0x60]  }
0x2a7: {  	v40 =	vadd.s32 v7, v32;
	v39 =	vld [tilespmem:s13+$0x70];
	_ =	sdelay $0x1  }
0x2a8: {  	[tilespmem:v34+s28+$0x0] =	vst.idx.msk $0xffff, v33  }
0x2a9: {  	[tilespmem:v36+s28+$0x0] =	vst.idx.msk $0xffff, v35  }
0x2aa: {  	[tilespmem:v38+s28+$0x0] =	vst.idx.msk $0xffff, v37  }
0x2ab: {  	[tilespmem:v40+s28+$0x0] =	vst.idx.msk $0xffff, v39  }
0x2ac: {  	v34 =	vadd.s32 v8, v32;
	v33 =	vld [tilespmem:s13+$0x80]  }
0x2ad: {  	v36 =	vadd.s32 v9, v32;
	v35 =	vld [tilespmem:s13+$0x90]  }
0x2ae: {  	v38 =	vadd.s32 v10, v32;
	v37 =	vld [tilespmem:s13+$0xA0]  }
0x2af: {  	v40 =	vadd.s32 v11, v32;
	v39 =	vld [tilespmem:s13+$0xB0];
	_ =	sdelay $0x1  }
0x2b0: {  	[tilespmem:v34+s28+$0x0] =	vst.idx.msk $0xffff, v33  }
0x2b1: {  	[tilespmem:v36+s28+$0x0] =	vst.idx.msk $0xffff, v35  }
0x2b2: {  	[tilespmem:v38+s28+$0x0] =	vst.idx.msk $0xffff, v37  }
0x2b3: {  	[tilespmem:v40+s28+$0x0] =	vst.idx.msk $0xffff, v39  }
0x2b4: {  	v34 =	vadd.s32 v12, v32;
	v33 =	vld [tilespmem:s13+$0xC0]  }
0x2b5: {  	v36 =	vadd.s32 v13, v32;
	v35 =	vld [tilespmem:s13+$0xD0]  }
0x2b6: {  	v38 =	vadd.s32 v14, v32;
	v37 =	vld [tilespmem:s13+$0xE0]  }
0x2b7: {  	v40 =	vadd.s32 v15, v32;
	v39 =	vld [tilespmem:s13+$0xF0];
	_ =	sdelay $0x1  }
0x2b8: {  	[tilespmem:v34+s28+$0x0] =	vst.idx.msk $0xffff, v33  }
0x2b9: {  	[tilespmem:v36+s28+$0x0] =	vst.idx.msk $0xffff, v35  }
0x2ba: {  	[tilespmem:v38+s28+$0x0] =	vst.idx.msk $0xffff, v37  }
0x2bb: {  	[tilespmem:v40+s28+$0x0] =	vst.idx.msk $0xffff, v39  }
0x2bc: {  	v34 =	vadd.s32 v16, v32;
	v33 =	vld [tilespmem:s13+$0x100]  }
0x2bd: {  	v36 =	vadd.s32 v17, v32;
	v35 =	vld [tilespmem:s13+$0x110]  }
0x2be: {  	v38 =	vadd.s32 v18, v32;
	v37 =	vld [tilespmem:s13+$0x120]  }
0x2bf: {  	v40 =	vadd.s32 v19, v32;
	v39 =	vld [tilespmem:s13+$0x130];
	_ =	sdelay $0x1  }
0x2c0: {  	[tilespmem:v34+s28+$0x0] =	vst.idx.msk $0xffff, v33  }
0x2c1: {  	[tilespmem:v36+s28+$0x0] =	vst.idx.msk $0xffff, v35  }
0x2c2: {  	[tilespmem:v38+s28+$0x0] =	vst.idx.msk $0xffff, v37  }
0x2c3: {  	[tilespmem:v40+s28+$0x0] =	vst.idx.msk $0xffff, v39  }
0x2c4: {  	v34 =	vadd.s32 v20, v32;
	v33 =	vld [tilespmem:s13+$0x140]  }
0x2c5: {  	v36 =	vadd.s32 v21, v32;
	v35 =	vld [tilespmem:s13+$0x150]  }
0x2c6: {  	v38 =	vadd.s32 v22, v32;
	v37 =	vld [tilespmem:s13+$0x160]  }
0x2c7: {  	v40 =	vadd.s32 v23, v32;
	v39 =	vld [tilespmem:s13+$0x170];
	_ =	sdelay $0x1  }
0x2c8: {  	[tilespmem:v34+s28+$0x0] =	vst.idx.msk $0xffff, v33  }
0x2c9: {  	[tilespmem:v36+s28+$0x0] =	vst.idx.msk $0xffff, v35  }
0x2ca: {  	[tilespmem:v38+s28+$0x0] =	vst.idx.msk $0xffff, v37  }
0x2cb: {  	[tilespmem:v40+s28+$0x0] =	vst.idx.msk $0xffff, v39  }
0x2cc: {  	v34 =	vadd.s32 v24, v32;
	v33 =	vld [tilespmem:s13+$0x180]  }
0x2cd: {  	v36 =	vadd.s32 v25, v32;
	v35 =	vld [tilespmem:s13+$0x190]  }
0x2ce: {  	v38 =	vadd.s32 v26, v32;
	v37 =	vld [tilespmem:s13+$0x1A0]  }
0x2cf: {  	v40 =	vadd.s32 v27, v32;
	v39 =	vld [tilespmem:s13+$0x1B0];
	_ =	sdelay $0x1  }
0x2d0: {  	[tilespmem:v34+s28+$0x0] =	vst.idx.msk $0xffff, v33  }
0x2d1: {  	[tilespmem:v36+s28+$0x0] =	vst.idx.msk $0xffff, v35  }
0x2d2: {  	[tilespmem:v38+s28+$0x0] =	vst.idx.msk $0xffff, v37  }
0x2d3: {  	[tilespmem:v40+s28+$0x0] =	vst.idx.msk $0xffff, v39  }
0x2d4: {  	v36 =	vadd.s32 v28, v32;
	v35 =	vld [tilespmem:s13+$0x1C0]  }
0x2d5: {  	v38 =	vadd.s32 v29, v32;
	v37 =	vld [tilespmem:s13+$0x1D0]  }
0x2d6: {  	v40 =	vadd.s32 v30, v32;
	v39 =	vld [tilespmem:s13+$0x1E0]  }
.Ltmp5:
0x2d7: {  	v34 =	vadd.s32 v31, v32;
	v33 =	vld [tilespmem:s13+$0x1F0];
	(pc) =	sbr.rel @p0 .LBB2_14-.Ltmp5, $4  }
0x2d8: {  	_ = 	snop  }
0x2d9: {  	[tilespmem:v36+s28+$0x0] =	vst.idx.msk $0xffff, v35  }
0x2da: {  	[tilespmem:v38+s28+$0x0] =	vst.idx.msk $0xffff, v37  }
0x2db: {  	[tilespmem:v40+s28+$0x0] =	vst.idx.msk $0xffff, v39  }
0x2dc: {  	_ =	sdelay $0x3  }
0x2dd: {  	[tilespmem:v34+s28+$0x0] =	vst.idx.msk $0xffff, v33  }
0x2de: {  	_ =	swait.ge [sflag:s30], $0x2000  }
0x2df: {  	[sflag:s30] =	ssyncset.done $0x0  }
0x2e0: {  	v32 =	vimm.s32 $0x80;
	s13 =	simm.s32 $0xA400;
	[sflag:s30] =	ssyncadd.s32 $0xFFFFE000  }
0x2e1: {  	v56 =	vadd.s32 v0, v32;
	v55 =	vld [tilespmem:s13+$0x0]  }
0x2e2: {  	v36 =	vadd.s32 v1, v32;
	v35 =	vld [tilespmem:s13+$0x10]  }
0x2e3: {  	v38 =	vadd.s32 v2, v32;
	v37 =	vld [tilespmem:s13+$0x20]  }
0x2e4: {  	v40 =	vadd.s32 v3, v32;
	v39 =	vld [tilespmem:s13+$0x30];
	_ =	sdelay $0x1  }
0x2e5: {  	[tilespmem:v56+s28+$0x0] =	vst.idx.msk $0xffff, v55  }
0x2e6: {  	[tilespmem:v36+s28+$0x0] =	vst.idx.msk $0xffff, v35  }
0x2e7: {  	[tilespmem:v38+s28+$0x0] =	vst.idx.msk $0xffff, v37  }
0x2e8: {  	[tilespmem:v40+s28+$0x0] =	vst.idx.msk $0xffff, v39  }
0x2e9: {  	v57 =	vadd.s32 v4, v32;
	v33 =	vld [tilespmem:s13+$0x40]  }
0x2ea: {  	v58 =	vadd.s32 v5, v32;
	v35 =	vld [tilespmem:s13+$0x50]  }
0x2eb: {  	v59 =	vadd.s32 v6, v32;
	v37 =	vld [tilespmem:s13+$0x60]  }
0x2ec: {  	v60 =	vadd.s32 v7, v32;
	v39 =	vld [tilespmem:s13+$0x70];
	_ =	sdelay $0x1  }
0x2ed: {  	[tilespmem:v57+s28+$0x0] =	vst.idx.msk $0xffff, v33  }
0x2ee: {  	[tilespmem:v58+s28+$0x0] =	vst.idx.msk $0xffff, v35  }
0x2ef: {  	[tilespmem:v59+s28+$0x0] =	vst.idx.msk $0xffff, v37  }
0x2f0: {  	[tilespmem:v60+s28+$0x0] =	vst.idx.msk $0xffff, v39  }
0x2f1: {  	v61 =	vadd.s32 v8, v32;
	v33 =	vld [tilespmem:s13+$0x80]  }
0x2f2: {  	v62 =	vadd.s32 v9, v32;
	v35 =	vld [tilespmem:s13+$0x90]  }
0x2f3: {  	v63 =	vadd.s32 v10, v32;
	v37 =	vld [tilespmem:s13+$0xA0]  }
0x2f4: {  	v44 =	vadd.s32 v11, v32;
	v39 =	vld [tilespmem:s13+$0xB0];
	_ =	sdelay $0x1  }
0x2f5: {  	[tilespmem:v61+s28+$0x0] =	vst.idx.msk $0xffff, v33  }
0x2f6: {  	[tilespmem:v62+s28+$0x0] =	vst.idx.msk $0xffff, v35  }
0x2f7: {  	[tilespmem:v63+s28+$0x0] =	vst.idx.msk $0xffff, v37  }
0x2f8: {  	[tilespmem:v44+s28+$0x0] =	vst.idx.msk $0xffff, v39  }
0x2f9: {  	v45 =	vadd.s32 v12, v32;
	v33 =	vld [tilespmem:s13+$0xC0]  }
0x2fa: {  	v46 =	vadd.s32 v13, v32;
	v35 =	vld [tilespmem:s13+$0xD0]  }
0x2fb: {  	v47 =	vadd.s32 v14, v32;
	v37 =	vld [tilespmem:s13+$0xE0]  }
0x2fc: {  	v48 =	vadd.s32 v15, v32;
	v39 =	vld [tilespmem:s13+$0xF0];
	_ =	sdelay $0x1  }
0x2fd: {  	[tilespmem:v45+s28+$0x0] =	vst.idx.msk $0xffff, v33  }
0x2fe: {  	[tilespmem:v46+s28+$0x0] =	vst.idx.msk $0xffff, v35  }
0x2ff: {  	[tilespmem:v47+s28+$0x0] =	vst.idx.msk $0xffff, v37  }
0x300: {  	[tilespmem:v48+s28+$0x0] =	vst.idx.msk $0xffff, v39  }
0x301: {  	v49 =	vadd.s32 v16, v32;
	v33 =	vld [tilespmem:s13+$0x100]  }
0x302: {  	v50 =	vadd.s32 v17, v32;
	v35 =	vld [tilespmem:s13+$0x110]  }
0x303: {  	v51 =	vadd.s32 v18, v32;
	v37 =	vld [tilespmem:s13+$0x120]  }
0x304: {  	v52 =	vadd.s32 v19, v32;
	v39 =	vld [tilespmem:s13+$0x130];
	_ =	sdelay $0x1  }
0x305: {  	[tilespmem:v49+s28+$0x0] =	vst.idx.msk $0xffff, v33  }
0x306: {  	[tilespmem:v50+s28+$0x0] =	vst.idx.msk $0xffff, v35  }
0x307: {  	[tilespmem:v51+s28+$0x0] =	vst.idx.msk $0xffff, v37  }
0x308: {  	[tilespmem:v52+s28+$0x0] =	vst.idx.msk $0xffff, v39  }
0x309: {  	v53 =	vadd.s32 v20, v32;
	v33 =	vld [tilespmem:s13+$0x140]  }
0x30a: {  	v54 =	vadd.s32 v21, v32;
	v35 =	vld [tilespmem:s13+$0x150]  }
0x30b: {  	v55 =	vadd.s32 v22, v32;
	v37 =	vld [tilespmem:s13+$0x160]  }
0x30c: {  	v56 =	vadd.s32 v23, v32;
	v39 =	vld [tilespmem:s13+$0x170];
	_ =	sdelay $0x1  }
0x30d: {  	[tilespmem:v53+s28+$0x0] =	vst.idx.msk $0xffff, v33  }
0x30e: {  	[tilespmem:v54+s28+$0x0] =	vst.idx.msk $0xffff, v35  }
0x30f: {  	[tilespmem:v55+s28+$0x0] =	vst.idx.msk $0xffff, v37  }
0x310: {  	[tilespmem:v56+s28+$0x0] =	vst.idx.msk $0xffff, v39  }
0x311: {  	v57 =	vadd.s32 v24, v32;
	v33 =	vld [tilespmem:s13+$0x180]  }
0x312: {  	v58 =	vadd.s32 v25, v32;
	v35 =	vld [tilespmem:s13+$0x190]  }
0x313: {  	v59 =	vadd.s32 v26, v32;
	v37 =	vld [tilespmem:s13+$0x1A0]  }
0x314: {  	v60 =	vadd.s32 v27, v32;
	v39 =	vld [tilespmem:s13+$0x1B0];
	_ =	sdelay $0x1  }
0x315: {  	[tilespmem:v57+s28+$0x0] =	vst.idx.msk $0xffff, v33  }
0x316: {  	[tilespmem:v58+s28+$0x0] =	vst.idx.msk $0xffff, v35  }
0x317: {  	[tilespmem:v59+s28+$0x0] =	vst.idx.msk $0xffff, v37  }
0x318: {  	[tilespmem:v60+s28+$0x0] =	vst.idx.msk $0xffff, v39  }
0x319: {  	v61 =	vadd.s32 v28, v32;
	v34 =	vld [tilespmem:s13+$0x1C0];
	_ =	sdelay $0x2  }
0x31a: {  	v62 =	vadd.s32 v29, v32;
	v36 =	vld [tilespmem:s13+$0x1D0]  }
0x31b: {  	v63 =	vadd.s32 v30, v32;
	v38 =	vld [tilespmem:s13+$0x1E0]  }
0x31c: {  	v33 =	vld [tilespmem:s13+$0x1F0];
	[tilespmem:v61+s28+$0x0] =	vst.idx.msk $0xffff, v34;
	v34 =	vadd.s32 v31, v32;
	_ =	sdelay $0x2  }
0x31d: {  	[tilespmem:v62+s28+$0x0] =	vst.idx.msk $0xffff, v36  }
0x31e: {  	s14 =	simm.s32 $0x80;
	[tilespmem:v63+s28+$0x0] =	vst.idx.msk $0xffff, v38  }
.LBB2_16:
0x31f: {  	s14 =	sadd.s32 $0x8, s14;
	[tilespmem:v34+s28+$0x0] =	vst.idx.msk $0xffff, v33;
	v32 =	vadd.s32 $0x8, v32;
	s13 =	sadd.s32 $0x200, s13  }
0x320: {  	v33 =	vld [tilespmem:s13+$0x0];
	v34 =	vadd.s32 v0, v32;
	p0 =	slt.u32 s14, $0xF8  }
0x321: {  	v36 =	vadd.s32 v1, v32;
	v35 =	vld [tilespmem:s13+$0x10]  }
0x322: {  	v38 =	vadd.s32 v2, v32;
	v37 =	vld [tilespmem:s13+$0x20]  }
0x323: {  	v40 =	vadd.s32 v3, v32;
	v39 =	vld [tilespmem:s13+$0x30];
	_ =	sdelay $0x1  }
0x324: {  	[tilespmem:v34+s28+$0x0] =	vst.idx.msk $0xffff, v33  }
0x325: {  	[tilespmem:v36+s28+$0x0] =	vst.idx.msk $0xffff, v35  }
0x326: {  	[tilespmem:v38+s28+$0x0] =	vst.idx.msk $0xffff, v37  }
0x327: {  	[tilespmem:v40+s28+$0x0] =	vst.idx.msk $0xffff, v39  }
0x328: {  	v34 =	vadd.s32 v4, v32;
	v33 =	vld [tilespmem:s13+$0x40]  }
0x329: {  	v36 =	vadd.s32 v5, v32;
	v35 =	vld [tilespmem:s13+$0x50]  }
0x32a: {  	v38 =	vadd.s32 v6, v32;
	v37 =	vld [tilespmem:s13+$0x60]  }
0x32b: {  	v40 =	vadd.s32 v7, v32;
	v39 =	vld [tilespmem:s13+$0x70];
	_ =	sdelay $0x1  }
0x32c: {  	[tilespmem:v34+s28+$0x0] =	vst.idx.msk $0xffff, v33  }
0x32d: {  	[tilespmem:v36+s28+$0x0] =	vst.idx.msk $0xffff, v35  }
0x32e: {  	[tilespmem:v38+s28+$0x0] =	vst.idx.msk $0xffff, v37  }
0x32f: {  	[tilespmem:v40+s28+$0x0] =	vst.idx.msk $0xffff, v39  }
0x330: {  	v34 =	vadd.s32 v8, v32;
	v33 =	vld [tilespmem:s13+$0x80]  }
0x331: {  	v36 =	vadd.s32 v9, v32;
	v35 =	vld [tilespmem:s13+$0x90]  }
0x332: {  	v38 =	vadd.s32 v10, v32;
	v37 =	vld [tilespmem:s13+$0xA0]  }
0x333: {  	v40 =	vadd.s32 v11, v32;
	v39 =	vld [tilespmem:s13+$0xB0];
	_ =	sdelay $0x1  }
0x334: {  	[tilespmem:v34+s28+$0x0] =	vst.idx.msk $0xffff, v33  }
0x335: {  	[tilespmem:v36+s28+$0x0] =	vst.idx.msk $0xffff, v35  }
0x336: {  	[tilespmem:v38+s28+$0x0] =	vst.idx.msk $0xffff, v37  }
0x337: {  	[tilespmem:v40+s28+$0x0] =	vst.idx.msk $0xffff, v39  }
0x338: {  	v34 =	vadd.s32 v12, v32;
	v33 =	vld [tilespmem:s13+$0xC0]  }
0x339: {  	v36 =	vadd.s32 v13, v32;
	v35 =	vld [tilespmem:s13+$0xD0]  }
0x33a: {  	v38 =	vadd.s32 v14, v32;
	v37 =	vld [tilespmem:s13+$0xE0]  }
0x33b: {  	v40 =	vadd.s32 v15, v32;
	v39 =	vld [tilespmem:s13+$0xF0];
	_ =	sdelay $0x1  }
0x33c: {  	[tilespmem:v34+s28+$0x0] =	vst.idx.msk $0xffff, v33  }
0x33d: {  	[tilespmem:v36+s28+$0x0] =	vst.idx.msk $0xffff, v35  }
0x33e: {  	[tilespmem:v38+s28+$0x0] =	vst.idx.msk $0xffff, v37  }
0x33f: {  	[tilespmem:v40+s28+$0x0] =	vst.idx.msk $0xffff, v39  }
0x340: {  	v34 =	vadd.s32 v16, v32;
	v33 =	vld [tilespmem:s13+$0x100]  }
0x341: {  	v36 =	vadd.s32 v17, v32;
	v35 =	vld [tilespmem:s13+$0x110]  }
0x342: {  	v38 =	vadd.s32 v18, v32;
	v37 =	vld [tilespmem:s13+$0x120]  }
0x343: {  	v40 =	vadd.s32 v19, v32;
	v39 =	vld [tilespmem:s13+$0x130];
	_ =	sdelay $0x1  }
0x344: {  	[tilespmem:v34+s28+$0x0] =	vst.idx.msk $0xffff, v33  }
0x345: {  	[tilespmem:v36+s28+$0x0] =	vst.idx.msk $0xffff, v35  }
0x346: {  	[tilespmem:v38+s28+$0x0] =	vst.idx.msk $0xffff, v37  }
0x347: {  	[tilespmem:v40+s28+$0x0] =	vst.idx.msk $0xffff, v39  }
0x348: {  	v34 =	vadd.s32 v20, v32;
	v33 =	vld [tilespmem:s13+$0x140]  }
0x349: {  	v36 =	vadd.s32 v21, v32;
	v35 =	vld [tilespmem:s13+$0x150]  }
0x34a: {  	v38 =	vadd.s32 v22, v32;
	v37 =	vld [tilespmem:s13+$0x160]  }
0x34b: {  	v40 =	vadd.s32 v23, v32;
	v39 =	vld [tilespmem:s13+$0x170];
	_ =	sdelay $0x1  }
0x34c: {  	[tilespmem:v34+s28+$0x0] =	vst.idx.msk $0xffff, v33  }
0x34d: {  	[tilespmem:v36+s28+$0x0] =	vst.idx.msk $0xffff, v35  }
0x34e: {  	[tilespmem:v38+s28+$0x0] =	vst.idx.msk $0xffff, v37  }
0x34f: {  	[tilespmem:v40+s28+$0x0] =	vst.idx.msk $0xffff, v39  }
0x350: {  	v34 =	vadd.s32 v24, v32;
	v33 =	vld [tilespmem:s13+$0x180]  }
0x351: {  	v36 =	vadd.s32 v25, v32;
	v35 =	vld [tilespmem:s13+$0x190]  }
0x352: {  	v38 =	vadd.s32 v26, v32;
	v37 =	vld [tilespmem:s13+$0x1A0]  }
0x353: {  	v40 =	vadd.s32 v27, v32;
	v39 =	vld [tilespmem:s13+$0x1B0];
	_ =	sdelay $0x1  }
0x354: {  	[tilespmem:v34+s28+$0x0] =	vst.idx.msk $0xffff, v33  }
0x355: {  	[tilespmem:v36+s28+$0x0] =	vst.idx.msk $0xffff, v35  }
0x356: {  	[tilespmem:v38+s28+$0x0] =	vst.idx.msk $0xffff, v37  }
0x357: {  	[tilespmem:v40+s28+$0x0] =	vst.idx.msk $0xffff, v39  }
0x358: {  	v36 =	vadd.s32 v28, v32;
	v35 =	vld [tilespmem:s13+$0x1C0]  }
0x359: {  	v38 =	vadd.s32 v29, v32;
	v37 =	vld [tilespmem:s13+$0x1D0]  }
0x35a: {  	v40 =	vadd.s32 v30, v32;
	v39 =	vld [tilespmem:s13+$0x1E0]  }
.Ltmp6:
0x35b: {  	v34 =	vadd.s32 v31, v32;
	v33 =	vld [tilespmem:s13+$0x1F0];
	(pc) =	sbr.rel @p0 .LBB2_16-.Ltmp6, $4  }
0x35c: {  	_ = 	snop  }
0x35d: {  	[tilespmem:v36+s28+$0x0] =	vst.idx.msk $0xffff, v35  }
0x35e: {  	[tilespmem:v38+s28+$0x0] =	vst.idx.msk $0xffff, v37  }
0x35f: {  	[tilespmem:v40+s28+$0x0] =	vst.idx.msk $0xffff, v39  }
0x360: {  	_ =	sdelay $0x3  }
0x361: {  	[tilespmem:v34+s28+$0x0] =	vst.idx.msk $0xffff, v33  }
0x362: {  	_ =	swait.ge [sflag:s30], $0x2000  }
0x363: {  	[sflag:s30] =	ssyncset.done $0x0  }
0x364: {  	v32 =	vimm.s32 $0x100;
	s13 =	simm.s32 $0xC400;
	[sflag:s30] =	ssyncadd.s32 $0xFFFFE000  }
0x365: {  	v56 =	vadd.s32 v0, v32;
	v55 =	vld [tilespmem:s13+$0x0]  }
0x366: {  	v36 =	vadd.s32 v1, v32;
	v35 =	vld [tilespmem:s13+$0x10]  }
0x367: {  	v38 =	vadd.s32 v2, v32;
	v37 =	vld [tilespmem:s13+$0x20]  }
0x368: {  	v40 =	vadd.s32 v3, v32;
	v39 =	vld [tilespmem:s13+$0x30];
	_ =	sdelay $0x1  }
0x369: {  	[tilespmem:v56+s28+$0x0] =	vst.idx.msk $0xffff, v55  }
0x36a: {  	[tilespmem:v36+s28+$0x0] =	vst.idx.msk $0xffff, v35  }
0x36b: {  	[tilespmem:v38+s28+$0x0] =	vst.idx.msk $0xffff, v37  }
0x36c: {  	[tilespmem:v40+s28+$0x0] =	vst.idx.msk $0xffff, v39  }
0x36d: {  	v57 =	vadd.s32 v4, v32;
	v33 =	vld [tilespmem:s13+$0x40]  }
0x36e: {  	v58 =	vadd.s32 v5, v32;
	v35 =	vld [tilespmem:s13+$0x50]  }
0x36f: {  	v59 =	vadd.s32 v6, v32;
	v37 =	vld [tilespmem:s13+$0x60]  }
0x370: {  	v60 =	vadd.s32 v7, v32;
	v39 =	vld [tilespmem:s13+$0x70];
	_ =	sdelay $0x1  }
0x371: {  	[tilespmem:v57+s28+$0x0] =	vst.idx.msk $0xffff, v33  }
0x372: {  	[tilespmem:v58+s28+$0x0] =	vst.idx.msk $0xffff, v35  }
0x373: {  	[tilespmem:v59+s28+$0x0] =	vst.idx.msk $0xffff, v37  }
0x374: {  	[tilespmem:v60+s28+$0x0] =	vst.idx.msk $0xffff, v39  }
0x375: {  	v61 =	vadd.s32 v8, v32;
	v33 =	vld [tilespmem:s13+$0x80]  }
0x376: {  	v62 =	vadd.s32 v9, v32;
	v35 =	vld [tilespmem:s13+$0x90]  }
0x377: {  	v63 =	vadd.s32 v10, v32;
	v37 =	vld [tilespmem:s13+$0xA0]  }
0x378: {  	v44 =	vadd.s32 v11, v32;
	v39 =	vld [tilespmem:s13+$0xB0];
	_ =	sdelay $0x1  }
0x379: {  	[tilespmem:v61+s28+$0x0] =	vst.idx.msk $0xffff, v33  }
0x37a: {  	[tilespmem:v62+s28+$0x0] =	vst.idx.msk $0xffff, v35  }
0x37b: {  	[tilespmem:v63+s28+$0x0] =	vst.idx.msk $0xffff, v37  }
0x37c: {  	[tilespmem:v44+s28+$0x0] =	vst.idx.msk $0xffff, v39  }
0x37d: {  	v45 =	vadd.s32 v12, v32;
	v33 =	vld [tilespmem:s13+$0xC0]  }
0x37e: {  	v46 =	vadd.s32 v13, v32;
	v35 =	vld [tilespmem:s13+$0xD0]  }
0x37f: {  	v47 =	vadd.s32 v14, v32;
	v37 =	vld [tilespmem:s13+$0xE0]  }
0x380: {  	v48 =	vadd.s32 v15, v32;
	v39 =	vld [tilespmem:s13+$0xF0];
	_ =	sdelay $0x1  }
0x381: {  	[tilespmem:v45+s28+$0x0] =	vst.idx.msk $0xffff, v33  }
0x382: {  	[tilespmem:v46+s28+$0x0] =	vst.idx.msk $0xffff, v35  }
0x383: {  	[tilespmem:v47+s28+$0x0] =	vst.idx.msk $0xffff, v37  }
0x384: {  	[tilespmem:v48+s28+$0x0] =	vst.idx.msk $0xffff, v39  }
0x385: {  	v49 =	vadd.s32 v16, v32;
	v33 =	vld [tilespmem:s13+$0x100]  }
0x386: {  	v50 =	vadd.s32 v17, v32;
	v35 =	vld [tilespmem:s13+$0x110]  }
0x387: {  	v51 =	vadd.s32 v18, v32;
	v37 =	vld [tilespmem:s13+$0x120]  }
0x388: {  	v52 =	vadd.s32 v19, v32;
	v39 =	vld [tilespmem:s13+$0x130];
	_ =	sdelay $0x1  }
0x389: {  	[tilespmem:v49+s28+$0x0] =	vst.idx.msk $0xffff, v33  }
0x38a: {  	[tilespmem:v50+s28+$0x0] =	vst.idx.msk $0xffff, v35  }
0x38b: {  	[tilespmem:v51+s28+$0x0] =	vst.idx.msk $0xffff, v37  }
0x38c: {  	[tilespmem:v52+s28+$0x0] =	vst.idx.msk $0xffff, v39  }
0x38d: {  	v53 =	vadd.s32 v20, v32;
	v33 =	vld [tilespmem:s13+$0x140]  }
0x38e: {  	v54 =	vadd.s32 v21, v32;
	v35 =	vld [tilespmem:s13+$0x150]  }
0x38f: {  	v55 =	vadd.s32 v22, v32;
	v37 =	vld [tilespmem:s13+$0x160]  }
0x390: {  	v56 =	vadd.s32 v23, v32;
	v39 =	vld [tilespmem:s13+$0x170];
	_ =	sdelay $0x1  }
0x391: {  	[tilespmem:v53+s28+$0x0] =	vst.idx.msk $0xffff, v33  }
0x392: {  	[tilespmem:v54+s28+$0x0] =	vst.idx.msk $0xffff, v35  }
0x393: {  	[tilespmem:v55+s28+$0x0] =	vst.idx.msk $0xffff, v37  }
0x394: {  	[tilespmem:v56+s28+$0x0] =	vst.idx.msk $0xffff, v39  }
0x395: {  	v57 =	vadd.s32 v24, v32;
	v33 =	vld [tilespmem:s13+$0x180]  }
0x396: {  	v58 =	vadd.s32 v25, v32;
	v35 =	vld [tilespmem:s13+$0x190]  }
0x397: {  	v59 =	vadd.s32 v26, v32;
	v37 =	vld [tilespmem:s13+$0x1A0]  }
0x398: {  	v60 =	vadd.s32 v27, v32;
	v39 =	vld [tilespmem:s13+$0x1B0];
	_ =	sdelay $0x1  }
0x399: {  	[tilespmem:v57+s28+$0x0] =	vst.idx.msk $0xffff, v33  }
0x39a: {  	[tilespmem:v58+s28+$0x0] =	vst.idx.msk $0xffff, v35  }
0x39b: {  	[tilespmem:v59+s28+$0x0] =	vst.idx.msk $0xffff, v37  }
0x39c: {  	[tilespmem:v60+s28+$0x0] =	vst.idx.msk $0xffff, v39  }
0x39d: {  	v61 =	vadd.s32 v28, v32;
	v34 =	vld [tilespmem:s13+$0x1C0];
	_ =	sdelay $0x2  }
0x39e: {  	v62 =	vadd.s32 v29, v32;
	v36 =	vld [tilespmem:s13+$0x1D0]  }
0x39f: {  	v63 =	vadd.s32 v30, v32;
	v38 =	vld [tilespmem:s13+$0x1E0]  }
0x3a0: {  	v33 =	vld [tilespmem:s13+$0x1F0];
	[tilespmem:v61+s28+$0x0] =	vst.idx.msk $0xffff, v34;
	v34 =	vadd.s32 v31, v32;
	_ =	sdelay $0x2  }
0x3a1: {  	[tilespmem:v62+s28+$0x0] =	vst.idx.msk $0xffff, v36  }
0x3a2: {  	s14 =	simm.s32 $0x100;
	[tilespmem:v63+s28+$0x0] =	vst.idx.msk $0xffff, v38  }
.LBB2_18:
0x3a3: {  	s14 =	sadd.s32 $0x8, s14;
	[tilespmem:v34+s28+$0x0] =	vst.idx.msk $0xffff, v33;
	v32 =	vadd.s32 $0x8, v32;
	s13 =	sadd.s32 $0x200, s13  }
0x3a4: {  	v33 =	vld [tilespmem:s13+$0x0];
	v34 =	vadd.s32 v0, v32;
	p0 =	slt.u32 s14, $0x178  }
0x3a5: {  	v36 =	vadd.s32 v1, v32;
	v35 =	vld [tilespmem:s13+$0x10]  }
0x3a6: {  	v38 =	vadd.s32 v2, v32;
	v37 =	vld [tilespmem:s13+$0x20]  }
0x3a7: {  	v40 =	vadd.s32 v3, v32;
	v39 =	vld [tilespmem:s13+$0x30];
	_ =	sdelay $0x1  }
0x3a8: {  	[tilespmem:v34+s28+$0x0] =	vst.idx.msk $0xffff, v33  }
0x3a9: {  	[tilespmem:v36+s28+$0x0] =	vst.idx.msk $0xffff, v35  }
0x3aa: {  	[tilespmem:v38+s28+$0x0] =	vst.idx.msk $0xffff, v37  }
0x3ab: {  	[tilespmem:v40+s28+$0x0] =	vst.idx.msk $0xffff, v39  }
0x3ac: {  	v34 =	vadd.s32 v4, v32;
	v33 =	vld [tilespmem:s13+$0x40]  }
0x3ad: {  	v36 =	vadd.s32 v5, v32;
	v35 =	vld [tilespmem:s13+$0x50]  }
0x3ae: {  	v38 =	vadd.s32 v6, v32;
	v37 =	vld [tilespmem:s13+$0x60]  }
0x3af: {  	v40 =	vadd.s32 v7, v32;
	v39 =	vld [tilespmem:s13+$0x70];
	_ =	sdelay $0x1  }
0x3b0: {  	[tilespmem:v34+s28+$0x0] =	vst.idx.msk $0xffff, v33  }
0x3b1: {  	[tilespmem:v36+s28+$0x0] =	vst.idx.msk $0xffff, v35  }
0x3b2: {  	[tilespmem:v38+s28+$0x0] =	vst.idx.msk $0xffff, v37  }
0x3b3: {  	[tilespmem:v40+s28+$0x0] =	vst.idx.msk $0xffff, v39  }
0x3b4: {  	v34 =	vadd.s32 v8, v32;
	v33 =	vld [tilespmem:s13+$0x80]  }
0x3b5: {  	v36 =	vadd.s32 v9, v32;
	v35 =	vld [tilespmem:s13+$0x90]  }
0x3b6: {  	v38 =	vadd.s32 v10, v32;
	v37 =	vld [tilespmem:s13+$0xA0]  }
0x3b7: {  	v40 =	vadd.s32 v11, v32;
	v39 =	vld [tilespmem:s13+$0xB0];
	_ =	sdelay $0x1  }
0x3b8: {  	[tilespmem:v34+s28+$0x0] =	vst.idx.msk $0xffff, v33  }
0x3b9: {  	[tilespmem:v36+s28+$0x0] =	vst.idx.msk $0xffff, v35  }
0x3ba: {  	[tilespmem:v38+s28+$0x0] =	vst.idx.msk $0xffff, v37  }
0x3bb: {  	[tilespmem:v40+s28+$0x0] =	vst.idx.msk $0xffff, v39  }
0x3bc: {  	v34 =	vadd.s32 v12, v32;
	v33 =	vld [tilespmem:s13+$0xC0]  }
0x3bd: {  	v36 =	vadd.s32 v13, v32;
	v35 =	vld [tilespmem:s13+$0xD0]  }
0x3be: {  	v38 =	vadd.s32 v14, v32;
	v37 =	vld [tilespmem:s13+$0xE0]  }
0x3bf: {  	v40 =	vadd.s32 v15, v32;
	v39 =	vld [tilespmem:s13+$0xF0];
	_ =	sdelay $0x1  }
0x3c0: {  	[tilespmem:v34+s28+$0x0] =	vst.idx.msk $0xffff, v33  }
0x3c1: {  	[tilespmem:v36+s28+$0x0] =	vst.idx.msk $0xffff, v35  }
0x3c2: {  	[tilespmem:v38+s28+$0x0] =	vst.idx.msk $0xffff, v37  }
0x3c3: {  	[tilespmem:v40+s28+$0x0] =	vst.idx.msk $0xffff, v39  }
0x3c4: {  	v34 =	vadd.s32 v16, v32;
	v33 =	vld [tilespmem:s13+$0x100]  }
0x3c5: {  	v36 =	vadd.s32 v17, v32;
	v35 =	vld [tilespmem:s13+$0x110]  }
0x3c6: {  	v38 =	vadd.s32 v18, v32;
	v37 =	vld [tilespmem:s13+$0x120]  }
0x3c7: {  	v40 =	vadd.s32 v19, v32;
	v39 =	vld [tilespmem:s13+$0x130];
	_ =	sdelay $0x1  }
0x3c8: {  	[tilespmem:v34+s28+$0x0] =	vst.idx.msk $0xffff, v33  }
0x3c9: {  	[tilespmem:v36+s28+$0x0] =	vst.idx.msk $0xffff, v35  }
0x3ca: {  	[tilespmem:v38+s28+$0x0] =	vst.idx.msk $0xffff, v37  }
0x3cb: {  	[tilespmem:v40+s28+$0x0] =	vst.idx.msk $0xffff, v39  }
0x3cc: {  	v34 =	vadd.s32 v20, v32;
	v33 =	vld [tilespmem:s13+$0x140]  }
0x3cd: {  	v36 =	vadd.s32 v21, v32;
	v35 =	vld [tilespmem:s13+$0x150]  }
0x3ce: {  	v38 =	vadd.s32 v22, v32;
	v37 =	vld [tilespmem:s13+$0x160]  }
0x3cf: {  	v40 =	vadd.s32 v23, v32;
	v39 =	vld [tilespmem:s13+$0x170];
	_ =	sdelay $0x1  }
0x3d0: {  	[tilespmem:v34+s28+$0x0] =	vst.idx.msk $0xffff, v33  }
0x3d1: {  	[tilespmem:v36+s28+$0x0] =	vst.idx.msk $0xffff, v35  }
0x3d2: {  	[tilespmem:v38+s28+$0x0] =	vst.idx.msk $0xffff, v37  }
0x3d3: {  	[tilespmem:v40+s28+$0x0] =	vst.idx.msk $0xffff, v39  }
0x3d4: {  	v34 =	vadd.s32 v24, v32;
	v33 =	vld [tilespmem:s13+$0x180]  }
0x3d5: {  	v36 =	vadd.s32 v25, v32;
	v35 =	vld [tilespmem:s13+$0x190]  }
0x3d6: {  	v38 =	vadd.s32 v26, v32;
	v37 =	vld [tilespmem:s13+$0x1A0]  }
0x3d7: {  	v40 =	vadd.s32 v27, v32;
	v39 =	vld [tilespmem:s13+$0x1B0];
	_ =	sdelay $0x1  }
0x3d8: {  	[tilespmem:v34+s28+$0x0] =	vst.idx.msk $0xffff, v33  }
0x3d9: {  	[tilespmem:v36+s28+$0x0] =	vst.idx.msk $0xffff, v35  }
0x3da: {  	[tilespmem:v38+s28+$0x0] =	vst.idx.msk $0xffff, v37  }
0x3db: {  	[tilespmem:v40+s28+$0x0] =	vst.idx.msk $0xffff, v39  }
0x3dc: {  	v36 =	vadd.s32 v28, v32;
	v35 =	vld [tilespmem:s13+$0x1C0]  }
0x3dd: {  	v38 =	vadd.s32 v29, v32;
	v37 =	vld [tilespmem:s13+$0x1D0]  }
0x3de: {  	v40 =	vadd.s32 v30, v32;
	v39 =	vld [tilespmem:s13+$0x1E0]  }
.Ltmp7:
0x3df: {  	v34 =	vadd.s32 v31, v32;
	v33 =	vld [tilespmem:s13+$0x1F0];
	(pc) =	sbr.rel @p0 .LBB2_18-.Ltmp7, $4  }
0x3e0: {  	_ = 	snop  }
0x3e1: {  	[tilespmem:v36+s28+$0x0] =	vst.idx.msk $0xffff, v35  }
0x3e2: {  	[tilespmem:v38+s28+$0x0] =	vst.idx.msk $0xffff, v37  }
0x3e3: {  	[tilespmem:v40+s28+$0x0] =	vst.idx.msk $0xffff, v39  }
0x3e4: {  	_ =	sdelay $0x3  }
0x3e5: {  	[tilespmem:v34+s28+$0x0] =	vst.idx.msk $0xffff, v33  }
0x3e6: {  	_ =	swait.ge [sflag:s30], $0x2000  }
0x3e7: {  	[sflag:s30] =	ssyncset.done $0x0  }
0x3e8: {  	v32 =	vimm.s32 $0x180;
	s13 =	simm.s32 $0xE400;
	[sflag:s30] =	ssyncadd.s32 $0xFFFFE000  }
0x3e9: {  	v56 =	vadd.s32 v0, v32;
	v55 =	vld [tilespmem:s13+$0x0]  }
0x3ea: {  	v36 =	vadd.s32 v1, v32;
	v35 =	vld [tilespmem:s13+$0x10]  }
0x3eb: {  	v38 =	vadd.s32 v2, v32;
	v37 =	vld [tilespmem:s13+$0x20]  }
0x3ec: {  	v40 =	vadd.s32 v3, v32;
	v39 =	vld [tilespmem:s13+$0x30];
	_ =	sdelay $0x1  }
0x3ed: {  	[tilespmem:v56+s28+$0x0] =	vst.idx.msk $0xffff, v55  }
0x3ee: {  	[tilespmem:v36+s28+$0x0] =	vst.idx.msk $0xffff, v35  }
0x3ef: {  	[tilespmem:v38+s28+$0x0] =	vst.idx.msk $0xffff, v37  }
0x3f0: {  	[tilespmem:v40+s28+$0x0] =	vst.idx.msk $0xffff, v39  }
0x3f1: {  	v57 =	vadd.s32 v4, v32;
	v33 =	vld [tilespmem:s13+$0x40]  }
0x3f2: {  	v58 =	vadd.s32 v5, v32;
	v35 =	vld [tilespmem:s13+$0x50]  }
0x3f3: {  	v59 =	vadd.s32 v6, v32;
	v37 =	vld [tilespmem:s13+$0x60]  }
0x3f4: {  	v60 =	vadd.s32 v7, v32;
	v39 =	vld [tilespmem:s13+$0x70];
	_ =	sdelay $0x1  }
0x3f5: {  	[tilespmem:v57+s28+$0x0] =	vst.idx.msk $0xffff, v33  }
0x3f6: {  	[tilespmem:v58+s28+$0x0] =	vst.idx.msk $0xffff, v35  }
0x3f7: {  	[tilespmem:v59+s28+$0x0] =	vst.idx.msk $0xffff, v37  }
0x3f8: {  	[tilespmem:v60+s28+$0x0] =	vst.idx.msk $0xffff, v39  }
0x3f9: {  	v61 =	vadd.s32 v8, v32;
	v33 =	vld [tilespmem:s13+$0x80]  }
0x3fa: {  	v62 =	vadd.s32 v9, v32;
	v35 =	vld [tilespmem:s13+$0x90]  }
0x3fb: {  	v63 =	vadd.s32 v10, v32;
	v37 =	vld [tilespmem:s13+$0xA0]  }
0x3fc: {  	v44 =	vadd.s32 v11, v32;
	v39 =	vld [tilespmem:s13+$0xB0];
	_ =	sdelay $0x1  }
0x3fd: {  	[tilespmem:v61+s28+$0x0] =	vst.idx.msk $0xffff, v33  }
0x3fe: {  	[tilespmem:v62+s28+$0x0] =	vst.idx.msk $0xffff, v35  }
0x3ff: {  	[tilespmem:v63+s28+$0x0] =	vst.idx.msk $0xffff, v37  }
0x400: {  	[tilespmem:v44+s28+$0x0] =	vst.idx.msk $0xffff, v39  }
0x401: {  	v45 =	vadd.s32 v12, v32;
	v33 =	vld [tilespmem:s13+$0xC0]  }
0x402: {  	v46 =	vadd.s32 v13, v32;
	v35 =	vld [tilespmem:s13+$0xD0]  }
0x403: {  	v47 =	vadd.s32 v14, v32;
	v37 =	vld [tilespmem:s13+$0xE0]  }
0x404: {  	v48 =	vadd.s32 v15, v32;
	v39 =	vld [tilespmem:s13+$0xF0];
	_ =	sdelay $0x1  }
0x405: {  	[tilespmem:v45+s28+$0x0] =	vst.idx.msk $0xffff, v33  }
0x406: {  	[tilespmem:v46+s28+$0x0] =	vst.idx.msk $0xffff, v35  }
0x407: {  	[tilespmem:v47+s28+$0x0] =	vst.idx.msk $0xffff, v37  }
0x408: {  	[tilespmem:v48+s28+$0x0] =	vst.idx.msk $0xffff, v39  }
0x409: {  	v49 =	vadd.s32 v16, v32;
	v33 =	vld [tilespmem:s13+$0x100]  }
0x40a: {  	v50 =	vadd.s32 v17, v32;
	v35 =	vld [tilespmem:s13+$0x110]  }
0x40b: {  	v51 =	vadd.s32 v18, v32;
	v37 =	vld [tilespmem:s13+$0x120]  }
0x40c: {  	v52 =	vadd.s32 v19, v32;
	v39 =	vld [tilespmem:s13+$0x130];
	_ =	sdelay $0x1  }
0x40d: {  	[tilespmem:v49+s28+$0x0] =	vst.idx.msk $0xffff, v33  }
0x40e: {  	[tilespmem:v50+s28+$0x0] =	vst.idx.msk $0xffff, v35  }
0x40f: {  	[tilespmem:v51+s28+$0x0] =	vst.idx.msk $0xffff, v37  }
0x410: {  	[tilespmem:v52+s28+$0x0] =	vst.idx.msk $0xffff, v39  }
0x411: {  	v53 =	vadd.s32 v20, v32;
	v33 =	vld [tilespmem:s13+$0x140]  }
0x412: {  	v54 =	vadd.s32 v21, v32;
	v35 =	vld [tilespmem:s13+$0x150]  }
0x413: {  	v55 =	vadd.s32 v22, v32;
	v37 =	vld [tilespmem:s13+$0x160]  }
0x414: {  	v56 =	vadd.s32 v23, v32;
	v39 =	vld [tilespmem:s13+$0x170];
	_ =	sdelay $0x1  }
0x415: {  	[tilespmem:v53+s28+$0x0] =	vst.idx.msk $0xffff, v33  }
0x416: {  	[tilespmem:v54+s28+$0x0] =	vst.idx.msk $0xffff, v35  }
0x417: {  	[tilespmem:v55+s28+$0x0] =	vst.idx.msk $0xffff, v37  }
0x418: {  	[tilespmem:v56+s28+$0x0] =	vst.idx.msk $0xffff, v39  }
0x419: {  	v57 =	vadd.s32 v24, v32;
	v33 =	vld [tilespmem:s13+$0x180]  }
0x41a: {  	v58 =	vadd.s32 v25, v32;
	v35 =	vld [tilespmem:s13+$0x190]  }
0x41b: {  	v59 =	vadd.s32 v26, v32;
	v37 =	vld [tilespmem:s13+$0x1A0]  }
0x41c: {  	v60 =	vadd.s32 v27, v32;
	v39 =	vld [tilespmem:s13+$0x1B0];
	_ =	sdelay $0x1  }
0x41d: {  	[tilespmem:v57+s28+$0x0] =	vst.idx.msk $0xffff, v33  }
0x41e: {  	[tilespmem:v58+s28+$0x0] =	vst.idx.msk $0xffff, v35  }
0x41f: {  	[tilespmem:v59+s28+$0x0] =	vst.idx.msk $0xffff, v37  }
0x420: {  	[tilespmem:v60+s28+$0x0] =	vst.idx.msk $0xffff, v39  }
0x421: {  	v61 =	vadd.s32 v28, v32;
	v34 =	vld [tilespmem:s13+$0x1C0];
	_ =	sdelay $0x2  }
0x422: {  	v62 =	vadd.s32 v29, v32;
	v36 =	vld [tilespmem:s13+$0x1D0]  }
0x423: {  	v63 =	vadd.s32 v30, v32;
	v38 =	vld [tilespmem:s13+$0x1E0]  }
0x424: {  	v33 =	vld [tilespmem:s13+$0x1F0];
	[tilespmem:v61+s28+$0x0] =	vst.idx.msk $0xffff, v34;
	v34 =	vadd.s32 v31, v32;
	_ =	sdelay $0x2  }
0x425: {  	[tilespmem:v62+s28+$0x0] =	vst.idx.msk $0xffff, v36  }
0x426: {  	s14 =	simm.s32 $0x180;
	[tilespmem:v63+s28+$0x0] =	vst.idx.msk $0xffff, v38  }
.LBB2_20:
0x427: {  	s14 =	sadd.s32 $0x8, s14;
	[tilespmem:v34+s28+$0x0] =	vst.idx.msk $0xffff, v33;
	v32 =	vadd.s32 $0x8, v32;
	s13 =	sadd.s32 $0x200, s13  }
0x428: {  	v33 =	vld [tilespmem:s13+$0x0];
	v34 =	vadd.s32 v0, v32;
	p0 =	slt.u32 s14, $0x1F8  }
0x429: {  	v36 =	vadd.s32 v1, v32;
	v35 =	vld [tilespmem:s13+$0x10]  }
0x42a: {  	v38 =	vadd.s32 v2, v32;
	v37 =	vld [tilespmem:s13+$0x20]  }
0x42b: {  	v40 =	vadd.s32 v3, v32;
	v39 =	vld [tilespmem:s13+$0x30];
	_ =	sdelay $0x1  }
0x42c: {  	[tilespmem:v34+s28+$0x0] =	vst.idx.msk $0xffff, v33  }
0x42d: {  	[tilespmem:v36+s28+$0x0] =	vst.idx.msk $0xffff, v35  }
0x42e: {  	[tilespmem:v38+s28+$0x0] =	vst.idx.msk $0xffff, v37  }
0x42f: {  	[tilespmem:v40+s28+$0x0] =	vst.idx.msk $0xffff, v39  }
0x430: {  	v34 =	vadd.s32 v4, v32;
	v33 =	vld [tilespmem:s13+$0x40]  }
0x431: {  	v36 =	vadd.s32 v5, v32;
	v35 =	vld [tilespmem:s13+$0x50]  }
0x432: {  	v38 =	vadd.s32 v6, v32;
	v37 =	vld [tilespmem:s13+$0x60]  }
0x433: {  	v40 =	vadd.s32 v7, v32;
	v39 =	vld [tilespmem:s13+$0x70];
	_ =	sdelay $0x1  }
0x434: {  	[tilespmem:v34+s28+$0x0] =	vst.idx.msk $0xffff, v33  }
0x435: {  	[tilespmem:v36+s28+$0x0] =	vst.idx.msk $0xffff, v35  }
0x436: {  	[tilespmem:v38+s28+$0x0] =	vst.idx.msk $0xffff, v37  }
0x437: {  	[tilespmem:v40+s28+$0x0] =	vst.idx.msk $0xffff, v39  }
0x438: {  	v34 =	vadd.s32 v8, v32;
	v33 =	vld [tilespmem:s13+$0x80]  }
0x439: {  	v36 =	vadd.s32 v9, v32;
	v35 =	vld [tilespmem:s13+$0x90]  }
0x43a: {  	v38 =	vadd.s32 v10, v32;
	v37 =	vld [tilespmem:s13+$0xA0]  }
0x43b: {  	v40 =	vadd.s32 v11, v32;
	v39 =	vld [tilespmem:s13+$0xB0];
	_ =	sdelay $0x1  }
0x43c: {  	[tilespmem:v34+s28+$0x0] =	vst.idx.msk $0xffff, v33  }
0x43d: {  	[tilespmem:v36+s28+$0x0] =	vst.idx.msk $0xffff, v35  }
0x43e: {  	[tilespmem:v38+s28+$0x0] =	vst.idx.msk $0xffff, v37  }
0x43f: {  	[tilespmem:v40+s28+$0x0] =	vst.idx.msk $0xffff, v39  }
0x440: {  	v34 =	vadd.s32 v12, v32;
	v33 =	vld [tilespmem:s13+$0xC0]  }
0x441: {  	v36 =	vadd.s32 v13, v32;
	v35 =	vld [tilespmem:s13+$0xD0]  }
0x442: {  	v38 =	vadd.s32 v14, v32;
	v37 =	vld [tilespmem:s13+$0xE0]  }
0x443: {  	v40 =	vadd.s32 v15, v32;
	v39 =	vld [tilespmem:s13+$0xF0];
	_ =	sdelay $0x1  }
0x444: {  	[tilespmem:v34+s28+$0x0] =	vst.idx.msk $0xffff, v33  }
0x445: {  	[tilespmem:v36+s28+$0x0] =	vst.idx.msk $0xffff, v35  }
0x446: {  	[tilespmem:v38+s28+$0x0] =	vst.idx.msk $0xffff, v37  }
0x447: {  	[tilespmem:v40+s28+$0x0] =	vst.idx.msk $0xffff, v39  }
0x448: {  	v34 =	vadd.s32 v16, v32;
	v33 =	vld [tilespmem:s13+$0x100]  }
0x449: {  	v36 =	vadd.s32 v17, v32;
	v35 =	vld [tilespmem:s13+$0x110]  }
0x44a: {  	v38 =	vadd.s32 v18, v32;
	v37 =	vld [tilespmem:s13+$0x120]  }
0x44b: {  	v40 =	vadd.s32 v19, v32;
	v39 =	vld [tilespmem:s13+$0x130];
	_ =	sdelay $0x1  }
0x44c: {  	[tilespmem:v34+s28+$0x0] =	vst.idx.msk $0xffff, v33  }
0x44d: {  	[tilespmem:v36+s28+$0x0] =	vst.idx.msk $0xffff, v35  }
0x44e: {  	[tilespmem:v38+s28+$0x0] =	vst.idx.msk $0xffff, v37  }
0x44f: {  	[tilespmem:v40+s28+$0x0] =	vst.idx.msk $0xffff, v39  }
0x450: {  	v34 =	vadd.s32 v20, v32;
	v33 =	vld [tilespmem:s13+$0x140]  }
0x451: {  	v36 =	vadd.s32 v21, v32;
	v35 =	vld [tilespmem:s13+$0x150]  }
0x452: {  	v38 =	vadd.s32 v22, v32;
	v37 =	vld [tilespmem:s13+$0x160]  }
0x453: {  	v40 =	vadd.s32 v23, v32;
	v39 =	vld [tilespmem:s13+$0x170];
	_ =	sdelay $0x1  }
0x454: {  	[tilespmem:v34+s28+$0x0] =	vst.idx.msk $0xffff, v33  }
0x455: {  	[tilespmem:v36+s28+$0x0] =	vst.idx.msk $0xffff, v35  }
0x456: {  	[tilespmem:v38+s28+$0x0] =	vst.idx.msk $0xffff, v37  }
0x457: {  	[tilespmem:v40+s28+$0x0] =	vst.idx.msk $0xffff, v39  }
0x458: {  	v34 =	vadd.s32 v24, v32;
	v33 =	vld [tilespmem:s13+$0x180]  }
0x459: {  	v36 =	vadd.s32 v25, v32;
	v35 =	vld [tilespmem:s13+$0x190]  }
0x45a: {  	v38 =	vadd.s32 v26, v32;
	v37 =	vld [tilespmem:s13+$0x1A0]  }
0x45b: {  	v40 =	vadd.s32 v27, v32;
	v39 =	vld [tilespmem:s13+$0x1B0];
	_ =	sdelay $0x1  }
0x45c: {  	[tilespmem:v34+s28+$0x0] =	vst.idx.msk $0xffff, v33  }
0x45d: {  	[tilespmem:v36+s28+$0x0] =	vst.idx.msk $0xffff, v35  }
0x45e: {  	[tilespmem:v38+s28+$0x0] =	vst.idx.msk $0xffff, v37  }
0x45f: {  	[tilespmem:v40+s28+$0x0] =	vst.idx.msk $0xffff, v39  }
0x460: {  	v36 =	vadd.s32 v28, v32;
	v35 =	vld [tilespmem:s13+$0x1C0]  }
0x461: {  	v38 =	vadd.s32 v29, v32;
	v37 =	vld [tilespmem:s13+$0x1D0]  }
0x462: {  	v40 =	vadd.s32 v30, v32;
	v39 =	vld [tilespmem:s13+$0x1E0]  }
.Ltmp8:
0x463: {  	v34 =	vadd.s32 v31, v32;
	v33 =	vld [tilespmem:s13+$0x1F0];
	(pc) =	sbr.rel @p0 .LBB2_20-.Ltmp8, $4  }
0x464: {  	_ = 	snop  }
0x465: {  	[tilespmem:v36+s28+$0x0] =	vst.idx.msk $0xffff, v35  }
0x466: {  	[tilespmem:v38+s28+$0x0] =	vst.idx.msk $0xffff, v37  }
0x467: {  	[tilespmem:v40+s28+$0x0] =	vst.idx.msk $0xffff, v39  }
0x468: {  	_ = 	snop  }
0x469: {  	s0 =	sshll.u32 s0, $0xF  }
0x46a: {  	s0 =	sadd.s32 s5, s0  }
0x46b: {  	s13 =	simm.s32 $0x200;
	s0 =	sadd.s32 s1, s0  }
0x46c: {  	[tilespmem:v34+s28+$0x0] =	vst.idx.msk $0xffff, v33;
	s14 =	simm.s32 $0x10608;
	s1 =	simm.s32 $0x10400;
	s7 =	sadd.s32 $0x0, s0  }
.LBB2_22:
0x46d: {  	[hbm4b:s7+s3] =	stream.linear.scatter [tilespmem:s1], [sflag:$0x3], $0x200, $0x38;
	[tilespmem:$0x18600] =	vst v63  }
0x46e: {  	s7 =	smov.u32 s13;
	s1 =	smov.u32 s14;
	p0 =	seq.s32 s13, $0x7E00  }
.Ltmp9:
0x46f: {  	s13 =	sadd.s32 $0x200, s13;
	(pc) =	sbr.rel @!p0 .LBB2_22-.Ltmp9, $2  }
0x470: {  	_ =	sdelay $0x2  }
0x471: {  	s14 =	sadd.s32 $0x208, s14;
	s7 =	sadd.s32 s7, s0  }
0x472: {  	[hbm4b:s7+s3] =	stream.linear.scatter [tilespmem:s1], [sflag:$0x3], $0x200, $0x38;
	[tilespmem:$0x18600] =	vst v63  }
0x473: {  	p0 =	seq.s32 s12, $0x19  }
.Ltmp10:
0x474: {  	_ = 	snop;
	(pc) =	sbr.rel @!p0 .LBB2_3-.Ltmp10, $1  }
0x475: {  	_ =	sdelay $0x3  }
0x476: {  	s31 =	sadd.s32 $0x1, s31  }
0x477: {  	p0 =	sne.s32 s31, s8  }
.Ltmp11:
0x478: {  	_ = 	snop;
	(pc) =	sbr.rel @p0 .LBB2_1-.Ltmp11, $4  }
0x479: {  	_ = 	snop  }
0x47a: {  	_ =	swait.ge [sflag:s29], $0x8000  }
0x47b: {  	[sflag:s29] =	ssyncset.done $0x0  }
0x47c: {  	[sflag:s29] =	ssyncadd.s32 $0xFFFF8000  }
0x47d: {  	_ =	sfence.sel $0x180000  }
0x47e: {  	[bflag:$0x0] =	sbarrier.arrive $0xFFFF  }
0x47f: {  	_ =	strace $0x90000047  }
0x480: {  	s0 =	stileid.u32;
	[bflag:$0x2] =	sbarrier.arrive $0xFFFF  }
0x481: {  	p0 =	sne.s32 s0, $0x0;
	s0 =	rddreg [dreg:$0x2]  }
0x482: {  	s0 =	sadd.s32 @!p0 $0x100000, s0  }
0x483: {  	[sflag:s0] =	ssyncadd.tile.s32 @!p0 $0x1;
	_ =	shalt  }
.Lfunc_end2:
_tile_overlayer_lowered:
.L_overlay_start_2:
0x484: {  	(tag) =	ssettag $0x2  }
0x485: {  	s0 =	rddreg [dreg:$0x0];
	s2 =	stileid.u32  }
0x486: {  	s1 =	rddreg [dreg:$0x1];
	p0 =	sne.s32 s2, $0x0  }
0x487: {  	s3 =	rddreg [dreg:$0x2];
	[bflag:$0x3] =	sbarrier.arrive $0xFFFF;
	s2 =	simm.s32 @!p0 $0x1C04  }
0x488: {  	[timem:s3], [sflag:s2] =	dma.local @!p0 [hbm:s0], s1  }
0x489: {  	s0 =	simm.s32 @!p0 $0x4  }
0x48a: {  	_ =	swait.ge @!p0 [sflag:s0], s1  }
0x48b: {  	s1 =	ssub.s32 @!p0 $0x0, s1;
	[sflag:s0] =	ssyncset.done @!p0 $0x0  }
0x48c: {  	[sflag:s0] =	ssyncadd.s32 @!p0 s1  }
0x48d: {  	[bflag:$0x3] =	sbarrier.arrive $0xFFFF  }
0x48e: {  	_ =	shalt  }

</sc_bundles>
